<compile_context>
chip_gen: v7x
topology: tpu7x:2x2x1
jax: 0.10.2.dev20260603
libtpu: 0.0.44.dev20260713+nightly
codegen_flags: <defaults>
</compile_context>

<pallas_src>
import functools

import jax
import jax.numpy as jnp
from jax import lax
from jax.experimental import pallas as pl
from jax.experimental.pallas import tpu as pltpu
from jax.experimental.pallas import tpu_sc as plsc

N = 2048
T = 16
DT = 3600.0
L = 16
NW = 16
W = N // NW
LN2 = 0.6931471805599453
SQRT2 = 1.4142135623730951


def _vlog(x):
    bits = lax.bitcast_convert_type(x, jnp.int32)
    e = (bits >> 23) - 127
    m = lax.bitcast_convert_type((bits & 0x007FFFFF) | 0x3F800000,
                                 jnp.float32)
    big = m >= SQRT2
    m = jnp.where(big, m * 0.5, m)
    e = jnp.where(big, e + 1, e)
    s = (m - 1.0) * (1.0 / (m + 1.0))
    z = s * s
    p = 1.0 + z * (1.0/3.0 + z * (1.0/5.0 + z * (1.0/7.0 + z * (1.0/9.0))))
    return e.astype(jnp.float32) * LN2 + 2.0 * s * p


def _tsweep(body, *, carry=None, unroll=4):
    if carry is None:
        def wrapped(i, j):
            body(i)
            return j
        plsc.parallel_loop(0, W, step=L, unroll=unroll,
                           carry=jnp.int32(0))(wrapped)
        return None
    return plsc.parallel_loop(0, W, step=L, unroll=unroll, carry=carry)(body)


def _partsum(flocal):
    def _fsum(i, acc):
        return acc + flocal[pl.ds(i, L)]
    return plsc.parallel_loop(0, NW * L, step=L, unroll=4,
                              carry=jnp.zeros((L,), jnp.float32))(_fsum)


def _routing_body(lat_hbm, len_hbm, slope_hbm, n_hbm, wc_hbm, we_hbm, dc_hbm,
                  de_hbm, ptr_hbm, alive_hbm, omask_hbm, out_hbm,
                  shV, shU, shC0, shWa, shWb, shPa, shPb, shPart,
                  latloc, lenl, sql, invnl, ssll, wcl, wel, dcl, del_,
                  ptrl, alivel, omaskl,
                  Ql, Qpl, Ipl, C0l, vl, wl, pll, prod, gw, gp, flocal,
                  gflag, obuf, outacc, dsem):
    cid = lax.axis_index("c")
    sid = lax.axis_index("s")
    lead = (cid == 0) & (sid == 0)
    base = sid * W
    sl_own = pl.ds(base, W)

    pltpu.sync_copy(len_hbm.at[sl_own], lenl)
    pltpu.sync_copy(slope_hbm.at[sl_own], sql)
    pltpu.sync_copy(n_hbm.at[sl_own], invnl)
    pltpu.sync_copy(wc_hbm.at[sl_own], wcl)
    pltpu.sync_copy(we_hbm.at[sl_own], wel)
    pltpu.sync_copy(dc_hbm.at[sl_own], dcl)
    pltpu.sync_copy(de_hbm.at[sl_own], del_)
    pltpu.sync_copy(ptr_hbm.at[sl_own], ptrl)
    pltpu.sync_copy(alive_hbm.at[sl_own], alivel)
    pltpu.sync_copy(omask_hbm.at[sl_own], omaskl)

    def _pre(i):
        sl = pl.ds(i, L)
        slope_safe = jnp.maximum(sql[sl], 1e-6)
        sql[sl] = jnp.exp(0.5 * _vlog(slope_safe))
        invnl[sl] = 1.0 / jnp.maximum(invnl[sl], 0.001)
        ssll[sl] = slope_safe * lenl[sl]
        Ql[sl] = jnp.full((L,), 0.1, jnp.float32)
        Qpl[sl] = jnp.full((L,), 0.1, jnp.float32)
        Ipl[sl] = jnp.zeros((L,), jnp.float32)
    _tsweep(_pre, unroll=2)
    outacc[:] = jnp.zeros((L,), jnp.float32)
    gflag[:] = jnp.full((L,), 1.0, jnp.float32)

    def _timestep(t, _):
        pltpu.sync_copy(lat_hbm.at[t, sl_own], latloc)

        def _params(i):
            sl = pl.ds(i, L)
            Qr = jnp.maximum(Ql[sl], 0.1)
            logQ = _vlog(Qr)
            width = wcl[sl] * jnp.exp(wel[sl] * logQ)
            depth = dcl[sl] * jnp.exp(del_[sl] * logQ)
            Rh = (width * depth) * (1.0 / (width + 2.0 * depth))
            V = invnl[sl] * jnp.exp((2.0 / 3.0) * _vlog(Rh)) * sql[sl]
            cel = jnp.maximum((5.0 / 3.0) * V, 0.01)
            K = jnp.maximum(lenl[sl] * (1.0 / cel), DT * 0.1)
            X = 0.5 * (1.0 - Qr * (1.0 / (width * cel * ssll[sl] + 1e-6)))
            X = jnp.clip(X, 0.0, 0.5)
            kx2 = 2.0 * K * X
            d2 = 2.0 * K * (1.0 - X)
            rden = 1.0 / (d2 + DT)
            c0 = jnp.maximum((DT - kx2) * rden, 0.0)
            c1 = jnp.maximum((DT + kx2) * rden, 0.0)
            c2 = jnp.maximum((d2 - DT) * rden, 0.0)
            rtot = 1.0 / (c0 + c1 + c2)
            c0 = c0 * rtot
            C0l[sl] = c0
            vl[sl] = (c0 * latloc[sl] + (c1 * rtot) * Ipl[sl]
                      + (c2 * rtot) * Qpl[sl])
        _tsweep(_params)
        pltpu.sync_copy(C0l, shC0.at[sl_own])

        plsc.subcore_barrier()

        pltpu.sync_copy(shC0.at[ptrl], gw)

        def _winit(i):
            sl = pl.ds(i, L)
            wl[sl] = gw[sl] * alivel[sl]
            pll[sl] = ptrl[sl]
        _tsweep(_winit)
        pltpu.sync_copy(wl, shWa.at[sl_own])
        pltpu.sync_copy(ptrl, shPa.at[sl_own])
        pltpu.sync_copy(vl, shV.at[sl_own])
        pltpu.sync_copy(latloc, shU.at[sl_own])

        plsc.subcore_barrier()

        for k in range(11):
            shWs, shPs = (shWa, shPa) if k % 2 == 0 else (shWb, shPb)
            shWd, shPd = (shWb, shPb) if k % 2 == 0 else (shWa, shPa)
            def _round(k=k, shWs=shWs, shPs=shPs, shWd=shWd, shPd=shPd):
                def _prod(i):
                    sl = pl.ds(i, L)
                    prod[sl] = wl[sl] * vl[sl]
                _tsweep(_prod)
                d1 = pltpu.make_async_copy(prod, shV.at[pll], dsem)
                d1.start(add=True)
                if k < 10:
                    d2 = pltpu.make_async_copy(shWs.at[pll], gw, dsem)
                    d3 = pltpu.make_async_copy(shPs.at[pll], gp, dsem)
                    d2.start()
                    d3.start()
                    d1.wait()
                    d2.wait()
                    d3.wait()

                    def _sq(i, acc):
                        sl = pl.ds(i, L)
                        w2 = wl[sl] * gw[sl]
                        wl[sl] = w2
                        pll[sl] = gp[sl]
                        return acc + w2
                    acc = _tsweep(_sq, carry=jnp.zeros((L,), jnp.float32))
                    pltpu.sync_copy(wl, shWd.at[sl_own])
                    pltpu.sync_copy(pll, shPd.at[sl_own])
                    if k >= 5:
                        obuf[:] = acc
                        pltpu.sync_copy(obuf, shPart.at[pl.ds(sid * L, L)])
                else:
                    d1.wait()

                plsc.subcore_barrier()

                pltpu.sync_copy(shV.at[sl_own], vl)
                if 5 <= k < 10:
                    pltpu.sync_copy(shPart, flocal)
                    gflag[:] = _partsum(flocal)

                plsc.subcore_barrier()

            if k < 6:
                _round()
            else:
                pl.when(jnp.sum(gflag[:], axis=0) > 0.0)(_round)

        def _prod2(i):
            sl = pl.ds(i, L)
            prod[sl] = alivel[sl] * vl[sl]
        _tsweep(_prod2)
        du = pltpu.make_async_copy(prod, shU.at[ptrl], dsem)
        du.start(add=True)

        def _upd(i, acc):
            sl = pl.ds(i, L)
            vc = vl[sl]
            acc = acc + omaskl[sl] * vc
            Qpl[sl] = Ql[sl]
            Ql[sl] = vc
            return acc
        acc = _tsweep(_upd, carry=jnp.zeros((L,), jnp.float32))
        obuf[:] = acc
        pltpu.sync_copy(obuf, shPart.at[pl.ds(sid * L, L)])
        du.wait()

        plsc.subcore_barrier()

        pltpu.sync_copy(shU.at[sl_own], Ipl)
        pltpu.sync_copy(shPart, flocal)
        s = jnp.sum(_partsum(flocal), axis=0)
        tlane = lax.iota(jnp.int32, L) == t
        outacc[:] = outacc[:] + jnp.where(tlane, s, 0.0)
        return 0

    lax.fori_loop(0, T, _timestep, 0, unroll=False)

    @pl.when(lead)
    def _out():
        pltpu.sync_copy(outacc, out_hbm)


def kernel(lateral_inflows, lengths, slopes, manning_n, width_coef, width_exp,
           depth_coef, depth_exp, upstream_mask, is_outlet):
    ptr = jnp.argmax(upstream_mask, axis=0).astype(jnp.int32)
    alive = jnp.any(upstream_mask, axis=0).astype(jnp.float32)
    omask = is_outlet.astype(jnp.float32)

    shf = pltpu.VMEM_SHARED((N,), jnp.float32)
    shi = pltpu.VMEM_SHARED((N,), jnp.int32)
    locf = pltpu.VMEM((W,), jnp.float32)
    loci = pltpu.VMEM((W,), jnp.int32)
    run = pl.kernel(
        _routing_body,
        out_type=jax.ShapeDtypeStruct((T,), jnp.float32),
        mesh=plsc.VectorSubcoreMesh(core_axis_name="c", subcore_axis_name="s"),
        compiler_params=pltpu.CompilerParams(needs_layout_passes=False),
        scratch_types=[
            shf, shf, shf,
            shf, shf, shi, shi,
            pltpu.VMEM_SHARED((NW * L,), jnp.float32),
            locf, locf, locf, locf, locf,
            locf, locf, locf, locf,
            loci, locf, locf,
            locf, locf, locf, locf,
            locf, locf, loci, locf,
            locf, loci,
            pltpu.VMEM((NW * L,), jnp.float32),
            pltpu.VMEM((L,), jnp.float32),
            pltpu.VMEM((L,), jnp.float32),
            pltpu.VMEM((L,), jnp.float32),
            pltpu.SemaphoreType.DMA,
        ],
    )
    return run(lateral_inflows.astype(jnp.float32), lengths, slopes, manning_n,
               width_coef, width_exp, depth_coef, depth_exp, ptr, alive, omask)

# --- scband reference (transcript-rebuilt; emitter-appended) ---
"""Pipeline reference for scband-muskingum-cunge-router-71829033058762 (READ-ONLY COPY).

The authoritative reference and input builder live on the scoring server;
editing this copy changes nothing except your own understanding.
"""

import jax, jax.numpy as jnp
import numpy as np
from jax import lax
from typing import NamedTuple

N_REACHES = 2048
N_TIMESTEPS = 16
DT = 3600.0

class RouterState(NamedTuple):
    Q: jnp.ndarray
    Q_prev: jnp.ndarray
    I_prev: jnp.ndarray

class MuskingumParams(NamedTuple):
    K: jnp.ndarray
    X: jnp.ndarray
    C0: jnp.ndarray
    C1: jnp.ndarray
    C2: jnp.ndarray

def safe_pow(base, exp, eps=1e-06):
    safe_base = jnp.maximum(base, eps)
    return jnp.exp(exp * jnp.log(safe_base))

def compute_channel_geometry(Q, width_coef, width_exp, depth_coef, depth_exp, min_Q=0.01):
    Q_safe = jnp.maximum(Q, min_Q)
    width = width_coef * safe_pow(Q_safe, width_exp)
    depth = depth_coef * safe_pow(Q_safe, depth_exp)
    area = width * depth
    wetted_perimeter = width + 2.0 * depth
    hydraulic_radius = area / wetted_perimeter
    return (width, depth, area, hydraulic_radius)

def compute_velocity_manning(Q, slope, manning_n, width_coef, width_exp, depth_coef, depth_exp):
    _, _, area, R = compute_channel_geometry(Q, width_coef, width_exp, depth_coef, depth_exp)
    safe_n = jnp.maximum(manning_n, 0.001)
    safe_slope = jnp.maximum(slope, 1e-06)
    velocity = 1.0 / safe_n * safe_pow(R, 2.0 / 3.0) * jnp.sqrt(safe_slope)
    return velocity

def compute_celerity(Q, slope, manning_n, width_coef, width_exp, depth_coef, depth_exp):
    V = compute_velocity_manning(Q, slope, manning_n, width_coef, width_exp, depth_coef, depth_exp)
    return 5.0 / 3.0 * V

def compute_muskingum_params(Q, length, slope, manning_n, width_coef, width_exp, depth_coef, depth_exp, dt, x_lower=0.0, x_upper=0.5):
    celerity = compute_celerity(Q, slope, manning_n, width_coef, width_exp, depth_coef, depth_exp)
    celerity = jnp.maximum(celerity, 0.01)
    width, _, _, _ = compute_channel_geometry(Q, width_coef, width_exp, depth_coef, depth_exp)
    K = length / celerity
    K = jnp.maximum(K, dt * 0.1)
    safe_slope = jnp.maximum(slope, 1e-06)
    X = 0.5 * (1.0 - Q / (width * celerity * safe_slope * length + 1e-06))
    X = jnp.clip(X, x_lower, x_upper)
    denom = 2.0 * K * (1.0 - X) + dt
    C0 = (dt - 2.0 * K * X) / denom
    C1 = (dt + 2.0 * K * X) / denom
    C2 = (2.0 * K * (1.0 - X) - dt) / denom
    C0 = jnp.maximum(C0, 0.0)
    C1 = jnp.maximum(C1, 0.0)
    C2 = jnp.maximum(C2, 0.0)
    total = C0 + C1 + C2
    return MuskingumParams(K=K, X=X, C0=C0 / total, C1=C1 / total, C2=C2 / total)

def muskingum_route_reach(I_prev, I_curr, Q_prev, params):
    Q_curr = params.C0 * I_curr + params.C1 * I_prev + params.C2 * Q_prev
    return jnp.maximum(Q_curr, 0.0)

def setup_inputs(seed: int = 0):
    key = jax.random.key(seed)
    n = N_REACHES
    rng = np.random.default_rng(0)
    downstream = np.full(n, -1, dtype=np.int64)
    for j in range(n - 1):
        downstream[j] = rng.integers(j + 1, min(j + 65, n))
    upstream_mask = np.zeros((n, n), dtype=bool)
    for j in range(n - 1):
        upstream_mask[downstream[j], j] = True
    is_outlet = np.zeros(n, dtype=bool)
    is_outlet[n - 1] = True
    ks = jax.random.split(key, 8)
    lateral_inflows = jax.random.uniform(ks[0], (N_TIMESTEPS, n), dtype=jnp.float32) * 2.0
    lengths = jax.random.uniform(ks[1], (n,), minval=500.0, maxval=5000.0)
    slopes = jax.random.uniform(ks[2], (n,), minval=1e-4, maxval=1e-2)
    manning_n = jax.random.uniform(ks[3], (n,), minval=0.02, maxval=0.06)
    width_coef = jax.random.uniform(ks[4], (n,), minval=1.0, maxval=10.0)
    width_exp = jax.random.uniform(ks[5], (n,), minval=0.45, maxval=0.55)
    depth_coef = jax.random.uniform(ks[6], (n,), minval=0.2, maxval=0.6)
    depth_exp = jax.random.uniform(ks[7], (n,), minval=0.25, maxval=0.35)
    return {
        "lateral_inflows": lateral_inflows,
        "lengths": lengths,
        "slopes": slopes,
        "manning_n": manning_n,
        "width_coef": width_coef,
        "width_exp": width_exp,
        "depth_coef": depth_coef,
        "depth_exp": depth_exp,
        "upstream_mask": jnp.asarray(upstream_mask),
        "is_outlet": jnp.asarray(is_outlet),
    }

def reference(lateral_inflows, lengths, slopes, manning_n, width_coef, width_exp, depth_coef, depth_exp, upstream_mask, is_outlet):
    n = lengths.shape[0]
    dt = DT
    initial_Q = jnp.full(n, 0.1)
    initial_state = RouterState(Q=initial_Q, Q_prev=initial_Q, I_prev=jnp.zeros(n))
    def route_step(state, lateral):
        Q_ref = jnp.maximum(state.Q, 0.1)
        def process_reach(carry, reach_idx):
            Q_accumulated = carry
            upstream_Q = jnp.sum(jnp.where(upstream_mask[reach_idx], Q_accumulated, 0.0))
            I_curr = upstream_Q + lateral[reach_idx]
            I_prev = state.I_prev[reach_idx]
            params = compute_muskingum_params(Q_ref[reach_idx], lengths[reach_idx], slopes[reach_idx], manning_n[reach_idx], width_coef[reach_idx], width_exp[reach_idx], depth_coef[reach_idx], depth_exp[reach_idx], dt)
            Q_out = muskingum_route_reach(I_prev, I_curr, state.Q_prev[reach_idx], params)
            Q_accumulated = Q_accumulated.at[reach_idx].set(Q_out)
            return (Q_accumulated, (Q_out, I_curr))
        reach_indices = jnp.arange(n)
        Q_final, (Q_all, I_all) = lax.scan(process_reach, jnp.zeros(n), reach_indices)
        new_state = RouterState(Q=Q_final, Q_prev=state.Q, I_prev=I_all)
        outlet_Q = jnp.sum(jnp.where(is_outlet, Q_final, 0.0))
        return (new_state, outlet_Q)
    _, outlet_series = lax.scan(route_step, initial_state, lateral_inflows)
    return outlet_series

if __name__ == "__main__":
    import jax
    _d = setup_inputs()
    print(jax.jit(kernel)(*tuple(_d.values())))

</pallas_src>

<mosaic_0001>
#map = affine_map<(d0, d1) -> (0, 0)>
#map1 = affine_map<(d0, d1) -> (0)>
module attributes {stable_mosaic.version = 14 : i64} {
  func.func @_routing_body(%arg0: i32, %arg1: i32, %arg2: memref<16x2048xf32, #tpu.memory_space<hbm>>, %arg3: memref<2048xf32, #tpu.memory_space<hbm>>, %arg4: memref<2048xf32, #tpu.memory_space<hbm>>, %arg5: memref<2048xf32, #tpu.memory_space<hbm>>, %arg6: memref<2048xf32, #tpu.memory_space<hbm>>, %arg7: memref<2048xf32, #tpu.memory_space<hbm>>, %arg8: memref<2048xf32, #tpu.memory_space<hbm>>, %arg9: memref<2048xf32, #tpu.memory_space<hbm>>, %arg10: memref<2048xi32, #tpu.memory_space<hbm>>, %arg11: memref<2048xf32, #tpu.memory_space<hbm>>, %arg12: memref<2048xf32, #tpu.memory_space<hbm>>, %arg13: memref<16xf32, #tpu.memory_space<hbm>>, %arg14: memref<2048xf32, #tpu.memory_space<vmem_shared>>, %arg15: memref<2048xf32, #tpu.memory_space<vmem_shared>>, %arg16: memref<2048xf32, #tpu.memory_space<vmem_shared>>, %arg17: memref<2048xf32, #tpu.memory_space<vmem_shared>>, %arg18: memref<2048xf32, #tpu.memory_space<vmem_shared>>, %arg19: memref<2048xi32, #tpu.memory_space<vmem_shared>>, %arg20: memref<2048xi32, #tpu.memory_space<vmem_shared>>, %arg21: memref<256xf32, #tpu.memory_space<vmem_shared>>, %arg22: memref<128xf32, #tpu.memory_space<vmem>>, %arg23: memref<128xf32, #tpu.memory_space<vmem>>, %arg24: memref<128xf32, #tpu.memory_space<vmem>>, %arg25: memref<128xf32, #tpu.memory_space<vmem>>, %arg26: memref<128xf32, #tpu.memory_space<vmem>>, %arg27: memref<128xf32, #tpu.memory_space<vmem>>, %arg28: memref<128xf32, #tpu.memory_space<vmem>>, %arg29: memref<128xf32, #tpu.memory_space<vmem>>, %arg30: memref<128xf32, #tpu.memory_space<vmem>>, %arg31: memref<128xi32, #tpu.memory_space<vmem>>, %arg32: memref<128xf32, #tpu.memory_space<vmem>>, %arg33: memref<128xf32, #tpu.memory_space<vmem>>, %arg34: memref<128xf32, #tpu.memory_space<vmem>>, %arg35: memref<128xf32, #tpu.memory_space<vmem>>, %arg36: memref<128xf32, #tpu.memory_space<vmem>>, %arg37: memref<128xf32, #tpu.memory_space<vmem>>, %arg38: memref<128xf32, #tpu.memory_space<vmem>>, %arg39: memref<128xf32, #tpu.memory_space<vmem>>, %arg40: memref<128xi32, #tpu.memory_space<vmem>>, %arg41: memref<128xf32, #tpu.memory_space<vmem>>, %arg42: memref<128xf32, #tpu.memory_space<vmem>>, %arg43: memref<128xi32, #tpu.memory_space<vmem>>, %arg44: memref<256xf32, #tpu.memory_space<vmem>>, %arg45: memref<16xf32, #tpu.memory_space<vmem>>, %arg46: memref<16xf32, #tpu.memory_space<vmem>>, %arg47: memref<16xf32, #tpu.memory_space<vmem>>, %arg48: memref<!tpu.dma_semaphore, #tpu.memory_space<semaphore_mem>>) attributes {dimension_semantics = [#tpu.dimension_semantics<core_parallel>, #tpu.dimension_semantics<subcore_parallel>], iteration_bounds = array<i64: 2, 16>, scalar_prefetch = 0 : i64, scratch_operands = 35 : i64, tpu.core_type = #tpu.core_type<sc_vector_subcore>, window_params = [{transform_indices = #map}, {transform_indices = #map1}, {transform_indices = #map1}, {transform_indices = #map1}, {transform_indices = #map1}, {transform_indices = #map1}, {transform_indices = #map1}, {transform_indices = #map1}, {transform_indices = #map1}, {transform_indices = #map1}, {transform_indices = #map1}, {transform_indices = #map1}]} {
    %eq3A = arith.constant 0 : i32
    %eq3A_0 = arith.cmpi eq, %arg0, %eq3A : i32
    %eq3A_1 = arith.constant 0 : i32
    %eq3A_2 = arith.cmpi eq, %arg1, %eq3A_1 : i32
    %and3A = arith.andi %eq3A_0, %eq3A_2 : i1
    %mul3A = arith.constant 128 : i32
    %mul3A_3 = arith.muli %arg1, %mul3A : i32
    "tpu.region"() ({
      %run_scoped3A = tpu.sem_alloc : memref<!tpu.dma_semaphore, #tpu.memory_space<semaphore_mem>>
      %dma_start3A = tpu.memref_slice %arg3[%mul3A_3] : memref<2048xf32, #tpu.memory_space<hbm>> -> memref<128xf32, #tpu.memory_space<hbm>>
      %dma_start3A_21 = tpu.memref_slice %arg3[%mul3A_3] : memref<2048xf32, #tpu.memory_space<hbm>> -> memref<128xf32, #tpu.memory_space<hbm>>
      tpu.enqueue_dma source(%dma_start3A_21 : memref<128xf32, #tpu.memory_space<hbm>>) target(%arg23 : memref<128xf32, #tpu.memory_space<vmem>>) target_semaphore(%run_scoped3A : memref<!tpu.dma_semaphore, #tpu.memory_space<semaphore_mem>>)
      %dma_wait3A = tpu.memref_slice %arg3[%mul3A_3] : memref<2048xf32, #tpu.memory_space<hbm>> -> memref<128xf32, #tpu.memory_space<hbm>>
      %dma_wait3A_22 = tpu.memref_slice %arg3[%mul3A_3] : memref<2048xf32, #tpu.memory_space<hbm>> -> memref<128xf32, #tpu.memory_space<hbm>>
      tpu.wait_dma2 semaphore(%run_scoped3A : memref<!tpu.dma_semaphore, #tpu.memory_space<semaphore_mem>>) src(%dma_wait3A_22 : memref<128xf32, #tpu.memory_space<hbm>>) dst(%arg23 : memref<128xf32, #tpu.memory_space<vmem>>)
      tpu.yield
    }) : () -> ()
    "tpu.region"() ({
      %run_scoped3A = tpu.sem_alloc : memref<!tpu.dma_semaphore, #tpu.memory_space<semaphore_mem>>
      %dma_start3A = tpu.memref_slice %arg4[%mul3A_3] : memref<2048xf32, #tpu.memory_space<hbm>> -> memref<128xf32, #tpu.memory_space<hbm>>
      %dma_start3A_21 = tpu.memref_slice %arg4[%mul3A_3] : memref<2048xf32, #tpu.memory_space<hbm>> -> memref<128xf32, #tpu.memory_space<hbm>>
      tpu.enqueue_dma source(%dma_start3A_21 : memref<128xf32, #tpu.memory_space<hbm>>) target(%arg24 : memref<128xf32, #tpu.memory_space<vmem>>) target_semaphore(%run_scoped3A : memref<!tpu.dma_semaphore, #tpu.memory_space<semaphore_mem>>)
      %dma_wait3A = tpu.memref_slice %arg4[%mul3A_3] : memref<2048xf32, #tpu.memory_space<hbm>> -> memref<128xf32, #tpu.memory_space<hbm>>
      %dma_wait3A_22 = tpu.memref_slice %arg4[%mul3A_3] : memref<2048xf32, #tpu.memory_space<hbm>> -> memref<128xf32, #tpu.memory_space<hbm>>
      tpu.wait_dma2 semaphore(%run_scoped3A : memref<!tpu.dma_semaphore, #tpu.memory_space<semaphore_mem>>) src(%dma_wait3A_22 : memref<128xf32, #tpu.memory_space<hbm>>) dst(%arg24 : memref<128xf32, #tpu.memory_space<vmem>>)
      tpu.yield
    }) : () -> ()
    "tpu.region"() ({
      %run_scoped3A = tpu.sem_alloc : memref<!tpu.dma_semaphore, #tpu.memory_space<semaphore_mem>>
      %dma_start3A = tpu.memref_slice %arg5[%mul3A_3] : memref<2048xf32, #tpu.memory_space<hbm>> -> memref<128xf32, #tpu.memory_space<hbm>>
      %dma_start3A_21 = tpu.memref_slice %arg5[%mul3A_3] : memref<2048xf32, #tpu.memory_space<hbm>> -> memref<128xf32, #tpu.memory_space<hbm>>
      tpu.enqueue_dma source(%dma_start3A_21 : memref<128xf32, #tpu.memory_space<hbm>>) target(%arg25 : memref<128xf32, #tpu.memory_space<vmem>>) target_semaphore(%run_scoped3A : memref<!tpu.dma_semaphore, #tpu.memory_space<semaphore_mem>>)
      %dma_wait3A = tpu.memref_slice %arg5[%mul3A_3] : memref<2048xf32, #tpu.memory_space<hbm>> -> memref<128xf32, #tpu.memory_space<hbm>>
      %dma_wait3A_22 = tpu.memref_slice %arg5[%mul3A_3] : memref<2048xf32, #tpu.memory_space<hbm>> -> memref<128xf32, #tpu.memory_space<hbm>>
      tpu.wait_dma2 semaphore(%run_scoped3A : memref<!tpu.dma_semaphore, #tpu.memory_space<semaphore_mem>>) src(%dma_wait3A_22 : memref<128xf32, #tpu.memory_space<hbm>>) dst(%arg25 : memref<128xf32, #tpu.memory_space<vmem>>)
      tpu.yield
    }) : () -> ()
    "tpu.region"() ({
      %run_scoped3A = tpu.sem_alloc : memref<!tpu.dma_semaphore, #tpu.memory_space<semaphore_mem>>
      %dma_start3A = tpu.memref_slice %arg6[%mul3A_3] : memref<2048xf32, #tpu.memory_space<hbm>> -> memref<128xf32, #tpu.memory_space<hbm>>
      %dma_start3A_21 = tpu.memref_slice %arg6[%mul3A_3] : memref<2048xf32, #tpu.memory_space<hbm>> -> memref<128xf32, #tpu.memory_space<hbm>>
      tpu.enqueue_dma source(%dma_start3A_21 : memref<128xf32, #tpu.memory_space<hbm>>) target(%arg27 : memref<128xf32, #tpu.memory_space<vmem>>) target_semaphore(%run_scoped3A : memref<!tpu.dma_semaphore, #tpu.memory_space<semaphore_mem>>)
      %dma_wait3A = tpu.memref_slice %arg6[%mul3A_3] : memref<2048xf32, #tpu.memory_space<hbm>> -> memref<128xf32, #tpu.memory_space<hbm>>
      %dma_wait3A_22 = tpu.memref_slice %arg6[%mul3A_3] : memref<2048xf32, #tpu.memory_space<hbm>> -> memref<128xf32, #tpu.memory_space<hbm>>
      tpu.wait_dma2 semaphore(%run_scoped3A : memref<!tpu.dma_semaphore, #tpu.memory_space<semaphore_mem>>) src(%dma_wait3A_22 : memref<128xf32, #tpu.memory_space<hbm>>) dst(%arg27 : memref<128xf32, #tpu.memory_space<vmem>>)
      tpu.yield
    }) : () -> ()
    "tpu.region"() ({
      %run_scoped3A = tpu.sem_alloc : memref<!tpu.dma_semaphore, #tpu.memory_space<semaphore_mem>>
      %dma_start3A = tpu.memref_slice %arg7[%mul3A_3] : memref<2048xf32, #tpu.memory_space<hbm>> -> memref<128xf32, #tpu.memory_space<hbm>>
      %dma_start3A_21 = tpu.memref_slice %arg7[%mul3A_3] : memref<2048xf32, #tpu.memory_space<hbm>> -> memref<128xf32, #tpu.memory_space<hbm>>
      tpu.enqueue_dma source(%dma_start3A_21 : memref<128xf32, #tpu.memory_space<hbm>>) target(%arg28 : memref<128xf32, #tpu.memory_space<vmem>>) target_semaphore(%run_scoped3A : memref<!tpu.dma_semaphore, #tpu.memory_space<semaphore_mem>>)
      %dma_wait3A = tpu.memref_slice %arg7[%mul3A_3] : memref<2048xf32, #tpu.memory_space<hbm>> -> memref<128xf32, #tpu.memory_space<hbm>>
      %dma_wait3A_22 = tpu.memref_slice %arg7[%mul3A_3] : memref<2048xf32, #tpu.memory_space<hbm>> -> memref<128xf32, #tpu.memory_space<hbm>>
      tpu.wait_dma2 semaphore(%run_scoped3A : memref<!tpu.dma_semaphore, #tpu.memory_space<semaphore_mem>>) src(%dma_wait3A_22 : memref<128xf32, #tpu.memory_space<hbm>>) dst(%arg28 : memref<128xf32, #tpu.memory_space<vmem>>)
      tpu.yield
    }) : () -> ()
    "tpu.region"() ({
      %run_scoped3A = tpu.sem_alloc : memref<!tpu.dma_semaphore, #tpu.memory_space<semaphore_mem>>
      %dma_start3A = tpu.memref_slice %arg8[%mul3A_3] : memref<2048xf32, #tpu.memory_space<hbm>> -> memref<128xf32, #tpu.memory_space<hbm>>
      %dma_start3A_21 = tpu.memref_slice %arg8[%mul3A_3] : memref<2048xf32, #tpu.memory_space<hbm>> -> memref<128xf32, #tpu.memory_space<hbm>>
      tpu.enqueue_dma source(%dma_start3A_21 : memref<128xf32, #tpu.memory_space<hbm>>) target(%arg29 : memref<128xf32, #tpu.memory_space<vmem>>) target_semaphore(%run_scoped3A : memref<!tpu.dma_semaphore, #tpu.memory_space<semaphore_mem>>)
      %dma_wait3A = tpu.memref_slice %arg8[%mul3A_3] : memref<2048xf32, #tpu.memory_space<hbm>> -> memref<128xf32, #tpu.memory_space<hbm>>
      %dma_wait3A_22 = tpu.memref_slice %arg8[%mul3A_3] : memref<2048xf32, #tpu.memory_space<hbm>> -> memref<128xf32, #tpu.memory_space<hbm>>
      tpu.wait_dma2 semaphore(%run_scoped3A : memref<!tpu.dma_semaphore, #tpu.memory_space<semaphore_mem>>) src(%dma_wait3A_22 : memref<128xf32, #tpu.memory_space<hbm>>) dst(%arg29 : memref<128xf32, #tpu.memory_space<vmem>>)
      tpu.yield
    }) : () -> ()
    "tpu.region"() ({
      %run_scoped3A = tpu.sem_alloc : memref<!tpu.dma_semaphore, #tpu.memory_space<semaphore_mem>>
      %dma_start3A = tpu.memref_slice %arg9[%mul3A_3] : memref<2048xf32, #tpu.memory_space<hbm>> -> memref<128xf32, #tpu.memory_space<hbm>>
      %dma_start3A_21 = tpu.memref_slice %arg9[%mul3A_3] : memref<2048xf32, #tpu.memory_space<hbm>> -> memref<128xf32, #tpu.memory_space<hbm>>
      tpu.enqueue_dma source(%dma_start3A_21 : memref<128xf32, #tpu.memory_space<hbm>>) target(%arg30 : memref<128xf32, #tpu.memory_space<vmem>>) target_semaphore(%run_scoped3A : memref<!tpu.dma_semaphore, #tpu.memory_space<semaphore_mem>>)
      %dma_wait3A = tpu.memref_slice %arg9[%mul3A_3] : memref<2048xf32, #tpu.memory_space<hbm>> -> memref<128xf32, #tpu.memory_space<hbm>>
      %dma_wait3A_22 = tpu.memref_slice %arg9[%mul3A_3] : memref<2048xf32, #tpu.memory_space<hbm>> -> memref<128xf32, #tpu.memory_space<hbm>>
      tpu.wait_dma2 semaphore(%run_scoped3A : memref<!tpu.dma_semaphore, #tpu.memory_space<semaphore_mem>>) src(%dma_wait3A_22 : memref<128xf32, #tpu.memory_space<hbm>>) dst(%arg30 : memref<128xf32, #tpu.memory_space<vmem>>)
      tpu.yield
    }) : () -> ()
    "tpu.region"() ({
      %run_scoped3A = tpu.sem_alloc : memref<!tpu.dma_semaphore, #tpu.memory_space<semaphore_mem>>
      %dma_start3A = tpu.memref_slice %arg10[%mul3A_3] : memref<2048xi32, #tpu.memory_space<hbm>> -> memref<128xi32, #tpu.memory_space<hbm>>
      %dma_start3A_21 = tpu.memref_slice %arg10[%mul3A_3] : memref<2048xi32, #tpu.memory_space<hbm>> -> memref<128xi32, #tpu.memory_space<hbm>>
      tpu.enqueue_dma source(%dma_start3A_21 : memref<128xi32, #tpu.memory_space<hbm>>) target(%arg31 : memref<128xi32, #tpu.memory_space<vmem>>) target_semaphore(%run_scoped3A : memref<!tpu.dma_semaphore, #tpu.memory_space<semaphore_mem>>)
      %dma_wait3A = tpu.memref_slice %arg10[%mul3A_3] : memref<2048xi32, #tpu.memory_space<hbm>> -> memref<128xi32, #tpu.memory_space<hbm>>
      %dma_wait3A_22 = tpu.memref_slice %arg10[%mul3A_3] : memref<2048xi32, #tpu.memory_space<hbm>> -> memref<128xi32, #tpu.memory_space<hbm>>
      tpu.wait_dma2 semaphore(%run_scoped3A : memref<!tpu.dma_semaphore, #tpu.memory_space<semaphore_mem>>) src(%dma_wait3A_22 : memref<128xi32, #tpu.memory_space<hbm>>) dst(%arg31 : memref<128xi32, #tpu.memory_space<vmem>>)
      tpu.yield
    }) : () -> ()
    "tpu.region"() ({
      %run_scoped3A = tpu.sem_alloc : memref<!tpu.dma_semaphore, #tpu.memory_space<semaphore_mem>>
      %dma_start3A = tpu.memref_slice %arg11[%mul3A_3] : memref<2048xf32, #tpu.memory_space<hbm>> -> memref<128xf32, #tpu.memory_space<hbm>>
      %dma_start3A_21 = tpu.memref_slice %arg11[%mul3A_3] : memref<2048xf32, #tpu.memory_space<hbm>> -> memref<128xf32, #tpu.memory_space<hbm>>
      tpu.enqueue_dma source(%dma_start3A_21 : memref<128xf32, #tpu.memory_space<hbm>>) target(%arg32 : memref<128xf32, #tpu.memory_space<vmem>>) target_semaphore(%run_scoped3A : memref<!tpu.dma_semaphore, #tpu.memory_space<semaphore_mem>>)
      %dma_wait3A = tpu.memref_slice %arg11[%mul3A_3] : memref<2048xf32, #tpu.memory_space<hbm>> -> memref<128xf32, #tpu.memory_space<hbm>>
      %dma_wait3A_22 = tpu.memref_slice %arg11[%mul3A_3] : memref<2048xf32, #tpu.memory_space<hbm>> -> memref<128xf32, #tpu.memory_space<hbm>>
      tpu.wait_dma2 semaphore(%run_scoped3A : memref<!tpu.dma_semaphore, #tpu.memory_space<semaphore_mem>>) src(%dma_wait3A_22 : memref<128xf32, #tpu.memory_space<hbm>>) dst(%arg32 : memref<128xf32, #tpu.memory_space<vmem>>)
      tpu.yield
    }) : () -> ()
    "tpu.region"() ({
      %run_scoped3A = tpu.sem_alloc : memref<!tpu.dma_semaphore, #tpu.memory_space<semaphore_mem>>
      %dma_start3A = tpu.memref_slice %arg12[%mul3A_3] : memref<2048xf32, #tpu.memory_space<hbm>> -> memref<128xf32, #tpu.memory_space<hbm>>
      %dma_start3A_21 = tpu.memref_slice %arg12[%mul3A_3] : memref<2048xf32, #tpu.memory_space<hbm>> -> memref<128xf32, #tpu.memory_space<hbm>>
      tpu.enqueue_dma source(%dma_start3A_21 : memref<128xf32, #tpu.memory_space<hbm>>) target(%arg33 : memref<128xf32, #tpu.memory_space<vmem>>) target_semaphore(%run_scoped3A : memref<!tpu.dma_semaphore, #tpu.memory_space<semaphore_mem>>)
      %dma_wait3A = tpu.memref_slice %arg12[%mul3A_3] : memref<2048xf32, #tpu.memory_space<hbm>> -> memref<128xf32, #tpu.memory_space<hbm>>
      %dma_wait3A_22 = tpu.memref_slice %arg12[%mul3A_3] : memref<2048xf32, #tpu.memory_space<hbm>> -> memref<128xf32, #tpu.memory_space<hbm>>
      tpu.wait_dma2 semaphore(%run_scoped3A : memref<!tpu.dma_semaphore, #tpu.memory_space<semaphore_mem>>) src(%dma_wait3A_22 : memref<128xf32, #tpu.memory_space<hbm>>) dst(%arg33 : memref<128xf32, #tpu.memory_space<vmem>>)
      tpu.yield
    }) : () -> ()
    %parallel_loop3A = arith.constant 0 : i32
    %parallel_loop3A_4 = arith.constant 128 : i32
    %parallel_loop3A_5 = arith.constant 16 : i32
    %parallel_loop3A_6 = arith.constant 0 : i32
    %parallel_loop3A_7 = scf.for %parallel_loop3A_21 = %parallel_loop3A to %parallel_loop3A_4 step %parallel_loop3A_5 iter_args(%parallel_loop3A_22 = %parallel_loop3A_6) -> (i32)  : i32 {
      %parallel_loop3A_23 = arith.index_cast %parallel_loop3A_21 : i32 to index
      %parallel_loop3A_24 = tpu.vector_load %arg24[%parallel_loop3A_23] {strides = array<i32>} : memref<128xf32, #tpu.memory_space<vmem>>, vector<16xf32>,
      %parallel_loop3A_25 = arith.constant 9.99999997E-7 : f32
      %parallel_loop3A_26 = vector.broadcast %parallel_loop3A_25 : f32 to vector<16xf32>
      %parallel_loop3A_27 = arith.maximumf %parallel_loop3A_24, %parallel_loop3A_26 : vector<16xf32>
      %parallel_loop3A_28 = tpu.bitcast %parallel_loop3A_27 : vector<16xf32> -> vector<16xi32>
      %parallel_loop3A_29 = arith.constant 23 : i32
      %parallel_loop3A_30 = vector.broadcast %parallel_loop3A_29 : i32 to vector<16xi32>
      %parallel_loop3A_31 = arith.shrsi %parallel_loop3A_28, %parallel_loop3A_30 : vector<16xi32>
      %parallel_loop3A_32 = arith.constant 127 : i32
      %parallel_loop3A_33 = vector.broadcast %parallel_loop3A_32 : i32 to vector<16xi32>
      %parallel_loop3A_34 = arith.subi %parallel_loop3A_31, %parallel_loop3A_33 : vector<16xi32>
      %parallel_loop3A_35 = arith.constant 8388607 : i32
      %parallel_loop3A_36 = vector.broadcast %parallel_loop3A_35 : i32 to vector<16xi32>
      %parallel_loop3A_37 = arith.andi %parallel_loop3A_28, %parallel_loop3A_36 : vector<16xi32>
      %parallel_loop3A_38 = arith.constant 1065353216 : i32
      %parallel_loop3A_39 = vector.broadcast %parallel_loop3A_38 : i32 to vector<16xi32>
      %parallel_loop3A_40 = arith.ori %parallel_loop3A_37, %parallel_loop3A_39 : vector<16xi32>
      %parallel_loop3A_41 = tpu.bitcast %parallel_loop3A_40 : vector<16xi32> -> vector<16xf32>
      %parallel_loop3A_42 = arith.constant 1.41421354 : f32
      %parallel_loop3A_43 = vector.broadcast %parallel_loop3A_42 : f32 to vector<16xf32>
      %parallel_loop3A_44 = arith.cmpf oge, %parallel_loop3A_41, %parallel_loop3A_43 : vector<16xf32>
      %parallel_loop3A_45 = arith.constant 5.000000e-01 : f32
      %parallel_loop3A_46 = vector.broadcast %parallel_loop3A_45 : f32 to vector<16xf32>
      %parallel_loop3A_47 = arith.mulf %parallel_loop3A_41, %parallel_loop3A_46 : vector<16xf32>
      %parallel_loop3A_48 = arith.select %parallel_loop3A_44, %parallel_loop3A_47, %parallel_loop3A_41 : vector<16xi1>, vector<16xf32>
      %parallel_loop3A_49 = arith.constant 1 : i32
      %parallel_loop3A_50 = vector.broadcast %parallel_loop3A_49 : i32 to vector<16xi32>
      %parallel_loop3A_51 = arith.addi %parallel_loop3A_34, %parallel_loop3A_50 : vector<16xi32>
      %parallel_loop3A_52 = arith.select %parallel_loop3A_44, %parallel_loop3A_51, %parallel_loop3A_34 : vector<16xi1>, vector<16xi32>
      %parallel_loop3A_53 = arith.constant 1.000000e+00 : f32
      %parallel_loop3A_54 = vector.broadcast %parallel_loop3A_53 : f32 to vector<16xf32>
      %parallel_loop3A_55 = arith.subf %parallel_loop3A_48, %parallel_loop3A_54 : vector<16xf32>
      %parallel_loop3A_56 = arith.constant 1.000000e+00 : f32
      %parallel_loop3A_57 = vector.broadcast %parallel_loop3A_56 : f32 to vector<16xf32>
      %parallel_loop3A_58 = arith.addf %parallel_loop3A_48, %parallel_loop3A_57 : vector<16xf32>
      %parallel_loop3A_59 = arith.constant 1.000000e+00 : f32
      %parallel_loop3A_60 = vector.broadcast %parallel_loop3A_59 : f32 to vector<16xf32>
      %parallel_loop3A_61 = arith.divf %parallel_loop3A_60, %parallel_loop3A_58 : vector<16xf32>
      %parallel_loop3A_62 = arith.mulf %parallel_loop3A_55, %parallel_loop3A_61 : vector<16xf32>
      %parallel_loop3A_63 = arith.mulf %parallel_loop3A_62, %parallel_loop3A_62 : vector<16xf32>
      %parallel_loop3A_64 = arith.constant 0.111111112 : f32
      %parallel_loop3A_65 = vector.broadcast %parallel_loop3A_64 : f32 to vector<16xf32>
      %parallel_loop3A_66 = arith.mulf %parallel_loop3A_63, %parallel_loop3A_65 : vector<16xf32>
      %parallel_loop3A_67 = arith.constant 0.142857149 : f32
      %parallel_loop3A_68 = vector.broadcast %parallel_loop3A_67 : f32 to vector<16xf32>
      %parallel_loop3A_69 = arith.addf %parallel_loop3A_68, %parallel_loop3A_66 : vector<16xf32>
      %parallel_loop3A_70 = arith.mulf %parallel_loop3A_63, %parallel_loop3A_69 : vector<16xf32>
      %parallel_loop3A_71 = arith.constant 2.000000e-01 : f32
      %parallel_loop3A_72 = vector.broadcast %parallel_loop3A_71 : f32 to vector<16xf32>
      %parallel_loop3A_73 = arith.addf %parallel_loop3A_72, %parallel_loop3A_70 : vector<16xf32>
      %parallel_loop3A_74 = arith.mulf %parallel_loop3A_63, %parallel_loop3A_73 : vector<16xf32>
      %parallel_loop3A_75 = arith.constant 0.333333343 : f32
      %parallel_loop3A_76 = vector.broadcast %parallel_loop3A_75 : f32 to vector<16xf32>
      %parallel_loop3A_77 = arith.addf %parallel_loop3A_76, %parallel_loop3A_74 : vector<16xf32>
      %parallel_loop3A_78 = arith.mulf %parallel_loop3A_63, %parallel_loop3A_77 : vector<16xf32>
      %parallel_loop3A_79 = arith.constant 1.000000e+00 : f32
      %parallel_loop3A_80 = vector.broadcast %parallel_loop3A_79 : f32 to vector<16xf32>
      %parallel_loop3A_81 = arith.addf %parallel_loop3A_80, %parallel_loop3A_78 : vector<16xf32>
      %parallel_loop3A_82 = arith.sitofp %parallel_loop3A_52 : vector<16xi32> to vector<16xf32>
      %parallel_loop3A_83 = arith.constant 0.693147182 : f32
      %parallel_loop3A_84 = vector.broadcast %parallel_loop3A_83 : f32 to vector<16xf32>
      %parallel_loop3A_85 = arith.mulf %parallel_loop3A_82, %parallel_loop3A_84 : vector<16xf32>
      %parallel_loop3A_86 = arith.constant 2.000000e+00 : f32
      %parallel_loop3A_87 = vector.broadcast %parallel_loop3A_86 : f32 to vector<16xf32>
      %parallel_loop3A_88 = arith.mulf %parallel_loop3A_87, %parallel_loop3A_62 : vector<16xf32>
      %parallel_loop3A_89 = arith.mulf %parallel_loop3A_88, %parallel_loop3A_81 : vector<16xf32>
      %parallel_loop3A_90 = arith.addf %parallel_loop3A_85, %parallel_loop3A_89 : vector<16xf32>
      %parallel_loop3A_91 = arith.constant 5.000000e-01 : f32
      %parallel_loop3A_92 = vector.broadcast %parallel_loop3A_91 : f32 to vector<16xf32>
      %parallel_loop3A_93 = arith.mulf %parallel_loop3A_92, %parallel_loop3A_90 : vector<16xf32>
      %parallel_loop3A_94 = math.exp %parallel_loop3A_93 : vector<16xf32>
      %parallel_loop3A_95 = arith.index_cast %parallel_loop3A_21 : i32 to index
      %parallel_loop3A_96 = tpu.vector_load %arg24[%parallel_loop3A_95] {strides = array<i32>} : memref<128xf32, #tpu.memory_space<vmem>>, vector<16xf32>,
      tpu.vector_store %arg24[%parallel_loop3A_95], %parallel_loop3A_94 {strides = array<i32>} : memref<128xf32, #tpu.memory_space<vmem>>, vector<16xf32>,
      %parallel_loop3A_97 = arith.index_cast %parallel_loop3A_21 : i32 to index
      %parallel_loop3A_98 = tpu.vector_load %arg25[%parallel_loop3A_97] {strides = array<i32>} : memref<128xf32, #tpu.memory_space<vmem>>, vector<16xf32>,
      %parallel_loop3A_99 = arith.constant 1.000000e-03 : f32
      %parallel_loop3A_100 = vector.broadcast %parallel_loop3A_99 : f32 to vector<16xf32>
      %parallel_loop3A_101 = arith.maximumf %parallel_loop3A_98, %parallel_loop3A_100 : vector<16xf32>
      %parallel_loop3A_102 = arith.constant 1.000000e+00 : f32
      %parallel_loop3A_103 = vector.broadcast %parallel_loop3A_102 : f32 to vector<16xf32>
      %parallel_loop3A_104 = arith.divf %parallel_loop3A_103, %parallel_loop3A_101 : vector<16xf32>
      %parallel_loop3A_105 = arith.index_cast %parallel_loop3A_21 : i32 to index
      %parallel_loop3A_106 = tpu.vector_load %arg25[%parallel_loop3A_105] {strides = array<i32>} : memref<128xf32, #tpu.memory_space<vmem>>, vector<16xf32>,
      tpu.vector_store %arg25[%parallel_loop3A_105], %parallel_loop3A_104 {strides = array<i32>} : memref<128xf32, #tpu.memory_space<vmem>>, vector<16xf32>,
      %parallel_loop3A_107 = arith.index_cast %parallel_loop3A_21 : i32 to index
      %parallel_loop3A_108 = tpu.vector_load %arg23[%parallel_loop3A_107] {strides = array<i32>} : memref<128xf32, #tpu.memory_space<vmem>>, vector<16xf32>,
      %parallel_loop3A_109 = arith.mulf %parallel_loop3A_27, %parallel_loop3A_108 : vector<16xf32>
      %parallel_loop3A_110 = arith.index_cast %parallel_loop3A_21 : i32 to index
      %parallel_loop3A_111 = tpu.vector_load %arg26[%parallel_loop3A_110] {strides = array<i32>} : memref<128xf32, #tpu.memory_space<vmem>>, vector<16xf32>,
      tpu.vector_store %arg26[%parallel_loop3A_110], %parallel_loop3A_109 {strides = array<i32>} : memref<128xf32, #tpu.memory_space<vmem>>, vector<16xf32>,
      %parallel_loop3A_112 = arith.constant 1.000000e-01 : f32
      %parallel_loop3A_113 = vector.broadcast %parallel_loop3A_112 : f32 to vector<16xf32>
      %parallel_loop3A_114 = arith.index_cast %parallel_loop3A_21 : i32 to index
      %parallel_loop3A_115 = tpu.vector_load %arg34[%parallel_loop3A_114] {strides = array<i32>} : memref<128xf32, #tpu.memory_space<vmem>>, vector<16xf32>,
      tpu.vector_store %arg34[%parallel_loop3A_114], %parallel_loop3A_113 {strides = array<i32>} : memref<128xf32, #tpu.memory_space<vmem>>, vector<16xf32>,
      %parallel_loop3A_116 = arith.constant 1.000000e-01 : f32
      %parallel_loop3A_117 = vector.broadcast %parallel_loop3A_116 : f32 to vector<16xf32>
      %parallel_loop3A_118 = arith.index_cast %parallel_loop3A_21 : i32 to index
      %parallel_loop3A_119 = tpu.vector_load %arg35[%parallel_loop3A_118] {strides = array<i32>} : memref<128xf32, #tpu.memory_space<vmem>>, vector<16xf32>,
      tpu.vector_store %arg35[%parallel_loop3A_118], %parallel_loop3A_117 {strides = array<i32>} : memref<128xf32, #tpu.memory_space<vmem>>, vector<16xf32>,
      %parallel_loop3A_120 = arith.constant 0.000000e+00 : f32
      %parallel_loop3A_121 = vector.broadcast %parallel_loop3A_120 : f32 to vector<16xf32>
      %parallel_loop3A_122 = arith.index_cast %parallel_loop3A_21 : i32 to index
      %parallel_loop3A_123 = tpu.vector_load %arg36[%parallel_loop3A_122] {strides = array<i32>} : memref<128xf32, #tpu.memory_space<vmem>>, vector<16xf32>,
      tpu.vector_store %arg36[%parallel_loop3A_122], %parallel_loop3A_121 {strides = array<i32>} : memref<128xf32, #tpu.memory_space<vmem>>, vector<16xf32>,
      scf.yield %parallel_loop3A_22 : i32
    } {sc.loop_unroll_factor = 2 : i64, sc.parallel_access}
    %broadcast_in_dim3A = arith.constant 0.000000e+00 : f32
    %broadcast_in_dim3A_8 = vector.broadcast %broadcast_in_dim3A : f32 to vector<16xf32>
    %swap3A = arith.constant 0 : index
    %swap3A_9 = tpu.vector_load %arg47[%swap3A] {strides = array<i32>} : memref<16xf32, #tpu.memory_space<vmem>>, vector<16xf32>,
    tpu.vector_store %arg47[%swap3A], %broadcast_in_dim3A_8 {strides = array<i32>} : memref<16xf32, #tpu.memory_space<vmem>>, vector<16xf32>,
    %broadcast_in_dim3A_10 = arith.constant 1.000000e+00 : f32
    %broadcast_in_dim3A_11 = vector.broadcast %broadcast_in_dim3A_10 : f32 to vector<16xf32>
    %swap3A_12 = arith.constant 0 : index
    %swap3A_13 = tpu.vector_load %arg45[%swap3A_12] {strides = array<i32>} : memref<16xf32, #tpu.memory_space<vmem>>, vector<16xf32>,
    tpu.vector_store %arg45[%swap3A_12], %broadcast_in_dim3A_11 {strides = array<i32>} : memref<16xf32, #tpu.memory_space<vmem>>, vector<16xf32>,
    %scan3A = arith.constant 0 : i32
    %scan3A_14 = arith.constant 0 : i32
    %scan3A_15 = arith.constant 16 : i32
    %scan3A_16 = arith.addi %scan3A_14, %scan3A_15 : i32
    %scan3A_17 = arith.constant 1 : i32
    %scan3A_18 = scf.for %scan3A_21 = %scan3A_14 to %scan3A_16 step %scan3A_17 iter_args(%scan3A_22 = %scan3A) -> (i32)  : i32 {
      "tpu.region"() ({
        %run_scoped3A = tpu.sem_alloc : memref<!tpu.dma_semaphore, #tpu.memory_space<semaphore_mem>>
        %dma_start3A_285 = tpu.memref_slice %arg2[%scan3A_21, %mul3A_3] : memref<16x2048xf32, #tpu.memory_space<hbm>> -> memref<1x128xf32, #tpu.memory_space<hbm>>
        %dma_start3A_286 = tpu.memref_squeeze %dma_start3A_285 : memref<1x128xf32, #tpu.memory_space<hbm>> -> memref<128xf32, #tpu.memory_space<hbm>>
        %dma_start3A_287 = tpu.memref_slice %arg2[%scan3A_21, %mul3A_3] : memref<16x2048xf32, #tpu.memory_space<hbm>> -> memref<1x128xf32, #tpu.memory_space<hbm>>
        %dma_start3A_288 = tpu.memref_squeeze %dma_start3A_287 : memref<1x128xf32, #tpu.memory_space<hbm>> -> memref<128xf32, #tpu.memory_space<hbm>>
        tpu.enqueue_dma source(%dma_start3A_288 : memref<128xf32, #tpu.memory_space<hbm>>) target(%arg22 : memref<128xf32, #tpu.memory_space<vmem>>) target_semaphore(%run_scoped3A : memref<!tpu.dma_semaphore, #tpu.memory_space<semaphore_mem>>)
        %dma_wait3A_289 = tpu.memref_slice %arg2[%scan3A_21, %mul3A_3] : memref<16x2048xf32, #tpu.memory_space<hbm>> -> memref<1x128xf32, #tpu.memory_space<hbm>>
        %dma_wait3A_290 = tpu.memref_squeeze %dma_wait3A_289 : memref<1x128xf32, #tpu.memory_space<hbm>> -> memref<128xf32, #tpu.memory_space<hbm>>
        %dma_wait3A_291 = tpu.memref_slice %arg2[%scan3A_21, %mul3A_3] : memref<16x2048xf32, #tpu.memory_space<hbm>> -> memref<1x128xf32, #tpu.memory_space<hbm>>
        %dma_wait3A_292 = tpu.memref_squeeze %dma_wait3A_291 : memref<1x128xf32, #tpu.memory_space<hbm>> -> memref<128xf32, #tpu.memory_space<hbm>>
        tpu.wait_dma2 semaphore(%run_scoped3A : memref<!tpu.dma_semaphore, #tpu.memory_space<semaphore_mem>>) src(%dma_wait3A_292 : memref<128xf32, #tpu.memory_space<hbm>>) dst(%arg22 : memref<128xf32, #tpu.memory_space<vmem>>)
        tpu.yield
      }) : () -> ()
      %parallel_loop3A_23 = arith.constant 0 : i32
      %parallel_loop3A_24 = arith.constant 128 : i32
      %parallel_loop3A_25 = arith.constant 16 : i32
      %parallel_loop3A_26 = arith.constant 0 : i32
      %parallel_loop3A_27 = scf.for %parallel_loop3A_285 = %parallel_loop3A_23 to %parallel_loop3A_24 step %parallel_loop3A_25 iter_args(%parallel_loop3A_286 = %parallel_loop3A_26) -> (i32)  : i32 {
        %parallel_loop3A_287 = arith.index_cast %parallel_loop3A_285 : i32 to index
        %parallel_loop3A_288 = tpu.vector_load %arg34[%parallel_loop3A_287] {strides = array<i32>} : memref<128xf32, #tpu.memory_space<vmem>>, vector<16xf32>,
        %parallel_loop3A_289 = arith.constant 1.000000e-01 : f32
        %parallel_loop3A_290 = vector.broadcast %parallel_loop3A_289 : f32 to vector<16xf32>
        %parallel_loop3A_291 = arith.maximumf %parallel_loop3A_288, %parallel_loop3A_290 : vector<16xf32>
        %parallel_loop3A_292 = tpu.bitcast %parallel_loop3A_291 : vector<16xf32> -> vector<16xi32>
        %parallel_loop3A_293 = arith.constant 23 : i32
        %parallel_loop3A_294 = vector.broadcast %parallel_loop3A_293 : i32 to vector<16xi32>
        %parallel_loop3A_295 = arith.shrsi %parallel_loop3A_292, %parallel_loop3A_294 : vector<16xi32>
        %parallel_loop3A_296 = arith.constant 127 : i32
        %parallel_loop3A_297 = vector.broadcast %parallel_loop3A_296 : i32 to vector<16xi32>
        %parallel_loop3A_298 = arith.subi %parallel_loop3A_295, %parallel_loop3A_297 : vector<16xi32>
        %parallel_loop3A_299 = arith.constant 8388607 : i32
        %parallel_loop3A_300 = vector.broadcast %parallel_loop3A_299 : i32 to vector<16xi32>
        %parallel_loop3A_301 = arith.andi %parallel_loop3A_292, %parallel_loop3A_300 : vector<16xi32>
        %parallel_loop3A_302 = arith.constant 1065353216 : i32
        %parallel_loop3A_303 = vector.broadcast %parallel_loop3A_302 : i32 to vector<16xi32>
        %parallel_loop3A_304 = arith.ori %parallel_loop3A_301, %parallel_loop3A_303 : vector<16xi32>
        %parallel_loop3A_305 = tpu.bitcast %parallel_loop3A_304 : vector<16xi32> -> vector<16xf32>
        %parallel_loop3A_306 = arith.constant 1.41421354 : f32
        %parallel_loop3A_307 = vector.broadcast %parallel_loop3A_306 : f32 to vector<16xf32>
        %parallel_loop3A_308 = arith.cmpf oge, %parallel_loop3A_305, %parallel_loop3A_307 : vector<16xf32>
        %parallel_loop3A_309 = arith.constant 5.000000e-01 : f32
        %parallel_loop3A_310 = vector.broadcast %parallel_loop3A_309 : f32 to vector<16xf32>
        %parallel_loop3A_311 = arith.mulf %parallel_loop3A_305, %parallel_loop3A_310 : vector<16xf32>
        %parallel_loop3A_312 = arith.select %parallel_loop3A_308, %parallel_loop3A_311, %parallel_loop3A_305 : vector<16xi1>, vector<16xf32>
        %parallel_loop3A_313 = arith.constant 1 : i32
        %parallel_loop3A_314 = vector.broadcast %parallel_loop3A_313 : i32 to vector<16xi32>
        %parallel_loop3A_315 = arith.addi %parallel_loop3A_298, %parallel_loop3A_314 : vector<16xi32>
        %parallel_loop3A_316 = arith.select %parallel_loop3A_308, %parallel_loop3A_315, %parallel_loop3A_298 : vector<16xi1>, vector<16xi32>
        %parallel_loop3A_317 = arith.constant 1.000000e+00 : f32
        %parallel_loop3A_318 = vector.broadcast %parallel_loop3A_317 : f32 to vector<16xf32>
        %parallel_loop3A_319 = arith.subf %parallel_loop3A_312, %parallel_loop3A_318 : vector<16xf32>
        %parallel_loop3A_320 = arith.constant 1.000000e+00 : f32
        %parallel_loop3A_321 = vector.broadcast %parallel_loop3A_320 : f32 to vector<16xf32>
        %parallel_loop3A_322 = arith.addf %parallel_loop3A_312, %parallel_loop3A_321 : vector<16xf32>
        %parallel_loop3A_323 = arith.constant 1.000000e+00 : f32
        %parallel_loop3A_324 = vector.broadcast %parallel_loop3A_323 : f32 to vector<16xf32>
        %parallel_loop3A_325 = arith.divf %parallel_loop3A_324, %parallel_loop3A_322 : vector<16xf32>
        %parallel_loop3A_326 = arith.mulf %parallel_loop3A_319, %parallel_loop3A_325 : vector<16xf32>
        %parallel_loop3A_327 = arith.mulf %parallel_loop3A_326, %parallel_loop3A_326 : vector<16xf32>
        %parallel_loop3A_328 = arith.constant 0.111111112 : f32
        %parallel_loop3A_329 = vector.broadcast %parallel_loop3A_328 : f32 to vector<16xf32>
        %parallel_loop3A_330 = arith.mulf %parallel_loop3A_327, %parallel_loop3A_329 : vector<16xf32>
        %parallel_loop3A_331 = arith.constant 0.142857149 : f32
        %parallel_loop3A_332 = vector.broadcast %parallel_loop3A_331 : f32 to vector<16xf32>
        %parallel_loop3A_333 = arith.addf %parallel_loop3A_332, %parallel_loop3A_330 : vector<16xf32>
        %parallel_loop3A_334 = arith.mulf %parallel_loop3A_327, %parallel_loop3A_333 : vector<16xf32>
        %parallel_loop3A_335 = arith.constant 2.000000e-01 : f32
        %parallel_loop3A_336 = vector.broadcast %parallel_loop3A_335 : f32 to vector<16xf32>
        %parallel_loop3A_337 = arith.addf %parallel_loop3A_336, %parallel_loop3A_334 : vector<16xf32>
        %parallel_loop3A_338 = arith.mulf %parallel_loop3A_327, %parallel_loop3A_337 : vector<16xf32>
        %parallel_loop3A_339 = arith.constant 0.333333343 : f32
        %parallel_loop3A_340 = vector.broadcast %parallel_loop3A_339 : f32 to vector<16xf32>
        %parallel_loop3A_341 = arith.addf %parallel_loop3A_340, %parallel_loop3A_338 : vector<16xf32>
        %parallel_loop3A_342 = arith.mulf %parallel_loop3A_327, %parallel_loop3A_341 : vector<16xf32>
        %parallel_loop3A_343 = arith.constant 1.000000e+00 : f32
        %parallel_loop3A_344 = vector.broadcast %parallel_loop3A_343 : f32 to vector<16xf32>
        %parallel_loop3A_345 = arith.addf %parallel_loop3A_344, %parallel_loop3A_342 : vector<16xf32>
        %parallel_loop3A_346 = arith.sitofp %parallel_loop3A_316 : vector<16xi32> to vector<16xf32>
        %parallel_loop3A_347 = arith.constant 0.693147182 : f32
        %parallel_loop3A_348 = vector.broadcast %parallel_loop3A_347 : f32 to vector<16xf32>
        %parallel_loop3A_349 = arith.mulf %parallel_loop3A_346, %parallel_loop3A_348 : vector<16xf32>
        %parallel_loop3A_350 = arith.constant 2.000000e+00 : f32
        %parallel_loop3A_351 = vector.broadcast %parallel_loop3A_350 : f32 to vector<16xf32>
        %parallel_loop3A_352 = arith.mulf %parallel_loop3A_351, %parallel_loop3A_326 : vector<16xf32>
        %parallel_loop3A_353 = arith.mulf %parallel_loop3A_352, %parallel_loop3A_345 : vector<16xf32>
        %parallel_loop3A_354 = arith.addf %parallel_loop3A_349, %parallel_loop3A_353 : vector<16xf32>
        %parallel_loop3A_355 = arith.index_cast %parallel_loop3A_285 : i32 to index
        %parallel_loop3A_356 = tpu.vector_load %arg27[%parallel_loop3A_355] {strides = array<i32>} : memref<128xf32, #tpu.memory_space<vmem>>, vector<16xf32>,
        %parallel_loop3A_357 = arith.index_cast %parallel_loop3A_285 : i32 to index
        %parallel_loop3A_358 = tpu.vector_load %arg28[%parallel_loop3A_357] {strides = array<i32>} : memref<128xf32, #tpu.memory_space<vmem>>, vector<16xf32>,
        %parallel_loop3A_359 = arith.mulf %parallel_loop3A_358, %parallel_loop3A_354 : vector<16xf32>
        %parallel_loop3A_360 = math.exp %parallel_loop3A_359 : vector<16xf32>
        %parallel_loop3A_361 = arith.mulf %parallel_loop3A_356, %parallel_loop3A_360 : vector<16xf32>
        %parallel_loop3A_362 = arith.index_cast %parallel_loop3A_285 : i32 to index
        %parallel_loop3A_363 = tpu.vector_load %arg29[%parallel_loop3A_362] {strides = array<i32>} : memref<128xf32, #tpu.memory_space<vmem>>, vector<16xf32>,
        %parallel_loop3A_364 = arith.index_cast %parallel_loop3A_285 : i32 to index
        %parallel_loop3A_365 = tpu.vector_load %arg30[%parallel_loop3A_364] {strides = array<i32>} : memref<128xf32, #tpu.memory_space<vmem>>, vector<16xf32>,
        %parallel_loop3A_366 = arith.mulf %parallel_loop3A_365, %parallel_loop3A_354 : vector<16xf32>
        %parallel_loop3A_367 = math.exp %parallel_loop3A_366 : vector<16xf32>
        %parallel_loop3A_368 = arith.mulf %parallel_loop3A_363, %parallel_loop3A_367 : vector<16xf32>
        %parallel_loop3A_369 = arith.mulf %parallel_loop3A_361, %parallel_loop3A_368 : vector<16xf32>
        %parallel_loop3A_370 = arith.constant 2.000000e+00 : f32
        %parallel_loop3A_371 = vector.broadcast %parallel_loop3A_370 : f32 to vector<16xf32>
        %parallel_loop3A_372 = arith.mulf %parallel_loop3A_371, %parallel_loop3A_368 : vector<16xf32>
        %parallel_loop3A_373 = arith.addf %parallel_loop3A_361, %parallel_loop3A_372 : vector<16xf32>
        %parallel_loop3A_374 = arith.constant 1.000000e+00 : f32
        %parallel_loop3A_375 = vector.broadcast %parallel_loop3A_374 : f32 to vector<16xf32>
        %parallel_loop3A_376 = arith.divf %parallel_loop3A_375, %parallel_loop3A_373 : vector<16xf32>
        %parallel_loop3A_377 = arith.mulf %parallel_loop3A_369, %parallel_loop3A_376 : vector<16xf32>
        %parallel_loop3A_378 = arith.index_cast %parallel_loop3A_285 : i32 to index
        %parallel_loop3A_379 = tpu.vector_load %arg25[%parallel_loop3A_378] {strides = array<i32>} : memref<128xf32, #tpu.memory_space<vmem>>, vector<16xf32>,
        %parallel_loop3A_380 = tpu.bitcast %parallel_loop3A_377 : vector<16xf32> -> vector<16xi32>
        %parallel_loop3A_381 = arith.constant 23 : i32
        %parallel_loop3A_382 = vector.broadcast %parallel_loop3A_381 : i32 to vector<16xi32>
        %parallel_loop3A_383 = arith.shrsi %parallel_loop3A_380, %parallel_loop3A_382 : vector<16xi32>
        %parallel_loop3A_384 = arith.constant 127 : i32
        %parallel_loop3A_385 = vector.broadcast %parallel_loop3A_384 : i32 to vector<16xi32>
        %parallel_loop3A_386 = arith.subi %parallel_loop3A_383, %parallel_loop3A_385 : vector<16xi32>
        %parallel_loop3A_387 = arith.constant 8388607 : i32
        %parallel_loop3A_388 = vector.broadcast %parallel_loop3A_387 : i32 to vector<16xi32>
        %parallel_loop3A_389 = arith.andi %parallel_loop3A_380, %parallel_loop3A_388 : vector<16xi32>
        %parallel_loop3A_390 = arith.constant 1065353216 : i32
        %parallel_loop3A_391 = vector.broadcast %parallel_loop3A_390 : i32 to vector<16xi32>
        %parallel_loop3A_392 = arith.ori %parallel_loop3A_389, %parallel_loop3A_391 : vector<16xi32>
        %parallel_loop3A_393 = tpu.bitcast %parallel_loop3A_392 : vector<16xi32> -> vector<16xf32>
        %parallel_loop3A_394 = arith.constant 1.41421354 : f32
        %parallel_loop3A_395 = vector.broadcast %parallel_loop3A_394 : f32 to vector<16xf32>
        %parallel_loop3A_396 = arith.cmpf oge, %parallel_loop3A_393, %parallel_loop3A_395 : vector<16xf32>
        %parallel_loop3A_397 = arith.constant 5.000000e-01 : f32
        %parallel_loop3A_398 = vector.broadcast %parallel_loop3A_397 : f32 to vector<16xf32>
        %parallel_loop3A_399 = arith.mulf %parallel_loop3A_393, %parallel_loop3A_398 : vector<16xf32>
        %parallel_loop3A_400 = arith.select %parallel_loop3A_396, %parallel_loop3A_399, %parallel_loop3A_393 : vector<16xi1>, vector<16xf32>
        %parallel_loop3A_401 = arith.constant 1 : i32
        %parallel_loop3A_402 = vector.broadcast %parallel_loop3A_401 : i32 to vector<16xi32>
        %parallel_loop3A_403 = arith.addi %parallel_loop3A_386, %parallel_loop3A_402 : vector<16xi32>
        %parallel_loop3A_404 = arith.select %parallel_loop3A_396, %parallel_loop3A_403, %parallel_loop3A_386 : vector<16xi1>, vector<16xi32>
        %parallel_loop3A_405 = arith.constant 1.000000e+00 : f32
        %parallel_loop3A_406 = vector.broadcast %parallel_loop3A_405 : f32 to vector<16xf32>
        %parallel_loop3A_407 = arith.subf %parallel_loop3A_400, %parallel_loop3A_406 : vector<16xf32>
        %parallel_loop3A_408 = arith.constant 1.000000e+00 : f32
        %parallel_loop3A_409 = vector.broadcast %parallel_loop3A_408 : f32 to vector<16xf32>
        %parallel_loop3A_410 = arith.addf %parallel_loop3A_400, %parallel_loop3A_409 : vector<16xf32>
        %parallel_loop3A_411 = arith.constant 1.000000e+00 : f32
        %parallel_loop3A_412 = vector.broadcast %parallel_loop3A_411 : f32 to vector<16xf32>
        %parallel_loop3A_413 = arith.divf %parallel_loop3A_412, %parallel_loop3A_410 : vector<16xf32>
        %parallel_loop3A_414 = arith.mulf %parallel_loop3A_407, %parallel_loop3A_413 : vector<16xf32>
        %parallel_loop3A_415 = arith.mulf %parallel_loop3A_414, %parallel_loop3A_414 : vector<16xf32>
        %parallel_loop3A_416 = arith.constant 0.111111112 : f32
        %parallel_loop3A_417 = vector.broadcast %parallel_loop3A_416 : f32 to vector<16xf32>
        %parallel_loop3A_418 = arith.mulf %parallel_loop3A_415, %parallel_loop3A_417 : vector<16xf32>
        %parallel_loop3A_419 = arith.constant 0.142857149 : f32
        %parallel_loop3A_420 = vector.broadcast %parallel_loop3A_419 : f32 to vector<16xf32>
        %parallel_loop3A_421 = arith.addf %parallel_loop3A_420, %parallel_loop3A_418 : vector<16xf32>
        %parallel_loop3A_422 = arith.mulf %parallel_loop3A_415, %parallel_loop3A_421 : vector<16xf32>
        %parallel_loop3A_423 = arith.constant 2.000000e-01 : f32
        %parallel_loop3A_424 = vector.broadcast %parallel_loop3A_423 : f32 to vector<16xf32>
        %parallel_loop3A_425 = arith.addf %parallel_loop3A_424, %parallel_loop3A_422 : vector<16xf32>
        %parallel_loop3A_426 = arith.mulf %parallel_loop3A_415, %parallel_loop3A_425 : vector<16xf32>
        %parallel_loop3A_427 = arith.constant 0.333333343 : f32
        %parallel_loop3A_428 = vector.broadcast %parallel_loop3A_427 : f32 to vector<16xf32>
        %parallel_loop3A_429 = arith.addf %parallel_loop3A_428, %parallel_loop3A_426 : vector<16xf32>
        %parallel_loop3A_430 = arith.mulf %parallel_loop3A_415, %parallel_loop3A_429 : vector<16xf32>
        %parallel_loop3A_431 = arith.constant 1.000000e+00 : f32
        %parallel_loop3A_432 = vector.broadcast %parallel_loop3A_431 : f32 to vector<16xf32>
        %parallel_loop3A_433 = arith.addf %parallel_loop3A_432, %parallel_loop3A_430 : vector<16xf32>
        %parallel_loop3A_434 = arith.sitofp %parallel_loop3A_404 : vector<16xi32> to vector<16xf32>
        %parallel_loop3A_435 = arith.constant 0.693147182 : f32
        %parallel_loop3A_436 = vector.broadcast %parallel_loop3A_435 : f32 to vector<16xf32>
        %parallel_loop3A_437 = arith.mulf %parallel_loop3A_434, %parallel_loop3A_436 : vector<16xf32>
        %parallel_loop3A_438 = arith.constant 2.000000e+00 : f32
        %parallel_loop3A_439 = vector.broadcast %parallel_loop3A_438 : f32 to vector<16xf32>
        %parallel_loop3A_440 = arith.mulf %parallel_loop3A_439, %parallel_loop3A_414 : vector<16xf32>
        %parallel_loop3A_441 = arith.mulf %parallel_loop3A_440, %parallel_loop3A_433 : vector<16xf32>
        %parallel_loop3A_442 = arith.addf %parallel_loop3A_437, %parallel_loop3A_441 : vector<16xf32>
        %parallel_loop3A_443 = arith.constant 0.666666686 : f32
        %parallel_loop3A_444 = vector.broadcast %parallel_loop3A_443 : f32 to vector<16xf32>
        %parallel_loop3A_445 = arith.mulf %parallel_loop3A_444, %parallel_loop3A_442 : vector<16xf32>
        %parallel_loop3A_446 = math.exp %parallel_loop3A_445 : vector<16xf32>
        %parallel_loop3A_447 = arith.mulf %parallel_loop3A_379, %parallel_loop3A_446 : vector<16xf32>
        %parallel_loop3A_448 = arith.index_cast %parallel_loop3A_285 : i32 to index
        %parallel_loop3A_449 = tpu.vector_load %arg24[%parallel_loop3A_448] {strides = array<i32>} : memref<128xf32, #tpu.memory_space<vmem>>, vector<16xf32>,
        %parallel_loop3A_450 = arith.mulf %parallel_loop3A_447, %parallel_loop3A_449 : vector<16xf32>
        %parallel_loop3A_451 = arith.constant 1.66666663 : f32
        %parallel_loop3A_452 = vector.broadcast %parallel_loop3A_451 : f32 to vector<16xf32>
        %parallel_loop3A_453 = arith.mulf %parallel_loop3A_452, %parallel_loop3A_450 : vector<16xf32>
        %parallel_loop3A_454 = arith.constant 0.00999999977 : f32
        %parallel_loop3A_455 = vector.broadcast %parallel_loop3A_454 : f32 to vector<16xf32>
        %parallel_loop3A_456 = arith.maximumf %parallel_loop3A_453, %parallel_loop3A_455 : vector<16xf32>
        %parallel_loop3A_457 = arith.index_cast %parallel_loop3A_285 : i32 to index
        %parallel_loop3A_458 = tpu.vector_load %arg23[%parallel_loop3A_457] {strides = array<i32>} : memref<128xf32, #tpu.memory_space<vmem>>, vector<16xf32>,
        %parallel_loop3A_459 = arith.constant 1.000000e+00 : f32
        %parallel_loop3A_460 = vector.broadcast %parallel_loop3A_459 : f32 to vector<16xf32>
        %parallel_loop3A_461 = arith.divf %parallel_loop3A_460, %parallel_loop3A_456 : vector<16xf32>
        %parallel_loop3A_462 = arith.mulf %parallel_loop3A_458, %parallel_loop3A_461 : vector<16xf32>
        %parallel_loop3A_463 = arith.constant 3.600000e+02 : f32
        %parallel_loop3A_464 = vector.broadcast %parallel_loop3A_463 : f32 to vector<16xf32>
        %parallel_loop3A_465 = arith.maximumf %parallel_loop3A_462, %parallel_loop3A_464 : vector<16xf32>
        %parallel_loop3A_466 = arith.mulf %parallel_loop3A_361, %parallel_loop3A_456 : vector<16xf32>
        %parallel_loop3A_467 = arith.index_cast %parallel_loop3A_285 : i32 to index
        %parallel_loop3A_468 = tpu.vector_load %arg26[%parallel_loop3A_467] {strides = array<i32>} : memref<128xf32, #tpu.memory_space<vmem>>, vector<16xf32>,
        %parallel_loop3A_469 = arith.mulf %parallel_loop3A_466, %parallel_loop3A_468 : vector<16xf32>
        %parallel_loop3A_470 = arith.constant 9.99999997E-7 : f32
        %parallel_loop3A_471 = vector.broadcast %parallel_loop3A_470 : f32 to vector<16xf32>
        %parallel_loop3A_472 = arith.addf %parallel_loop3A_469, %parallel_loop3A_471 : vector<16xf32>
        %parallel_loop3A_473 = arith.constant 1.000000e+00 : f32
        %parallel_loop3A_474 = vector.broadcast %parallel_loop3A_473 : f32 to vector<16xf32>
        %parallel_loop3A_475 = arith.divf %parallel_loop3A_474, %parallel_loop3A_472 : vector<16xf32>
        %parallel_loop3A_476 = arith.mulf %parallel_loop3A_291, %parallel_loop3A_475 : vector<16xf32>
        %parallel_loop3A_477 = arith.constant 1.000000e+00 : f32
        %parallel_loop3A_478 = vector.broadcast %parallel_loop3A_477 : f32 to vector<16xf32>
        %parallel_loop3A_479 = arith.subf %parallel_loop3A_478, %parallel_loop3A_476 : vector<16xf32>
        %parallel_loop3A_480 = arith.constant 5.000000e-01 : f32
        %parallel_loop3A_481 = vector.broadcast %parallel_loop3A_480 : f32 to vector<16xf32>
        %parallel_loop3A_482 = arith.mulf %parallel_loop3A_481, %parallel_loop3A_479 : vector<16xf32>
        %parallel_loop3A_483 = arith.constant 0.000000e+00 : f32
        %parallel_loop3A_484 = arith.constant 5.000000e-01 : f32
        %parallel_loop3A_485 = vector.broadcast %parallel_loop3A_483 : f32 to vector<16xf32>
        %parallel_loop3A_486 = arith.maximumf %parallel_loop3A_485, %parallel_loop3A_482 : vector<16xf32>
        %parallel_loop3A_487 = vector.broadcast %parallel_loop3A_484 : f32 to vector<16xf32>
        %parallel_loop3A_488 = arith.minimumf %parallel_loop3A_487, %parallel_loop3A_486 : vector<16xf32>
        %parallel_loop3A_489 = arith.constant 2.000000e+00 : f32
        %parallel_loop3A_490 = vector.broadcast %parallel_loop3A_489 : f32 to vector<16xf32>
        %parallel_loop3A_491 = arith.mulf %parallel_loop3A_490, %parallel_loop3A_465 : vector<16xf32>
        %parallel_loop3A_492 = arith.mulf %parallel_loop3A_491, %parallel_loop3A_488 : vector<16xf32>
        %parallel_loop3A_493 = arith.constant 2.000000e+00 : f32
        %parallel_loop3A_494 = vector.broadcast %parallel_loop3A_493 : f32 to vector<16xf32>
        %parallel_loop3A_495 = arith.mulf %parallel_loop3A_494, %parallel_loop3A_465 : vector<16xf32>
        %parallel_loop3A_496 = arith.constant 1.000000e+00 : f32
        %parallel_loop3A_497 = vector.broadcast %parallel_loop3A_496 : f32 to vector<16xf32>
        %parallel_loop3A_498 = arith.subf %parallel_loop3A_497, %parallel_loop3A_488 : vector<16xf32>
        %parallel_loop3A_499 = arith.mulf %parallel_loop3A_495, %parallel_loop3A_498 : vector<16xf32>
        %parallel_loop3A_500 = arith.constant 3.600000e+03 : f32
        %parallel_loop3A_501 = vector.broadcast %parallel_loop3A_500 : f32 to vector<16xf32>
        %parallel_loop3A_502 = arith.addf %parallel_loop3A_499, %parallel_loop3A_501 : vector<16xf32>
        %parallel_loop3A_503 = arith.constant 1.000000e+00 : f32
        %parallel_loop3A_504 = vector.broadcast %parallel_loop3A_503 : f32 to vector<16xf32>
        %parallel_loop3A_505 = arith.divf %parallel_loop3A_504, %parallel_loop3A_502 : vector<16xf32>
        %parallel_loop3A_506 = arith.constant 3.600000e+03 : f32
        %parallel_loop3A_507 = vector.broadcast %parallel_loop3A_506 : f32 to vector<16xf32>
        %parallel_loop3A_508 = arith.subf %parallel_loop3A_507, %parallel_loop3A_492 : vector<16xf32>
        %parallel_loop3A_509 = arith.mulf %parallel_loop3A_508, %parallel_loop3A_505 : vector<16xf32>
        %parallel_loop3A_510 = arith.constant 0.000000e+00 : f32
        %parallel_loop3A_511 = vector.broadcast %parallel_loop3A_510 : f32 to vector<16xf32>
        %parallel_loop3A_512 = arith.maximumf %parallel_loop3A_509, %parallel_loop3A_511 : vector<16xf32>
        %parallel_loop3A_513 = arith.constant 3.600000e+03 : f32
        %parallel_loop3A_514 = vector.broadcast %parallel_loop3A_513 : f32 to vector<16xf32>
        %parallel_loop3A_515 = arith.addf %parallel_loop3A_514, %parallel_loop3A_492 : vector<16xf32>
        %parallel_loop3A_516 = arith.mulf %parallel_loop3A_515, %parallel_loop3A_505 : vector<16xf32>
        %parallel_loop3A_517 = arith.constant 0.000000e+00 : f32
        %parallel_loop3A_518 = vector.broadcast %parallel_loop3A_517 : f32 to vector<16xf32>
        %parallel_loop3A_519 = arith.maximumf %parallel_loop3A_516, %parallel_loop3A_518 : vector<16xf32>
        %parallel_loop3A_520 = arith.constant 3.600000e+03 : f32
        %parallel_loop3A_521 = vector.broadcast %parallel_loop3A_520 : f32 to vector<16xf32>
        %parallel_loop3A_522 = arith.subf %parallel_loop3A_499, %parallel_loop3A_521 : vector<16xf32>
        %parallel_loop3A_523 = arith.mulf %parallel_loop3A_522, %parallel_loop3A_505 : vector<16xf32>
        %parallel_loop3A_524 = arith.constant 0.000000e+00 : f32
        %parallel_loop3A_525 = vector.broadcast %parallel_loop3A_524 : f32 to vector<16xf32>
        %parallel_loop3A_526 = arith.maximumf %parallel_loop3A_523, %parallel_loop3A_525 : vector<16xf32>
        %parallel_loop3A_527 = arith.addf %parallel_loop3A_512, %parallel_loop3A_519 : vector<16xf32>
        %parallel_loop3A_528 = arith.addf %parallel_loop3A_527, %parallel_loop3A_526 : vector<16xf32>
        %parallel_loop3A_529 = arith.constant 1.000000e+00 : f32
        %parallel_loop3A_530 = vector.broadcast %parallel_loop3A_529 : f32 to vector<16xf32>
        %parallel_loop3A_531 = arith.divf %parallel_loop3A_530, %parallel_loop3A_528 : vector<16xf32>
        %parallel_loop3A_532 = arith.mulf %parallel_loop3A_512, %parallel_loop3A_531 : vector<16xf32>
        %parallel_loop3A_533 = arith.index_cast %parallel_loop3A_285 : i32 to index
        %parallel_loop3A_534 = tpu.vector_load %arg37[%parallel_loop3A_533] {strides = array<i32>} : memref<128xf32, #tpu.memory_space<vmem>>, vector<16xf32>,
        tpu.vector_store %arg37[%parallel_loop3A_533], %parallel_loop3A_532 {strides = array<i32>} : memref<128xf32, #tpu.memory_space<vmem>>, vector<16xf32>,
        %parallel_loop3A_535 = arith.index_cast %parallel_loop3A_285 : i32 to index
        %parallel_loop3A_536 = tpu.vector_load %arg22[%parallel_loop3A_535] {strides = array<i32>} : memref<128xf32, #tpu.memory_space<vmem>>, vector<16xf32>,
        %parallel_loop3A_537 = arith.mulf %parallel_loop3A_532, %parallel_loop3A_536 : vector<16xf32>
        %parallel_loop3A_538 = arith.mulf %parallel_loop3A_519, %parallel_loop3A_531 : vector<16xf32>
        %parallel_loop3A_539 = arith.index_cast %parallel_loop3A_285 : i32 to index
        %parallel_loop3A_540 = tpu.vector_load %arg36[%parallel_loop3A_539] {strides = array<i32>} : memref<128xf32, #tpu.memory_space<vmem>>, vector<16xf32>,
        %parallel_loop3A_541 = arith.mulf %parallel_loop3A_538, %parallel_loop3A_540 : vector<16xf32>
        %parallel_loop3A_542 = arith.addf %parallel_loop3A_537, %parallel_loop3A_541 : vector<16xf32>
        %parallel_loop3A_543 = arith.mulf %parallel_loop3A_526, %parallel_loop3A_531 : vector<16xf32>
        %parallel_loop3A_544 = arith.index_cast %parallel_loop3A_285 : i32 to index
        %parallel_loop3A_545 = tpu.vector_load %arg35[%parallel_loop3A_544] {strides = array<i32>} : memref<128xf32, #tpu.memory_space<vmem>>, vector<16xf32>,
        %parallel_loop3A_546 = arith.mulf %parallel_loop3A_543, %parallel_loop3A_545 : vector<16xf32>
        %parallel_loop3A_547 = arith.addf %parallel_loop3A_542, %parallel_loop3A_546 : vector<16xf32>
        %parallel_loop3A_548 = arith.index_cast %parallel_loop3A_285 : i32 to index
        %parallel_loop3A_549 = tpu.vector_load %arg38[%parallel_loop3A_548] {strides = array<i32>} : memref<128xf32, #tpu.memory_space<vmem>>, vector<16xf32>,
        tpu.vector_store %arg38[%parallel_loop3A_548], %parallel_loop3A_547 {strides = array<i32>} : memref<128xf32, #tpu.memory_space<vmem>>, vector<16xf32>,
        scf.yield %parallel_loop3A_286 : i32
      } {sc.loop_unroll_factor = 4 : i64, sc.parallel_access}
      "tpu.region"() ({
        %run_scoped3A = tpu.sem_alloc : memref<!tpu.dma_semaphore, #tpu.memory_space<semaphore_mem>>
        %dma_start3A_285 = tpu.memref_slice %arg16[%mul3A_3] : memref<2048xf32, #tpu.memory_space<vmem_shared>> -> memref<128xf32, #tpu.memory_space<vmem_shared>>
        %dma_start3A_286 = tpu.memref_slice %arg16[%mul3A_3] : memref<2048xf32, #tpu.memory_space<vmem_shared>> -> memref<128xf32, #tpu.memory_space<vmem_shared>>
        tpu.enqueue_dma source(%arg37 : memref<128xf32, #tpu.memory_space<vmem>>) target(%dma_start3A_286 : memref<128xf32, #tpu.memory_space<vmem_shared>>) target_semaphore(%run_scoped3A : memref<!tpu.dma_semaphore, #tpu.memory_space<semaphore_mem>>)
        %dma_wait3A_287 = tpu.memref_slice %arg16[%mul3A_3] : memref<2048xf32, #tpu.memory_space<vmem_shared>> -> memref<128xf32, #tpu.memory_space<vmem_shared>>
        %dma_wait3A_288 = tpu.memref_slice %arg16[%mul3A_3] : memref<2048xf32, #tpu.memory_space<vmem_shared>> -> memref<128xf32, #tpu.memory_space<vmem_shared>>
        tpu.wait_dma2 semaphore(%run_scoped3A : memref<!tpu.dma_semaphore, #tpu.memory_space<semaphore_mem>>) src(%arg37 : memref<128xf32, #tpu.memory_space<vmem>>) dst(%dma_wait3A_288 : memref<128xf32, #tpu.memory_space<vmem_shared>>)
        tpu.yield
      }) : () -> ()
      %barrier3A = arith.constant 0 : index
      tpu.barrier barrier_id(%barrier3A)
      "tpu.region"() ({
        %run_scoped3A = tpu.sem_alloc : memref<!tpu.dma_semaphore, #tpu.memory_space<semaphore_mem>>
        %dma_start3A_285 = arith.constant 0 : i32
        %dma_start3A_286 = tpu.memref_slice %arg16[%dma_start3A_285] : memref<2048xf32, #tpu.memory_space<vmem_shared>> -> memref<2048xf32, #tpu.memory_space<vmem_shared>>
        tpu.enqueue_indirect_dma source(%dma_start3A_286 : memref<2048xf32, #tpu.memory_space<vmem_shared>>) target(%arg42 : memref<128xf32, #tpu.memory_space<vmem>>) offsets(%arg31 : memref<128xi32, #tpu.memory_space<vmem>>) semaphore(%run_scoped3A : memref<!tpu.dma_semaphore, #tpu.memory_space<semaphore_mem>>)
        %dma_wait3A_287 = arith.constant 0 : i32
        %dma_wait3A_288 = tpu.memref_slice %arg16[%dma_wait3A_287] : memref<2048xf32, #tpu.memory_space<vmem_shared>> -> memref<2048xf32, #tpu.memory_space<vmem_shared>>
        tpu.wait_indirect_dma semaphore(%run_scoped3A : memref<!tpu.dma_semaphore, #tpu.memory_space<semaphore_mem>>) src(%dma_wait3A_288 : memref<2048xf32, #tpu.memory_space<vmem_shared>>) dst(%arg42 : memref<128xf32, #tpu.memory_space<vmem>>)
        tpu.yield
      }) : () -> ()
      %parallel_loop3A_28 = arith.constant 0 : i32
      %parallel_loop3A_29 = arith.constant 128 : i32
      %parallel_loop3A_30 = arith.constant 16 : i32
      %parallel_loop3A_31 = arith.constant 0 : i32
      %parallel_loop3A_32 = scf.for %parallel_loop3A_285 = %parallel_loop3A_28 to %parallel_loop3A_29 step %parallel_loop3A_30 iter_args(%parallel_loop3A_286 = %parallel_loop3A_31) -> (i32)  : i32 {
        %parallel_loop3A_287 = arith.index_cast %parallel_loop3A_285 : i32 to index
        %parallel_loop3A_288 = tpu.vector_load %arg42[%parallel_loop3A_287] {strides = array<i32>} : memref<128xf32, #tpu.memory_space<vmem>>, vector<16xf32>,
        %parallel_loop3A_289 = arith.index_cast %parallel_loop3A_285 : i32 to index
        %parallel_loop3A_290 = tpu.vector_load %arg32[%parallel_loop3A_289] {strides = array<i32>} : memref<128xf32, #tpu.memory_space<vmem>>, vector<16xf32>,
        %parallel_loop3A_291 = arith.mulf %parallel_loop3A_288, %parallel_loop3A_290 : vector<16xf32>
        %parallel_loop3A_292 = arith.index_cast %parallel_loop3A_285 : i32 to index
        %parallel_loop3A_293 = tpu.vector_load %arg39[%parallel_loop3A_292] {strides = array<i32>} : memref<128xf32, #tpu.memory_space<vmem>>, vector<16xf32>,
        tpu.vector_store %arg39[%parallel_loop3A_292], %parallel_loop3A_291 {strides = array<i32>} : memref<128xf32, #tpu.memory_space<vmem>>, vector<16xf32>,
        %parallel_loop3A_294 = arith.index_cast %parallel_loop3A_285 : i32 to index
        %parallel_loop3A_295 = tpu.vector_load %arg31[%parallel_loop3A_294] {strides = array<i32>} : memref<128xi32, #tpu.memory_space<vmem>>, vector<16xi32>,
        %parallel_loop3A_296 = arith.index_cast %parallel_loop3A_285 : i32 to index
        %parallel_loop3A_297 = tpu.vector_load %arg40[%parallel_loop3A_296] {strides = array<i32>} : memref<128xi32, #tpu.memory_space<vmem>>, vector<16xi32>,
        tpu.vector_store %arg40[%parallel_loop3A_296], %parallel_loop3A_295 {strides = array<i32>} : memref<128xi32, #tpu.memory_space<vmem>>, vector<16xi32>,
        scf.yield %parallel_loop3A_286 : i32
      } {sc.loop_unroll_factor = 4 : i64, sc.parallel_access}
      "tpu.region"() ({
        %run_scoped3A = tpu.sem_alloc : memref<!tpu.dma_semaphore, #tpu.memory_space<semaphore_mem>>
        %dma_start3A_285 = tpu.memref_slice %arg17[%mul3A_3] : memref<2048xf32, #tpu.memory_space<vmem_shared>> -> memref<128xf32, #tpu.memory_space<vmem_shared>>
        %dma_start3A_286 = tpu.memref_slice %arg17[%mul3A_3] : memref<2048xf32, #tpu.memory_space<vmem_shared>> -> memref<128xf32, #tpu.memory_space<vmem_shared>>
        tpu.enqueue_dma source(%arg39 : memref<128xf32, #tpu.memory_space<vmem>>) target(%dma_start3A_286 : memref<128xf32, #tpu.memory_space<vmem_shared>>) target_semaphore(%run_scoped3A : memref<!tpu.dma_semaphore, #tpu.memory_space<semaphore_mem>>)
        %dma_wait3A_287 = tpu.memref_slice %arg17[%mul3A_3] : memref<2048xf32, #tpu.memory_space<vmem_shared>> -> memref<128xf32, #tpu.memory_space<vmem_shared>>
        %dma_wait3A_288 = tpu.memref_slice %arg17[%mul3A_3] : memref<2048xf32, #tpu.memory_space<vmem_shared>> -> memref<128xf32, #tpu.memory_space<vmem_shared>>
        tpu.wait_dma2 semaphore(%run_scoped3A : memref<!tpu.dma_semaphore, #tpu.memory_space<semaphore_mem>>) src(%arg39 : memref<128xf32, #tpu.memory_space<vmem>>) dst(%dma_wait3A_288 : memref<128xf32, #tpu.memory_space<vmem_shared>>)
        tpu.yield
      }) : () -> ()
      "tpu.region"() ({
        %run_scoped3A = tpu.sem_alloc : memref<!tpu.dma_semaphore, #tpu.memory_space<semaphore_mem>>
        %dma_start3A_285 = tpu.memref_slice %arg19[%mul3A_3] : memref<2048xi32, #tpu.memory_space<vmem_shared>> -> memref<128xi32, #tpu.memory_space<vmem_shared>>
        %dma_start3A_286 = tpu.memref_slice %arg19[%mul3A_3] : memref<2048xi32, #tpu.memory_space<vmem_shared>> -> memref<128xi32, #tpu.memory_space<vmem_shared>>
        tpu.enqueue_dma source(%arg31 : memref<128xi32, #tpu.memory_space<vmem>>) target(%dma_start3A_286 : memref<128xi32, #tpu.memory_space<vmem_shared>>) target_semaphore(%run_scoped3A : memref<!tpu.dma_semaphore, #tpu.memory_space<semaphore_mem>>)
        %dma_wait3A_287 = tpu.memref_slice %arg19[%mul3A_3] : memref<2048xi32, #tpu.memory_space<vmem_shared>> -> memref<128xi32, #tpu.memory_space<vmem_shared>>
        %dma_wait3A_288 = tpu.memref_slice %arg19[%mul3A_3] : memref<2048xi32, #tpu.memory_space<vmem_shared>> -> memref<128xi32, #tpu.memory_space<vmem_shared>>
        tpu.wait_dma2 semaphore(%run_scoped3A : memref<!tpu.dma_semaphore, #tpu.memory_space<semaphore_mem>>) src(%arg31 : memref<128xi32, #tpu.memory_space<vmem>>) dst(%dma_wait3A_288 : memref<128xi32, #tpu.memory_space<vmem_shared>>)
        tpu.yield
      }) : () -> ()
      "tpu.region"() ({
        %run_scoped3A = tpu.sem_alloc : memref<!tpu.dma_semaphore, #tpu.memory_space<semaphore_mem>>
        %dma_start3A_285 = tpu.memref_slice %arg14[%mul3A_3] : memref<2048xf32, #tpu.memory_space<vmem_shared>> -> memref<128xf32, #tpu.memory_space<vmem_shared>>
        %dma_start3A_286 = tpu.memref_slice %arg14[%mul3A_3] : memref<2048xf32, #tpu.memory_space<vmem_shared>> -> memref<128xf32, #tpu.memory_space<vmem_shared>>
        tpu.enqueue_dma source(%arg38 : memref<128xf32, #tpu.memory_space<vmem>>) target(%dma_start3A_286 : memref<128xf32, #tpu.memory_space<vmem_shared>>) target_semaphore(%run_scoped3A : memref<!tpu.dma_semaphore, #tpu.memory_space<semaphore_mem>>)
        %dma_wait3A_287 = tpu.memref_slice %arg14[%mul3A_3] : memref<2048xf32, #tpu.memory_space<vmem_shared>> -> memref<128xf32, #tpu.memory_space<vmem_shared>>
        %dma_wait3A_288 = tpu.memref_slice %arg14[%mul3A_3] : memref<2048xf32, #tpu.memory_space<vmem_shared>> -> memref<128xf32, #tpu.memory_space<vmem_shared>>
        tpu.wait_dma2 semaphore(%run_scoped3A : memref<!tpu.dma_semaphore, #tpu.memory_space<semaphore_mem>>) src(%arg38 : memref<128xf32, #tpu.memory_space<vmem>>) dst(%dma_wait3A_288 : memref<128xf32, #tpu.memory_space<vmem_shared>>)
        tpu.yield
      }) : () -> ()
      "tpu.region"() ({
        %run_scoped3A = tpu.sem_alloc : memref<!tpu.dma_semaphore, #tpu.memory_space<semaphore_mem>>
        %dma_start3A_285 = tpu.memref_slice %arg15[%mul3A_3] : memref<2048xf32, #tpu.memory_space<vmem_shared>> -> memref<128xf32, #tpu.memory_space<vmem_shared>>
        %dma_start3A_286 = tpu.memref_slice %arg15[%mul3A_3] : memref<2048xf32, #tpu.memory_space<vmem_shared>> -> memref<128xf32, #tpu.memory_space<vmem_shared>>
        tpu.enqueue_dma source(%arg22 : memref<128xf32, #tpu.memory_space<vmem>>) target(%dma_start3A_286 : memref<128xf32, #tpu.memory_space<vmem_shared>>) target_semaphore(%run_scoped3A : memref<!tpu.dma_semaphore, #tpu.memory_space<semaphore_mem>>)
        %dma_wait3A_287 = tpu.memref_slice %arg15[%mul3A_3] : memref<2048xf32, #tpu.memory_space<vmem_shared>> -> memref<128xf32, #tpu.memory_space<vmem_shared>>
        %dma_wait3A_288 = tpu.memref_slice %arg15[%mul3A_3] : memref<2048xf32, #tpu.memory_space<vmem_shared>> -> memref<128xf32, #tpu.memory_space<vmem_shared>>
        tpu.wait_dma2 semaphore(%run_scoped3A : memref<!tpu.dma_semaphore, #tpu.memory_space<semaphore_mem>>) src(%arg22 : memref<128xf32, #tpu.memory_space<vmem>>) dst(%dma_wait3A_288 : memref<128xf32, #tpu.memory_space<vmem_shared>>)
        tpu.yield
      }) : () -> ()
      %barrier3A_33 = arith.constant 0 : index
      tpu.barrier barrier_id(%barrier3A_33)
      %parallel_loop3A_34 = arith.constant 0 : i32
      %parallel_loop3A_35 = arith.constant 128 : i32
      %parallel_loop3A_36 = arith.constant 16 : i32
      %parallel_loop3A_37 = arith.constant 0 : i32
      %parallel_loop3A_38 = scf.for %parallel_loop3A_285 = %parallel_loop3A_34 to %parallel_loop3A_35 step %parallel_loop3A_36 iter_args(%parallel_loop3A_286 = %parallel_loop3A_37) -> (i32)  : i32 {
        %parallel_loop3A_287 = arith.index_cast %parallel_loop3A_285 : i32 to index
        %parallel_loop3A_288 = tpu.vector_load %arg39[%parallel_loop3A_287] {strides = array<i32>} : memref<128xf32, #tpu.memory_space<vmem>>, vector<16xf32>,
        %parallel_loop3A_289 = arith.index_cast %parallel_loop3A_285 : i32 to index
        %parallel_loop3A_290 = tpu.vector_load %arg38[%parallel_loop3A_289] {strides = array<i32>} : memref<128xf32, #tpu.memory_space<vmem>>, vector<16xf32>,
        %parallel_loop3A_291 = arith.mulf %parallel_loop3A_288, %parallel_loop3A_290 : vector<16xf32>
        %parallel_loop3A_292 = arith.index_cast %parallel_loop3A_285 : i32 to index
        %parallel_loop3A_293 = tpu.vector_load %arg41[%parallel_loop3A_292] {strides = array<i32>} : memref<128xf32, #tpu.memory_space<vmem>>, vector<16xf32>,
        tpu.vector_store %arg41[%parallel_loop3A_292], %parallel_loop3A_291 {strides = array<i32>} : memref<128xf32, #tpu.memory_space<vmem>>, vector<16xf32>,
        scf.yield %parallel_loop3A_286 : i32
      } {sc.loop_unroll_factor = 4 : i64, sc.parallel_access}
      %dma_start3A = arith.constant 0 : i32
      %dma_start3A_39 = tpu.memref_slice %arg14[%dma_start3A] : memref<2048xf32, #tpu.memory_space<vmem_shared>> -> memref<2048xf32, #tpu.memory_space<vmem_shared>>
      tpu.enqueue_indirect_dma source(%arg41 : memref<128xf32, #tpu.memory_space<vmem>>) target(%dma_start3A_39 : memref<2048xf32, #tpu.memory_space<vmem_shared>>) offsets(%arg40 : memref<128xi32, #tpu.memory_space<vmem>>) semaphore(%arg48 : memref<!tpu.dma_semaphore, #tpu.memory_space<semaphore_mem>>) {add = true}
      %dma_start3A_40 = arith.constant 0 : i32
      %dma_start3A_41 = tpu.memref_slice %arg17[%dma_start3A_40] : memref<2048xf32, #tpu.memory_space<vmem_shared>> -> memref<2048xf32, #tpu.memory_space<vmem_shared>>
      tpu.enqueue_indirect_dma source(%dma_start3A_41 : memref<2048xf32, #tpu.memory_space<vmem_shared>>) target(%arg42 : memref<128xf32, #tpu.memory_space<vmem>>) offsets(%arg40 : memref<128xi32, #tpu.memory_space<vmem>>) semaphore(%arg48 : memref<!tpu.dma_semaphore, #tpu.memory_space<semaphore_mem>>)
      %dma_start3A_42 = arith.constant 0 : i32
      %dma_start3A_43 = tpu.memref_slice %arg19[%dma_start3A_42] : memref<2048xi32, #tpu.memory_space<vmem_shared>> -> memref<2048xi32, #tpu.memory_space<vmem_shared>>
      tpu.enqueue_indirect_dma source(%dma_start3A_43 : memref<2048xi32, #tpu.memory_space<vmem_shared>>) target(%arg43 : memref<128xi32, #tpu.memory_space<vmem>>) offsets(%arg40 : memref<128xi32, #tpu.memory_space<vmem>>) semaphore(%arg48 : memref<!tpu.dma_semaphore, #tpu.memory_space<semaphore_mem>>)
      %dma_wait3A = arith.constant 0 : i32
      %dma_wait3A_44 = tpu.memref_slice %arg14[%dma_wait3A] : memref<2048xf32, #tpu.memory_space<vmem_shared>> -> memref<2048xf32, #tpu.memory_space<vmem_shared>>
      tpu.wait_indirect_dma semaphore(%arg48 : memref<!tpu.dma_semaphore, #tpu.memory_space<semaphore_mem>>) src(%arg41 : memref<128xf32, #tpu.memory_space<vmem>>) dst(%dma_wait3A_44 : memref<2048xf32, #tpu.memory_space<vmem_shared>>)
      %dma_wait3A_45 = arith.constant 0 : i32
      %dma_wait3A_46 = tpu.memref_slice %arg17[%dma_wait3A_45] : memref<2048xf32, #tpu.memory_space<vmem_shared>> -> memref<2048xf32, #tpu.memory_space<vmem_shared>>
      tpu.wait_indirect_dma semaphore(%arg48 : memref<!tpu.dma_semaphore, #tpu.memory_space<semaphore_mem>>) src(%dma_wait3A_46 : memref<2048xf32, #tpu.memory_space<vmem_shared>>) dst(%arg42 : memref<128xf32, #tpu.memory_space<vmem>>)
      %dma_wait3A_47 = arith.constant 0 : i32
      %dma_wait3A_48 = tpu.memref_slice %arg19[%dma_wait3A_47] : memref<2048xi32, #tpu.memory_space<vmem_shared>> -> memref<2048xi32, #tpu.memory_space<vmem_shared>>
      tpu.wait_indirect_dma semaphore(%arg48 : memref<!tpu.dma_semaphore, #tpu.memory_space<semaphore_mem>>) src(%dma_wait3A_48 : memref<2048xi32, #tpu.memory_space<vmem_shared>>) dst(%arg43 : memref<128xi32, #tpu.memory_space<vmem>>)
      %broadcast_in_dim3A_49 = arith.constant 0.000000e+00 : f32
      %broadcast_in_dim3A_50 = vector.broadcast %broadcast_in_dim3A_49 : f32 to vector<16xf32>
      %parallel_loop3A_51 = arith.constant 0 : i32
      %parallel_loop3A_52 = arith.constant 128 : i32
      %parallel_loop3A_53 = arith.constant 16 : i32
      %parallel_loop3A_54 = scf.for %parallel_loop3A_285 = %parallel_loop3A_51 to %parallel_loop3A_52 step %parallel_loop3A_53 iter_args(%parallel_loop3A_286 = %broadcast_in_dim3A_50) -> (vector<16xf32>)  : i32 {
        %parallel_loop3A_287 = arith.index_cast %parallel_loop3A_285 : i32 to index
        %parallel_loop3A_288 = tpu.vector_load %arg39[%parallel_loop3A_287] {strides = array<i32>} : memref<128xf32, #tpu.memory_space<vmem>>, vector<16xf32>,
        %parallel_loop3A_289 = arith.index_cast %parallel_loop3A_285 : i32 to index
        %parallel_loop3A_290 = tpu.vector_load %arg42[%parallel_loop3A_289] {strides = array<i32>} : memref<128xf32, #tpu.memory_space<vmem>>, vector<16xf32>,
        %parallel_loop3A_291 = arith.mulf %parallel_loop3A_288, %parallel_loop3A_290 : vector<16xf32>
        %parallel_loop3A_292 = arith.index_cast %parallel_loop3A_285 : i32 to index
        %parallel_loop3A_293 = tpu.vector_load %arg39[%parallel_loop3A_292] {strides = array<i32>} : memref<128xf32, #tpu.memory_space<vmem>>, vector<16xf32>,
        tpu.vector_store %arg39[%parallel_loop3A_292], %parallel_loop3A_291 {strides = array<i32>} : memref<128xf32, #tpu.memory_space<vmem>>, vector<16xf32>,
        %parallel_loop3A_294 = arith.index_cast %parallel_loop3A_285 : i32 to index
        %parallel_loop3A_295 = tpu.vector_load %arg43[%parallel_loop3A_294] {strides = array<i32>} : memref<128xi32, #tpu.memory_space<vmem>>, vector<16xi32>,
        %parallel_loop3A_296 = arith.index_cast %parallel_loop3A_285 : i32 to index
        %parallel_loop3A_297 = tpu.vector_load %arg40[%parallel_loop3A_296] {strides = array<i32>} : memref<128xi32, #tpu.memory_space<vmem>>, vector<16xi32>,
        tpu.vector_store %arg40[%parallel_loop3A_296], %parallel_loop3A_295 {strides = array<i32>} : memref<128xi32, #tpu.memory_space<vmem>>, vector<16xi32>,
        %parallel_loop3A_298 = arith.addf %parallel_loop3A_286, %parallel_loop3A_291 : vector<16xf32>
        scf.yield %parallel_loop3A_298 : vector<16xf32>
      } {sc.loop_unroll_factor = 4 : i64, sc.parallel_access}
      "tpu.region"() ({
        %run_scoped3A = tpu.sem_alloc : memref<!tpu.dma_semaphore, #tpu.memory_space<semaphore_mem>>
        %dma_start3A_285 = tpu.memref_slice %arg18[%mul3A_3] : memref<2048xf32, #tpu.memory_space<vmem_shared>> -> memref<128xf32, #tpu.memory_space<vmem_shared>>
        %dma_start3A_286 = tpu.memref_slice %arg18[%mul3A_3] : memref<2048xf32, #tpu.memory_space<vmem_shared>> -> memref<128xf32, #tpu.memory_space<vmem_shared>>
        tpu.enqueue_dma source(%arg39 : memref<128xf32, #tpu.memory_space<vmem>>) target(%dma_start3A_286 : memref<128xf32, #tpu.memory_space<vmem_shared>>) target_semaphore(%run_scoped3A : memref<!tpu.dma_semaphore, #tpu.memory_space<semaphore_mem>>)
        %dma_wait3A_287 = tpu.memref_slice %arg18[%mul3A_3] : memref<2048xf32, #tpu.memory_space<vmem_shared>> -> memref<128xf32, #tpu.memory_space<vmem_shared>>
        %dma_wait3A_288 = tpu.memref_slice %arg18[%mul3A_3] : memref<2048xf32, #tpu.memory_space<vmem_shared>> -> memref<128xf32, #tpu.memory_space<vmem_shared>>
        tpu.wait_dma2 semaphore(%run_scoped3A : memref<!tpu.dma_semaphore, #tpu.memory_space<semaphore_mem>>) src(%arg39 : memref<128xf32, #tpu.memory_space<vmem>>) dst(%dma_wait3A_288 : memref<128xf32, #tpu.memory_space<vmem_shared>>)
        tpu.yield
      }) : () -> ()
      "tpu.region"() ({
        %run_scoped3A = tpu.sem_alloc : memref<!tpu.dma_semaphore, #tpu.memory_space<semaphore_mem>>
        %dma_start3A_285 = tpu.memref_slice %arg20[%mul3A_3] : memref<2048xi32, #tpu.memory_space<vmem_shared>> -> memref<128xi32, #tpu.memory_space<vmem_shared>>
        %dma_start3A_286 = tpu.memref_slice %arg20[%mul3A_3] : memref<2048xi32, #tpu.memory_space<vmem_shared>> -> memref<128xi32, #tpu.memory_space<vmem_shared>>
        tpu.enqueue_dma source(%arg40 : memref<128xi32, #tpu.memory_space<vmem>>) target(%dma_start3A_286 : memref<128xi32, #tpu.memory_space<vmem_shared>>) target_semaphore(%run_scoped3A : memref<!tpu.dma_semaphore, #tpu.memory_space<semaphore_mem>>)
        %dma_wait3A_287 = tpu.memref_slice %arg20[%mul3A_3] : memref<2048xi32, #tpu.memory_space<vmem_shared>> -> memref<128xi32, #tpu.memory_space<vmem_shared>>
        %dma_wait3A_288 = tpu.memref_slice %arg20[%mul3A_3] : memref<2048xi32, #tpu.memory_space<vmem_shared>> -> memref<128xi32, #tpu.memory_space<vmem_shared>>
        tpu.wait_dma2 semaphore(%run_scoped3A : memref<!tpu.dma_semaphore, #tpu.memory_space<semaphore_mem>>) src(%arg40 : memref<128xi32, #tpu.memory_space<vmem>>) dst(%dma_wait3A_288 : memref<128xi32, #tpu.memory_space<vmem_shared>>)
        tpu.yield
      }) : () -> ()
      %barrier3A_55 = arith.constant 0 : index
      tpu.barrier barrier_id(%barrier3A_55)
      "tpu.region"() ({
        %run_scoped3A = tpu.sem_alloc : memref<!tpu.dma_semaphore, #tpu.memory_space<semaphore_mem>>
        %dma_start3A_285 = tpu.memref_slice %arg14[%mul3A_3] : memref<2048xf32, #tpu.memory_space<vmem_shared>> -> memref<128xf32, #tpu.memory_space<vmem_shared>>
        %dma_start3A_286 = tpu.memref_slice %arg14[%mul3A_3] : memref<2048xf32, #tpu.memory_space<vmem_shared>> -> memref<128xf32, #tpu.memory_space<vmem_shared>>
        tpu.enqueue_dma source(%dma_start3A_286 : memref<128xf32, #tpu.memory_space<vmem_shared>>) target(%arg38 : memref<128xf32, #tpu.memory_space<vmem>>) target_semaphore(%run_scoped3A : memref<!tpu.dma_semaphore, #tpu.memory_space<semaphore_mem>>)
        %dma_wait3A_287 = tpu.memref_slice %arg14[%mul3A_3] : memref<2048xf32, #tpu.memory_space<vmem_shared>> -> memref<128xf32, #tpu.memory_space<vmem_shared>>
        %dma_wait3A_288 = tpu.memref_slice %arg14[%mul3A_3] : memref<2048xf32, #tpu.memory_space<vmem_shared>> -> memref<128xf32, #tpu.memory_space<vmem_shared>>
        tpu.wait_dma2 semaphore(%run_scoped3A : memref<!tpu.dma_semaphore, #tpu.memory_space<semaphore_mem>>) src(%dma_wait3A_288 : memref<128xf32, #tpu.memory_space<vmem_shared>>) dst(%arg38 : memref<128xf32, #tpu.memory_space<vmem>>)
        tpu.yield
      }) : () -> ()
      %barrier3A_56 = arith.constant 0 : index
      tpu.barrier barrier_id(%barrier3A_56)
      %parallel_loop3A_57 = arith.constant 0 : i32
      %parallel_loop3A_58 = arith.constant 128 : i32
      %parallel_loop3A_59 = arith.constant 16 : i32
      %parallel_loop3A_60 = arith.constant 0 : i32
      %parallel_loop3A_61 = scf.for %parallel_loop3A_285 = %parallel_loop3A_57 to %parallel_loop3A_58 step %parallel_loop3A_59 iter_args(%parallel_loop3A_286 = %parallel_loop3A_60) -> (i32)  : i32 {
        %parallel_loop3A_287 = arith.index_cast %parallel_loop3A_285 : i32 to index
        %parallel_loop3A_288 = tpu.vector_load %arg39[%parallel_loop3A_287] {strides = array<i32>} : memref<128xf32, #tpu.memory_space<vmem>>, vector<16xf32>,
        %parallel_loop3A_289 = arith.index_cast %parallel_loop3A_285 : i32 to index
        %parallel_loop3A_290 = tpu.vector_load %arg38[%parallel_loop3A_289] {strides = array<i32>} : memref<128xf32, #tpu.memory_space<vmem>>, vector<16xf32>,
        %parallel_loop3A_291 = arith.mulf %parallel_loop3A_288, %parallel_loop3A_290 : vector<16xf32>
        %parallel_loop3A_292 = arith.index_cast %parallel_loop3A_285 : i32 to index
        %parallel_loop3A_293 = tpu.vector_load %arg41[%parallel_loop3A_292] {strides = array<i32>} : memref<128xf32, #tpu.memory_space<vmem>>, vector<16xf32>,
        tpu.vector_store %arg41[%parallel_loop3A_292], %parallel_loop3A_291 {strides = array<i32>} : memref<128xf32, #tpu.memory_space<vmem>>, vector<16xf32>,
        scf.yield %parallel_loop3A_286 : i32
      } {sc.loop_unroll_factor = 4 : i64, sc.parallel_access}
      %dma_start3A_62 = arith.constant 0 : i32
      %dma_start3A_63 = tpu.memref_slice %arg14[%dma_start3A_62] : memref<2048xf32, #tpu.memory_space<vmem_shared>> -> memref<2048xf32, #tpu.memory_space<vmem_shared>>
      tpu.enqueue_indirect_dma source(%arg41 : memref<128xf32, #tpu.memory_space<vmem>>) target(%dma_start3A_63 : memref<2048xf32, #tpu.memory_space<vmem_shared>>) offsets(%arg40 : memref<128xi32, #tpu.memory_space<vmem>>) semaphore(%arg48 : memref<!tpu.dma_semaphore, #tpu.memory_space<semaphore_mem>>) {add = true}
      %dma_start3A_64 = arith.constant 0 : i32
      %dma_start3A_65 = tpu.memref_slice %arg18[%dma_start3A_64] : memref<2048xf32, #tpu.memory_space<vmem_shared>> -> memref<2048xf32, #tpu.memory_space<vmem_shared>>
      tpu.enqueue_indirect_dma source(%dma_start3A_65 : memref<2048xf32, #tpu.memory_space<vmem_shared>>) target(%arg42 : memref<128xf32, #tpu.memory_space<vmem>>) offsets(%arg40 : memref<128xi32, #tpu.memory_space<vmem>>) semaphore(%arg48 : memref<!tpu.dma_semaphore, #tpu.memory_space<semaphore_mem>>)
      %dma_start3A_66 = arith.constant 0 : i32
      %dma_start3A_67 = tpu.memref_slice %arg20[%dma_start3A_66] : memref<2048xi32, #tpu.memory_space<vmem_shared>> -> memref<2048xi32, #tpu.memory_space<vmem_shared>>
      tpu.enqueue_indirect_dma source(%dma_start3A_67 : memref<2048xi32, #tpu.memory_space<vmem_shared>>) target(%arg43 : memref<128xi32, #tpu.memory_space<vmem>>) offsets(%arg40 : memref<128xi32, #tpu.memory_space<vmem>>) semaphore(%arg48 : memref<!tpu.dma_semaphore, #tpu.memory_space<semaphore_mem>>)
      %dma_wait3A_68 = arith.constant 0 : i32
      %dma_wait3A_69 = tpu.memref_slice %arg14[%dma_wait3A_68] : memref<2048xf32, #tpu.memory_space<vmem_shared>> -> memref<2048xf32, #tpu.memory_space<vmem_shared>>
      tpu.wait_indirect_dma semaphore(%arg48 : memref<!tpu.dma_semaphore, #tpu.memory_space<semaphore_mem>>) src(%arg41 : memref<128xf32, #tpu.memory_space<vmem>>) dst(%dma_wait3A_69 : memref<2048xf32, #tpu.memory_space<vmem_shared>>)
      %dma_wait3A_70 = arith.constant 0 : i32
      %dma_wait3A_71 = tpu.memref_slice %arg18[%dma_wait3A_70] : memref<2048xf32, #tpu.memory_space<vmem_shared>> -> memref<2048xf32, #tpu.memory_space<vmem_shared>>
      tpu.wait_indirect_dma semaphore(%arg48 : memref<!tpu.dma_semaphore, #tpu.memory_space<semaphore_mem>>) src(%dma_wait3A_71 : memref<2048xf32, #tpu.memory_space<vmem_shared>>) dst(%arg42 : memref<128xf32, #tpu.memory_space<vmem>>)
      %dma_wait3A_72 = arith.constant 0 : i32
      %dma_wait3A_73 = tpu.memref_slice %arg20[%dma_wait3A_72] : memref<2048xi32, #tpu.memory_space<vmem_shared>> -> memref<2048xi32, #tpu.memory_space<vmem_shared>>
      tpu.wait_indirect_dma semaphore(%arg48 : memref<!tpu.dma_semaphore, #tpu.memory_space<semaphore_mem>>) src(%dma_wait3A_73 : memref<2048xi32, #tpu.memory_space<vmem_shared>>) dst(%arg43 : memref<128xi32, #tpu.memory_space<vmem>>)
      %broadcast_in_dim3A_74 = arith.constant 0.000000e+00 : f32
      %broadcast_in_dim3A_75 = vector.broadcast %broadcast_in_dim3A_74 : f32 to vector<16xf32>
      %parallel_loop3A_76 = arith.constant 0 : i32
      %parallel_loop3A_77 = arith.constant 128 : i32
      %parallel_loop3A_78 = arith.constant 16 : i32
      %parallel_loop3A_79 = scf.for %parallel_loop3A_285 = %parallel_loop3A_76 to %parallel_loop3A_77 step %parallel_loop3A_78 iter_args(%parallel_loop3A_286 = %broadcast_in_dim3A_75) -> (vector<16xf32>)  : i32 {
        %parallel_loop3A_287 = arith.index_cast %parallel_loop3A_285 : i32 to index
        %parallel_loop3A_288 = tpu.vector_load %arg39[%parallel_loop3A_287] {strides = array<i32>} : memref<128xf32, #tpu.memory_space<vmem>>, vector<16xf32>,
        %parallel_loop3A_289 = arith.index_cast %parallel_loop3A_285 : i32 to index
        %parallel_loop3A_290 = tpu.vector_load %arg42[%parallel_loop3A_289] {strides = array<i32>} : memref<128xf32, #tpu.memory_space<vmem>>, vector<16xf32>,
        %parallel_loop3A_291 = arith.mulf %parallel_loop3A_288, %parallel_loop3A_290 : vector<16xf32>
        %parallel_loop3A_292 = arith.index_cast %parallel_loop3A_285 : i32 to index
        %parallel_loop3A_293 = tpu.vector_load %arg39[%parallel_loop3A_292] {strides = array<i32>} : memref<128xf32, #tpu.memory_space<vmem>>, vector<16xf32>,
        tpu.vector_store %arg39[%parallel_loop3A_292], %parallel_loop3A_291 {strides = array<i32>} : memref<128xf32, #tpu.memory_space<vmem>>, vector<16xf32>,
        %parallel_loop3A_294 = arith.index_cast %parallel_loop3A_285 : i32 to index
        %parallel_loop3A_295 = tpu.vector_load %arg43[%parallel_loop3A_294] {strides = array<i32>} : memref<128xi32, #tpu.memory_space<vmem>>, vector<16xi32>,
        %parallel_loop3A_296 = arith.index_cast %parallel_loop3A_285 : i32 to index
        %parallel_loop3A_297 = tpu.vector_load %arg40[%parallel_loop3A_296] {strides = array<i32>} : memref<128xi32, #tpu.memory_space<vmem>>, vector<16xi32>,
        tpu.vector_store %arg40[%parallel_loop3A_296], %parallel_loop3A_295 {strides = array<i32>} : memref<128xi32, #tpu.memory_space<vmem>>, vector<16xi32>,
        %parallel_loop3A_298 = arith.addf %parallel_loop3A_286, %parallel_loop3A_291 : vector<16xf32>
        scf.yield %parallel_loop3A_298 : vector<16xf32>
      } {sc.loop_unroll_factor = 4 : i64, sc.parallel_access}
      "tpu.region"() ({
        %run_scoped3A = tpu.sem_alloc : memref<!tpu.dma_semaphore, #tpu.memory_space<semaphore_mem>>
        %dma_start3A_285 = tpu.memref_slice %arg17[%mul3A_3] : memref<2048xf32, #tpu.memory_space<vmem_shared>> -> memref<128xf32, #tpu.memory_space<vmem_shared>>
        %dma_start3A_286 = tpu.memref_slice %arg17[%mul3A_3] : memref<2048xf32, #tpu.memory_space<vmem_shared>> -> memref<128xf32, #tpu.memory_space<vmem_shared>>
        tpu.enqueue_dma source(%arg39 : memref<128xf32, #tpu.memory_space<vmem>>) target(%dma_start3A_286 : memref<128xf32, #tpu.memory_space<vmem_shared>>) target_semaphore(%run_scoped3A : memref<!tpu.dma_semaphore, #tpu.memory_space<semaphore_mem>>)
        %dma_wait3A_287 = tpu.memref_slice %arg17[%mul3A_3] : memref<2048xf32, #tpu.memory_space<vmem_shared>> -> memref<128xf32, #tpu.memory_space<vmem_shared>>
        %dma_wait3A_288 = tpu.memref_slice %arg17[%mul3A_3] : memref<2048xf32, #tpu.memory_space<vmem_shared>> -> memref<128xf32, #tpu.memory_space<vmem_shared>>
        tpu.wait_dma2 semaphore(%run_scoped3A : memref<!tpu.dma_semaphore, #tpu.memory_space<semaphore_mem>>) src(%arg39 : memref<128xf32, #tpu.memory_space<vmem>>) dst(%dma_wait3A_288 : memref<128xf32, #tpu.memory_space<vmem_shared>>)
        tpu.yield
      }) : () -> ()
      "tpu.region"() ({
        %run_scoped3A = tpu.sem_alloc : memref<!tpu.dma_semaphore, #tpu.memory_space<semaphore_mem>>
        %dma_start3A_285 = tpu.memref_slice %arg19[%mul3A_3] : memref<2048xi32, #tpu.memory_space<vmem_shared>> -> memref<128xi32, #tpu.memory_space<vmem_shared>>
        %dma_start3A_286 = tpu.memref_slice %arg19[%mul3A_3] : memref<2048xi32, #tpu.memory_space<vmem_shared>> -> memref<128xi32, #tpu.memory_space<vmem_shared>>
        tpu.enqueue_dma source(%arg40 : memref<128xi32, #tpu.memory_space<vmem>>) target(%dma_start3A_286 : memref<128xi32, #tpu.memory_space<vmem_shared>>) target_semaphore(%run_scoped3A : memref<!tpu.dma_semaphore, #tpu.memory_space<semaphore_mem>>)
        %dma_wait3A_287 = tpu.memref_slice %arg19[%mul3A_3] : memref<2048xi32, #tpu.memory_space<vmem_shared>> -> memref<128xi32, #tpu.memory_space<vmem_shared>>
        %dma_wait3A_288 = tpu.memref_slice %arg19[%mul3A_3] : memref<2048xi32, #tpu.memory_space<vmem_shared>> -> memref<128xi32, #tpu.memory_space<vmem_shared>>
        tpu.wait_dma2 semaphore(%run_scoped3A : memref<!tpu.dma_semaphore, #tpu.memory_space<semaphore_mem>>) src(%arg40 : memref<128xi32, #tpu.memory_space<vmem>>) dst(%dma_wait3A_288 : memref<128xi32, #tpu.memory_space<vmem_shared>>)
        tpu.yield
      }) : () -> ()
      %barrier3A_80 = arith.constant 0 : index
      tpu.barrier barrier_id(%barrier3A_80)
      "tpu.region"() ({
        %run_scoped3A = tpu.sem_alloc : memref<!tpu.dma_semaphore, #tpu.memory_space<semaphore_mem>>
        %dma_start3A_285 = tpu.memref_slice %arg14[%mul3A_3] : memref<2048xf32, #tpu.memory_space<vmem_shared>> -> memref<128xf32, #tpu.memory_space<vmem_shared>>
        %dma_start3A_286 = tpu.memref_slice %arg14[%mul3A_3] : memref<2048xf32, #tpu.memory_space<vmem_shared>> -> memref<128xf32, #tpu.memory_space<vmem_shared>>
        tpu.enqueue_dma source(%dma_start3A_286 : memref<128xf32, #tpu.memory_space<vmem_shared>>) target(%arg38 : memref<128xf32, #tpu.memory_space<vmem>>) target_semaphore(%run_scoped3A : memref<!tpu.dma_semaphore, #tpu.memory_space<semaphore_mem>>)
        %dma_wait3A_287 = tpu.memref_slice %arg14[%mul3A_3] : memref<2048xf32, #tpu.memory_space<vmem_shared>> -> memref<128xf32, #tpu.memory_space<vmem_shared>>
        %dma_wait3A_288 = tpu.memref_slice %arg14[%mul3A_3] : memref<2048xf32, #tpu.memory_space<vmem_shared>> -> memref<128xf32, #tpu.memory_space<vmem_shared>>
        tpu.wait_dma2 semaphore(%run_scoped3A : memref<!tpu.dma_semaphore, #tpu.memory_space<semaphore_mem>>) src(%dma_wait3A_288 : memref<128xf32, #tpu.memory_space<vmem_shared>>) dst(%arg38 : memref<128xf32, #tpu.memory_space<vmem>>)
        tpu.yield
      }) : () -> ()
      %barrier3A_81 = arith.constant 0 : index
      tpu.barrier barrier_id(%barrier3A_81)
      %parallel_loop3A_82 = arith.constant 0 : i32
      %parallel_loop3A_83 = arith.constant 128 : i32
      %parallel_loop3A_84 = arith.constant 16 : i32
      %parallel_loop3A_85 = arith.constant 0 : i32
      %parallel_loop3A_86 = scf.for %parallel_loop3A_285 = %parallel_loop3A_82 to %parallel_loop3A_83 step %parallel_loop3A_84 iter_args(%parallel_loop3A_286 = %parallel_loop3A_85) -> (i32)  : i32 {
        %parallel_loop3A_287 = arith.index_cast %parallel_loop3A_285 : i32 to index
        %parallel_loop3A_288 = tpu.vector_load %arg39[%parallel_loop3A_287] {strides = array<i32>} : memref<128xf32, #tpu.memory_space<vmem>>, vector<16xf32>,
        %parallel_loop3A_289 = arith.index_cast %parallel_loop3A_285 : i32 to index
        %parallel_loop3A_290 = tpu.vector_load %arg38[%parallel_loop3A_289] {strides = array<i32>} : memref<128xf32, #tpu.memory_space<vmem>>, vector<16xf32>,
        %parallel_loop3A_291 = arith.mulf %parallel_loop3A_288, %parallel_loop3A_290 : vector<16xf32>
        %parallel_loop3A_292 = arith.index_cast %parallel_loop3A_285 : i32 to index
        %parallel_loop3A_293 = tpu.vector_load %arg41[%parallel_loop3A_292] {strides = array<i32>} : memref<128xf32, #tpu.memory_space<vmem>>, vector<16xf32>,
        tpu.vector_store %arg41[%parallel_loop3A_292], %parallel_loop3A_291 {strides = array<i32>} : memref<128xf32, #tpu.memory_space<vmem>>, vector<16xf32>,
        scf.yield %parallel_loop3A_286 : i32
      } {sc.loop_unroll_factor = 4 : i64, sc.parallel_access}
      %dma_start3A_87 = arith.constant 0 : i32
      %dma_start3A_88 = tpu.memref_slice %arg14[%dma_start3A_87] : memref<2048xf32, #tpu.memory_space<vmem_shared>> -> memref<2048xf32, #tpu.memory_space<vmem_shared>>
      tpu.enqueue_indirect_dma source(%arg41 : memref<128xf32, #tpu.memory_space<vmem>>) target(%dma_start3A_88 : memref<2048xf32, #tpu.memory_space<vmem_shared>>) offsets(%arg40 : memref<128xi32, #tpu.memory_space<vmem>>) semaphore(%arg48 : memref<!tpu.dma_semaphore, #tpu.memory_space<semaphore_mem>>) {add = true}
      %dma_start3A_89 = arith.constant 0 : i32
      %dma_start3A_90 = tpu.memref_slice %arg17[%dma_start3A_89] : memref<2048xf32, #tpu.memory_space<vmem_shared>> -> memref<2048xf32, #tpu.memory_space<vmem_shared>>
      tpu.enqueue_indirect_dma source(%dma_start3A_90 : memref<2048xf32, #tpu.memory_space<vmem_shared>>) target(%arg42 : memref<128xf32, #tpu.memory_space<vmem>>) offsets(%arg40 : memref<128xi32, #tpu.memory_space<vmem>>) semaphore(%arg48 : memref<!tpu.dma_semaphore, #tpu.memory_space<semaphore_mem>>)
      %dma_start3A_91 = arith.constant 0 : i32
      %dma_start3A_92 = tpu.memref_slice %arg19[%dma_start3A_91] : memref<2048xi32, #tpu.memory_space<vmem_shared>> -> memref<2048xi32, #tpu.memory_space<vmem_shared>>
      tpu.enqueue_indirect_dma source(%dma_start3A_92 : memref<2048xi32, #tpu.memory_space<vmem_shared>>) target(%arg43 : memref<128xi32, #tpu.memory_space<vmem>>) offsets(%arg40 : memref<128xi32, #tpu.memory_space<vmem>>) semaphore(%arg48 : memref<!tpu.dma_semaphore, #tpu.memory_space<semaphore_mem>>)
      %dma_wait3A_93 = arith.constant 0 : i32
      %dma_wait3A_94 = tpu.memref_slice %arg14[%dma_wait3A_93] : memref<2048xf32, #tpu.memory_space<vmem_shared>> -> memref<2048xf32, #tpu.memory_space<vmem_shared>>
      tpu.wait_indirect_dma semaphore(%arg48 : memref<!tpu.dma_semaphore, #tpu.memory_space<semaphore_mem>>) src(%arg41 : memref<128xf32, #tpu.memory_space<vmem>>) dst(%dma_wait3A_94 : memref<2048xf32, #tpu.memory_space<vmem_shared>>)
      %dma_wait3A_95 = arith.constant 0 : i32
      %dma_wait3A_96 = tpu.memref_slice %arg17[%dma_wait3A_95] : memref<2048xf32, #tpu.memory_space<vmem_shared>> -> memref<2048xf32, #tpu.memory_space<vmem_shared>>
      tpu.wait_indirect_dma semaphore(%arg48 : memref<!tpu.dma_semaphore, #tpu.memory_space<semaphore_mem>>) src(%dma_wait3A_96 : memref<2048xf32, #tpu.memory_space<vmem_shared>>) dst(%arg42 : memref<128xf32, #tpu.memory_space<vmem>>)
      %dma_wait3A_97 = arith.constant 0 : i32
      %dma_wait3A_98 = tpu.memref_slice %arg19[%dma_wait3A_97] : memref<2048xi32, #tpu.memory_space<vmem_shared>> -> memref<2048xi32, #tpu.memory_space<vmem_shared>>
      tpu.wait_indirect_dma semaphore(%arg48 : memref<!tpu.dma_semaphore, #tpu.memory_space<semaphore_mem>>) src(%dma_wait3A_98 : memref<2048xi32, #tpu.memory_space<vmem_shared>>) dst(%arg43 : memref<128xi32, #tpu.memory_space<vmem>>)
      %broadcast_in_dim3A_99 = arith.constant 0.000000e+00 : f32
      %broadcast_in_dim3A_100 = vector.broadcast %broadcast_in_dim3A_99 : f32 to vector<16xf32>
      %parallel_loop3A_101 = arith.constant 0 : i32
      %parallel_loop3A_102 = arith.constant 128 : i32
      %parallel_loop3A_103 = arith.constant 16 : i32
      %parallel_loop3A_104 = scf.for %parallel_loop3A_285 = %parallel_loop3A_101 to %parallel_loop3A_102 step %parallel_loop3A_103 iter_args(%parallel_loop3A_286 = %broadcast_in_dim3A_100) -> (vector<16xf32>)  : i32 {
        %parallel_loop3A_287 = arith.index_cast %parallel_loop3A_285 : i32 to index
        %parallel_loop3A_288 = tpu.vector_load %arg39[%parallel_loop3A_287] {strides = array<i32>} : memref<128xf32, #tpu.memory_space<vmem>>, vector<16xf32>,
        %parallel_loop3A_289 = arith.index_cast %parallel_loop3A_285 : i32 to index
        %parallel_loop3A_290 = tpu.vector_load %arg42[%parallel_loop3A_289] {strides = array<i32>} : memref<128xf32, #tpu.memory_space<vmem>>, vector<16xf32>,
        %parallel_loop3A_291 = arith.mulf %parallel_loop3A_288, %parallel_loop3A_290 : vector<16xf32>
        %parallel_loop3A_292 = arith.index_cast %parallel_loop3A_285 : i32 to index
        %parallel_loop3A_293 = tpu.vector_load %arg39[%parallel_loop3A_292] {strides = array<i32>} : memref<128xf32, #tpu.memory_space<vmem>>, vector<16xf32>,
        tpu.vector_store %arg39[%parallel_loop3A_292], %parallel_loop3A_291 {strides = array<i32>} : memref<128xf32, #tpu.memory_space<vmem>>, vector<16xf32>,
        %parallel_loop3A_294 = arith.index_cast %parallel_loop3A_285 : i32 to index
        %parallel_loop3A_295 = tpu.vector_load %arg43[%parallel_loop3A_294] {strides = array<i32>} : memref<128xi32, #tpu.memory_space<vmem>>, vector<16xi32>,
        %parallel_loop3A_296 = arith.index_cast %parallel_loop3A_285 : i32 to index
        %parallel_loop3A_297 = tpu.vector_load %arg40[%parallel_loop3A_296] {strides = array<i32>} : memref<128xi32, #tpu.memory_space<vmem>>, vector<16xi32>,
        tpu.vector_store %arg40[%parallel_loop3A_296], %parallel_loop3A_295 {strides = array<i32>} : memref<128xi32, #tpu.memory_space<vmem>>, vector<16xi32>,
        %parallel_loop3A_298 = arith.addf %parallel_loop3A_286, %parallel_loop3A_291 : vector<16xf32>
        scf.yield %parallel_loop3A_298 : vector<16xf32>
      } {sc.loop_unroll_factor = 4 : i64, sc.parallel_access}
      "tpu.region"() ({
        %run_scoped3A = tpu.sem_alloc : memref<!tpu.dma_semaphore, #tpu.memory_space<semaphore_mem>>
        %dma_start3A_285 = tpu.memref_slice %arg18[%mul3A_3] : memref<2048xf32, #tpu.memory_space<vmem_shared>> -> memref<128xf32, #tpu.memory_space<vmem_shared>>
        %dma_start3A_286 = tpu.memref_slice %arg18[%mul3A_3] : memref<2048xf32, #tpu.memory_space<vmem_shared>> -> memref<128xf32, #tpu.memory_space<vmem_shared>>
        tpu.enqueue_dma source(%arg39 : memref<128xf32, #tpu.memory_space<vmem>>) target(%dma_start3A_286 : memref<128xf32, #tpu.memory_space<vmem_shared>>) target_semaphore(%run_scoped3A : memref<!tpu.dma_semaphore, #tpu.memory_space<semaphore_mem>>)
        %dma_wait3A_287 = tpu.memref_slice %arg18[%mul3A_3] : memref<2048xf32, #tpu.memory_space<vmem_shared>> -> memref<128xf32, #tpu.memory_space<vmem_shared>>
        %dma_wait3A_288 = tpu.memref_slice %arg18[%mul3A_3] : memref<2048xf32, #tpu.memory_space<vmem_shared>> -> memref<128xf32, #tpu.memory_space<vmem_shared>>
        tpu.wait_dma2 semaphore(%run_scoped3A : memref<!tpu.dma_semaphore, #tpu.memory_space<semaphore_mem>>) src(%arg39 : memref<128xf32, #tpu.memory_space<vmem>>) dst(%dma_wait3A_288 : memref<128xf32, #tpu.memory_space<vmem_shared>>)
        tpu.yield
      }) : () -> ()
      "tpu.region"() ({
        %run_scoped3A = tpu.sem_alloc : memref<!tpu.dma_semaphore, #tpu.memory_space<semaphore_mem>>
        %dma_start3A_285 = tpu.memref_slice %arg20[%mul3A_3] : memref<2048xi32, #tpu.memory_space<vmem_shared>> -> memref<128xi32, #tpu.memory_space<vmem_shared>>
        %dma_start3A_286 = tpu.memref_slice %arg20[%mul3A_3] : memref<2048xi32, #tpu.memory_space<vmem_shared>> -> memref<128xi32, #tpu.memory_space<vmem_shared>>
        tpu.enqueue_dma source(%arg40 : memref<128xi32, #tpu.memory_space<vmem>>) target(%dma_start3A_286 : memref<128xi32, #tpu.memory_space<vmem_shared>>) target_semaphore(%run_scoped3A : memref<!tpu.dma_semaphore, #tpu.memory_space<semaphore_mem>>)
        %dma_wait3A_287 = tpu.memref_slice %arg20[%mul3A_3] : memref<2048xi32, #tpu.memory_space<vmem_shared>> -> memref<128xi32, #tpu.memory_space<vmem_shared>>
        %dma_wait3A_288 = tpu.memref_slice %arg20[%mul3A_3] : memref<2048xi32, #tpu.memory_space<vmem_shared>> -> memref<128xi32, #tpu.memory_space<vmem_shared>>
        tpu.wait_dma2 semaphore(%run_scoped3A : memref<!tpu.dma_semaphore, #tpu.memory_space<semaphore_mem>>) src(%arg40 : memref<128xi32, #tpu.memory_space<vmem>>) dst(%dma_wait3A_288 : memref<128xi32, #tpu.memory_space<vmem_shared>>)
        tpu.yield
      }) : () -> ()
      %barrier3A_105 = arith.constant 0 : index
      tpu.barrier barrier_id(%barrier3A_105)
      "tpu.region"() ({
        %run_scoped3A = tpu.sem_alloc : memref<!tpu.dma_semaphore, #tpu.memory_space<semaphore_mem>>
        %dma_start3A_285 = tpu.memref_slice %arg14[%mul3A_3] : memref<2048xf32, #tpu.memory_space<vmem_shared>> -> memref<128xf32, #tpu.memory_space<vmem_shared>>
        %dma_start3A_286 = tpu.memref_slice %arg14[%mul3A_3] : memref<2048xf32, #tpu.memory_space<vmem_shared>> -> memref<128xf32, #tpu.memory_space<vmem_shared>>
        tpu.enqueue_dma source(%dma_start3A_286 : memref<128xf32, #tpu.memory_space<vmem_shared>>) target(%arg38 : memref<128xf32, #tpu.memory_space<vmem>>) target_semaphore(%run_scoped3A : memref<!tpu.dma_semaphore, #tpu.memory_space<semaphore_mem>>)
        %dma_wait3A_287 = tpu.memref_slice %arg14[%mul3A_3] : memref<2048xf32, #tpu.memory_space<vmem_shared>> -> memref<128xf32, #tpu.memory_space<vmem_shared>>
        %dma_wait3A_288 = tpu.memref_slice %arg14[%mul3A_3] : memref<2048xf32, #tpu.memory_space<vmem_shared>> -> memref<128xf32, #tpu.memory_space<vmem_shared>>
        tpu.wait_dma2 semaphore(%run_scoped3A : memref<!tpu.dma_semaphore, #tpu.memory_space<semaphore_mem>>) src(%dma_wait3A_288 : memref<128xf32, #tpu.memory_space<vmem_shared>>) dst(%arg38 : memref<128xf32, #tpu.memory_space<vmem>>)
        tpu.yield
      }) : () -> ()
      %barrier3A_106 = arith.constant 0 : index
      tpu.barrier barrier_id(%barrier3A_106)
      %parallel_loop3A_107 = arith.constant 0 : i32
      %parallel_loop3A_108 = arith.constant 128 : i32
      %parallel_loop3A_109 = arith.constant 16 : i32
      %parallel_loop3A_110 = arith.constant 0 : i32
      %parallel_loop3A_111 = scf.for %parallel_loop3A_285 = %parallel_loop3A_107 to %parallel_loop3A_108 step %parallel_loop3A_109 iter_args(%parallel_loop3A_286 = %parallel_loop3A_110) -> (i32)  : i32 {
        %parallel_loop3A_287 = arith.index_cast %parallel_loop3A_285 : i32 to index
        %parallel_loop3A_288 = tpu.vector_load %arg39[%parallel_loop3A_287] {strides = array<i32>} : memref<128xf32, #tpu.memory_space<vmem>>, vector<16xf32>,
        %parallel_loop3A_289 = arith.index_cast %parallel_loop3A_285 : i32 to index
        %parallel_loop3A_290 = tpu.vector_load %arg38[%parallel_loop3A_289] {strides = array<i32>} : memref<128xf32, #tpu.memory_space<vmem>>, vector<16xf32>,
        %parallel_loop3A_291 = arith.mulf %parallel_loop3A_288, %parallel_loop3A_290 : vector<16xf32>
        %parallel_loop3A_292 = arith.index_cast %parallel_loop3A_285 : i32 to index
        %parallel_loop3A_293 = tpu.vector_load %arg41[%parallel_loop3A_292] {strides = array<i32>} : memref<128xf32, #tpu.memory_space<vmem>>, vector<16xf32>,
        tpu.vector_store %arg41[%parallel_loop3A_292], %parallel_loop3A_291 {strides = array<i32>} : memref<128xf32, #tpu.memory_space<vmem>>, vector<16xf32>,
        scf.yield %parallel_loop3A_286 : i32
      } {sc.loop_unroll_factor = 4 : i64, sc.parallel_access}
      %dma_start3A_112 = arith.constant 0 : i32
      %dma_start3A_113 = tpu.memref_slice %arg14[%dma_start3A_112] : memref<2048xf32, #tpu.memory_space<vmem_shared>> -> memref<2048xf32, #tpu.memory_space<vmem_shared>>
      tpu.enqueue_indirect_dma source(%arg41 : memref<128xf32, #tpu.memory_space<vmem>>) target(%dma_start3A_113 : memref<2048xf32, #tpu.memory_space<vmem_shared>>) offsets(%arg40 : memref<128xi32, #tpu.memory_space<vmem>>) semaphore(%arg48 : memref<!tpu.dma_semaphore, #tpu.memory_space<semaphore_mem>>) {add = true}
      %dma_start3A_114 = arith.constant 0 : i32
      %dma_start3A_115 = tpu.memref_slice %arg18[%dma_start3A_114] : memref<2048xf32, #tpu.memory_space<vmem_shared>> -> memref<2048xf32, #tpu.memory_space<vmem_shared>>
      tpu.enqueue_indirect_dma source(%dma_start3A_115 : memref<2048xf32, #tpu.memory_space<vmem_shared>>) target(%arg42 : memref<128xf32, #tpu.memory_space<vmem>>) offsets(%arg40 : memref<128xi32, #tpu.memory_space<vmem>>) semaphore(%arg48 : memref<!tpu.dma_semaphore, #tpu.memory_space<semaphore_mem>>)
      %dma_start3A_116 = arith.constant 0 : i32
      %dma_start3A_117 = tpu.memref_slice %arg20[%dma_start3A_116] : memref<2048xi32, #tpu.memory_space<vmem_shared>> -> memref<2048xi32, #tpu.memory_space<vmem_shared>>
      tpu.enqueue_indirect_dma source(%dma_start3A_117 : memref<2048xi32, #tpu.memory_space<vmem_shared>>) target(%arg43 : memref<128xi32, #tpu.memory_space<vmem>>) offsets(%arg40 : memref<128xi32, #tpu.memory_space<vmem>>) semaphore(%arg48 : memref<!tpu.dma_semaphore, #tpu.memory_space<semaphore_mem>>)
      %dma_wait3A_118 = arith.constant 0 : i32
      %dma_wait3A_119 = tpu.memref_slice %arg14[%dma_wait3A_118] : memref<2048xf32, #tpu.memory_space<vmem_shared>> -> memref<2048xf32, #tpu.memory_space<vmem_shared>>
      tpu.wait_indirect_dma semaphore(%arg48 : memref<!tpu.dma_semaphore, #tpu.memory_space<semaphore_mem>>) src(%arg41 : memref<128xf32, #tpu.memory_space<vmem>>) dst(%dma_wait3A_119 : memref<2048xf32, #tpu.memory_space<vmem_shared>>)
      %dma_wait3A_120 = arith.constant 0 : i32
      %dma_wait3A_121 = tpu.memref_slice %arg18[%dma_wait3A_120] : memref<2048xf32, #tpu.memory_space<vmem_shared>> -> memref<2048xf32, #tpu.memory_space<vmem_shared>>
      tpu.wait_indirect_dma semaphore(%arg48 : memref<!tpu.dma_semaphore, #tpu.memory_space<semaphore_mem>>) src(%dma_wait3A_121 : memref<2048xf32, #tpu.memory_space<vmem_shared>>) dst(%arg42 : memref<128xf32, #tpu.memory_space<vmem>>)
      %dma_wait3A_122 = arith.constant 0 : i32
      %dma_wait3A_123 = tpu.memref_slice %arg20[%dma_wait3A_122] : memref<2048xi32, #tpu.memory_space<vmem_shared>> -> memref<2048xi32, #tpu.memory_space<vmem_shared>>
      tpu.wait_indirect_dma semaphore(%arg48 : memref<!tpu.dma_semaphore, #tpu.memory_space<semaphore_mem>>) src(%dma_wait3A_123 : memref<2048xi32, #tpu.memory_space<vmem_shared>>) dst(%arg43 : memref<128xi32, #tpu.memory_space<vmem>>)
      %broadcast_in_dim3A_124 = arith.constant 0.000000e+00 : f32
      %broadcast_in_dim3A_125 = vector.broadcast %broadcast_in_dim3A_124 : f32 to vector<16xf32>
      %parallel_loop3A_126 = arith.constant 0 : i32
      %parallel_loop3A_127 = arith.constant 128 : i32
      %parallel_loop3A_128 = arith.constant 16 : i32
      %parallel_loop3A_129 = scf.for %parallel_loop3A_285 = %parallel_loop3A_126 to %parallel_loop3A_127 step %parallel_loop3A_128 iter_args(%parallel_loop3A_286 = %broadcast_in_dim3A_125) -> (vector<16xf32>)  : i32 {
        %parallel_loop3A_287 = arith.index_cast %parallel_loop3A_285 : i32 to index
        %parallel_loop3A_288 = tpu.vector_load %arg39[%parallel_loop3A_287] {strides = array<i32>} : memref<128xf32, #tpu.memory_space<vmem>>, vector<16xf32>,
        %parallel_loop3A_289 = arith.index_cast %parallel_loop3A_285 : i32 to index
        %parallel_loop3A_290 = tpu.vector_load %arg42[%parallel_loop3A_289] {strides = array<i32>} : memref<128xf32, #tpu.memory_space<vmem>>, vector<16xf32>,
        %parallel_loop3A_291 = arith.mulf %parallel_loop3A_288, %parallel_loop3A_290 : vector<16xf32>
        %parallel_loop3A_292 = arith.index_cast %parallel_loop3A_285 : i32 to index
        %parallel_loop3A_293 = tpu.vector_load %arg39[%parallel_loop3A_292] {strides = array<i32>} : memref<128xf32, #tpu.memory_space<vmem>>, vector<16xf32>,
        tpu.vector_store %arg39[%parallel_loop3A_292], %parallel_loop3A_291 {strides = array<i32>} : memref<128xf32, #tpu.memory_space<vmem>>, vector<16xf32>,
        %parallel_loop3A_294 = arith.index_cast %parallel_loop3A_285 : i32 to index
        %parallel_loop3A_295 = tpu.vector_load %arg43[%parallel_loop3A_294] {strides = array<i32>} : memref<128xi32, #tpu.memory_space<vmem>>, vector<16xi32>,
        %parallel_loop3A_296 = arith.index_cast %parallel_loop3A_285 : i32 to index
        %parallel_loop3A_297 = tpu.vector_load %arg40[%parallel_loop3A_296] {strides = array<i32>} : memref<128xi32, #tpu.memory_space<vmem>>, vector<16xi32>,
        tpu.vector_store %arg40[%parallel_loop3A_296], %parallel_loop3A_295 {strides = array<i32>} : memref<128xi32, #tpu.memory_space<vmem>>, vector<16xi32>,
        %parallel_loop3A_298 = arith.addf %parallel_loop3A_286, %parallel_loop3A_291 : vector<16xf32>
        scf.yield %parallel_loop3A_298 : vector<16xf32>
      } {sc.loop_unroll_factor = 4 : i64, sc.parallel_access}
      "tpu.region"() ({
        %run_scoped3A = tpu.sem_alloc : memref<!tpu.dma_semaphore, #tpu.memory_space<semaphore_mem>>
        %dma_start3A_285 = tpu.memref_slice %arg17[%mul3A_3] : memref<2048xf32, #tpu.memory_space<vmem_shared>> -> memref<128xf32, #tpu.memory_space<vmem_shared>>
        %dma_start3A_286 = tpu.memref_slice %arg17[%mul3A_3] : memref<2048xf32, #tpu.memory_space<vmem_shared>> -> memref<128xf32, #tpu.memory_space<vmem_shared>>
        tpu.enqueue_dma source(%arg39 : memref<128xf32, #tpu.memory_space<vmem>>) target(%dma_start3A_286 : memref<128xf32, #tpu.memory_space<vmem_shared>>) target_semaphore(%run_scoped3A : memref<!tpu.dma_semaphore, #tpu.memory_space<semaphore_mem>>)
        %dma_wait3A_287 = tpu.memref_slice %arg17[%mul3A_3] : memref<2048xf32, #tpu.memory_space<vmem_shared>> -> memref<128xf32, #tpu.memory_space<vmem_shared>>
        %dma_wait3A_288 = tpu.memref_slice %arg17[%mul3A_3] : memref<2048xf32, #tpu.memory_space<vmem_shared>> -> memref<128xf32, #tpu.memory_space<vmem_shared>>
        tpu.wait_dma2 semaphore(%run_scoped3A : memref<!tpu.dma_semaphore, #tpu.memory_space<semaphore_mem>>) src(%arg39 : memref<128xf32, #tpu.memory_space<vmem>>) dst(%dma_wait3A_288 : memref<128xf32, #tpu.memory_space<vmem_shared>>)
        tpu.yield
      }) : () -> ()
      "tpu.region"() ({
        %run_scoped3A = tpu.sem_alloc : memref<!tpu.dma_semaphore, #tpu.memory_space<semaphore_mem>>
        %dma_start3A_285 = tpu.memref_slice %arg19[%mul3A_3] : memref<2048xi32, #tpu.memory_space<vmem_shared>> -> memref<128xi32, #tpu.memory_space<vmem_shared>>
        %dma_start3A_286 = tpu.memref_slice %arg19[%mul3A_3] : memref<2048xi32, #tpu.memory_space<vmem_shared>> -> memref<128xi32, #tpu.memory_space<vmem_shared>>
        tpu.enqueue_dma source(%arg40 : memref<128xi32, #tpu.memory_space<vmem>>) target(%dma_start3A_286 : memref<128xi32, #tpu.memory_space<vmem_shared>>) target_semaphore(%run_scoped3A : memref<!tpu.dma_semaphore, #tpu.memory_space<semaphore_mem>>)
        %dma_wait3A_287 = tpu.memref_slice %arg19[%mul3A_3] : memref<2048xi32, #tpu.memory_space<vmem_shared>> -> memref<128xi32, #tpu.memory_space<vmem_shared>>
        %dma_wait3A_288 = tpu.memref_slice %arg19[%mul3A_3] : memref<2048xi32, #tpu.memory_space<vmem_shared>> -> memref<128xi32, #tpu.memory_space<vmem_shared>>
        tpu.wait_dma2 semaphore(%run_scoped3A : memref<!tpu.dma_semaphore, #tpu.memory_space<semaphore_mem>>) src(%arg40 : memref<128xi32, #tpu.memory_space<vmem>>) dst(%dma_wait3A_288 : memref<128xi32, #tpu.memory_space<vmem_shared>>)
        tpu.yield
      }) : () -> ()
      %barrier3A_130 = arith.constant 0 : index
      tpu.barrier barrier_id(%barrier3A_130)
      "tpu.region"() ({
        %run_scoped3A = tpu.sem_alloc : memref<!tpu.dma_semaphore, #tpu.memory_space<semaphore_mem>>
        %dma_start3A_285 = tpu.memref_slice %arg14[%mul3A_3] : memref<2048xf32, #tpu.memory_space<vmem_shared>> -> memref<128xf32, #tpu.memory_space<vmem_shared>>
        %dma_start3A_286 = tpu.memref_slice %arg14[%mul3A_3] : memref<2048xf32, #tpu.memory_space<vmem_shared>> -> memref<128xf32, #tpu.memory_space<vmem_shared>>
        tpu.enqueue_dma source(%dma_start3A_286 : memref<128xf32, #tpu.memory_space<vmem_shared>>) target(%arg38 : memref<128xf32, #tpu.memory_space<vmem>>) target_semaphore(%run_scoped3A : memref<!tpu.dma_semaphore, #tpu.memory_space<semaphore_mem>>)
        %dma_wait3A_287 = tpu.memref_slice %arg14[%mul3A_3] : memref<2048xf32, #tpu.memory_space<vmem_shared>> -> memref<128xf32, #tpu.memory_space<vmem_shared>>
        %dma_wait3A_288 = tpu.memref_slice %arg14[%mul3A_3] : memref<2048xf32, #tpu.memory_space<vmem_shared>> -> memref<128xf32, #tpu.memory_space<vmem_shared>>
        tpu.wait_dma2 semaphore(%run_scoped3A : memref<!tpu.dma_semaphore, #tpu.memory_space<semaphore_mem>>) src(%dma_wait3A_288 : memref<128xf32, #tpu.memory_space<vmem_shared>>) dst(%arg38 : memref<128xf32, #tpu.memory_space<vmem>>)
        tpu.yield
      }) : () -> ()
      %barrier3A_131 = arith.constant 0 : index
      tpu.barrier barrier_id(%barrier3A_131)
      %parallel_loop3A_132 = arith.constant 0 : i32
      %parallel_loop3A_133 = arith.constant 128 : i32
      %parallel_loop3A_134 = arith.constant 16 : i32
      %parallel_loop3A_135 = arith.constant 0 : i32
      %parallel_loop3A_136 = scf.for %parallel_loop3A_285 = %parallel_loop3A_132 to %parallel_loop3A_133 step %parallel_loop3A_134 iter_args(%parallel_loop3A_286 = %parallel_loop3A_135) -> (i32)  : i32 {
        %parallel_loop3A_287 = arith.index_cast %parallel_loop3A_285 : i32 to index
        %parallel_loop3A_288 = tpu.vector_load %arg39[%parallel_loop3A_287] {strides = array<i32>} : memref<128xf32, #tpu.memory_space<vmem>>, vector<16xf32>,
        %parallel_loop3A_289 = arith.index_cast %parallel_loop3A_285 : i32 to index
        %parallel_loop3A_290 = tpu.vector_load %arg38[%parallel_loop3A_289] {strides = array<i32>} : memref<128xf32, #tpu.memory_space<vmem>>, vector<16xf32>,
        %parallel_loop3A_291 = arith.mulf %parallel_loop3A_288, %parallel_loop3A_290 : vector<16xf32>
        %parallel_loop3A_292 = arith.index_cast %parallel_loop3A_285 : i32 to index
        %parallel_loop3A_293 = tpu.vector_load %arg41[%parallel_loop3A_292] {strides = array<i32>} : memref<128xf32, #tpu.memory_space<vmem>>, vector<16xf32>,
        tpu.vector_store %arg41[%parallel_loop3A_292], %parallel_loop3A_291 {strides = array<i32>} : memref<128xf32, #tpu.memory_space<vmem>>, vector<16xf32>,
        scf.yield %parallel_loop3A_286 : i32
      } {sc.loop_unroll_factor = 4 : i64, sc.parallel_access}
      %dma_start3A_137 = arith.constant 0 : i32
      %dma_start3A_138 = tpu.memref_slice %arg14[%dma_start3A_137] : memref<2048xf32, #tpu.memory_space<vmem_shared>> -> memref<2048xf32, #tpu.memory_space<vmem_shared>>
      tpu.enqueue_indirect_dma source(%arg41 : memref<128xf32, #tpu.memory_space<vmem>>) target(%dma_start3A_138 : memref<2048xf32, #tpu.memory_space<vmem_shared>>) offsets(%arg40 : memref<128xi32, #tpu.memory_space<vmem>>) semaphore(%arg48 : memref<!tpu.dma_semaphore, #tpu.memory_space<semaphore_mem>>) {add = true}
      %dma_start3A_139 = arith.constant 0 : i32
      %dma_start3A_140 = tpu.memref_slice %arg17[%dma_start3A_139] : memref<2048xf32, #tpu.memory_space<vmem_shared>> -> memref<2048xf32, #tpu.memory_space<vmem_shared>>
      tpu.enqueue_indirect_dma source(%dma_start3A_140 : memref<2048xf32, #tpu.memory_space<vmem_shared>>) target(%arg42 : memref<128xf32, #tpu.memory_space<vmem>>) offsets(%arg40 : memref<128xi32, #tpu.memory_space<vmem>>) semaphore(%arg48 : memref<!tpu.dma_semaphore, #tpu.memory_space<semaphore_mem>>)
      %dma_start3A_141 = arith.constant 0 : i32
      %dma_start3A_142 = tpu.memref_slice %arg19[%dma_start3A_141] : memref<2048xi32, #tpu.memory_space<vmem_shared>> -> memref<2048xi32, #tpu.memory_space<vmem_shared>>
      tpu.enqueue_indirect_dma source(%dma_start3A_142 : memref<2048xi32, #tpu.memory_space<vmem_shared>>) target(%arg43 : memref<128xi32, #tpu.memory_space<vmem>>) offsets(%arg40 : memref<128xi32, #tpu.memory_space<vmem>>) semaphore(%arg48 : memref<!tpu.dma_semaphore, #tpu.memory_space<semaphore_mem>>)
      %dma_wait3A_143 = arith.constant 0 : i32
      %dma_wait3A_144 = tpu.memref_slice %arg14[%dma_wait3A_143] : memref<2048xf32, #tpu.memory_space<vmem_shared>> -> memref<2048xf32, #tpu.memory_space<vmem_shared>>
      tpu.wait_indirect_dma semaphore(%arg48 : memref<!tpu.dma_semaphore, #tpu.memory_space<semaphore_mem>>) src(%arg41 : memref<128xf32, #tpu.memory_space<vmem>>) dst(%dma_wait3A_144 : memref<2048xf32, #tpu.memory_space<vmem_shared>>)
      %dma_wait3A_145 = arith.constant 0 : i32
      %dma_wait3A_146 = tpu.memref_slice %arg17[%dma_wait3A_145] : memref<2048xf32, #tpu.memory_space<vmem_shared>> -> memref<2048xf32, #tpu.memory_space<vmem_shared>>
      tpu.wait_indirect_dma semaphore(%arg48 : memref<!tpu.dma_semaphore, #tpu.memory_space<semaphore_mem>>) src(%dma_wait3A_146 : memref<2048xf32, #tpu.memory_space<vmem_shared>>) dst(%arg42 : memref<128xf32, #tpu.memory_space<vmem>>)
      %dma_wait3A_147 = arith.constant 0 : i32
      %dma_wait3A_148 = tpu.memref_slice %arg19[%dma_wait3A_147] : memref<2048xi32, #tpu.memory_space<vmem_shared>> -> memref<2048xi32, #tpu.memory_space<vmem_shared>>
      tpu.wait_indirect_dma semaphore(%arg48 : memref<!tpu.dma_semaphore, #tpu.memory_space<semaphore_mem>>) src(%dma_wait3A_148 : memref<2048xi32, #tpu.memory_space<vmem_shared>>) dst(%arg43 : memref<128xi32, #tpu.memory_space<vmem>>)
      %broadcast_in_dim3A_149 = arith.constant 0.000000e+00 : f32
      %broadcast_in_dim3A_150 = vector.broadcast %broadcast_in_dim3A_149 : f32 to vector<16xf32>
      %parallel_loop3A_151 = arith.constant 0 : i32
      %parallel_loop3A_152 = arith.constant 128 : i32
      %parallel_loop3A_153 = arith.constant 16 : i32
      %parallel_loop3A_154 = scf.for %parallel_loop3A_285 = %parallel_loop3A_151 to %parallel_loop3A_152 step %parallel_loop3A_153 iter_args(%parallel_loop3A_286 = %broadcast_in_dim3A_150) -> (vector<16xf32>)  : i32 {
        %parallel_loop3A_287 = arith.index_cast %parallel_loop3A_285 : i32 to index
        %parallel_loop3A_288 = tpu.vector_load %arg39[%parallel_loop3A_287] {strides = array<i32>} : memref<128xf32, #tpu.memory_space<vmem>>, vector<16xf32>,
        %parallel_loop3A_289 = arith.index_cast %parallel_loop3A_285 : i32 to index
        %parallel_loop3A_290 = tpu.vector_load %arg42[%parallel_loop3A_289] {strides = array<i32>} : memref<128xf32, #tpu.memory_space<vmem>>, vector<16xf32>,
        %parallel_loop3A_291 = arith.mulf %parallel_loop3A_288, %parallel_loop3A_290 : vector<16xf32>
        %parallel_loop3A_292 = arith.index_cast %parallel_loop3A_285 : i32 to index
        %parallel_loop3A_293 = tpu.vector_load %arg39[%parallel_loop3A_292] {strides = array<i32>} : memref<128xf32, #tpu.memory_space<vmem>>, vector<16xf32>,
        tpu.vector_store %arg39[%parallel_loop3A_292], %parallel_loop3A_291 {strides = array<i32>} : memref<128xf32, #tpu.memory_space<vmem>>, vector<16xf32>,
        %parallel_loop3A_294 = arith.index_cast %parallel_loop3A_285 : i32 to index
        %parallel_loop3A_295 = tpu.vector_load %arg43[%parallel_loop3A_294] {strides = array<i32>} : memref<128xi32, #tpu.memory_space<vmem>>, vector<16xi32>,
        %parallel_loop3A_296 = arith.index_cast %parallel_loop3A_285 : i32 to index
        %parallel_loop3A_297 = tpu.vector_load %arg40[%parallel_loop3A_296] {strides = array<i32>} : memref<128xi32, #tpu.memory_space<vmem>>, vector<16xi32>,
        tpu.vector_store %arg40[%parallel_loop3A_296], %parallel_loop3A_295 {strides = array<i32>} : memref<128xi32, #tpu.memory_space<vmem>>, vector<16xi32>,
        %parallel_loop3A_298 = arith.addf %parallel_loop3A_286, %parallel_loop3A_291 : vector<16xf32>
        scf.yield %parallel_loop3A_298 : vector<16xf32>
      } {sc.loop_unroll_factor = 4 : i64, sc.parallel_access}
      "tpu.region"() ({
        %run_scoped3A = tpu.sem_alloc : memref<!tpu.dma_semaphore, #tpu.memory_space<semaphore_mem>>
        %dma_start3A_285 = tpu.memref_slice %arg18[%mul3A_3] : memref<2048xf32, #tpu.memory_space<vmem_shared>> -> memref<128xf32, #tpu.memory_space<vmem_shared>>
        %dma_start3A_286 = tpu.memref_slice %arg18[%mul3A_3] : memref<2048xf32, #tpu.memory_space<vmem_shared>> -> memref<128xf32, #tpu.memory_space<vmem_shared>>
        tpu.enqueue_dma source(%arg39 : memref<128xf32, #tpu.memory_space<vmem>>) target(%dma_start3A_286 : memref<128xf32, #tpu.memory_space<vmem_shared>>) target_semaphore(%run_scoped3A : memref<!tpu.dma_semaphore, #tpu.memory_space<semaphore_mem>>)
        %dma_wait3A_287 = tpu.memref_slice %arg18[%mul3A_3] : memref<2048xf32, #tpu.memory_space<vmem_shared>> -> memref<128xf32, #tpu.memory_space<vmem_shared>>
        %dma_wait3A_288 = tpu.memref_slice %arg18[%mul3A_3] : memref<2048xf32, #tpu.memory_space<vmem_shared>> -> memref<128xf32, #tpu.memory_space<vmem_shared>>
        tpu.wait_dma2 semaphore(%run_scoped3A : memref<!tpu.dma_semaphore, #tpu.memory_space<semaphore_mem>>) src(%arg39 : memref<128xf32, #tpu.memory_space<vmem>>) dst(%dma_wait3A_288 : memref<128xf32, #tpu.memory_space<vmem_shared>>)
        tpu.yield
      }) : () -> ()
      "tpu.region"() ({
        %run_scoped3A = tpu.sem_alloc : memref<!tpu.dma_semaphore, #tpu.memory_space<semaphore_mem>>
        %dma_start3A_285 = tpu.memref_slice %arg20[%mul3A_3] : memref<2048xi32, #tpu.memory_space<vmem_shared>> -> memref<128xi32, #tpu.memory_space<vmem_shared>>
        %dma_start3A_286 = tpu.memref_slice %arg20[%mul3A_3] : memref<2048xi32, #tpu.memory_space<vmem_shared>> -> memref<128xi32, #tpu.memory_space<vmem_shared>>
        tpu.enqueue_dma source(%arg40 : memref<128xi32, #tpu.memory_space<vmem>>) target(%dma_start3A_286 : memref<128xi32, #tpu.memory_space<vmem_shared>>) target_semaphore(%run_scoped3A : memref<!tpu.dma_semaphore, #tpu.memory_space<semaphore_mem>>)
        %dma_wait3A_287 = tpu.memref_slice %arg20[%mul3A_3] : memref<2048xi32, #tpu.memory_space<vmem_shared>> -> memref<128xi32, #tpu.memory_space<vmem_shared>>
        %dma_wait3A_288 = tpu.memref_slice %arg20[%mul3A_3] : memref<2048xi32, #tpu.memory_space<vmem_shared>> -> memref<128xi32, #tpu.memory_space<vmem_shared>>
        tpu.wait_dma2 semaphore(%run_scoped3A : memref<!tpu.dma_semaphore, #tpu.memory_space<semaphore_mem>>) src(%arg40 : memref<128xi32, #tpu.memory_space<vmem>>) dst(%dma_wait3A_288 : memref<128xi32, #tpu.memory_space<vmem_shared>>)
        tpu.yield
      }) : () -> ()
      %barrier3A_155 = arith.constant 0 : index
      tpu.barrier barrier_id(%barrier3A_155)
      "tpu.region"() ({
        %run_scoped3A = tpu.sem_alloc : memref<!tpu.dma_semaphore, #tpu.memory_space<semaphore_mem>>
        %dma_start3A_285 = tpu.memref_slice %arg14[%mul3A_3] : memref<2048xf32, #tpu.memory_space<vmem_shared>> -> memref<128xf32, #tpu.memory_space<vmem_shared>>
        %dma_start3A_286 = tpu.memref_slice %arg14[%mul3A_3] : memref<2048xf32, #tpu.memory_space<vmem_shared>> -> memref<128xf32, #tpu.memory_space<vmem_shared>>
        tpu.enqueue_dma source(%dma_start3A_286 : memref<128xf32, #tpu.memory_space<vmem_shared>>) target(%arg38 : memref<128xf32, #tpu.memory_space<vmem>>) target_semaphore(%run_scoped3A : memref<!tpu.dma_semaphore, #tpu.memory_space<semaphore_mem>>)
        %dma_wait3A_287 = tpu.memref_slice %arg14[%mul3A_3] : memref<2048xf32, #tpu.memory_space<vmem_shared>> -> memref<128xf32, #tpu.memory_space<vmem_shared>>
        %dma_wait3A_288 = tpu.memref_slice %arg14[%mul3A_3] : memref<2048xf32, #tpu.memory_space<vmem_shared>> -> memref<128xf32, #tpu.memory_space<vmem_shared>>
        tpu.wait_dma2 semaphore(%run_scoped3A : memref<!tpu.dma_semaphore, #tpu.memory_space<semaphore_mem>>) src(%dma_wait3A_288 : memref<128xf32, #tpu.memory_space<vmem_shared>>) dst(%arg38 : memref<128xf32, #tpu.memory_space<vmem>>)
        tpu.yield
      }) : () -> ()
      %barrier3A_156 = arith.constant 0 : index
      tpu.barrier barrier_id(%barrier3A_156)
      %parallel_loop3A_157 = arith.constant 0 : i32
      %parallel_loop3A_158 = arith.constant 128 : i32
      %parallel_loop3A_159 = arith.constant 16 : i32
      %parallel_loop3A_160 = arith.constant 0 : i32
      %parallel_loop3A_161 = scf.for %parallel_loop3A_285 = %parallel_loop3A_157 to %parallel_loop3A_158 step %parallel_loop3A_159 iter_args(%parallel_loop3A_286 = %parallel_loop3A_160) -> (i32)  : i32 {
        %parallel_loop3A_287 = arith.index_cast %parallel_loop3A_285 : i32 to index
        %parallel_loop3A_288 = tpu.vector_load %arg39[%parallel_loop3A_287] {strides = array<i32>} : memref<128xf32, #tpu.memory_space<vmem>>, vector<16xf32>,
        %parallel_loop3A_289 = arith.index_cast %parallel_loop3A_285 : i32 to index
        %parallel_loop3A_290 = tpu.vector_load %arg38[%parallel_loop3A_289] {strides = array<i32>} : memref<128xf32, #tpu.memory_space<vmem>>, vector<16xf32>,
        %parallel_loop3A_291 = arith.mulf %parallel_loop3A_288, %parallel_loop3A_290 : vector<16xf32>
        %parallel_loop3A_292 = arith.index_cast %parallel_loop3A_285 : i32 to index
        %parallel_loop3A_293 = tpu.vector_load %arg41[%parallel_loop3A_292] {strides = array<i32>} : memref<128xf32, #tpu.memory_space<vmem>>, vector<16xf32>,
        tpu.vector_store %arg41[%parallel_loop3A_292], %parallel_loop3A_291 {strides = array<i32>} : memref<128xf32, #tpu.memory_space<vmem>>, vector<16xf32>,
        scf.yield %parallel_loop3A_286 : i32
      } {sc.loop_unroll_factor = 4 : i64, sc.parallel_access}
      %dma_start3A_162 = arith.constant 0 : i32
      %dma_start3A_163 = tpu.memref_slice %arg14[%dma_start3A_162] : memref<2048xf32, #tpu.memory_space<vmem_shared>> -> memref<2048xf32, #tpu.memory_space<vmem_shared>>
      tpu.enqueue_indirect_dma source(%arg41 : memref<128xf32, #tpu.memory_space<vmem>>) target(%dma_start3A_163 : memref<2048xf32, #tpu.memory_space<vmem_shared>>) offsets(%arg40 : memref<128xi32, #tpu.memory_space<vmem>>) semaphore(%arg48 : memref<!tpu.dma_semaphore, #tpu.memory_space<semaphore_mem>>) {add = true}
      %dma_start3A_164 = arith.constant 0 : i32
      %dma_start3A_165 = tpu.memref_slice %arg18[%dma_start3A_164] : memref<2048xf32, #tpu.memory_space<vmem_shared>> -> memref<2048xf32, #tpu.memory_space<vmem_shared>>
      tpu.enqueue_indirect_dma source(%dma_start3A_165 : memref<2048xf32, #tpu.memory_space<vmem_shared>>) target(%arg42 : memref<128xf32, #tpu.memory_space<vmem>>) offsets(%arg40 : memref<128xi32, #tpu.memory_space<vmem>>) semaphore(%arg48 : memref<!tpu.dma_semaphore, #tpu.memory_space<semaphore_mem>>)
      %dma_start3A_166 = arith.constant 0 : i32
      %dma_start3A_167 = tpu.memref_slice %arg20[%dma_start3A_166] : memref<2048xi32, #tpu.memory_space<vmem_shared>> -> memref<2048xi32, #tpu.memory_space<vmem_shared>>
      tpu.enqueue_indirect_dma source(%dma_start3A_167 : memref<2048xi32, #tpu.memory_space<vmem_shared>>) target(%arg43 : memref<128xi32, #tpu.memory_space<vmem>>) offsets(%arg40 : memref<128xi32, #tpu.memory_space<vmem>>) semaphore(%arg48 : memref<!tpu.dma_semaphore, #tpu.memory_space<semaphore_mem>>)
      %dma_wait3A_168 = arith.constant 0 : i32
      %dma_wait3A_169 = tpu.memref_slice %arg14[%dma_wait3A_168] : memref<2048xf32, #tpu.memory_space<vmem_shared>> -> memref<2048xf32, #tpu.memory_space<vmem_shared>>
      tpu.wait_indirect_dma semaphore(%arg48 : memref<!tpu.dma_semaphore, #tpu.memory_space<semaphore_mem>>) src(%arg41 : memref<128xf32, #tpu.memory_space<vmem>>) dst(%dma_wait3A_169 : memref<2048xf32, #tpu.memory_space<vmem_shared>>)
      %dma_wait3A_170 = arith.constant 0 : i32
      %dma_wait3A_171 = tpu.memref_slice %arg18[%dma_wait3A_170] : memref<2048xf32, #tpu.memory_space<vmem_shared>> -> memref<2048xf32, #tpu.memory_space<vmem_shared>>
      tpu.wait_indirect_dma semaphore(%arg48 : memref<!tpu.dma_semaphore, #tpu.memory_space<semaphore_mem>>) src(%dma_wait3A_171 : memref<2048xf32, #tpu.memory_space<vmem_shared>>) dst(%arg42 : memref<128xf32, #tpu.memory_space<vmem>>)
      %dma_wait3A_172 = arith.constant 0 : i32
      %dma_wait3A_173 = tpu.memref_slice %arg20[%dma_wait3A_172] : memref<2048xi32, #tpu.memory_space<vmem_shared>> -> memref<2048xi32, #tpu.memory_space<vmem_shared>>
      tpu.wait_indirect_dma semaphore(%arg48 : memref<!tpu.dma_semaphore, #tpu.memory_space<semaphore_mem>>) src(%dma_wait3A_173 : memref<2048xi32, #tpu.memory_space<vmem_shared>>) dst(%arg43 : memref<128xi32, #tpu.memory_space<vmem>>)
      %broadcast_in_dim3A_174 = arith.constant 0.000000e+00 : f32
      %broadcast_in_dim3A_175 = vector.broadcast %broadcast_in_dim3A_174 : f32 to vector<16xf32>
      %parallel_loop3A_176 = arith.constant 0 : i32
      %parallel_loop3A_177 = arith.constant 128 : i32
      %parallel_loop3A_178 = arith.constant 16 : i32
      %parallel_loop3A_179 = scf.for %parallel_loop3A_285 = %parallel_loop3A_176 to %parallel_loop3A_177 step %parallel_loop3A_178 iter_args(%parallel_loop3A_286 = %broadcast_in_dim3A_175) -> (vector<16xf32>)  : i32 {
        %parallel_loop3A_287 = arith.index_cast %parallel_loop3A_285 : i32 to index
        %parallel_loop3A_288 = tpu.vector_load %arg39[%parallel_loop3A_287] {strides = array<i32>} : memref<128xf32, #tpu.memory_space<vmem>>, vector<16xf32>,
        %parallel_loop3A_289 = arith.index_cast %parallel_loop3A_285 : i32 to index
        %parallel_loop3A_290 = tpu.vector_load %arg42[%parallel_loop3A_289] {strides = array<i32>} : memref<128xf32, #tpu.memory_space<vmem>>, vector<16xf32>,
        %parallel_loop3A_291 = arith.mulf %parallel_loop3A_288, %parallel_loop3A_290 : vector<16xf32>
        %parallel_loop3A_292 = arith.index_cast %parallel_loop3A_285 : i32 to index
        %parallel_loop3A_293 = tpu.vector_load %arg39[%parallel_loop3A_292] {strides = array<i32>} : memref<128xf32, #tpu.memory_space<vmem>>, vector<16xf32>,
        tpu.vector_store %arg39[%parallel_loop3A_292], %parallel_loop3A_291 {strides = array<i32>} : memref<128xf32, #tpu.memory_space<vmem>>, vector<16xf32>,
        %parallel_loop3A_294 = arith.index_cast %parallel_loop3A_285 : i32 to index
        %parallel_loop3A_295 = tpu.vector_load %arg43[%parallel_loop3A_294] {strides = array<i32>} : memref<128xi32, #tpu.memory_space<vmem>>, vector<16xi32>,
        %parallel_loop3A_296 = arith.index_cast %parallel_loop3A_285 : i32 to index
        %parallel_loop3A_297 = tpu.vector_load %arg40[%parallel_loop3A_296] {strides = array<i32>} : memref<128xi32, #tpu.memory_space<vmem>>, vector<16xi32>,
        tpu.vector_store %arg40[%parallel_loop3A_296], %parallel_loop3A_295 {strides = array<i32>} : memref<128xi32, #tpu.memory_space<vmem>>, vector<16xi32>,
        %parallel_loop3A_298 = arith.addf %parallel_loop3A_286, %parallel_loop3A_291 : vector<16xf32>
        scf.yield %parallel_loop3A_298 : vector<16xf32>
      } {sc.loop_unroll_factor = 4 : i64, sc.parallel_access}
      "tpu.region"() ({
        %run_scoped3A = tpu.sem_alloc : memref<!tpu.dma_semaphore, #tpu.memory_space<semaphore_mem>>
        %dma_start3A_285 = tpu.memref_slice %arg17[%mul3A_3] : memref<2048xf32, #tpu.memory_space<vmem_shared>> -> memref<128xf32, #tpu.memory_space<vmem_shared>>
        %dma_start3A_286 = tpu.memref_slice %arg17[%mul3A_3] : memref<2048xf32, #tpu.memory_space<vmem_shared>> -> memref<128xf32, #tpu.memory_space<vmem_shared>>
        tpu.enqueue_dma source(%arg39 : memref<128xf32, #tpu.memory_space<vmem>>) target(%dma_start3A_286 : memref<128xf32, #tpu.memory_space<vmem_shared>>) target_semaphore(%run_scoped3A : memref<!tpu.dma_semaphore, #tpu.memory_space<semaphore_mem>>)
        %dma_wait3A_287 = tpu.memref_slice %arg17[%mul3A_3] : memref<2048xf32, #tpu.memory_space<vmem_shared>> -> memref<128xf32, #tpu.memory_space<vmem_shared>>
        %dma_wait3A_288 = tpu.memref_slice %arg17[%mul3A_3] : memref<2048xf32, #tpu.memory_space<vmem_shared>> -> memref<128xf32, #tpu.memory_space<vmem_shared>>
        tpu.wait_dma2 semaphore(%run_scoped3A : memref<!tpu.dma_semaphore, #tpu.memory_space<semaphore_mem>>) src(%arg39 : memref<128xf32, #tpu.memory_space<vmem>>) dst(%dma_wait3A_288 : memref<128xf32, #tpu.memory_space<vmem_shared>>)
        tpu.yield
      }) : () -> ()
      "tpu.region"() ({
        %run_scoped3A = tpu.sem_alloc : memref<!tpu.dma_semaphore, #tpu.memory_space<semaphore_mem>>
        %dma_start3A_285 = tpu.memref_slice %arg19[%mul3A_3] : memref<2048xi32, #tpu.memory_space<vmem_shared>> -> memref<128xi32, #tpu.memory_space<vmem_shared>>
        %dma_start3A_286 = tpu.memref_slice %arg19[%mul3A_3] : memref<2048xi32, #tpu.memory_space<vmem_shared>> -> memref<128xi32, #tpu.memory_space<vmem_shared>>
        tpu.enqueue_dma source(%arg40 : memref<128xi32, #tpu.memory_space<vmem>>) target(%dma_start3A_286 : memref<128xi32, #tpu.memory_space<vmem_shared>>) target_semaphore(%run_scoped3A : memref<!tpu.dma_semaphore, #tpu.memory_space<semaphore_mem>>)
        %dma_wait3A_287 = tpu.memref_slice %arg19[%mul3A_3] : memref<2048xi32, #tpu.memory_space<vmem_shared>> -> memref<128xi32, #tpu.memory_space<vmem_shared>>
        %dma_wait3A_288 = tpu.memref_slice %arg19[%mul3A_3] : memref<2048xi32, #tpu.memory_space<vmem_shared>> -> memref<128xi32, #tpu.memory_space<vmem_shared>>
        tpu.wait_dma2 semaphore(%run_scoped3A : memref<!tpu.dma_semaphore, #tpu.memory_space<semaphore_mem>>) src(%arg40 : memref<128xi32, #tpu.memory_space<vmem>>) dst(%dma_wait3A_288 : memref<128xi32, #tpu.memory_space<vmem_shared>>)
        tpu.yield
      }) : () -> ()
      %swap3A_180 = arith.constant 0 : index
      %swap3A_181 = tpu.vector_load %arg46[%swap3A_180] {strides = array<i32>} : memref<16xf32, #tpu.memory_space<vmem>>, vector<16xf32>,
      tpu.vector_store %arg46[%swap3A_180], %parallel_loop3A_179 {strides = array<i32>} : memref<16xf32, #tpu.memory_space<vmem>>, vector<16xf32>,
      %mul3A_182 = arith.constant 16 : i32
      %mul3A_183 = arith.muli %arg1, %mul3A_182 : i32
      "tpu.region"() ({
        %run_scoped3A = tpu.sem_alloc : memref<!tpu.dma_semaphore, #tpu.memory_space<semaphore_mem>>
        %dma_start3A_285 = tpu.memref_slice %arg21[%mul3A_183] : memref<256xf32, #tpu.memory_space<vmem_shared>> -> memref<16xf32, #tpu.memory_space<vmem_shared>>
        %dma_start3A_286 = tpu.memref_slice %arg21[%mul3A_183] : memref<256xf32, #tpu.memory_space<vmem_shared>> -> memref<16xf32, #tpu.memory_space<vmem_shared>>
        tpu.enqueue_dma source(%arg46 : memref<16xf32, #tpu.memory_space<vmem>>) target(%dma_start3A_286 : memref<16xf32, #tpu.memory_space<vmem_shared>>) target_semaphore(%run_scoped3A : memref<!tpu.dma_semaphore, #tpu.memory_space<semaphore_mem>>)
        %dma_wait3A_287 = tpu.memref_slice %arg21[%mul3A_183] : memref<256xf32, #tpu.memory_space<vmem_shared>> -> memref<16xf32, #tpu.memory_space<vmem_shared>>
        %dma_wait3A_288 = tpu.memref_slice %arg21[%mul3A_183] : memref<256xf32, #tpu.memory_space<vmem_shared>> -> memref<16xf32, #tpu.memory_space<vmem_shared>>
        tpu.wait_dma2 semaphore(%run_scoped3A : memref<!tpu.dma_semaphore, #tpu.memory_space<semaphore_mem>>) src(%arg46 : memref<16xf32, #tpu.memory_space<vmem>>) dst(%dma_wait3A_288 : memref<16xf32, #tpu.memory_space<vmem_shared>>)
        tpu.yield
      }) : () -> ()
      %barrier3A_184 = arith.constant 0 : index
      tpu.barrier barrier_id(%barrier3A_184)
      "tpu.region"() ({
        %run_scoped3A = tpu.sem_alloc : memref<!tpu.dma_semaphore, #tpu.memory_space<semaphore_mem>>
        %dma_start3A_285 = tpu.memref_slice %arg14[%mul3A_3] : memref<2048xf32, #tpu.memory_space<vmem_shared>> -> memref<128xf32, #tpu.memory_space<vmem_shared>>
        %dma_start3A_286 = tpu.memref_slice %arg14[%mul3A_3] : memref<2048xf32, #tpu.memory_space<vmem_shared>> -> memref<128xf32, #tpu.memory_space<vmem_shared>>
        tpu.enqueue_dma source(%dma_start3A_286 : memref<128xf32, #tpu.memory_space<vmem_shared>>) target(%arg38 : memref<128xf32, #tpu.memory_space<vmem>>) target_semaphore(%run_scoped3A : memref<!tpu.dma_semaphore, #tpu.memory_space<semaphore_mem>>)
        %dma_wait3A_287 = tpu.memref_slice %arg14[%mul3A_3] : memref<2048xf32, #tpu.memory_space<vmem_shared>> -> memref<128xf32, #tpu.memory_space<vmem_shared>>
        %dma_wait3A_288 = tpu.memref_slice %arg14[%mul3A_3] : memref<2048xf32, #tpu.memory_space<vmem_shared>> -> memref<128xf32, #tpu.memory_space<vmem_shared>>
        tpu.wait_dma2 semaphore(%run_scoped3A : memref<!tpu.dma_semaphore, #tpu.memory_space<semaphore_mem>>) src(%dma_wait3A_288 : memref<128xf32, #tpu.memory_space<vmem_shared>>) dst(%arg38 : memref<128xf32, #tpu.memory_space<vmem>>)
        tpu.yield
      }) : () -> ()
      "tpu.region"() ({
        %run_scoped3A = tpu.sem_alloc : memref<!tpu.dma_semaphore, #tpu.memory_space<semaphore_mem>>
        tpu.enqueue_dma source(%arg21 : memref<256xf32, #tpu.memory_space<vmem_shared>>) target(%arg44 : memref<256xf32, #tpu.memory_space<vmem>>) target_semaphore(%run_scoped3A : memref<!tpu.dma_semaphore, #tpu.memory_space<semaphore_mem>>)
        tpu.wait_dma2 semaphore(%run_scoped3A : memref<!tpu.dma_semaphore, #tpu.memory_space<semaphore_mem>>) src(%arg21 : memref<256xf32, #tpu.memory_space<vmem_shared>>) dst(%arg44 : memref<256xf32, #tpu.memory_space<vmem>>)
        tpu.yield
      }) : () -> ()
      %broadcast_in_dim3A_185 = arith.constant 0.000000e+00 : f32
      %broadcast_in_dim3A_186 = vector.broadcast %broadcast_in_dim3A_185 : f32 to vector<16xf32>
      %parallel_loop3A_187 = arith.constant 0 : i32
      %parallel_loop3A_188 = arith.constant 256 : i32
      %parallel_loop3A_189 = arith.constant 16 : i32
      %parallel_loop3A_190 = scf.for %parallel_loop3A_285 = %parallel_loop3A_187 to %parallel_loop3A_188 step %parallel_loop3A_189 iter_args(%parallel_loop3A_286 = %broadcast_in_dim3A_186) -> (vector<16xf32>)  : i32 {
        %parallel_loop3A_287 = arith.index_cast %parallel_loop3A_285 : i32 to index
        %parallel_loop3A_288 = tpu.vector_load %arg44[%parallel_loop3A_287] {strides = array<i32>} : memref<256xf32, #tpu.memory_space<vmem>>, vector<16xf32>,
        %parallel_loop3A_289 = arith.addf %parallel_loop3A_286, %parallel_loop3A_288 : vector<16xf32>
        scf.yield %parallel_loop3A_289 : vector<16xf32>
      } {sc.loop_unroll_factor = 4 : i64, sc.parallel_access}
      %swap3A_191 = arith.constant 0 : index
      %swap3A_192 = tpu.vector_load %arg45[%swap3A_191] {strides = array<i32>} : memref<16xf32, #tpu.memory_space<vmem>>, vector<16xf32>,
      tpu.vector_store %arg45[%swap3A_191], %parallel_loop3A_190 {strides = array<i32>} : memref<16xf32, #tpu.memory_space<vmem>>, vector<16xf32>,
      %barrier3A_193 = arith.constant 0 : index
      tpu.barrier barrier_id(%barrier3A_193)
      %get3A = arith.constant 0 : index
      %get3A_194 = tpu.vector_load %arg45[%get3A] {strides = array<i32>} : memref<16xf32, #tpu.memory_space<vmem>>, vector<16xf32>,
      %reduce_sum3A = arith.constant true
      %reduce_sum3A_195 = vector.broadcast %reduce_sum3A : i1 to vector<16xi1>
      %reduce_sum3A_196 = tpu.scan <sum>, %get3A_194 masked %reduce_sum3A_195 : vector<16xf32>, vector<16xi1> -> vector<16xf32>
      %reduce_sum3A_197 = vector.extract %reduce_sum3A_196[15] : f32 from vector<16xf32>
      %gt3A = arith.constant 0.000000e+00 : f32
      %gt3A_198 = arith.cmpf ogt, %reduce_sum3A_197, %gt3A : f32
      %convert_element_type3A_199 = arith.extui %gt3A_198 : i1 to i32
      %cond3A_200 = arith.constant 0 : i32
      %cond3A_201 = arith.cmpi ne, %convert_element_type3A_199, %cond3A_200 : i32
      scf.if %cond3A_201 {
        %parallel_loop3A_285 = arith.constant 0 : i32
        %parallel_loop3A_286 = arith.constant 128 : i32
        %parallel_loop3A_287 = arith.constant 16 : i32
        %parallel_loop3A_288 = arith.constant 0 : i32
        %parallel_loop3A_289 = scf.for %parallel_loop3A_322 = %parallel_loop3A_285 to %parallel_loop3A_286 step %parallel_loop3A_287 iter_args(%parallel_loop3A_323 = %parallel_loop3A_288) -> (i32)  : i32 {
          %parallel_loop3A_324 = arith.index_cast %parallel_loop3A_322 : i32 to index
          %parallel_loop3A_325 = tpu.vector_load %arg39[%parallel_loop3A_324] {strides = array<i32>} : memref<128xf32, #tpu.memory_space<vmem>>, vector<16xf32>,
          %parallel_loop3A_326 = arith.index_cast %parallel_loop3A_322 : i32 to index
          %parallel_loop3A_327 = tpu.vector_load %arg38[%parallel_loop3A_326] {strides = array<i32>} : memref<128xf32, #tpu.memory_space<vmem>>, vector<16xf32>,
          %parallel_loop3A_328 = arith.mulf %parallel_loop3A_325, %parallel_loop3A_327 : vector<16xf32>
          %parallel_loop3A_329 = arith.index_cast %parallel_loop3A_322 : i32 to index
          %parallel_loop3A_330 = tpu.vector_load %arg41[%parallel_loop3A_329] {strides = array<i32>} : memref<128xf32, #tpu.memory_space<vmem>>, vector<16xf32>,
          tpu.vector_store %arg41[%parallel_loop3A_329], %parallel_loop3A_328 {strides = array<i32>} : memref<128xf32, #tpu.memory_space<vmem>>, vector<16xf32>,
          scf.yield %parallel_loop3A_323 : i32
        } {sc.loop_unroll_factor = 4 : i64, sc.parallel_access}
        %dma_start3A_290 = arith.constant 0 : i32
        %dma_start3A_291 = tpu.memref_slice %arg14[%dma_start3A_290] : memref<2048xf32, #tpu.memory_space<vmem_shared>> -> memref<2048xf32, #tpu.memory_space<vmem_shared>>
        tpu.enqueue_indirect_dma source(%arg41 : memref<128xf32, #tpu.memory_space<vmem>>) target(%dma_start3A_291 : memref<2048xf32, #tpu.memory_space<vmem_shared>>) offsets(%arg40 : memref<128xi32, #tpu.memory_space<vmem>>) semaphore(%arg48 : memref<!tpu.dma_semaphore, #tpu.memory_space<semaphore_mem>>) {add = true}
        %dma_start3A_292 = arith.constant 0 : i32
        %dma_start3A_293 = tpu.memref_slice %arg17[%dma_start3A_292] : memref<2048xf32, #tpu.memory_space<vmem_shared>> -> memref<2048xf32, #tpu.memory_space<vmem_shared>>
        tpu.enqueue_indirect_dma source(%dma_start3A_293 : memref<2048xf32, #tpu.memory_space<vmem_shared>>) target(%arg42 : memref<128xf32, #tpu.memory_space<vmem>>) offsets(%arg40 : memref<128xi32, #tpu.memory_space<vmem>>) semaphore(%arg48 : memref<!tpu.dma_semaphore, #tpu.memory_space<semaphore_mem>>)
        %dma_start3A_294 = arith.constant 0 : i32
        %dma_start3A_295 = tpu.memref_slice %arg19[%dma_start3A_294] : memref<2048xi32, #tpu.memory_space<vmem_shared>> -> memref<2048xi32, #tpu.memory_space<vmem_shared>>
        tpu.enqueue_indirect_dma source(%dma_start3A_295 : memref<2048xi32, #tpu.memory_space<vmem_shared>>) target(%arg43 : memref<128xi32, #tpu.memory_space<vmem>>) offsets(%arg40 : memref<128xi32, #tpu.memory_space<vmem>>) semaphore(%arg48 : memref<!tpu.dma_semaphore, #tpu.memory_space<semaphore_mem>>)
        %dma_wait3A_296 = arith.constant 0 : i32
        %dma_wait3A_297 = tpu.memref_slice %arg14[%dma_wait3A_296] : memref<2048xf32, #tpu.memory_space<vmem_shared>> -> memref<2048xf32, #tpu.memory_space<vmem_shared>>
        tpu.wait_indirect_dma semaphore(%arg48 : memref<!tpu.dma_semaphore, #tpu.memory_space<semaphore_mem>>) src(%arg41 : memref<128xf32, #tpu.memory_space<vmem>>) dst(%dma_wait3A_297 : memref<2048xf32, #tpu.memory_space<vmem_shared>>)
        %dma_wait3A_298 = arith.constant 0 : i32
        %dma_wait3A_299 = tpu.memref_slice %arg17[%dma_wait3A_298] : memref<2048xf32, #tpu.memory_space<vmem_shared>> -> memref<2048xf32, #tpu.memory_space<vmem_shared>>
        tpu.wait_indirect_dma semaphore(%arg48 : memref<!tpu.dma_semaphore, #tpu.memory_space<semaphore_mem>>) src(%dma_wait3A_299 : memref<2048xf32, #tpu.memory_space<vmem_shared>>) dst(%arg42 : memref<128xf32, #tpu.memory_space<vmem>>)
        %dma_wait3A_300 = arith.constant 0 : i32
        %dma_wait3A_301 = tpu.memref_slice %arg19[%dma_wait3A_300] : memref<2048xi32, #tpu.memory_space<vmem_shared>> -> memref<2048xi32, #tpu.memory_space<vmem_shared>>
        tpu.wait_indirect_dma semaphore(%arg48 : memref<!tpu.dma_semaphore, #tpu.memory_space<semaphore_mem>>) src(%dma_wait3A_301 : memref<2048xi32, #tpu.memory_space<vmem_shared>>) dst(%arg43 : memref<128xi32, #tpu.memory_space<vmem>>)
        %broadcast_in_dim3A_302 = arith.constant 0.000000e+00 : f32
        %broadcast_in_dim3A_303 = vector.broadcast %broadcast_in_dim3A_302 : f32 to vector<16xf32>
        %parallel_loop3A_304 = arith.constant 0 : i32
        %parallel_loop3A_305 = arith.constant 128 : i32
        %parallel_loop3A_306 = arith.constant 16 : i32
        %parallel_loop3A_307 = scf.for %parallel_loop3A_322 = %parallel_loop3A_304 to %parallel_loop3A_305 step %parallel_loop3A_306 iter_args(%parallel_loop3A_323 = %broadcast_in_dim3A_303) -> (vector<16xf32>)  : i32 {
          %parallel_loop3A_324 = arith.index_cast %parallel_loop3A_322 : i32 to index
          %parallel_loop3A_325 = tpu.vector_load %arg39[%parallel_loop3A_324] {strides = array<i32>} : memref<128xf32, #tpu.memory_space<vmem>>, vector<16xf32>,
          %parallel_loop3A_326 = arith.index_cast %parallel_loop3A_322 : i32 to index
          %parallel_loop3A_327 = tpu.vector_load %arg42[%parallel_loop3A_326] {strides = array<i32>} : memref<128xf32, #tpu.memory_space<vmem>>, vector<16xf32>,
          %parallel_loop3A_328 = arith.mulf %parallel_loop3A_325, %parallel_loop3A_327 : vector<16xf32>
          %parallel_loop3A_329 = arith.index_cast %parallel_loop3A_322 : i32 to index
          %parallel_loop3A_330 = tpu.vector_load %arg39[%parallel_loop3A_329] {strides = array<i32>} : memref<128xf32, #tpu.memory_space<vmem>>, vector<16xf32>,
          tpu.vector_store %arg39[%parallel_loop3A_329], %parallel_loop3A_328 {strides = array<i32>} : memref<128xf32, #tpu.memory_space<vmem>>, vector<16xf32>,
          %parallel_loop3A_331 = arith.index_cast %parallel_loop3A_322 : i32 to index
          %parallel_loop3A_332 = tpu.vector_load %arg43[%parallel_loop3A_331] {strides = array<i32>} : memref<128xi32, #tpu.memory_space<vmem>>, vector<16xi32>,
          %parallel_loop3A_333 = arith.index_cast %parallel_loop3A_322 : i32 to index
          %parallel_loop3A_334 = tpu.vector_load %arg40[%parallel_loop3A_333] {strides = array<i32>} : memref<128xi32, #tpu.memory_space<vmem>>, vector<16xi32>,
          tpu.vector_store %arg40[%parallel_loop3A_333], %parallel_loop3A_332 {strides = array<i32>} : memref<128xi32, #tpu.memory_space<vmem>>, vector<16xi32>,
          %parallel_loop3A_335 = arith.addf %parallel_loop3A_323, %parallel_loop3A_328 : vector<16xf32>
          scf.yield %parallel_loop3A_335 : vector<16xf32>
        } {sc.loop_unroll_factor = 4 : i64, sc.parallel_access}
        "tpu.region"() ({
          %run_scoped3A = tpu.sem_alloc : memref<!tpu.dma_semaphore, #tpu.memory_space<semaphore_mem>>
          %dma_start3A_322 = tpu.memref_slice %arg18[%mul3A_3] : memref<2048xf32, #tpu.memory_space<vmem_shared>> -> memref<128xf32, #tpu.memory_space<vmem_shared>>
          %dma_start3A_323 = tpu.memref_slice %arg18[%mul3A_3] : memref<2048xf32, #tpu.memory_space<vmem_shared>> -> memref<128xf32, #tpu.memory_space<vmem_shared>>
          tpu.enqueue_dma source(%arg39 : memref<128xf32, #tpu.memory_space<vmem>>) target(%dma_start3A_323 : memref<128xf32, #tpu.memory_space<vmem_shared>>) target_semaphore(%run_scoped3A : memref<!tpu.dma_semaphore, #tpu.memory_space<semaphore_mem>>)
          %dma_wait3A_324 = tpu.memref_slice %arg18[%mul3A_3] : memref<2048xf32, #tpu.memory_space<vmem_shared>> -> memref<128xf32, #tpu.memory_space<vmem_shared>>
          %dma_wait3A_325 = tpu.memref_slice %arg18[%mul3A_3] : memref<2048xf32, #tpu.memory_space<vmem_shared>> -> memref<128xf32, #tpu.memory_space<vmem_shared>>
          tpu.wait_dma2 semaphore(%run_scoped3A : memref<!tpu.dma_semaphore, #tpu.memory_space<semaphore_mem>>) src(%arg39 : memref<128xf32, #tpu.memory_space<vmem>>) dst(%dma_wait3A_325 : memref<128xf32, #tpu.memory_space<vmem_shared>>)
          tpu.yield
        }) : () -> ()
        "tpu.region"() ({
          %run_scoped3A = tpu.sem_alloc : memref<!tpu.dma_semaphore, #tpu.memory_space<semaphore_mem>>
          %dma_start3A_322 = tpu.memref_slice %arg20[%mul3A_3] : memref<2048xi32, #tpu.memory_space<vmem_shared>> -> memref<128xi32, #tpu.memory_space<vmem_shared>>
          %dma_start3A_323 = tpu.memref_slice %arg20[%mul3A_3] : memref<2048xi32, #tpu.memory_space<vmem_shared>> -> memref<128xi32, #tpu.memory_space<vmem_shared>>
          tpu.enqueue_dma source(%arg40 : memref<128xi32, #tpu.memory_space<vmem>>) target(%dma_start3A_323 : memref<128xi32, #tpu.memory_space<vmem_shared>>) target_semaphore(%run_scoped3A : memref<!tpu.dma_semaphore, #tpu.memory_space<semaphore_mem>>)
          %dma_wait3A_324 = tpu.memref_slice %arg20[%mul3A_3] : memref<2048xi32, #tpu.memory_space<vmem_shared>> -> memref<128xi32, #tpu.memory_space<vmem_shared>>
          %dma_wait3A_325 = tpu.memref_slice %arg20[%mul3A_3] : memref<2048xi32, #tpu.memory_space<vmem_shared>> -> memref<128xi32, #tpu.memory_space<vmem_shared>>
          tpu.wait_dma2 semaphore(%run_scoped3A : memref<!tpu.dma_semaphore, #tpu.memory_space<semaphore_mem>>) src(%arg40 : memref<128xi32, #tpu.memory_space<vmem>>) dst(%dma_wait3A_325 : memref<128xi32, #tpu.memory_space<vmem_shared>>)
          tpu.yield
        }) : () -> ()
        %swap3A_308 = arith.constant 0 : index
        %swap3A_309 = tpu.vector_load %arg46[%swap3A_308] {strides = array<i32>} : memref<16xf32, #tpu.memory_space<vmem>>, vector<16xf32>,
        tpu.vector_store %arg46[%swap3A_308], %parallel_loop3A_307 {strides = array<i32>} : memref<16xf32, #tpu.memory_space<vmem>>, vector<16xf32>,
        %mul3A_310 = arith.constant 16 : i32
        %mul3A_311 = arith.muli %arg1, %mul3A_310 : i32
        "tpu.region"() ({
          %run_scoped3A = tpu.sem_alloc : memref<!tpu.dma_semaphore, #tpu.memory_space<semaphore_mem>>
          %dma_start3A_322 = tpu.memref_slice %arg21[%mul3A_311] : memref<256xf32, #tpu.memory_space<vmem_shared>> -> memref<16xf32, #tpu.memory_space<vmem_shared>>
          %dma_start3A_323 = tpu.memref_slice %arg21[%mul3A_311] : memref<256xf32, #tpu.memory_space<vmem_shared>> -> memref<16xf32, #tpu.memory_space<vmem_shared>>
          tpu.enqueue_dma source(%arg46 : memref<16xf32, #tpu.memory_space<vmem>>) target(%dma_start3A_323 : memref<16xf32, #tpu.memory_space<vmem_shared>>) target_semaphore(%run_scoped3A : memref<!tpu.dma_semaphore, #tpu.memory_space<semaphore_mem>>)
          %dma_wait3A_324 = tpu.memref_slice %arg21[%mul3A_311] : memref<256xf32, #tpu.memory_space<vmem_shared>> -> memref<16xf32, #tpu.memory_space<vmem_shared>>
          %dma_wait3A_325 = tpu.memref_slice %arg21[%mul3A_311] : memref<256xf32, #tpu.memory_space<vmem_shared>> -> memref<16xf32, #tpu.memory_space<vmem_shared>>
          tpu.wait_dma2 semaphore(%run_scoped3A : memref<!tpu.dma_semaphore, #tpu.memory_space<semaphore_mem>>) src(%arg46 : memref<16xf32, #tpu.memory_space<vmem>>) dst(%dma_wait3A_325 : memref<16xf32, #tpu.memory_space<vmem_shared>>)
          tpu.yield
        }) : () -> ()
        %barrier3A_312 = arith.constant 0 : index
        tpu.barrier barrier_id(%barrier3A_312)
        "tpu.region"() ({
          %run_scoped3A = tpu.sem_alloc : memref<!tpu.dma_semaphore, #tpu.memory_space<semaphore_mem>>
          %dma_start3A_322 = tpu.memref_slice %arg14[%mul3A_3] : memref<2048xf32, #tpu.memory_space<vmem_shared>> -> memref<128xf32, #tpu.memory_space<vmem_shared>>
          %dma_start3A_323 = tpu.memref_slice %arg14[%mul3A_3] : memref<2048xf32, #tpu.memory_space<vmem_shared>> -> memref<128xf32, #tpu.memory_space<vmem_shared>>
          tpu.enqueue_dma source(%dma_start3A_323 : memref<128xf32, #tpu.memory_space<vmem_shared>>) target(%arg38 : memref<128xf32, #tpu.memory_space<vmem>>) target_semaphore(%run_scoped3A : memref<!tpu.dma_semaphore, #tpu.memory_space<semaphore_mem>>)
          %dma_wait3A_324 = tpu.memref_slice %arg14[%mul3A_3] : memref<2048xf32, #tpu.memory_space<vmem_shared>> -> memref<128xf32, #tpu.memory_space<vmem_shared>>
          %dma_wait3A_325 = tpu.memref_slice %arg14[%mul3A_3] : memref<2048xf32, #tpu.memory_space<vmem_shared>> -> memref<128xf32, #tpu.memory_space<vmem_shared>>
          tpu.wait_dma2 semaphore(%run_scoped3A : memref<!tpu.dma_semaphore, #tpu.memory_space<semaphore_mem>>) src(%dma_wait3A_325 : memref<128xf32, #tpu.memory_space<vmem_shared>>) dst(%arg38 : memref<128xf32, #tpu.memory_space<vmem>>)
          tpu.yield
        }) : () -> ()
        "tpu.region"() ({
          %run_scoped3A = tpu.sem_alloc : memref<!tpu.dma_semaphore, #tpu.memory_space<semaphore_mem>>
          tpu.enqueue_dma source(%arg21 : memref<256xf32, #tpu.memory_space<vmem_shared>>) target(%arg44 : memref<256xf32, #tpu.memory_space<vmem>>) target_semaphore(%run_scoped3A : memref<!tpu.dma_semaphore, #tpu.memory_space<semaphore_mem>>)
          tpu.wait_dma2 semaphore(%run_scoped3A : memref<!tpu.dma_semaphore, #tpu.memory_space<semaphore_mem>>) src(%arg21 : memref<256xf32, #tpu.memory_space<vmem_shared>>) dst(%arg44 : memref<256xf32, #tpu.memory_space<vmem>>)
          tpu.yield
        }) : () -> ()
        %broadcast_in_dim3A_313 = arith.constant 0.000000e+00 : f32
        %broadcast_in_dim3A_314 = vector.broadcast %broadcast_in_dim3A_313 : f32 to vector<16xf32>
        %parallel_loop3A_315 = arith.constant 0 : i32
        %parallel_loop3A_316 = arith.constant 256 : i32
        %parallel_loop3A_317 = arith.constant 16 : i32
        %parallel_loop3A_318 = scf.for %parallel_loop3A_322 = %parallel_loop3A_315 to %parallel_loop3A_316 step %parallel_loop3A_317 iter_args(%parallel_loop3A_323 = %broadcast_in_dim3A_314) -> (vector<16xf32>)  : i32 {
          %parallel_loop3A_324 = arith.index_cast %parallel_loop3A_322 : i32 to index
          %parallel_loop3A_325 = tpu.vector_load %arg44[%parallel_loop3A_324] {strides = array<i32>} : memref<256xf32, #tpu.memory_space<vmem>>, vector<16xf32>,
          %parallel_loop3A_326 = arith.addf %parallel_loop3A_323, %parallel_loop3A_325 : vector<16xf32>
          scf.yield %parallel_loop3A_326 : vector<16xf32>
        } {sc.loop_unroll_factor = 4 : i64, sc.parallel_access}
        %swap3A_319 = arith.constant 0 : index
        %swap3A_320 = tpu.vector_load %arg45[%swap3A_319] {strides = array<i32>} : memref<16xf32, #tpu.memory_space<vmem>>, vector<16xf32>,
        tpu.vector_store %arg45[%swap3A_319], %parallel_loop3A_318 {strides = array<i32>} : memref<16xf32, #tpu.memory_space<vmem>>, vector<16xf32>,
        %barrier3A_321 = arith.constant 0 : index
        tpu.barrier barrier_id(%barrier3A_321)
      } else {
      }
      %get3A_202 = arith.constant 0 : index
      %get3A_203 = tpu.vector_load %arg45[%get3A_202] {strides = array<i32>} : memref<16xf32, #tpu.memory_space<vmem>>, vector<16xf32>,
      %reduce_sum3A_204 = arith.constant true
      %reduce_sum3A_205 = vector.broadcast %reduce_sum3A_204 : i1 to vector<16xi1>
      %reduce_sum3A_206 = tpu.scan <sum>, %get3A_203 masked %reduce_sum3A_205 : vector<16xf32>, vector<16xi1> -> vector<16xf32>
      %reduce_sum3A_207 = vector.extract %reduce_sum3A_206[15] : f32 from vector<16xf32>
      %gt3A_208 = arith.constant 0.000000e+00 : f32
      %gt3A_209 = arith.cmpf ogt, %reduce_sum3A_207, %gt3A_208 : f32
      %convert_element_type3A_210 = arith.extui %gt3A_209 : i1 to i32
      %cond3A_211 = arith.constant 0 : i32
      %cond3A_212 = arith.cmpi ne, %convert_element_type3A_210, %cond3A_211 : i32
      scf.if %cond3A_212 {
        %parallel_loop3A_285 = arith.constant 0 : i32
        %parallel_loop3A_286 = arith.constant 128 : i32
        %parallel_loop3A_287 = arith.constant 16 : i32
        %parallel_loop3A_288 = arith.constant 0 : i32
        %parallel_loop3A_289 = scf.for %parallel_loop3A_322 = %parallel_loop3A_285 to %parallel_loop3A_286 step %parallel_loop3A_287 iter_args(%parallel_loop3A_323 = %parallel_loop3A_288) -> (i32)  : i32 {
          %parallel_loop3A_324 = arith.index_cast %parallel_loop3A_322 : i32 to index
          %parallel_loop3A_325 = tpu.vector_load %arg39[%parallel_loop3A_324] {strides = array<i32>} : memref<128xf32, #tpu.memory_space<vmem>>, vector<16xf32>,
          %parallel_loop3A_326 = arith.index_cast %parallel_loop3A_322 : i32 to index
          %parallel_loop3A_327 = tpu.vector_load %arg38[%parallel_loop3A_326] {strides = array<i32>} : memref<128xf32, #tpu.memory_space<vmem>>, vector<16xf32>,
          %parallel_loop3A_328 = arith.mulf %parallel_loop3A_325, %parallel_loop3A_327 : vector<16xf32>
          %parallel_loop3A_329 = arith.index_cast %parallel_loop3A_322 : i32 to index
          %parallel_loop3A_330 = tpu.vector_load %arg41[%parallel_loop3A_329] {strides = array<i32>} : memref<128xf32, #tpu.memory_space<vmem>>, vector<16xf32>,
          tpu.vector_store %arg41[%parallel_loop3A_329], %parallel_loop3A_328 {strides = array<i32>} : memref<128xf32, #tpu.memory_space<vmem>>, vector<16xf32>,
          scf.yield %parallel_loop3A_323 : i32
        } {sc.loop_unroll_factor = 4 : i64, sc.parallel_access}
        %dma_start3A_290 = arith.constant 0 : i32
        %dma_start3A_291 = tpu.memref_slice %arg14[%dma_start3A_290] : memref<2048xf32, #tpu.memory_space<vmem_shared>> -> memref<2048xf32, #tpu.memory_space<vmem_shared>>
        tpu.enqueue_indirect_dma source(%arg41 : memref<128xf32, #tpu.memory_space<vmem>>) target(%dma_start3A_291 : memref<2048xf32, #tpu.memory_space<vmem_shared>>) offsets(%arg40 : memref<128xi32, #tpu.memory_space<vmem>>) semaphore(%arg48 : memref<!tpu.dma_semaphore, #tpu.memory_space<semaphore_mem>>) {add = true}
        %dma_start3A_292 = arith.constant 0 : i32
        %dma_start3A_293 = tpu.memref_slice %arg18[%dma_start3A_292] : memref<2048xf32, #tpu.memory_space<vmem_shared>> -> memref<2048xf32, #tpu.memory_space<vmem_shared>>
        tpu.enqueue_indirect_dma source(%dma_start3A_293 : memref<2048xf32, #tpu.memory_space<vmem_shared>>) target(%arg42 : memref<128xf32, #tpu.memory_space<vmem>>) offsets(%arg40 : memref<128xi32, #tpu.memory_space<vmem>>) semaphore(%arg48 : memref<!tpu.dma_semaphore, #tpu.memory_space<semaphore_mem>>)
        %dma_start3A_294 = arith.constant 0 : i32
        %dma_start3A_295 = tpu.memref_slice %arg20[%dma_start3A_294] : memref<2048xi32, #tpu.memory_space<vmem_shared>> -> memref<2048xi32, #tpu.memory_space<vmem_shared>>
        tpu.enqueue_indirect_dma source(%dma_start3A_295 : memref<2048xi32, #tpu.memory_space<vmem_shared>>) target(%arg43 : memref<128xi32, #tpu.memory_space<vmem>>) offsets(%arg40 : memref<128xi32, #tpu.memory_space<vmem>>) semaphore(%arg48 : memref<!tpu.dma_semaphore, #tpu.memory_space<semaphore_mem>>)
        %dma_wait3A_296 = arith.constant 0 : i32
        %dma_wait3A_297 = tpu.memref_slice %arg14[%dma_wait3A_296] : memref<2048xf32, #tpu.memory_space<vmem_shared>> -> memref<2048xf32, #tpu.memory_space<vmem_shared>>
        tpu.wait_indirect_dma semaphore(%arg48 : memref<!tpu.dma_semaphore, #tpu.memory_space<semaphore_mem>>) src(%arg41 : memref<128xf32, #tpu.memory_space<vmem>>) dst(%dma_wait3A_297 : memref<2048xf32, #tpu.memory_space<vmem_shared>>)
        %dma_wait3A_298 = arith.constant 0 : i32
        %dma_wait3A_299 = tpu.memref_slice %arg18[%dma_wait3A_298] : memref<2048xf32, #tpu.memory_space<vmem_shared>> -> memref<2048xf32, #tpu.memory_space<vmem_shared>>
        tpu.wait_indirect_dma semaphore(%arg48 : memref<!tpu.dma_semaphore, #tpu.memory_space<semaphore_mem>>) src(%dma_wait3A_299 : memref<2048xf32, #tpu.memory_space<vmem_shared>>) dst(%arg42 : memref<128xf32, #tpu.memory_space<vmem>>)
        %dma_wait3A_300 = arith.constant 0 : i32
        %dma_wait3A_301 = tpu.memref_slice %arg20[%dma_wait3A_300] : memref<2048xi32, #tpu.memory_space<vmem_shared>> -> memref<2048xi32, #tpu.memory_space<vmem_shared>>
        tpu.wait_indirect_dma semaphore(%arg48 : memref<!tpu.dma_semaphore, #tpu.memory_space<semaphore_mem>>) src(%dma_wait3A_301 : memref<2048xi32, #tpu.memory_space<vmem_shared>>) dst(%arg43 : memref<128xi32, #tpu.memory_space<vmem>>)
        %broadcast_in_dim3A_302 = arith.constant 0.000000e+00 : f32
        %broadcast_in_dim3A_303 = vector.broadcast %broadcast_in_dim3A_302 : f32 to vector<16xf32>
        %parallel_loop3A_304 = arith.constant 0 : i32
        %parallel_loop3A_305 = arith.constant 128 : i32
        %parallel_loop3A_306 = arith.constant 16 : i32
        %parallel_loop3A_307 = scf.for %parallel_loop3A_322 = %parallel_loop3A_304 to %parallel_loop3A_305 step %parallel_loop3A_306 iter_args(%parallel_loop3A_323 = %broadcast_in_dim3A_303) -> (vector<16xf32>)  : i32 {
          %parallel_loop3A_324 = arith.index_cast %parallel_loop3A_322 : i32 to index
          %parallel_loop3A_325 = tpu.vector_load %arg39[%parallel_loop3A_324] {strides = array<i32>} : memref<128xf32, #tpu.memory_space<vmem>>, vector<16xf32>,
          %parallel_loop3A_326 = arith.index_cast %parallel_loop3A_322 : i32 to index
          %parallel_loop3A_327 = tpu.vector_load %arg42[%parallel_loop3A_326] {strides = array<i32>} : memref<128xf32, #tpu.memory_space<vmem>>, vector<16xf32>,
          %parallel_loop3A_328 = arith.mulf %parallel_loop3A_325, %parallel_loop3A_327 : vector<16xf32>
          %parallel_loop3A_329 = arith.index_cast %parallel_loop3A_322 : i32 to index
          %parallel_loop3A_330 = tpu.vector_load %arg39[%parallel_loop3A_329] {strides = array<i32>} : memref<128xf32, #tpu.memory_space<vmem>>, vector<16xf32>,
          tpu.vector_store %arg39[%parallel_loop3A_329], %parallel_loop3A_328 {strides = array<i32>} : memref<128xf32, #tpu.memory_space<vmem>>, vector<16xf32>,
          %parallel_loop3A_331 = arith.index_cast %parallel_loop3A_322 : i32 to index
          %parallel_loop3A_332 = tpu.vector_load %arg43[%parallel_loop3A_331] {strides = array<i32>} : memref<128xi32, #tpu.memory_space<vmem>>, vector<16xi32>,
          %parallel_loop3A_333 = arith.index_cast %parallel_loop3A_322 : i32 to index
          %parallel_loop3A_334 = tpu.vector_load %arg40[%parallel_loop3A_333] {strides = array<i32>} : memref<128xi32, #tpu.memory_space<vmem>>, vector<16xi32>,
          tpu.vector_store %arg40[%parallel_loop3A_333], %parallel_loop3A_332 {strides = array<i32>} : memref<128xi32, #tpu.memory_space<vmem>>, vector<16xi32>,
          %parallel_loop3A_335 = arith.addf %parallel_loop3A_323, %parallel_loop3A_328 : vector<16xf32>
          scf.yield %parallel_loop3A_335 : vector<16xf32>
        } {sc.loop_unroll_factor = 4 : i64, sc.parallel_access}
        "tpu.region"() ({
          %run_scoped3A = tpu.sem_alloc : memref<!tpu.dma_semaphore, #tpu.memory_space<semaphore_mem>>
          %dma_start3A_322 = tpu.memref_slice %arg17[%mul3A_3] : memref<2048xf32, #tpu.memory_space<vmem_shared>> -> memref<128xf32, #tpu.memory_space<vmem_shared>>
          %dma_start3A_323 = tpu.memref_slice %arg17[%mul3A_3] : memref<2048xf32, #tpu.memory_space<vmem_shared>> -> memref<128xf32, #tpu.memory_space<vmem_shared>>
          tpu.enqueue_dma source(%arg39 : memref<128xf32, #tpu.memory_space<vmem>>) target(%dma_start3A_323 : memref<128xf32, #tpu.memory_space<vmem_shared>>) target_semaphore(%run_scoped3A : memref<!tpu.dma_semaphore, #tpu.memory_space<semaphore_mem>>)
          %dma_wait3A_324 = tpu.memref_slice %arg17[%mul3A_3] : memref<2048xf32, #tpu.memory_space<vmem_shared>> -> memref<128xf32, #tpu.memory_space<vmem_shared>>
          %dma_wait3A_325 = tpu.memref_slice %arg17[%mul3A_3] : memref<2048xf32, #tpu.memory_space<vmem_shared>> -> memref<128xf32, #tpu.memory_space<vmem_shared>>
          tpu.wait_dma2 semaphore(%run_scoped3A : memref<!tpu.dma_semaphore, #tpu.memory_space<semaphore_mem>>) src(%arg39 : memref<128xf32, #tpu.memory_space<vmem>>) dst(%dma_wait3A_325 : memref<128xf32, #tpu.memory_space<vmem_shared>>)
          tpu.yield
        }) : () -> ()
        "tpu.region"() ({
          %run_scoped3A = tpu.sem_alloc : memref<!tpu.dma_semaphore, #tpu.memory_space<semaphore_mem>>
          %dma_start3A_322 = tpu.memref_slice %arg19[%mul3A_3] : memref<2048xi32, #tpu.memory_space<vmem_shared>> -> memref<128xi32, #tpu.memory_space<vmem_shared>>
          %dma_start3A_323 = tpu.memref_slice %arg19[%mul3A_3] : memref<2048xi32, #tpu.memory_space<vmem_shared>> -> memref<128xi32, #tpu.memory_space<vmem_shared>>
          tpu.enqueue_dma source(%arg40 : memref<128xi32, #tpu.memory_space<vmem>>) target(%dma_start3A_323 : memref<128xi32, #tpu.memory_space<vmem_shared>>) target_semaphore(%run_scoped3A : memref<!tpu.dma_semaphore, #tpu.memory_space<semaphore_mem>>)
          %dma_wait3A_324 = tpu.memref_slice %arg19[%mul3A_3] : memref<2048xi32, #tpu.memory_space<vmem_shared>> -> memref<128xi32, #tpu.memory_space<vmem_shared>>
          %dma_wait3A_325 = tpu.memref_slice %arg19[%mul3A_3] : memref<2048xi32, #tpu.memory_space<vmem_shared>> -> memref<128xi32, #tpu.memory_space<vmem_shared>>
          tpu.wait_dma2 semaphore(%run_scoped3A : memref<!tpu.dma_semaphore, #tpu.memory_space<semaphore_mem>>) src(%arg40 : memref<128xi32, #tpu.memory_space<vmem>>) dst(%dma_wait3A_325 : memref<128xi32, #tpu.memory_space<vmem_shared>>)
          tpu.yield
        }) : () -> ()
        %swap3A_308 = arith.constant 0 : index
        %swap3A_309 = tpu.vector_load %arg46[%swap3A_308] {strides = array<i32>} : memref<16xf32, #tpu.memory_space<vmem>>, vector<16xf32>,
        tpu.vector_store %arg46[%swap3A_308], %parallel_loop3A_307 {strides = array<i32>} : memref<16xf32, #tpu.memory_space<vmem>>, vector<16xf32>,
        %mul3A_310 = arith.constant 16 : i32
        %mul3A_311 = arith.muli %arg1, %mul3A_310 : i32
        "tpu.region"() ({
          %run_scoped3A = tpu.sem_alloc : memref<!tpu.dma_semaphore, #tpu.memory_space<semaphore_mem>>
          %dma_start3A_322 = tpu.memref_slice %arg21[%mul3A_311] : memref<256xf32, #tpu.memory_space<vmem_shared>> -> memref<16xf32, #tpu.memory_space<vmem_shared>>
          %dma_start3A_323 = tpu.memref_slice %arg21[%mul3A_311] : memref<256xf32, #tpu.memory_space<vmem_shared>> -> memref<16xf32, #tpu.memory_space<vmem_shared>>
          tpu.enqueue_dma source(%arg46 : memref<16xf32, #tpu.memory_space<vmem>>) target(%dma_start3A_323 : memref<16xf32, #tpu.memory_space<vmem_shared>>) target_semaphore(%run_scoped3A : memref<!tpu.dma_semaphore, #tpu.memory_space<semaphore_mem>>)
          %dma_wait3A_324 = tpu.memref_slice %arg21[%mul3A_311] : memref<256xf32, #tpu.memory_space<vmem_shared>> -> memref<16xf32, #tpu.memory_space<vmem_shared>>
          %dma_wait3A_325 = tpu.memref_slice %arg21[%mul3A_311] : memref<256xf32, #tpu.memory_space<vmem_shared>> -> memref<16xf32, #tpu.memory_space<vmem_shared>>
          tpu.wait_dma2 semaphore(%run_scoped3A : memref<!tpu.dma_semaphore, #tpu.memory_space<semaphore_mem>>) src(%arg46 : memref<16xf32, #tpu.memory_space<vmem>>) dst(%dma_wait3A_325 : memref<16xf32, #tpu.memory_space<vmem_shared>>)
          tpu.yield
        }) : () -> ()
        %barrier3A_312 = arith.constant 0 : index
        tpu.barrier barrier_id(%barrier3A_312)
        "tpu.region"() ({
          %run_scoped3A = tpu.sem_alloc : memref<!tpu.dma_semaphore, #tpu.memory_space<semaphore_mem>>
          %dma_start3A_322 = tpu.memref_slice %arg14[%mul3A_3] : memref<2048xf32, #tpu.memory_space<vmem_shared>> -> memref<128xf32, #tpu.memory_space<vmem_shared>>
          %dma_start3A_323 = tpu.memref_slice %arg14[%mul3A_3] : memref<2048xf32, #tpu.memory_space<vmem_shared>> -> memref<128xf32, #tpu.memory_space<vmem_shared>>
          tpu.enqueue_dma source(%dma_start3A_323 : memref<128xf32, #tpu.memory_space<vmem_shared>>) target(%arg38 : memref<128xf32, #tpu.memory_space<vmem>>) target_semaphore(%run_scoped3A : memref<!tpu.dma_semaphore, #tpu.memory_space<semaphore_mem>>)
          %dma_wait3A_324 = tpu.memref_slice %arg14[%mul3A_3] : memref<2048xf32, #tpu.memory_space<vmem_shared>> -> memref<128xf32, #tpu.memory_space<vmem_shared>>
          %dma_wait3A_325 = tpu.memref_slice %arg14[%mul3A_3] : memref<2048xf32, #tpu.memory_space<vmem_shared>> -> memref<128xf32, #tpu.memory_space<vmem_shared>>
          tpu.wait_dma2 semaphore(%run_scoped3A : memref<!tpu.dma_semaphore, #tpu.memory_space<semaphore_mem>>) src(%dma_wait3A_325 : memref<128xf32, #tpu.memory_space<vmem_shared>>) dst(%arg38 : memref<128xf32, #tpu.memory_space<vmem>>)
          tpu.yield
        }) : () -> ()
        "tpu.region"() ({
          %run_scoped3A = tpu.sem_alloc : memref<!tpu.dma_semaphore, #tpu.memory_space<semaphore_mem>>
          tpu.enqueue_dma source(%arg21 : memref<256xf32, #tpu.memory_space<vmem_shared>>) target(%arg44 : memref<256xf32, #tpu.memory_space<vmem>>) target_semaphore(%run_scoped3A : memref<!tpu.dma_semaphore, #tpu.memory_space<semaphore_mem>>)
          tpu.wait_dma2 semaphore(%run_scoped3A : memref<!tpu.dma_semaphore, #tpu.memory_space<semaphore_mem>>) src(%arg21 : memref<256xf32, #tpu.memory_space<vmem_shared>>) dst(%arg44 : memref<256xf32, #tpu.memory_space<vmem>>)
          tpu.yield
        }) : () -> ()
        %broadcast_in_dim3A_313 = arith.constant 0.000000e+00 : f32
        %broadcast_in_dim3A_314 = vector.broadcast %broadcast_in_dim3A_313 : f32 to vector<16xf32>
        %parallel_loop3A_315 = arith.constant 0 : i32
        %parallel_loop3A_316 = arith.constant 256 : i32
        %parallel_loop3A_317 = arith.constant 16 : i32
        %parallel_loop3A_318 = scf.for %parallel_loop3A_322 = %parallel_loop3A_315 to %parallel_loop3A_316 step %parallel_loop3A_317 iter_args(%parallel_loop3A_323 = %broadcast_in_dim3A_314) -> (vector<16xf32>)  : i32 {
          %parallel_loop3A_324 = arith.index_cast %parallel_loop3A_322 : i32 to index
          %parallel_loop3A_325 = tpu.vector_load %arg44[%parallel_loop3A_324] {strides = array<i32>} : memref<256xf32, #tpu.memory_space<vmem>>, vector<16xf32>,
          %parallel_loop3A_326 = arith.addf %parallel_loop3A_323, %parallel_loop3A_325 : vector<16xf32>
          scf.yield %parallel_loop3A_326 : vector<16xf32>
        } {sc.loop_unroll_factor = 4 : i64, sc.parallel_access}
        %swap3A_319 = arith.constant 0 : index
        %swap3A_320 = tpu.vector_load %arg45[%swap3A_319] {strides = array<i32>} : memref<16xf32, #tpu.memory_space<vmem>>, vector<16xf32>,
        tpu.vector_store %arg45[%swap3A_319], %parallel_loop3A_318 {strides = array<i32>} : memref<16xf32, #tpu.memory_space<vmem>>, vector<16xf32>,
        %barrier3A_321 = arith.constant 0 : index
        tpu.barrier barrier_id(%barrier3A_321)
      } else {
      }
      %get3A_213 = arith.constant 0 : index
      %get3A_214 = tpu.vector_load %arg45[%get3A_213] {strides = array<i32>} : memref<16xf32, #tpu.memory_space<vmem>>, vector<16xf32>,
      %reduce_sum3A_215 = arith.constant true
      %reduce_sum3A_216 = vector.broadcast %reduce_sum3A_215 : i1 to vector<16xi1>
      %reduce_sum3A_217 = tpu.scan <sum>, %get3A_214 masked %reduce_sum3A_216 : vector<16xf32>, vector<16xi1> -> vector<16xf32>
      %reduce_sum3A_218 = vector.extract %reduce_sum3A_217[15] : f32 from vector<16xf32>
      %gt3A_219 = arith.constant 0.000000e+00 : f32
      %gt3A_220 = arith.cmpf ogt, %reduce_sum3A_218, %gt3A_219 : f32
      %convert_element_type3A_221 = arith.extui %gt3A_220 : i1 to i32
      %cond3A_222 = arith.constant 0 : i32
      %cond3A_223 = arith.cmpi ne, %convert_element_type3A_221, %cond3A_222 : i32
      scf.if %cond3A_223 {
        %parallel_loop3A_285 = arith.constant 0 : i32
        %parallel_loop3A_286 = arith.constant 128 : i32
        %parallel_loop3A_287 = arith.constant 16 : i32
        %parallel_loop3A_288 = arith.constant 0 : i32
        %parallel_loop3A_289 = scf.for %parallel_loop3A_322 = %parallel_loop3A_285 to %parallel_loop3A_286 step %parallel_loop3A_287 iter_args(%parallel_loop3A_323 = %parallel_loop3A_288) -> (i32)  : i32 {
          %parallel_loop3A_324 = arith.index_cast %parallel_loop3A_322 : i32 to index
          %parallel_loop3A_325 = tpu.vector_load %arg39[%parallel_loop3A_324] {strides = array<i32>} : memref<128xf32, #tpu.memory_space<vmem>>, vector<16xf32>,
          %parallel_loop3A_326 = arith.index_cast %parallel_loop3A_322 : i32 to index
          %parallel_loop3A_327 = tpu.vector_load %arg38[%parallel_loop3A_326] {strides = array<i32>} : memref<128xf32, #tpu.memory_space<vmem>>, vector<16xf32>,
          %parallel_loop3A_328 = arith.mulf %parallel_loop3A_325, %parallel_loop3A_327 : vector<16xf32>
          %parallel_loop3A_329 = arith.index_cast %parallel_loop3A_322 : i32 to index
          %parallel_loop3A_330 = tpu.vector_load %arg41[%parallel_loop3A_329] {strides = array<i32>} : memref<128xf32, #tpu.memory_space<vmem>>, vector<16xf32>,
          tpu.vector_store %arg41[%parallel_loop3A_329], %parallel_loop3A_328 {strides = array<i32>} : memref<128xf32, #tpu.memory_space<vmem>>, vector<16xf32>,
          scf.yield %parallel_loop3A_323 : i32
        } {sc.loop_unroll_factor = 4 : i64, sc.parallel_access}
        %dma_start3A_290 = arith.constant 0 : i32
        %dma_start3A_291 = tpu.memref_slice %arg14[%dma_start3A_290] : memref<2048xf32, #tpu.memory_space<vmem_shared>> -> memref<2048xf32, #tpu.memory_space<vmem_shared>>
        tpu.enqueue_indirect_dma source(%arg41 : memref<128xf32, #tpu.memory_space<vmem>>) target(%dma_start3A_291 : memref<2048xf32, #tpu.memory_space<vmem_shared>>) offsets(%arg40 : memref<128xi32, #tpu.memory_space<vmem>>) semaphore(%arg48 : memref<!tpu.dma_semaphore, #tpu.memory_space<semaphore_mem>>) {add = true}
        %dma_start3A_292 = arith.constant 0 : i32
        %dma_start3A_293 = tpu.memref_slice %arg17[%dma_start3A_292] : memref<2048xf32, #tpu.memory_space<vmem_shared>> -> memref<2048xf32, #tpu.memory_space<vmem_shared>>
        tpu.enqueue_indirect_dma source(%dma_start3A_293 : memref<2048xf32, #tpu.memory_space<vmem_shared>>) target(%arg42 : memref<128xf32, #tpu.memory_space<vmem>>) offsets(%arg40 : memref<128xi32, #tpu.memory_space<vmem>>) semaphore(%arg48 : memref<!tpu.dma_semaphore, #tpu.memory_space<semaphore_mem>>)
        %dma_start3A_294 = arith.constant 0 : i32
        %dma_start3A_295 = tpu.memref_slice %arg19[%dma_start3A_294] : memref<2048xi32, #tpu.memory_space<vmem_shared>> -> memref<2048xi32, #tpu.memory_space<vmem_shared>>
        tpu.enqueue_indirect_dma source(%dma_start3A_295 : memref<2048xi32, #tpu.memory_space<vmem_shared>>) target(%arg43 : memref<128xi32, #tpu.memory_space<vmem>>) offsets(%arg40 : memref<128xi32, #tpu.memory_space<vmem>>) semaphore(%arg48 : memref<!tpu.dma_semaphore, #tpu.memory_space<semaphore_mem>>)
        %dma_wait3A_296 = arith.constant 0 : i32
        %dma_wait3A_297 = tpu.memref_slice %arg14[%dma_wait3A_296] : memref<2048xf32, #tpu.memory_space<vmem_shared>> -> memref<2048xf32, #tpu.memory_space<vmem_shared>>
        tpu.wait_indirect_dma semaphore(%arg48 : memref<!tpu.dma_semaphore, #tpu.memory_space<semaphore_mem>>) src(%arg41 : memref<128xf32, #tpu.memory_space<vmem>>) dst(%dma_wait3A_297 : memref<2048xf32, #tpu.memory_space<vmem_shared>>)
        %dma_wait3A_298 = arith.constant 0 : i32
        %dma_wait3A_299 = tpu.memref_slice %arg17[%dma_wait3A_298] : memref<2048xf32, #tpu.memory_space<vmem_shared>> -> memref<2048xf32, #tpu.memory_space<vmem_shared>>
        tpu.wait_indirect_dma semaphore(%arg48 : memref<!tpu.dma_semaphore, #tpu.memory_space<semaphore_mem>>) src(%dma_wait3A_299 : memref<2048xf32, #tpu.memory_space<vmem_shared>>) dst(%arg42 : memref<128xf32, #tpu.memory_space<vmem>>)
        %dma_wait3A_300 = arith.constant 0 : i32
        %dma_wait3A_301 = tpu.memref_slice %arg19[%dma_wait3A_300] : memref<2048xi32, #tpu.memory_space<vmem_shared>> -> memref<2048xi32, #tpu.memory_space<vmem_shared>>
        tpu.wait_indirect_dma semaphore(%arg48 : memref<!tpu.dma_semaphore, #tpu.memory_space<semaphore_mem>>) src(%dma_wait3A_301 : memref<2048xi32, #tpu.memory_space<vmem_shared>>) dst(%arg43 : memref<128xi32, #tpu.memory_space<vmem>>)
        %broadcast_in_dim3A_302 = arith.constant 0.000000e+00 : f32
        %broadcast_in_dim3A_303 = vector.broadcast %broadcast_in_dim3A_302 : f32 to vector<16xf32>
        %parallel_loop3A_304 = arith.constant 0 : i32
        %parallel_loop3A_305 = arith.constant 128 : i32
        %parallel_loop3A_306 = arith.constant 16 : i32
        %parallel_loop3A_307 = scf.for %parallel_loop3A_322 = %parallel_loop3A_304 to %parallel_loop3A_305 step %parallel_loop3A_306 iter_args(%parallel_loop3A_323 = %broadcast_in_dim3A_303) -> (vector<16xf32>)  : i32 {
          %parallel_loop3A_324 = arith.index_cast %parallel_loop3A_322 : i32 to index
          %parallel_loop3A_325 = tpu.vector_load %arg39[%parallel_loop3A_324] {strides = array<i32>} : memref<128xf32, #tpu.memory_space<vmem>>, vector<16xf32>,
          %parallel_loop3A_326 = arith.index_cast %parallel_loop3A_322 : i32 to index
          %parallel_loop3A_327 = tpu.vector_load %arg42[%parallel_loop3A_326] {strides = array<i32>} : memref<128xf32, #tpu.memory_space<vmem>>, vector<16xf32>,
          %parallel_loop3A_328 = arith.mulf %parallel_loop3A_325, %parallel_loop3A_327 : vector<16xf32>
          %parallel_loop3A_329 = arith.index_cast %parallel_loop3A_322 : i32 to index
          %parallel_loop3A_330 = tpu.vector_load %arg39[%parallel_loop3A_329] {strides = array<i32>} : memref<128xf32, #tpu.memory_space<vmem>>, vector<16xf32>,
          tpu.vector_store %arg39[%parallel_loop3A_329], %parallel_loop3A_328 {strides = array<i32>} : memref<128xf32, #tpu.memory_space<vmem>>, vector<16xf32>,
          %parallel_loop3A_331 = arith.index_cast %parallel_loop3A_322 : i32 to index
          %parallel_loop3A_332 = tpu.vector_load %arg43[%parallel_loop3A_331] {strides = array<i32>} : memref<128xi32, #tpu.memory_space<vmem>>, vector<16xi32>,
          %parallel_loop3A_333 = arith.index_cast %parallel_loop3A_322 : i32 to index
          %parallel_loop3A_334 = tpu.vector_load %arg40[%parallel_loop3A_333] {strides = array<i32>} : memref<128xi32, #tpu.memory_space<vmem>>, vector<16xi32>,
          tpu.vector_store %arg40[%parallel_loop3A_333], %parallel_loop3A_332 {strides = array<i32>} : memref<128xi32, #tpu.memory_space<vmem>>, vector<16xi32>,
          %parallel_loop3A_335 = arith.addf %parallel_loop3A_323, %parallel_loop3A_328 : vector<16xf32>
          scf.yield %parallel_loop3A_335 : vector<16xf32>
        } {sc.loop_unroll_factor = 4 : i64, sc.parallel_access}
        "tpu.region"() ({
          %run_scoped3A = tpu.sem_alloc : memref<!tpu.dma_semaphore, #tpu.memory_space<semaphore_mem>>
          %dma_start3A_322 = tpu.memref_slice %arg18[%mul3A_3] : memref<2048xf32, #tpu.memory_space<vmem_shared>> -> memref<128xf32, #tpu.memory_space<vmem_shared>>
          %dma_start3A_323 = tpu.memref_slice %arg18[%mul3A_3] : memref<2048xf32, #tpu.memory_space<vmem_shared>> -> memref<128xf32, #tpu.memory_space<vmem_shared>>
          tpu.enqueue_dma source(%arg39 : memref<128xf32, #tpu.memory_space<vmem>>) target(%dma_start3A_323 : memref<128xf32, #tpu.memory_space<vmem_shared>>) target_semaphore(%run_scoped3A : memref<!tpu.dma_semaphore, #tpu.memory_space<semaphore_mem>>)
          %dma_wait3A_324 = tpu.memref_slice %arg18[%mul3A_3] : memref<2048xf32, #tpu.memory_space<vmem_shared>> -> memref<128xf32, #tpu.memory_space<vmem_shared>>
          %dma_wait3A_325 = tpu.memref_slice %arg18[%mul3A_3] : memref<2048xf32, #tpu.memory_space<vmem_shared>> -> memref<128xf32, #tpu.memory_space<vmem_shared>>
          tpu.wait_dma2 semaphore(%run_scoped3A : memref<!tpu.dma_semaphore, #tpu.memory_space<semaphore_mem>>) src(%arg39 : memref<128xf32, #tpu.memory_space<vmem>>) dst(%dma_wait3A_325 : memref<128xf32, #tpu.memory_space<vmem_shared>>)
          tpu.yield
        }) : () -> ()
        "tpu.region"() ({
          %run_scoped3A = tpu.sem_alloc : memref<!tpu.dma_semaphore, #tpu.memory_space<semaphore_mem>>
          %dma_start3A_322 = tpu.memref_slice %arg20[%mul3A_3] : memref<2048xi32, #tpu.memory_space<vmem_shared>> -> memref<128xi32, #tpu.memory_space<vmem_shared>>
          %dma_start3A_323 = tpu.memref_slice %arg20[%mul3A_3] : memref<2048xi32, #tpu.memory_space<vmem_shared>> -> memref<128xi32, #tpu.memory_space<vmem_shared>>
          tpu.enqueue_dma source(%arg40 : memref<128xi32, #tpu.memory_space<vmem>>) target(%dma_start3A_323 : memref<128xi32, #tpu.memory_space<vmem_shared>>) target_semaphore(%run_scoped3A : memref<!tpu.dma_semaphore, #tpu.memory_space<semaphore_mem>>)
          %dma_wait3A_324 = tpu.memref_slice %arg20[%mul3A_3] : memref<2048xi32, #tpu.memory_space<vmem_shared>> -> memref<128xi32, #tpu.memory_space<vmem_shared>>
          %dma_wait3A_325 = tpu.memref_slice %arg20[%mul3A_3] : memref<2048xi32, #tpu.memory_space<vmem_shared>> -> memref<128xi32, #tpu.memory_space<vmem_shared>>
          tpu.wait_dma2 semaphore(%run_scoped3A : memref<!tpu.dma_semaphore, #tpu.memory_space<semaphore_mem>>) src(%arg40 : memref<128xi32, #tpu.memory_space<vmem>>) dst(%dma_wait3A_325 : memref<128xi32, #tpu.memory_space<vmem_shared>>)
          tpu.yield
        }) : () -> ()
        %swap3A_308 = arith.constant 0 : index
        %swap3A_309 = tpu.vector_load %arg46[%swap3A_308] {strides = array<i32>} : memref<16xf32, #tpu.memory_space<vmem>>, vector<16xf32>,
        tpu.vector_store %arg46[%swap3A_308], %parallel_loop3A_307 {strides = array<i32>} : memref<16xf32, #tpu.memory_space<vmem>>, vector<16xf32>,
        %mul3A_310 = arith.constant 16 : i32
        %mul3A_311 = arith.muli %arg1, %mul3A_310 : i32
        "tpu.region"() ({
          %run_scoped3A = tpu.sem_alloc : memref<!tpu.dma_semaphore, #tpu.memory_space<semaphore_mem>>
          %dma_start3A_322 = tpu.memref_slice %arg21[%mul3A_311] : memref<256xf32, #tpu.memory_space<vmem_shared>> -> memref<16xf32, #tpu.memory_space<vmem_shared>>
          %dma_start3A_323 = tpu.memref_slice %arg21[%mul3A_311] : memref<256xf32, #tpu.memory_space<vmem_shared>> -> memref<16xf32, #tpu.memory_space<vmem_shared>>
          tpu.enqueue_dma source(%arg46 : memref<16xf32, #tpu.memory_space<vmem>>) target(%dma_start3A_323 : memref<16xf32, #tpu.memory_space<vmem_shared>>) target_semaphore(%run_scoped3A : memref<!tpu.dma_semaphore, #tpu.memory_space<semaphore_mem>>)
          %dma_wait3A_324 = tpu.memref_slice %arg21[%mul3A_311] : memref<256xf32, #tpu.memory_space<vmem_shared>> -> memref<16xf32, #tpu.memory_space<vmem_shared>>
          %dma_wait3A_325 = tpu.memref_slice %arg21[%mul3A_311] : memref<256xf32, #tpu.memory_space<vmem_shared>> -> memref<16xf32, #tpu.memory_space<vmem_shared>>
          tpu.wait_dma2 semaphore(%run_scoped3A : memref<!tpu.dma_semaphore, #tpu.memory_space<semaphore_mem>>) src(%arg46 : memref<16xf32, #tpu.memory_space<vmem>>) dst(%dma_wait3A_325 : memref<16xf32, #tpu.memory_space<vmem_shared>>)
          tpu.yield
        }) : () -> ()
        %barrier3A_312 = arith.constant 0 : index
        tpu.barrier barrier_id(%barrier3A_312)
        "tpu.region"() ({
          %run_scoped3A = tpu.sem_alloc : memref<!tpu.dma_semaphore, #tpu.memory_space<semaphore_mem>>
          %dma_start3A_322 = tpu.memref_slice %arg14[%mul3A_3] : memref<2048xf32, #tpu.memory_space<vmem_shared>> -> memref<128xf32, #tpu.memory_space<vmem_shared>>
          %dma_start3A_323 = tpu.memref_slice %arg14[%mul3A_3] : memref<2048xf32, #tpu.memory_space<vmem_shared>> -> memref<128xf32, #tpu.memory_space<vmem_shared>>
          tpu.enqueue_dma source(%dma_start3A_323 : memref<128xf32, #tpu.memory_space<vmem_shared>>) target(%arg38 : memref<128xf32, #tpu.memory_space<vmem>>) target_semaphore(%run_scoped3A : memref<!tpu.dma_semaphore, #tpu.memory_space<semaphore_mem>>)
          %dma_wait3A_324 = tpu.memref_slice %arg14[%mul3A_3] : memref<2048xf32, #tpu.memory_space<vmem_shared>> -> memref<128xf32, #tpu.memory_space<vmem_shared>>
          %dma_wait3A_325 = tpu.memref_slice %arg14[%mul3A_3] : memref<2048xf32, #tpu.memory_space<vmem_shared>> -> memref<128xf32, #tpu.memory_space<vmem_shared>>
          tpu.wait_dma2 semaphore(%run_scoped3A : memref<!tpu.dma_semaphore, #tpu.memory_space<semaphore_mem>>) src(%dma_wait3A_325 : memref<128xf32, #tpu.memory_space<vmem_shared>>) dst(%arg38 : memref<128xf32, #tpu.memory_space<vmem>>)
          tpu.yield
        }) : () -> ()
        "tpu.region"() ({
          %run_scoped3A = tpu.sem_alloc : memref<!tpu.dma_semaphore, #tpu.memory_space<semaphore_mem>>
          tpu.enqueue_dma source(%arg21 : memref<256xf32, #tpu.memory_space<vmem_shared>>) target(%arg44 : memref<256xf32, #tpu.memory_space<vmem>>) target_semaphore(%run_scoped3A : memref<!tpu.dma_semaphore, #tpu.memory_space<semaphore_mem>>)
          tpu.wait_dma2 semaphore(%run_scoped3A : memref<!tpu.dma_semaphore, #tpu.memory_space<semaphore_mem>>) src(%arg21 : memref<256xf32, #tpu.memory_space<vmem_shared>>) dst(%arg44 : memref<256xf32, #tpu.memory_space<vmem>>)
          tpu.yield
        }) : () -> ()
        %broadcast_in_dim3A_313 = arith.constant 0.000000e+00 : f32
        %broadcast_in_dim3A_314 = vector.broadcast %broadcast_in_dim3A_313 : f32 to vector<16xf32>
        %parallel_loop3A_315 = arith.constant 0 : i32
        %parallel_loop3A_316 = arith.constant 256 : i32
        %parallel_loop3A_317 = arith.constant 16 : i32
        %parallel_loop3A_318 = scf.for %parallel_loop3A_322 = %parallel_loop3A_315 to %parallel_loop3A_316 step %parallel_loop3A_317 iter_args(%parallel_loop3A_323 = %broadcast_in_dim3A_314) -> (vector<16xf32>)  : i32 {
          %parallel_loop3A_324 = arith.index_cast %parallel_loop3A_322 : i32 to index
          %parallel_loop3A_325 = tpu.vector_load %arg44[%parallel_loop3A_324] {strides = array<i32>} : memref<256xf32, #tpu.memory_space<vmem>>, vector<16xf32>,
          %parallel_loop3A_326 = arith.addf %parallel_loop3A_323, %parallel_loop3A_325 : vector<16xf32>
          scf.yield %parallel_loop3A_326 : vector<16xf32>
        } {sc.loop_unroll_factor = 4 : i64, sc.parallel_access}
        %swap3A_319 = arith.constant 0 : index
        %swap3A_320 = tpu.vector_load %arg45[%swap3A_319] {strides = array<i32>} : memref<16xf32, #tpu.memory_space<vmem>>, vector<16xf32>,
        tpu.vector_store %arg45[%swap3A_319], %parallel_loop3A_318 {strides = array<i32>} : memref<16xf32, #tpu.memory_space<vmem>>, vector<16xf32>,
        %barrier3A_321 = arith.constant 0 : index
        tpu.barrier barrier_id(%barrier3A_321)
      } else {
      }
      %get3A_224 = arith.constant 0 : index
      %get3A_225 = tpu.vector_load %arg45[%get3A_224] {strides = array<i32>} : memref<16xf32, #tpu.memory_space<vmem>>, vector<16xf32>,
      %reduce_sum3A_226 = arith.constant true
      %reduce_sum3A_227 = vector.broadcast %reduce_sum3A_226 : i1 to vector<16xi1>
      %reduce_sum3A_228 = tpu.scan <sum>, %get3A_225 masked %reduce_sum3A_227 : vector<16xf32>, vector<16xi1> -> vector<16xf32>
      %reduce_sum3A_229 = vector.extract %reduce_sum3A_228[15] : f32 from vector<16xf32>
      %gt3A_230 = arith.constant 0.000000e+00 : f32
      %gt3A_231 = arith.cmpf ogt, %reduce_sum3A_229, %gt3A_230 : f32
      %convert_element_type3A_232 = arith.extui %gt3A_231 : i1 to i32
      %cond3A_233 = arith.constant 0 : i32
      %cond3A_234 = arith.cmpi ne, %convert_element_type3A_232, %cond3A_233 : i32
      scf.if %cond3A_234 {
        %parallel_loop3A_285 = arith.constant 0 : i32
        %parallel_loop3A_286 = arith.constant 128 : i32
        %parallel_loop3A_287 = arith.constant 16 : i32
        %parallel_loop3A_288 = arith.constant 0 : i32
        %parallel_loop3A_289 = scf.for %parallel_loop3A_322 = %parallel_loop3A_285 to %parallel_loop3A_286 step %parallel_loop3A_287 iter_args(%parallel_loop3A_323 = %parallel_loop3A_288) -> (i32)  : i32 {
          %parallel_loop3A_324 = arith.index_cast %parallel_loop3A_322 : i32 to index
          %parallel_loop3A_325 = tpu.vector_load %arg39[%parallel_loop3A_324] {strides = array<i32>} : memref<128xf32, #tpu.memory_space<vmem>>, vector<16xf32>,
          %parallel_loop3A_326 = arith.index_cast %parallel_loop3A_322 : i32 to index
          %parallel_loop3A_327 = tpu.vector_load %arg38[%parallel_loop3A_326] {strides = array<i32>} : memref<128xf32, #tpu.memory_space<vmem>>, vector<16xf32>,
          %parallel_loop3A_328 = arith.mulf %parallel_loop3A_325, %parallel_loop3A_327 : vector<16xf32>
          %parallel_loop3A_329 = arith.index_cast %parallel_loop3A_322 : i32 to index
          %parallel_loop3A_330 = tpu.vector_load %arg41[%parallel_loop3A_329] {strides = array<i32>} : memref<128xf32, #tpu.memory_space<vmem>>, vector<16xf32>,
          tpu.vector_store %arg41[%parallel_loop3A_329], %parallel_loop3A_328 {strides = array<i32>} : memref<128xf32, #tpu.memory_space<vmem>>, vector<16xf32>,
          scf.yield %parallel_loop3A_323 : i32
        } {sc.loop_unroll_factor = 4 : i64, sc.parallel_access}
        %dma_start3A_290 = arith.constant 0 : i32
        %dma_start3A_291 = tpu.memref_slice %arg14[%dma_start3A_290] : memref<2048xf32, #tpu.memory_space<vmem_shared>> -> memref<2048xf32, #tpu.memory_space<vmem_shared>>
        tpu.enqueue_indirect_dma source(%arg41 : memref<128xf32, #tpu.memory_space<vmem>>) target(%dma_start3A_291 : memref<2048xf32, #tpu.memory_space<vmem_shared>>) offsets(%arg40 : memref<128xi32, #tpu.memory_space<vmem>>) semaphore(%arg48 : memref<!tpu.dma_semaphore, #tpu.memory_space<semaphore_mem>>) {add = true}
        %dma_start3A_292 = arith.constant 0 : i32
        %dma_start3A_293 = tpu.memref_slice %arg18[%dma_start3A_292] : memref<2048xf32, #tpu.memory_space<vmem_shared>> -> memref<2048xf32, #tpu.memory_space<vmem_shared>>
        tpu.enqueue_indirect_dma source(%dma_start3A_293 : memref<2048xf32, #tpu.memory_space<vmem_shared>>) target(%arg42 : memref<128xf32, #tpu.memory_space<vmem>>) offsets(%arg40 : memref<128xi32, #tpu.memory_space<vmem>>) semaphore(%arg48 : memref<!tpu.dma_semaphore, #tpu.memory_space<semaphore_mem>>)
        %dma_start3A_294 = arith.constant 0 : i32
        %dma_start3A_295 = tpu.memref_slice %arg20[%dma_start3A_294] : memref<2048xi32, #tpu.memory_space<vmem_shared>> -> memref<2048xi32, #tpu.memory_space<vmem_shared>>
        tpu.enqueue_indirect_dma source(%dma_start3A_295 : memref<2048xi32, #tpu.memory_space<vmem_shared>>) target(%arg43 : memref<128xi32, #tpu.memory_space<vmem>>) offsets(%arg40 : memref<128xi32, #tpu.memory_space<vmem>>) semaphore(%arg48 : memref<!tpu.dma_semaphore, #tpu.memory_space<semaphore_mem>>)
        %dma_wait3A_296 = arith.constant 0 : i32
        %dma_wait3A_297 = tpu.memref_slice %arg14[%dma_wait3A_296] : memref<2048xf32, #tpu.memory_space<vmem_shared>> -> memref<2048xf32, #tpu.memory_space<vmem_shared>>
        tpu.wait_indirect_dma semaphore(%arg48 : memref<!tpu.dma_semaphore, #tpu.memory_space<semaphore_mem>>) src(%arg41 : memref<128xf32, #tpu.memory_space<vmem>>) dst(%dma_wait3A_297 : memref<2048xf32, #tpu.memory_space<vmem_shared>>)
        %dma_wait3A_298 = arith.constant 0 : i32
        %dma_wait3A_299 = tpu.memref_slice %arg18[%dma_wait3A_298] : memref<2048xf32, #tpu.memory_space<vmem_shared>> -> memref<2048xf32, #tpu.memory_space<vmem_shared>>
        tpu.wait_indirect_dma semaphore(%arg48 : memref<!tpu.dma_semaphore, #tpu.memory_space<semaphore_mem>>) src(%dma_wait3A_299 : memref<2048xf32, #tpu.memory_space<vmem_shared>>) dst(%arg42 : memref<128xf32, #tpu.memory_space<vmem>>)
        %dma_wait3A_300 = arith.constant 0 : i32
        %dma_wait3A_301 = tpu.memref_slice %arg20[%dma_wait3A_300] : memref<2048xi32, #tpu.memory_space<vmem_shared>> -> memref<2048xi32, #tpu.memory_space<vmem_shared>>
        tpu.wait_indirect_dma semaphore(%arg48 : memref<!tpu.dma_semaphore, #tpu.memory_space<semaphore_mem>>) src(%dma_wait3A_301 : memref<2048xi32, #tpu.memory_space<vmem_shared>>) dst(%arg43 : memref<128xi32, #tpu.memory_space<vmem>>)
        %broadcast_in_dim3A_302 = arith.constant 0.000000e+00 : f32
        %broadcast_in_dim3A_303 = vector.broadcast %broadcast_in_dim3A_302 : f32 to vector<16xf32>
        %parallel_loop3A_304 = arith.constant 0 : i32
        %parallel_loop3A_305 = arith.constant 128 : i32
        %parallel_loop3A_306 = arith.constant 16 : i32
        %parallel_loop3A_307 = scf.for %parallel_loop3A_322 = %parallel_loop3A_304 to %parallel_loop3A_305 step %parallel_loop3A_306 iter_args(%parallel_loop3A_323 = %broadcast_in_dim3A_303) -> (vector<16xf32>)  : i32 {
          %parallel_loop3A_324 = arith.index_cast %parallel_loop3A_322 : i32 to index
          %parallel_loop3A_325 = tpu.vector_load %arg39[%parallel_loop3A_324] {strides = array<i32>} : memref<128xf32, #tpu.memory_space<vmem>>, vector<16xf32>,
          %parallel_loop3A_326 = arith.index_cast %parallel_loop3A_322 : i32 to index
          %parallel_loop3A_327 = tpu.vector_load %arg42[%parallel_loop3A_326] {strides = array<i32>} : memref<128xf32, #tpu.memory_space<vmem>>, vector<16xf32>,
          %parallel_loop3A_328 = arith.mulf %parallel_loop3A_325, %parallel_loop3A_327 : vector<16xf32>
          %parallel_loop3A_329 = arith.index_cast %parallel_loop3A_322 : i32 to index
          %parallel_loop3A_330 = tpu.vector_load %arg39[%parallel_loop3A_329] {strides = array<i32>} : memref<128xf32, #tpu.memory_space<vmem>>, vector<16xf32>,
          tpu.vector_store %arg39[%parallel_loop3A_329], %parallel_loop3A_328 {strides = array<i32>} : memref<128xf32, #tpu.memory_space<vmem>>, vector<16xf32>,
          %parallel_loop3A_331 = arith.index_cast %parallel_loop3A_322 : i32 to index
          %parallel_loop3A_332 = tpu.vector_load %arg43[%parallel_loop3A_331] {strides = array<i32>} : memref<128xi32, #tpu.memory_space<vmem>>, vector<16xi32>,
          %parallel_loop3A_333 = arith.index_cast %parallel_loop3A_322 : i32 to index
          %parallel_loop3A_334 = tpu.vector_load %arg40[%parallel_loop3A_333] {strides = array<i32>} : memref<128xi32, #tpu.memory_space<vmem>>, vector<16xi32>,
          tpu.vector_store %arg40[%parallel_loop3A_333], %parallel_loop3A_332 {strides = array<i32>} : memref<128xi32, #tpu.memory_space<vmem>>, vector<16xi32>,
          %parallel_loop3A_335 = arith.addf %parallel_loop3A_323, %parallel_loop3A_328 : vector<16xf32>
          scf.yield %parallel_loop3A_335 : vector<16xf32>
        } {sc.loop_unroll_factor = 4 : i64, sc.parallel_access}
        "tpu.region"() ({
          %run_scoped3A = tpu.sem_alloc : memref<!tpu.dma_semaphore, #tpu.memory_space<semaphore_mem>>
          %dma_start3A_322 = tpu.memref_slice %arg17[%mul3A_3] : memref<2048xf32, #tpu.memory_space<vmem_shared>> -> memref<128xf32, #tpu.memory_space<vmem_shared>>
          %dma_start3A_323 = tpu.memref_slice %arg17[%mul3A_3] : memref<2048xf32, #tpu.memory_space<vmem_shared>> -> memref<128xf32, #tpu.memory_space<vmem_shared>>
          tpu.enqueue_dma source(%arg39 : memref<128xf32, #tpu.memory_space<vmem>>) target(%dma_start3A_323 : memref<128xf32, #tpu.memory_space<vmem_shared>>) target_semaphore(%run_scoped3A : memref<!tpu.dma_semaphore, #tpu.memory_space<semaphore_mem>>)
          %dma_wait3A_324 = tpu.memref_slice %arg17[%mul3A_3] : memref<2048xf32, #tpu.memory_space<vmem_shared>> -> memref<128xf32, #tpu.memory_space<vmem_shared>>
          %dma_wait3A_325 = tpu.memref_slice %arg17[%mul3A_3] : memref<2048xf32, #tpu.memory_space<vmem_shared>> -> memref<128xf32, #tpu.memory_space<vmem_shared>>
          tpu.wait_dma2 semaphore(%run_scoped3A : memref<!tpu.dma_semaphore, #tpu.memory_space<semaphore_mem>>) src(%arg39 : memref<128xf32, #tpu.memory_space<vmem>>) dst(%dma_wait3A_325 : memref<128xf32, #tpu.memory_space<vmem_shared>>)
          tpu.yield
        }) : () -> ()
        "tpu.region"() ({
          %run_scoped3A = tpu.sem_alloc : memref<!tpu.dma_semaphore, #tpu.memory_space<semaphore_mem>>
          %dma_start3A_322 = tpu.memref_slice %arg19[%mul3A_3] : memref<2048xi32, #tpu.memory_space<vmem_shared>> -> memref<128xi32, #tpu.memory_space<vmem_shared>>
          %dma_start3A_323 = tpu.memref_slice %arg19[%mul3A_3] : memref<2048xi32, #tpu.memory_space<vmem_shared>> -> memref<128xi32, #tpu.memory_space<vmem_shared>>
          tpu.enqueue_dma source(%arg40 : memref<128xi32, #tpu.memory_space<vmem>>) target(%dma_start3A_323 : memref<128xi32, #tpu.memory_space<vmem_shared>>) target_semaphore(%run_scoped3A : memref<!tpu.dma_semaphore, #tpu.memory_space<semaphore_mem>>)
          %dma_wait3A_324 = tpu.memref_slice %arg19[%mul3A_3] : memref<2048xi32, #tpu.memory_space<vmem_shared>> -> memref<128xi32, #tpu.memory_space<vmem_shared>>
          %dma_wait3A_325 = tpu.memref_slice %arg19[%mul3A_3] : memref<2048xi32, #tpu.memory_space<vmem_shared>> -> memref<128xi32, #tpu.memory_space<vmem_shared>>
          tpu.wait_dma2 semaphore(%run_scoped3A : memref<!tpu.dma_semaphore, #tpu.memory_space<semaphore_mem>>) src(%arg40 : memref<128xi32, #tpu.memory_space<vmem>>) dst(%dma_wait3A_325 : memref<128xi32, #tpu.memory_space<vmem_shared>>)
          tpu.yield
        }) : () -> ()
        %swap3A_308 = arith.constant 0 : index
        %swap3A_309 = tpu.vector_load %arg46[%swap3A_308] {strides = array<i32>} : memref<16xf32, #tpu.memory_space<vmem>>, vector<16xf32>,
        tpu.vector_store %arg46[%swap3A_308], %parallel_loop3A_307 {strides = array<i32>} : memref<16xf32, #tpu.memory_space<vmem>>, vector<16xf32>,
        %mul3A_310 = arith.constant 16 : i32
        %mul3A_311 = arith.muli %arg1, %mul3A_310 : i32
        "tpu.region"() ({
          %run_scoped3A = tpu.sem_alloc : memref<!tpu.dma_semaphore, #tpu.memory_space<semaphore_mem>>
          %dma_start3A_322 = tpu.memref_slice %arg21[%mul3A_311] : memref<256xf32, #tpu.memory_space<vmem_shared>> -> memref<16xf32, #tpu.memory_space<vmem_shared>>
          %dma_start3A_323 = tpu.memref_slice %arg21[%mul3A_311] : memref<256xf32, #tpu.memory_space<vmem_shared>> -> memref<16xf32, #tpu.memory_space<vmem_shared>>
          tpu.enqueue_dma source(%arg46 : memref<16xf32, #tpu.memory_space<vmem>>) target(%dma_start3A_323 : memref<16xf32, #tpu.memory_space<vmem_shared>>) target_semaphore(%run_scoped3A : memref<!tpu.dma_semaphore, #tpu.memory_space<semaphore_mem>>)
          %dma_wait3A_324 = tpu.memref_slice %arg21[%mul3A_311] : memref<256xf32, #tpu.memory_space<vmem_shared>> -> memref<16xf32, #tpu.memory_space<vmem_shared>>
          %dma_wait3A_325 = tpu.memref_slice %arg21[%mul3A_311] : memref<256xf32, #tpu.memory_space<vmem_shared>> -> memref<16xf32, #tpu.memory_space<vmem_shared>>
          tpu.wait_dma2 semaphore(%run_scoped3A : memref<!tpu.dma_semaphore, #tpu.memory_space<semaphore_mem>>) src(%arg46 : memref<16xf32, #tpu.memory_space<vmem>>) dst(%dma_wait3A_325 : memref<16xf32, #tpu.memory_space<vmem_shared>>)
          tpu.yield
        }) : () -> ()
        %barrier3A_312 = arith.constant 0 : index
        tpu.barrier barrier_id(%barrier3A_312)
        "tpu.region"() ({
          %run_scoped3A = tpu.sem_alloc : memref<!tpu.dma_semaphore, #tpu.memory_space<semaphore_mem>>
          %dma_start3A_322 = tpu.memref_slice %arg14[%mul3A_3] : memref<2048xf32, #tpu.memory_space<vmem_shared>> -> memref<128xf32, #tpu.memory_space<vmem_shared>>
          %dma_start3A_323 = tpu.memref_slice %arg14[%mul3A_3] : memref<2048xf32, #tpu.memory_space<vmem_shared>> -> memref<128xf32, #tpu.memory_space<vmem_shared>>
          tpu.enqueue_dma source(%dma_start3A_323 : memref<128xf32, #tpu.memory_space<vmem_shared>>) target(%arg38 : memref<128xf32, #tpu.memory_space<vmem>>) target_semaphore(%run_scoped3A : memref<!tpu.dma_semaphore, #tpu.memory_space<semaphore_mem>>)
          %dma_wait3A_324 = tpu.memref_slice %arg14[%mul3A_3] : memref<2048xf32, #tpu.memory_space<vmem_shared>> -> memref<128xf32, #tpu.memory_space<vmem_shared>>
          %dma_wait3A_325 = tpu.memref_slice %arg14[%mul3A_3] : memref<2048xf32, #tpu.memory_space<vmem_shared>> -> memref<128xf32, #tpu.memory_space<vmem_shared>>
          tpu.wait_dma2 semaphore(%run_scoped3A : memref<!tpu.dma_semaphore, #tpu.memory_space<semaphore_mem>>) src(%dma_wait3A_325 : memref<128xf32, #tpu.memory_space<vmem_shared>>) dst(%arg38 : memref<128xf32, #tpu.memory_space<vmem>>)
          tpu.yield
        }) : () -> ()
        "tpu.region"() ({
          %run_scoped3A = tpu.sem_alloc : memref<!tpu.dma_semaphore, #tpu.memory_space<semaphore_mem>>
          tpu.enqueue_dma source(%arg21 : memref<256xf32, #tpu.memory_space<vmem_shared>>) target(%arg44 : memref<256xf32, #tpu.memory_space<vmem>>) target_semaphore(%run_scoped3A : memref<!tpu.dma_semaphore, #tpu.memory_space<semaphore_mem>>)
          tpu.wait_dma2 semaphore(%run_scoped3A : memref<!tpu.dma_semaphore, #tpu.memory_space<semaphore_mem>>) src(%arg21 : memref<256xf32, #tpu.memory_space<vmem_shared>>) dst(%arg44 : memref<256xf32, #tpu.memory_space<vmem>>)
          tpu.yield
        }) : () -> ()
        %broadcast_in_dim3A_313 = arith.constant 0.000000e+00 : f32
        %broadcast_in_dim3A_314 = vector.broadcast %broadcast_in_dim3A_313 : f32 to vector<16xf32>
        %parallel_loop3A_315 = arith.constant 0 : i32
        %parallel_loop3A_316 = arith.constant 256 : i32
        %parallel_loop3A_317 = arith.constant 16 : i32
        %parallel_loop3A_318 = scf.for %parallel_loop3A_322 = %parallel_loop3A_315 to %parallel_loop3A_316 step %parallel_loop3A_317 iter_args(%parallel_loop3A_323 = %broadcast_in_dim3A_314) -> (vector<16xf32>)  : i32 {
          %parallel_loop3A_324 = arith.index_cast %parallel_loop3A_322 : i32 to index
          %parallel_loop3A_325 = tpu.vector_load %arg44[%parallel_loop3A_324] {strides = array<i32>} : memref<256xf32, #tpu.memory_space<vmem>>, vector<16xf32>,
          %parallel_loop3A_326 = arith.addf %parallel_loop3A_323, %parallel_loop3A_325 : vector<16xf32>
          scf.yield %parallel_loop3A_326 : vector<16xf32>
        } {sc.loop_unroll_factor = 4 : i64, sc.parallel_access}
        %swap3A_319 = arith.constant 0 : index
        %swap3A_320 = tpu.vector_load %arg45[%swap3A_319] {strides = array<i32>} : memref<16xf32, #tpu.memory_space<vmem>>, vector<16xf32>,
        tpu.vector_store %arg45[%swap3A_319], %parallel_loop3A_318 {strides = array<i32>} : memref<16xf32, #tpu.memory_space<vmem>>, vector<16xf32>,
        %barrier3A_321 = arith.constant 0 : index
        tpu.barrier barrier_id(%barrier3A_321)
      } else {
      }
      %get3A_235 = arith.constant 0 : index
      %get3A_236 = tpu.vector_load %arg45[%get3A_235] {strides = array<i32>} : memref<16xf32, #tpu.memory_space<vmem>>, vector<16xf32>,
      %reduce_sum3A_237 = arith.constant true
      %reduce_sum3A_238 = vector.broadcast %reduce_sum3A_237 : i1 to vector<16xi1>
      %reduce_sum3A_239 = tpu.scan <sum>, %get3A_236 masked %reduce_sum3A_238 : vector<16xf32>, vector<16xi1> -> vector<16xf32>
      %reduce_sum3A_240 = vector.extract %reduce_sum3A_239[15] : f32 from vector<16xf32>
      %gt3A_241 = arith.constant 0.000000e+00 : f32
      %gt3A_242 = arith.cmpf ogt, %reduce_sum3A_240, %gt3A_241 : f32
      %convert_element_type3A_243 = arith.extui %gt3A_242 : i1 to i32
      %cond3A_244 = arith.constant 0 : i32
      %cond3A_245 = arith.cmpi ne, %convert_element_type3A_243, %cond3A_244 : i32
      scf.if %cond3A_245 {
        %parallel_loop3A_285 = arith.constant 0 : i32
        %parallel_loop3A_286 = arith.constant 128 : i32
        %parallel_loop3A_287 = arith.constant 16 : i32
        %parallel_loop3A_288 = arith.constant 0 : i32
        %parallel_loop3A_289 = scf.for %parallel_loop3A_296 = %parallel_loop3A_285 to %parallel_loop3A_286 step %parallel_loop3A_287 iter_args(%parallel_loop3A_297 = %parallel_loop3A_288) -> (i32)  : i32 {
          %parallel_loop3A_298 = arith.index_cast %parallel_loop3A_296 : i32 to index
          %parallel_loop3A_299 = tpu.vector_load %arg39[%parallel_loop3A_298] {strides = array<i32>} : memref<128xf32, #tpu.memory_space<vmem>>, vector<16xf32>,
          %parallel_loop3A_300 = arith.index_cast %parallel_loop3A_296 : i32 to index
          %parallel_loop3A_301 = tpu.vector_load %arg38[%parallel_loop3A_300] {strides = array<i32>} : memref<128xf32, #tpu.memory_space<vmem>>, vector<16xf32>,
          %parallel_loop3A_302 = arith.mulf %parallel_loop3A_299, %parallel_loop3A_301 : vector<16xf32>
          %parallel_loop3A_303 = arith.index_cast %parallel_loop3A_296 : i32 to index
          %parallel_loop3A_304 = tpu.vector_load %arg41[%parallel_loop3A_303] {strides = array<i32>} : memref<128xf32, #tpu.memory_space<vmem>>, vector<16xf32>,
          tpu.vector_store %arg41[%parallel_loop3A_303], %parallel_loop3A_302 {strides = array<i32>} : memref<128xf32, #tpu.memory_space<vmem>>, vector<16xf32>,
          scf.yield %parallel_loop3A_297 : i32
        } {sc.loop_unroll_factor = 4 : i64, sc.parallel_access}
        %dma_start3A_290 = arith.constant 0 : i32
        %dma_start3A_291 = tpu.memref_slice %arg14[%dma_start3A_290] : memref<2048xf32, #tpu.memory_space<vmem_shared>> -> memref<2048xf32, #tpu.memory_space<vmem_shared>>
        tpu.enqueue_indirect_dma source(%arg41 : memref<128xf32, #tpu.memory_space<vmem>>) target(%dma_start3A_291 : memref<2048xf32, #tpu.memory_space<vmem_shared>>) offsets(%arg40 : memref<128xi32, #tpu.memory_space<vmem>>) semaphore(%arg48 : memref<!tpu.dma_semaphore, #tpu.memory_space<semaphore_mem>>) {add = true}
        %dma_wait3A_292 = arith.constant 0 : i32
        %dma_wait3A_293 = tpu.memref_slice %arg14[%dma_wait3A_292] : memref<2048xf32, #tpu.memory_space<vmem_shared>> -> memref<2048xf32, #tpu.memory_space<vmem_shared>>
        tpu.wait_indirect_dma semaphore(%arg48 : memref<!tpu.dma_semaphore, #tpu.memory_space<semaphore_mem>>) src(%arg41 : memref<128xf32, #tpu.memory_space<vmem>>) dst(%dma_wait3A_293 : memref<2048xf32, #tpu.memory_space<vmem_shared>>)
        %barrier3A_294 = arith.constant 0 : index
        tpu.barrier barrier_id(%barrier3A_294)
        "tpu.region"() ({
          %run_scoped3A = tpu.sem_alloc : memref<!tpu.dma_semaphore, #tpu.memory_space<semaphore_mem>>
          %dma_start3A_296 = tpu.memref_slice %arg14[%mul3A_3] : memref<2048xf32, #tpu.memory_space<vmem_shared>> -> memref<128xf32, #tpu.memory_space<vmem_shared>>
          %dma_start3A_297 = tpu.memref_slice %arg14[%mul3A_3] : memref<2048xf32, #tpu.memory_space<vmem_shared>> -> memref<128xf32, #tpu.memory_space<vmem_shared>>
          tpu.enqueue_dma source(%dma_start3A_297 : memref<128xf32, #tpu.memory_space<vmem_shared>>) target(%arg38 : memref<128xf32, #tpu.memory_space<vmem>>) target_semaphore(%run_scoped3A : memref<!tpu.dma_semaphore, #tpu.memory_space<semaphore_mem>>)
          %dma_wait3A_298 = tpu.memref_slice %arg14[%mul3A_3] : memref<2048xf32, #tpu.memory_space<vmem_shared>> -> memref<128xf32, #tpu.memory_space<vmem_shared>>
          %dma_wait3A_299 = tpu.memref_slice %arg14[%mul3A_3] : memref<2048xf32, #tpu.memory_space<vmem_shared>> -> memref<128xf32, #tpu.memory_space<vmem_shared>>
          tpu.wait_dma2 semaphore(%run_scoped3A : memref<!tpu.dma_semaphore, #tpu.memory_space<semaphore_mem>>) src(%dma_wait3A_299 : memref<128xf32, #tpu.memory_space<vmem_shared>>) dst(%arg38 : memref<128xf32, #tpu.memory_space<vmem>>)
          tpu.yield
        }) : () -> ()
        %barrier3A_295 = arith.constant 0 : index
        tpu.barrier barrier_id(%barrier3A_295)
      } else {
      }
      %parallel_loop3A_246 = arith.constant 0 : i32
      %parallel_loop3A_247 = arith.constant 128 : i32
      %parallel_loop3A_248 = arith.constant 16 : i32
      %parallel_loop3A_249 = arith.constant 0 : i32
      %parallel_loop3A_250 = scf.for %parallel_loop3A_285 = %parallel_loop3A_246 to %parallel_loop3A_247 step %parallel_loop3A_248 iter_args(%parallel_loop3A_286 = %parallel_loop3A_249) -> (i32)  : i32 {
        %parallel_loop3A_287 = arith.index_cast %parallel_loop3A_285 : i32 to index
        %parallel_loop3A_288 = tpu.vector_load %arg32[%parallel_loop3A_287] {strides = array<i32>} : memref<128xf32, #tpu.memory_space<vmem>>, vector<16xf32>,
        %parallel_loop3A_289 = arith.index_cast %parallel_loop3A_285 : i32 to index
        %parallel_loop3A_290 = tpu.vector_load %arg38[%parallel_loop3A_289] {strides = array<i32>} : memref<128xf32, #tpu.memory_space<vmem>>, vector<16xf32>,
        %parallel_loop3A_291 = arith.mulf %parallel_loop3A_288, %parallel_loop3A_290 : vector<16xf32>
        %parallel_loop3A_292 = arith.index_cast %parallel_loop3A_285 : i32 to index
        %parallel_loop3A_293 = tpu.vector_load %arg41[%parallel_loop3A_292] {strides = array<i32>} : memref<128xf32, #tpu.memory_space<vmem>>, vector<16xf32>,
        tpu.vector_store %arg41[%parallel_loop3A_292], %parallel_loop3A_291 {strides = array<i32>} : memref<128xf32, #tpu.memory_space<vmem>>, vector<16xf32>,
        scf.yield %parallel_loop3A_286 : i32
      } {sc.loop_unroll_factor = 4 : i64, sc.parallel_access}
      %dma_start3A_251 = arith.constant 0 : i32
      %dma_start3A_252 = tpu.memref_slice %arg15[%dma_start3A_251] : memref<2048xf32, #tpu.memory_space<vmem_shared>> -> memref<2048xf32, #tpu.memory_space<vmem_shared>>
      tpu.enqueue_indirect_dma source(%arg41 : memref<128xf32, #tpu.memory_space<vmem>>) target(%dma_start3A_252 : memref<2048xf32, #tpu.memory_space<vmem_shared>>) offsets(%arg31 : memref<128xi32, #tpu.memory_space<vmem>>) semaphore(%arg48 : memref<!tpu.dma_semaphore, #tpu.memory_space<semaphore_mem>>) {add = true}
      %broadcast_in_dim3A_253 = arith.constant 0.000000e+00 : f32
      %broadcast_in_dim3A_254 = vector.broadcast %broadcast_in_dim3A_253 : f32 to vector<16xf32>
      %parallel_loop3A_255 = arith.constant 0 : i32
      %parallel_loop3A_256 = arith.constant 128 : i32
      %parallel_loop3A_257 = arith.constant 16 : i32
      %parallel_loop3A_258 = scf.for %parallel_loop3A_285 = %parallel_loop3A_255 to %parallel_loop3A_256 step %parallel_loop3A_257 iter_args(%parallel_loop3A_286 = %broadcast_in_dim3A_254) -> (vector<16xf32>)  : i32 {
        %parallel_loop3A_287 = arith.index_cast %parallel_loop3A_285 : i32 to index
        %parallel_loop3A_288 = tpu.vector_load %arg38[%parallel_loop3A_287] {strides = array<i32>} : memref<128xf32, #tpu.memory_space<vmem>>, vector<16xf32>,
        %parallel_loop3A_289 = arith.index_cast %parallel_loop3A_285 : i32 to index
        %parallel_loop3A_290 = tpu.vector_load %arg33[%parallel_loop3A_289] {strides = array<i32>} : memref<128xf32, #tpu.memory_space<vmem>>, vector<16xf32>,
        %parallel_loop3A_291 = arith.mulf %parallel_loop3A_290, %parallel_loop3A_288 : vector<16xf32>
        %parallel_loop3A_292 = arith.addf %parallel_loop3A_286, %parallel_loop3A_291 : vector<16xf32>
        %parallel_loop3A_293 = arith.index_cast %parallel_loop3A_285 : i32 to index
        %parallel_loop3A_294 = tpu.vector_load %arg34[%parallel_loop3A_293] {strides = array<i32>} : memref<128xf32, #tpu.memory_space<vmem>>, vector<16xf32>,
        %parallel_loop3A_295 = arith.index_cast %parallel_loop3A_285 : i32 to index
        %parallel_loop3A_296 = tpu.vector_load %arg35[%parallel_loop3A_295] {strides = array<i32>} : memref<128xf32, #tpu.memory_space<vmem>>, vector<16xf32>,
        tpu.vector_store %arg35[%parallel_loop3A_295], %parallel_loop3A_294 {strides = array<i32>} : memref<128xf32, #tpu.memory_space<vmem>>, vector<16xf32>,
        %parallel_loop3A_297 = arith.index_cast %parallel_loop3A_285 : i32 to index
        %parallel_loop3A_298 = tpu.vector_load %arg34[%parallel_loop3A_297] {strides = array<i32>} : memref<128xf32, #tpu.memory_space<vmem>>, vector<16xf32>,
        tpu.vector_store %arg34[%parallel_loop3A_297], %parallel_loop3A_288 {strides = array<i32>} : memref<128xf32, #tpu.memory_space<vmem>>, vector<16xf32>,
        scf.yield %parallel_loop3A_292 : vector<16xf32>
      } {sc.loop_unroll_factor = 4 : i64, sc.parallel_access}
      %swap3A_259 = arith.constant 0 : index
      %swap3A_260 = tpu.vector_load %arg46[%swap3A_259] {strides = array<i32>} : memref<16xf32, #tpu.memory_space<vmem>>, vector<16xf32>,
      tpu.vector_store %arg46[%swap3A_259], %parallel_loop3A_258 {strides = array<i32>} : memref<16xf32, #tpu.memory_space<vmem>>, vector<16xf32>,
      %mul3A_261 = arith.constant 16 : i32
      %mul3A_262 = arith.muli %arg1, %mul3A_261 : i32
      "tpu.region"() ({
        %run_scoped3A = tpu.sem_alloc : memref<!tpu.dma_semaphore, #tpu.memory_space<semaphore_mem>>
        %dma_start3A_285 = tpu.memref_slice %arg21[%mul3A_262] : memref<256xf32, #tpu.memory_space<vmem_shared>> -> memref<16xf32, #tpu.memory_space<vmem_shared>>
        %dma_start3A_286 = tpu.memref_slice %arg21[%mul3A_262] : memref<256xf32, #tpu.memory_space<vmem_shared>> -> memref<16xf32, #tpu.memory_space<vmem_shared>>
        tpu.enqueue_dma source(%arg46 : memref<16xf32, #tpu.memory_space<vmem>>) target(%dma_start3A_286 : memref<16xf32, #tpu.memory_space<vmem_shared>>) target_semaphore(%run_scoped3A : memref<!tpu.dma_semaphore, #tpu.memory_space<semaphore_mem>>)
        %dma_wait3A_287 = tpu.memref_slice %arg21[%mul3A_262] : memref<256xf32, #tpu.memory_space<vmem_shared>> -> memref<16xf32, #tpu.memory_space<vmem_shared>>
        %dma_wait3A_288 = tpu.memref_slice %arg21[%mul3A_262] : memref<256xf32, #tpu.memory_space<vmem_shared>> -> memref<16xf32, #tpu.memory_space<vmem_shared>>
        tpu.wait_dma2 semaphore(%run_scoped3A : memref<!tpu.dma_semaphore, #tpu.memory_space<semaphore_mem>>) src(%arg46 : memref<16xf32, #tpu.memory_space<vmem>>) dst(%dma_wait3A_288 : memref<16xf32, #tpu.memory_space<vmem_shared>>)
        tpu.yield
      }) : () -> ()
      %dma_wait3A_263 = arith.constant 0 : i32
      %dma_wait3A_264 = tpu.memref_slice %arg15[%dma_wait3A_263] : memref<2048xf32, #tpu.memory_space<vmem_shared>> -> memref<2048xf32, #tpu.memory_space<vmem_shared>>
      tpu.wait_indirect_dma semaphore(%arg48 : memref<!tpu.dma_semaphore, #tpu.memory_space<semaphore_mem>>) src(%arg41 : memref<128xf32, #tpu.memory_space<vmem>>) dst(%dma_wait3A_264 : memref<2048xf32, #tpu.memory_space<vmem_shared>>)
      %barrier3A_265 = arith.constant 0 : index
      tpu.barrier barrier_id(%barrier3A_265)
      "tpu.region"() ({
        %run_scoped3A = tpu.sem_alloc : memref<!tpu.dma_semaphore, #tpu.memory_space<semaphore_mem>>
        %dma_start3A_285 = tpu.memref_slice %arg15[%mul3A_3] : memref<2048xf32, #tpu.memory_space<vmem_shared>> -> memref<128xf32, #tpu.memory_space<vmem_shared>>
        %dma_start3A_286 = tpu.memref_slice %arg15[%mul3A_3] : memref<2048xf32, #tpu.memory_space<vmem_shared>> -> memref<128xf32, #tpu.memory_space<vmem_shared>>
        tpu.enqueue_dma source(%dma_start3A_286 : memref<128xf32, #tpu.memory_space<vmem_shared>>) target(%arg36 : memref<128xf32, #tpu.memory_space<vmem>>) target_semaphore(%run_scoped3A : memref<!tpu.dma_semaphore, #tpu.memory_space<semaphore_mem>>)
        %dma_wait3A_287 = tpu.memref_slice %arg15[%mul3A_3] : memref<2048xf32, #tpu.memory_space<vmem_shared>> -> memref<128xf32, #tpu.memory_space<vmem_shared>>
        %dma_wait3A_288 = tpu.memref_slice %arg15[%mul3A_3] : memref<2048xf32, #tpu.memory_space<vmem_shared>> -> memref<128xf32, #tpu.memory_space<vmem_shared>>
        tpu.wait_dma2 semaphore(%run_scoped3A : memref<!tpu.dma_semaphore, #tpu.memory_space<semaphore_mem>>) src(%dma_wait3A_288 : memref<128xf32, #tpu.memory_space<vmem_shared>>) dst(%arg36 : memref<128xf32, #tpu.memory_space<vmem>>)
        tpu.yield
      }) : () -> ()
      "tpu.region"() ({
        %run_scoped3A = tpu.sem_alloc : memref<!tpu.dma_semaphore, #tpu.memory_space<semaphore_mem>>
        tpu.enqueue_dma source(%arg21 : memref<256xf32, #tpu.memory_space<vmem_shared>>) target(%arg44 : memref<256xf32, #tpu.memory_space<vmem>>) target_semaphore(%run_scoped3A : memref<!tpu.dma_semaphore, #tpu.memory_space<semaphore_mem>>)
        tpu.wait_dma2 semaphore(%run_scoped3A : memref<!tpu.dma_semaphore, #tpu.memory_space<semaphore_mem>>) src(%arg21 : memref<256xf32, #tpu.memory_space<vmem_shared>>) dst(%arg44 : memref<256xf32, #tpu.memory_space<vmem>>)
        tpu.yield
      }) : () -> ()
      %broadcast_in_dim3A_266 = arith.constant 0.000000e+00 : f32
      %broadcast_in_dim3A_267 = vector.broadcast %broadcast_in_dim3A_266 : f32 to vector<16xf32>
      %parallel_loop3A_268 = arith.constant 0 : i32
      %parallel_loop3A_269 = arith.constant 256 : i32
      %parallel_loop3A_270 = arith.constant 16 : i32
      %parallel_loop3A_271 = scf.for %parallel_loop3A_285 = %parallel_loop3A_268 to %parallel_loop3A_269 step %parallel_loop3A_270 iter_args(%parallel_loop3A_286 = %broadcast_in_dim3A_267) -> (vector<16xf32>)  : i32 {
        %parallel_loop3A_287 = arith.index_cast %parallel_loop3A_285 : i32 to index
        %parallel_loop3A_288 = tpu.vector_load %arg44[%parallel_loop3A_287] {strides = array<i32>} : memref<256xf32, #tpu.memory_space<vmem>>, vector<16xf32>,
        %parallel_loop3A_289 = arith.addf %parallel_loop3A_286, %parallel_loop3A_288 : vector<16xf32>
        scf.yield %parallel_loop3A_289 : vector<16xf32>
      } {sc.loop_unroll_factor = 4 : i64, sc.parallel_access}
      %reduce_sum3A_272 = arith.constant true
      %reduce_sum3A_273 = vector.broadcast %reduce_sum3A_272 : i1 to vector<16xi1>
      %reduce_sum3A_274 = tpu.scan <sum>, %parallel_loop3A_271 masked %reduce_sum3A_273 : vector<16xf32>, vector<16xi1> -> vector<16xf32>
      %reduce_sum3A_275 = vector.extract %reduce_sum3A_274[15] : f32 from vector<16xf32>
      %iota3A = tpu.iota {dimensions = array<i32: 0>} : vector<16xi32>
      %eq3A_276 = vector.broadcast %scan3A_21 : i32 to vector<16xi32>
      %eq3A_277 = arith.cmpi eq, %iota3A, %eq3A_276 : vector<16xi32>
      %get3A_278 = arith.constant 0 : index
      %get3A_279 = tpu.vector_load %arg47[%get3A_278] {strides = array<i32>} : memref<16xf32, #tpu.memory_space<vmem>>, vector<16xf32>,
      %jit3A = arith.constant 0.000000e+00 : f32
      %broadcast_in_dim3A_280 = vector.broadcast %reduce_sum3A_275 : f32 to vector<16xf32>
      %broadcast_in_dim3A_281 = vector.broadcast %jit3A : f32 to vector<16xf32>
      %select_n3A = arith.select %eq3A_277, %broadcast_in_dim3A_280, %broadcast_in_dim3A_281 : vector<16xi1>, vector<16xf32>
      %add3A = arith.addf %get3A_279, %select_n3A : vector<16xf32>
      %swap3A_282 = arith.constant 0 : index
      %swap3A_283 = tpu.vector_load %arg47[%swap3A_282] {strides = array<i32>} : memref<16xf32, #tpu.memory_space<vmem>>, vector<16xf32>,
      tpu.vector_store %arg47[%swap3A_282], %add3A {strides = array<i32>} : memref<16xf32, #tpu.memory_space<vmem>>, vector<16xf32>,
      %scan3A_284 = arith.constant 0 : i32
      scf.yield %scan3A_284 : i32
    }
    %scan3A_19 = arith.constant 16 : i32
    %convert_element_type3A = arith.extui %and3A : i1 to i32
    %cond3A = arith.constant 0 : i32
    %cond3A_20 = arith.cmpi ne, %convert_element_type3A, %cond3A : i32
    scf.if %cond3A_20 {
      "tpu.region"() ({
        %run_scoped3A = tpu.sem_alloc : memref<!tpu.dma_semaphore, #tpu.memory_space<semaphore_mem>>
        tpu.enqueue_dma source(%arg47 : memref<16xf32, #tpu.memory_space<vmem>>) target(%arg13 : memref<16xf32, #tpu.memory_space<hbm>>) target_semaphore(%run_scoped3A : memref<!tpu.dma_semaphore, #tpu.memory_space<semaphore_mem>>)
        tpu.wait_dma2 semaphore(%run_scoped3A : memref<!tpu.dma_semaphore, #tpu.memory_space<semaphore_mem>>) src(%arg47 : memref<16xf32, #tpu.memory_space<vmem>>) dst(%arg13 : memref<16xf32, #tpu.memory_space<hbm>>)
        tpu.yield
      }) : () -> ()
    } else {
    }
    return
  }
}

</mosaic_0001>

<sc_bundles>
// kernel: kernel.3.cloned.1.call-start
scs
__scs_entry_jumppad:
0x0: {  	(pc) =	sbr.rel $0x88, $3  }
0x1: {  	(tag) =	ssettag $0x0;
	lr =	simm.s32 $0x1  }
0x2: {  	[smem:$0x3F97] =	sst lr;
	_ =	strace $0xD0000000  }
0x3: {  	_ = 	snop  }
0x4: {  	_ = 	snop  }
0x5: {  	_ = 	snop  }
0x6: {  	_ = 	snop  }
0x7: {  	_ = 	snop  }
__scs_overlays_trampoline_lowered:
0x8: {  	[smem:$0x3FA6] =	sst s0  }
0x9: {  	[smem:$0x3FA7] =	sst s1  }
0xa: {  	[smem:$0x3FA8] =	sst s2  }
0xb: {  	[smem:$0x3FA9] =	sst s3  }
0xc: {  	[smem:$0x3FAA] =	sst s4  }
0xd: {  	[smem:$0x3FAB] =	sst s5  }
0xe: {  	[smem:$0x3FAC] =	sst s6  }
0xf: {  	[smem:$0x3FAD] =	sst s7  }
0x10: {  	[smem:$0x3FAE] =	sst s8  }
0x11: {  	[smem:$0x3FAF] =	sst s9;
	s0 =	simm.s32 @!p0 $0x0  }
0x12: {  	s1 =	sld [smem:$0x3F95];
	s0 =	simm.s32 @p0 $0x1  }
0x13: {  	[smem:$0x3FB0] =	sst s0;
	s0 =	simm.s32 @!p1 $0x0  }
0x14: {  	s2 =	sld [smem:$0x3F94];
	s0 =	simm.s32 @p1 $0x1  }
0x15: {  	[smem:$0x3FB1] =	sst s0;
	s0 =	simm.s32 @!p2 $0x0  }
0x16: {  	s3 =	sld [smem:$0x3FDB];
	s0 =	simm.s32 @p2 $0x1  }
0x17: {  	s4 =	simm.s32 $0x1BF5;
	[smem:$0x3FB3] =	sst s0  }
0x18: {  	s0 =	sld [smem:$0x3F96];
	_ =	swait.ge [sflag:s4], $0x0  }
0x19: {  	s7 =	sld [smem:$0x3F97]  }
0x1a: {  	s8 =	sadd.s32 $0xFFFFE003, lr  }
0x1b: {  	s9 =	sadd.s32 $0xFFFFFEF7, lr;
	s5 =	simm.s32 $0xFFFFFFFF;
	p2 =	slt.u32 s8, $0xFFFFF086  }
0x1c: {  	p1 =	slt.u32 s9, $0xF7A;
	s5 =	simm.s32 @!p2 $0x0  }
0x1d: {  	s5 =	simm.s32 @p1 $0x1;
	p0 =	seq.s32 s7, s2  }
0x1e: {  	s7 =	smul.u32 @!p0 $0xF7A, s2;
	p2 =	seq.s32 @!p0 s5, $0x0  }
0x1f: {  	s9 =	smul.u32 $0xF7A, s1;
	s8 =	simm.s32 @!p0 $0x1BF5;
	p2 =	por !p2, p0  }
0x20: {  	[sflag:s8] =	ssyncset.s32 @!p0 $0xFFFFF086;
	s6 =	sadd.s32 @!p0 s3, s7;
	s7 =	simm.s32 @!p0 $0x108  }
0x21: {  	s3 =	sadd.s32 s3, s9;
	s6 =	sadd.s32 @!p0 $0x88, s6;
	s7 =	simm.s32 @p2 $0x1082  }
0x22: {  	[simem:s7], [sflag:s8] =	dma.local @!p0 [hbm:s6], $0xF7A  }
0x23: {  	s9 =	sor.u32 $0xD0000000, s2;
	s6 =	simm.s32 $0x108;
	_ =	swait.ge @!p0 [sflag:s8], $0x0  }
0x24: {  	s3 =	sadd.s32 $0x88, s3;
	s6 =	simm.s32 @!p1 $0x1082;
	[sflag:s4] =	ssyncset.s32 $0xFFFFF086  }
0x25: {  	[simem:s6], [sflag:s4] =	dma.local [hbm:s3], $0xF7A  }
0x26: {  	[smem:$0x3F97] =	sst s1;
	(tag) =	ssettag s2;
	_ =	strace s9  }
0x27: {  	s1 =	sld [smem:$0x3FA7]  }
0x28: {  	s2 =	sld [smem:$0x3FA8]  }
0x29: {  	s4 =	sld [smem:$0x3FAA]  }
0x2a: {  	p0 =	seq.s32 s5, $0x0;
	s5 =	sld [smem:$0x3FAB]  }
0x2b: {  	s6 =	sld [smem:$0x3FAC]  }
0x2c: {  	s7 =	sld [smem:$0x3FAD]  }
0x2d: {  	s3 =	simm.s32 $0x108;
	s8 =	sld [smem:$0x3FAE]  }
0x2e: {  	s3 =	simm.s32 @!p0 $0x1082;
	s9 =	sld [smem:$0x3FAF]  }
0x2f: {  	lr =	sadd.s32 s0, s3;
	s0 =	sld [smem:$0x3FA6]  }
0x30: {  	s3 =	sld [smem:$0x3FA9]  }
0x31: {  	[smem:$0x3FB2] =	sst s10  }
0x32: {  	s10 =	sld [smem:$0x3FB0];
	_ =	sdelay $0x3  }
0x33: {  	p0 =	seq.s32 s10, $0x1;
	s10 =	sld [smem:$0x3FB2];
	_ =	sdelay $0x3  }
0x34: {  	[smem:$0x3FB2] =	sst s10  }
0x35: {  	s10 =	sld [smem:$0x3FB1];
	_ =	sdelay $0x3  }
0x36: {  	p1 =	seq.s32 s10, $0x1;
	s10 =	sld [smem:$0x3FB2];
	_ =	sdelay $0x3  }
0x37: {  	[smem:$0x3FB2] =	sst s10  }
0x38: {  	s10 =	sld [smem:$0x3FB3]  }
0x39: {  	_ = 	snop;
	(pc) =	sbr.ind lr, $3  }
0x3a: {  	_ = 	snop  }
0x3b: {  	_ = 	snop  }
0x3c: {  	p2 =	seq.s32 s10, $0x1;
	s10 =	sld [smem:$0x3FB2]  }
0x3d: {  	_ =	shalt  }
0x3e: {  	_ =	shalt  }
0x3f: {  	_ =	shalt  }
0x40: {  	_ =	shalt  }
0x41: {  	_ =	shalt  }
0x42: {  	_ =	shalt  }
0x43: {  	_ =	shalt  }
0x44: {  	_ =	shalt  }
0x45: {  	_ =	shalt  }
0x46: {  	_ =	shalt  }
0x47: {  	_ =	shalt  }
0x48: {  	_ =	shalt  }
0x49: {  	_ =	shalt  }
0x4a: {  	_ =	shalt  }
0x4b: {  	_ =	shalt  }
0x4c: {  	_ =	shalt  }
0x4d: {  	_ =	shalt  }
0x4e: {  	_ =	shalt  }
0x4f: {  	_ =	shalt  }
0x50: {  	_ =	shalt  }
0x51: {  	_ =	shalt  }
0x52: {  	_ =	shalt  }
0x53: {  	_ =	shalt  }
0x54: {  	_ =	shalt  }
0x55: {  	_ =	shalt  }
0x56: {  	_ =	shalt  }
0x57: {  	_ =	shalt  }
0x58: {  	_ =	shalt  }
0x59: {  	_ =	shalt  }
0x5a: {  	_ =	shalt  }
0x5b: {  	_ =	shalt  }
0x5c: {  	_ =	shalt  }
0x5d: {  	_ =	shalt  }
0x5e: {  	_ =	shalt  }
0x5f: {  	_ =	shalt  }
0x60: {  	_ =	shalt  }
0x61: {  	_ =	shalt  }
0x62: {  	_ =	shalt  }
0x63: {  	_ =	shalt  }
0x64: {  	_ =	shalt  }
0x65: {  	_ =	shalt  }
0x66: {  	_ =	shalt  }
0x67: {  	_ =	shalt  }
0x68: {  	_ =	shalt  }
0x69: {  	_ =	shalt  }
0x6a: {  	_ =	shalt  }
0x6b: {  	_ =	shalt  }
0x6c: {  	_ =	shalt  }
0x6d: {  	_ =	shalt  }
0x6e: {  	_ =	shalt  }
0x6f: {  	_ =	shalt  }
0x70: {  	_ =	shalt  }
0x71: {  	_ =	shalt  }
0x72: {  	_ =	shalt  }
0x73: {  	_ =	shalt  }
0x74: {  	_ =	shalt  }
0x75: {  	_ =	shalt  }
0x76: {  	_ =	shalt  }
0x77: {  	_ =	shalt  }
0x78: {  	_ =	shalt  }
0x79: {  	_ =	shalt  }
0x7a: {  	_ =	shalt  }
0x7b: {  	_ =	shalt  }
0x7c: {  	_ =	shalt  }
0x7d: {  	_ =	shalt  }
0x7e: {  	_ =	shalt  }
0x7f: {  	_ =	shalt  }
0x80: {  	_ =	shalt  }
0x81: {  	_ =	shalt  }
0x82: {  	_ =	shalt  }
0x83: {  	_ =	shalt  }
0x84: {  	_ =	shalt  }
0x85: {  	_ =	shalt  }
0x86: {  	_ =	shalt  }
0x87: {  	_ =	shalt  }
.Lfunc_end0:
.L_simem_size_0:
called_computation_lowered:
.L_overlay_start_0:
0x88: {  	s2 =	sld [smem:$0x3FD9]  }
0x89: {  	s3 =	sld [smem:$0x3FFE];
	_ =	sdelay $0x1  }
0x8a: {  	s1 =	srdreg.scid  }
0x8b: {  	s0 =	sand.u32 $0x1, s1  }
0x8c: {  	s28 =	sshll.u32 s0, $0xA;
	s2 =	sadd.s32 s3, s2  }
0x8d: {  	s2 =	sadd.s32 s2, s28  }
0x8e: {  	[smem:$0x3FBE] =	sst s2  }
0x8f: {  	_ = 	snop  }
0x90: {  	s29 =	sld [smem:$0x3FC9]  }
0x91: {  	s4 =	sld [smem:$0x3FC8]  }
0x92: {  	s5 =	sld [smem:$0x3FC7]  }
0x93: {  	s6 =	sld [smem:$0x3FC6]  }
0x94: {  	s7 =	sld [smem:$0x3FC5]  }
0x95: {  	s8 =	sld [smem:$0x3FC4]  }
0x96: {  	s9 =	sld [smem:$0x3FC3]  }
0x97: {  	s10 =	sld [smem:$0x3FC2]  }
0x98: {  	s2 =	sld [smem:$0x3FD0];
	(tm) =	ssettm $0x1  }
0x99: {  	s11 =	sld [smem:$0x3FFB];
	_ =	sdelay $0x3  }
0x9a: {  	_ =	strace s11  }
0x9b: {  	s11 =	sld [smem:$0x3FFC];
	_ =	sdelay $0x3  }
0x9c: {  	_ =	strace s11  }
0x9d: {  	s11 =	sld [smem:$0x3FFD];
	_ =	sdelay $0x3  }
0x9e: {  	_ =	strace s11  }
0x9f: {  	_ =	strace $0x8FFFFFFF  }
0xa0: {  	s30 =	sld [smem:$0x3FDB];
	_ =	sdelay $0x1  }
0xa1: {  	s12 =	simm.s32 $_scs_section_size  }
0xa2: {  	s13 =	simm.s32 $_size__tile_task_arg_handler_lowered;
	s14 =	simm.s32 $_tile_task_arg_handler_lowered  }
0xa3: {  	s17 =	simm.s32 $0x1BFF;
	s16 =	sshll.u32 s14, $0x1;
	s12 =	sadd.s32 s12, s30  }
0xa4: {  	s15 =	simm.s32 $0x60;
	s31 =	sshll.u32 s13, $0x1;
	s13 =	sadd.s32 s16, s12  }
0xa5: {  	[timem:s15], [sflag:s17] =	dma.local [hbm:s13], s31  }
0xa6: {  	_ =	swait.ge [sflag:s17], s31  }
0xa7: {  	s18 =	simm.s32 $_tile_overlayer_lowered;
	s11 =	ssub.s32 $0x0, s31;
	[sflag:s17] =	ssyncset.done $0x0  }
0xa8: {  	s19 =	simm.s32 $_size__tile_overlayer_lowered;
	s13 =	sshll.u32 s18, $0x1;
	[sflag:s17] =	ssyncadd.s32 s11  }
0xa9: {  	s21 =	simm.s32 $0x0;
	s20 =	sshll.u32 s19, $0x1;
	s13 =	sadd.s32 s13, s12  }
0xaa: {  	[timem:s21], [sflag:s17] =	dma.local [hbm:s13], s20  }
0xab: {  	_ =	swait.ge [sflag:s17], s20  }
0xac: {  	s22 =	ssub.s32 $0x0, s20;
	[sflag:s17] =	ssyncset.done $0x0  }
0xad: {  	[sflag:s17] =	ssyncadd.s32 s22;
	_ =	sdelay $0x1  }
0xae: {  	s23 =	simm.s32 $0x1B8B  }
0xaf: {  	_ =	swait.ge [sflag:s23], $0x1  }
0xb0: {  	[sflag:s23] =	ssyncset.done $0x0  }
0xb1: {  	s25 =	simm.s32 $0x1B8E;
	s24 =	sld [smem:$0x3FFE];
	[sflag:s23] =	ssyncadd.s32 $0xFFFFFFFF  }
0xb2: {  	s26 =	simm.s32 $execute0_lowered;
	[smem:$0x3FD2] =	sst s25  }
0xb3: {  	s14 =	sshll.u32 s26, $0x1;
	_ =	strace $0x80000046;
	[dreg:$0x1] =	wrdreg $0xFFFFFFFF  }
0xb4: {  	s28 =	simm.s32 $_size_execute0_lowered;
	s12 =	sadd.s32 s12, s14;
	[dreg:$0x0] =	wrdreg $0x0  }
0xb5: {  	s14 =	sshll.u32 s28, $0x1;
	[dreg:$0x2] =	wrdreg s12  }
0xb6: {  	[dreg:$0x3] =	wrdreg s14  }
0xb7: {  	[dreg:$0x4] =	wrdreg $0xC0  }
0xb8: {  	_ =	task [dreg:s21], $0x5FFFF  }
0xb9: {  	[dreg:$0x1] =	wrdreg $0xFFFFFFFF  }
0xba: {  	[dreg:$0x0] =	wrdreg $0x30  }
0xbb: {  	[dreg:$0x2] =	wrdreg $0x0  }
0xbc: {  	[dreg:$0x3] =	wrdreg $0x800  }
0xbd: {  	[dreg:$0x4] =	wrdreg $0x2000  }
0xbe: {  	[dreg:$0x5] =	wrdreg $0x3000  }
0xbf: {  	[dreg:$0x6] =	wrdreg $0x3800  }
0xc0: {  	[dreg:$0x7] =	wrdreg $0x9  }
0xc1: {  	_ =	task [dreg:s21], $0x8FFFF  }
0xc2: {  	[dreg:$0x1] =	wrdreg $0xFFFFFFFF  }
0xc3: {  	[dreg:$0x0] =	wrdreg $0x60  }
0xc4: {  	[dreg:$0x2] =	wrdreg s29  }
0xc5: {  	[dreg:$0x3] =	wrdreg s4  }
0xc6: {  	[dreg:$0x4] =	wrdreg s5  }
0xc7: {  	[dreg:$0x5] =	wrdreg s6  }
0xc8: {  	[dreg:$0x6] =	wrdreg s7  }
0xc9: {  	[dreg:$0x7] =	wrdreg s8  }
0xca: {  	[dreg:$0x8] =	wrdreg s9  }
0xcb: {  	[dreg:$0x9] =	wrdreg s10  }
0xcc: {  	[dreg:$0xa] =	wrdreg s24  }
0xcd: {  	[dreg:$0xb] =	wrdreg s2  }
0xce: {  	[dreg:$0xc] =	wrdreg $0x1000  }
0xcf: {  	[dreg:$0xd] =	wrdreg $0x1800  }
0xd0: {  	[dreg:$0xe] =	wrdreg $0x2800  }
0xd1: {  	[dreg:$0xf] =	wrdreg $0x0  }
0xd2: {  	_ =	task.clear_ibuf [dreg:s21], $0x10FFFF;
	_ =	strace $0x90000046  }
0xd3: {  	s29 =	simm.s32 $0x9;
	_ =	strace $0x80000048  }
0xd4: {  	_ =	swait.ge [sflag:s29], $0x1  }
0xd5: {  	[sflag:s29] =	ssyncadd.s32 $0xFFFFFFFF  }
0xd6: {  	_ =	strace $0x90000048  }
0xd7: {  	_ =	sfence  }
0xd8: {  	s30 =	sld [smem:$0x0];
	_ =	sdelay $0x2  }
0xd9: {  	s31 =	sshll.u32 s1, $0xD;
	s1 =	sshrl.u32 s1, $0x2  }
0xda: {  	s3 =	sand.u32 $0x4000, s31;
	s1 =	sadd.s32 s1, s30  }
0xdb: {  	s0 =	sor.u32 s3, s0;
	s1 =	sshll.u32 s1, $0x11  }
0xdc: {  	s0 =	sor.u32 s1, s0  }
0xdd: {  	s0 =	sadd.s32 $0x8F2B, s0  }
0xde: {  	[sflag:s0] =	ssyncadd.remote.s32 $0x1  }
0xdf: {  	_ =	sfence.sel $0xFFFF  }
0xe0: {  	[dreg:$0x0] =	wrdreg $0xFFFFFFFF;
	(pc) =	sbr.abs _section_cstart, $3  }
0xe1: {  	[dreg:$0x1] =	wrdreg $0xFFFFFFFF  }
0xe2: {  	_ =	task.clear_ibuf [dreg:s21], $0x2FFFF;
	_ =	strace $0x9FFFFFFF  }
0xe3: {  	(tm) =	ssettm $0x7FFFFFFF  }
tec
_tile_task_arg_handler_lowered:
.L_overlay_start_1:
0x0: {  	(tag) =	ssettag $0x1  }
0x1: {  	s0 =	rddreg [dreg:$0x0]  }
0x2: {  	s1 =	rddreg [dreg:$0x1]  }
0x3: {  	s2 =	rddreg [dreg:$0x2]  }
0x4: {  	s3 =	rddreg [dreg:$0x3]  }
0x5: {  	s4 =	rddreg [dreg:$0x4]  }
0x6: {  	s5 =	rddreg [dreg:$0x5]  }
0x7: {  	s6 =	rddreg [dreg:$0x6]  }
0x8: {  	s7 =	rddreg [dreg:$0x7]  }
0x9: {  	s8 =	rddreg [dreg:$0x8]  }
0xa: {  	s9 =	rddreg [dreg:$0x9]  }
0xb: {  	s10 =	rddreg [dreg:$0xa]  }
0xc: {  	s11 =	rddreg [dreg:$0xb]  }
0xd: {  	s12 =	rddreg [dreg:$0xc]  }
0xe: {  	s13 =	rddreg [dreg:$0xd]  }
0xf: {  	[smem:s0] =	sst s1  }
0x10: {  	[smem:s0+$0x1] =	sst s2  }
0x11: {  	[smem:s0+$0x2] =	sst s3  }
0x12: {  	[smem:s0+$0x3] =	sst s4  }
0x13: {  	[smem:s0+$0x4] =	sst s5  }
0x14: {  	[smem:s0+$0x5] =	sst s6  }
0x15: {  	[smem:s0+$0x6] =	sst s7  }
0x16: {  	[smem:s0+$0x7] =	sst s8  }
0x17: {  	[smem:s0+$0x8] =	sst s9  }
0x18: {  	[smem:s0+$0x9] =	sst s10  }
0x19: {  	[smem:s0+$0xA] =	sst s11  }
0x1a: {  	[smem:s0+$0xB] =	sst s12  }
0x1b: {  	[smem:s0+$0xC] =	sst s13;
	_ =	shalt  }
.Lfunc_end2:
execute0_lowered:
.L_overlay_start_2:
0x1c: {  	(tag) =	ssettag $0x2  }
0x1d: {  	s0 =	rddreg [dreg:$0x0]  }
0x1e: {  	s1 =	rddreg [dreg:$0x1]  }
0x1f: {  	s2 =	rddreg [dreg:$0x2]  }
0x20: {  	s3 =	rddreg [dreg:$0x3]  }
0x21: {  	s5 =	rddreg [dreg:$0x4]  }
0x22: {  	s6 =	rddreg [dreg:$0x5]  }
0x23: {  	s7 =	rddreg [dreg:$0x6]  }
0x24: {  	s8 =	rddreg [dreg:$0x7]  }
0x25: {  	s12 =	rddreg [dreg:$0x8]  }
0x26: {  	s17 =	rddreg [dreg:$0xa]  }
0x27: {  	s18 =	rddreg [dreg:$0xb]  }
0x28: {  	s19 =	rddreg [dreg:$0xc]  }
0x29: {  	s4 =	rddreg [dreg:$0xd];
	s9 =	simm.s32 $0x0  }
0x2a: {  	[smem:$0x7FF] =	sst s9  }
0x2b: {  	s23 =	sld [smem:$0x0]  }
0x2c: {  	s9 =	sld [smem:$0x1]  }
0x2d: {  	s13 =	srdreg.scid;
	s10 =	sld [smem:$0x2]  }
0x2e: {  	s20 =	stileid.u32;
	s14 =	sld [smem:$0x4]  }
0x2f: {  	s13 =	sand.u32 $0x1, s13;
	s22 =	sshll.u32 s20, $0x7;
	s11 =	sld [smem:$0x3]  }
0x30: {  	s15 =	ssub.s32 $0x2, s13;
	s13 =	sor.u32 s20, s13;
	s24 =	sadd.s32 s0, s22  }
0x31: {  	s25 =	sadd.s32 s22, s18;
	s26 =	sadd.s32 s22, s19;
	[dreg:$0xf] =	wrdreg s14  }
0x32: {  	s21 =	sadd.s32 s22, s23;
	_ =	strace $0x80000047;
	[dreg:$0x10] =	wrdreg s13  }
0x33: {  	s28 =	sadd.s32 s22, s4;
	s0 =	simm.s32 $0x2;
	[dreg:$0x1d] =	wrdreg s21  }
0x34: {  	s18 =	simm.s32 $0xB90;
	s14 =	sshll.u32 s20, $0x4;
	[dreg:$0xe] =	wrdreg s23  }
0x35: {  	s19 =	simm.s32 $0xC90;
	s1 =	sadd.s32 s1, s14;
	[dreg:$0x1b] =	wrdreg s24  }
0x36: {  	s16 =	sshrl.u32 s15, $0x1;
	s29 =	sadd.s32 s2, s14;
	[dreg:$0x11] =	wrdreg s1  }
0x37: {  	s15 =	ssub.s32 s15, s16;
	s2 =	sadd.s32 s3, s14;
	[dreg:$0x12] =	wrdreg s29  }
0x38: {  	s30 =	sadd.s32 s22, s9;
	s3 =	sadd.s32 s5, s14;
	[dreg:$0x13] =	wrdreg s2  }
0x39: {  	s31 =	sadd.s32 s22, s10;
	s5 =	sadd.s32 s6, s14;
	[dreg:$0x14] =	wrdreg s3  }
0x3a: {  	s12 =	sadd.s32 s14, s12;
	s6 =	sadd.s32 s7, s14;
	[dreg:$0x15] =	wrdreg s5  }
0x3b: {  	s7 =	sadd.s32 s8, s14;
	s21 =	simm.s32 $0xE10;
	[dreg:$0x16] =	wrdreg s6  }
0x3c: {  	[dreg:$0x17] =	wrdreg s7;
	s8 =	sadd.s32 $0x200, s12;
	s16 =	sadd.s32 $0x400, s12  }
0x3d: {  	s20 =	sadd.s32 $0x600, s12;
	s29 =	sadd.s32 s22, s17;
	s7 =	sadd.s32 s14, s11  }
0x3e: {  	s22 =	smax.u32 s15, $0x1;
	s6 =	simm.s32 $0x810;
	[dreg:$0x18] =	wrdreg s8  }
0x3f: {  	s15 =	simm.s32 $0x80;
	s17 =	simm.s32 $0xC10;
	[dreg:$0x19] =	wrdreg s16  }
0x40: {  	s5 =	simm.s32 $0xE90;
	s3 =	simm.s32 $0x0;
	[dreg:$0x1a] =	wrdreg s20  }
0x41: {  	v0 =	vimm.s32 $0xFFFFFF81;
	v1 =	vimm.f32 $1.000000010e-01;
	[dreg:$0x1e] =	wrdreg s22;
	s16 =	simm.s32 $0xD90;
	s20 =	simm.s32 $0xD10  }
0x42: {  	v2 =	vimm.f32 $0.0e+00;
	v3 =	vimm.f32 $1.000000000e+00;
	v4 =	vlaneseq.u32;
	s22 =	simm.s32 $0x1;
	s8 =	simm.s32 $0x1010;
	[dreg:$0x1c] =	wrdreg s29  }
.LBB3_1:
0x43: {  	[dreg:$0x1f] =	wrdreg s3  }
0x44: {  	s1 =	simm.s32 $0x0;
	s2 =	rddreg [dreg:$0x11];
	s24 =	simm.s32 $0x410  }
0x45: {  	[tilespmem:s24], [sflag:$0x2] =	stream.linear.gather [hbm4b:s2+s1], $0x80, $0x38;
	[tilespmem:$0x1110] =	vst v63  }
0x46: {  	_ =	swait.ge [sflag:s0], $0x80  }
0x47: {  	[sflag:s0] =	ssyncset.done $0x0  }
0x48: {  	s12 =	simm.s32 $0x490;
	s3 =	rddreg [dreg:$0x12];
	[sflag:s0] =	ssyncadd.s32 $0xFFFFFF80  }
0x49: {  	[tilespmem:s12], [sflag:$0x2] =	stream.linear.gather [hbm4b:s3+s1], $0x80, $0x38;
	[tilespmem:$0x1110] =	vst v63  }
0x4a: {  	_ =	swait.ge [sflag:s0], $0x80  }
0x4b: {  	[sflag:s0] =	ssyncset.done $0x0  }
0x4c: {  	s14 =	simm.s32 $0x510;
	s13 =	rddreg [dreg:$0x13];
	[sflag:s0] =	ssyncadd.s32 $0xFFFFFF80  }
0x4d: {  	[tilespmem:s14], [sflag:$0x2] =	stream.linear.gather [hbm4b:s13+s1], $0x80, $0x38;
	[tilespmem:$0x1110] =	vst v63  }
0x4e: {  	_ =	swait.ge [sflag:s0], $0x80  }
0x4f: {  	[sflag:s0] =	ssyncset.done $0x0  }
0x50: {  	s24 =	simm.s32 $0x610;
	s23 =	rddreg [dreg:$0x14];
	[sflag:s0] =	ssyncadd.s32 $0xFFFFFF80  }
0x51: {  	[tilespmem:s24], [sflag:$0x2] =	stream.linear.gather [hbm4b:s23+s1], $0x80, $0x38;
	[tilespmem:$0x1110] =	vst v63  }
0x52: {  	_ =	swait.ge [sflag:s0], $0x80  }
0x53: {  	[sflag:s0] =	ssyncset.done $0x0  }
0x54: {  	s12 =	simm.s32 $0x690;
	s3 =	rddreg [dreg:$0x15];
	[sflag:s0] =	ssyncadd.s32 $0xFFFFFF80  }
0x55: {  	[tilespmem:s12], [sflag:$0x2] =	stream.linear.gather [hbm4b:s3+s1], $0x80, $0x38;
	[tilespmem:$0x1110] =	vst v63  }
0x56: {  	_ =	swait.ge [sflag:s0], $0x80  }
0x57: {  	[sflag:s0] =	ssyncset.done $0x0  }
0x58: {  	s14 =	simm.s32 $0x710;
	s13 =	rddreg [dreg:$0x16];
	[sflag:s0] =	ssyncadd.s32 $0xFFFFFF80  }
0x59: {  	[tilespmem:s14], [sflag:$0x2] =	stream.linear.gather [hbm4b:s13+s1], $0x80, $0x38;
	[tilespmem:$0x1110] =	vst v63  }
0x5a: {  	_ =	swait.ge [sflag:s0], $0x80  }
0x5b: {  	[sflag:s0] =	ssyncset.done $0x0  }
0x5c: {  	s24 =	simm.s32 $0x790;
	s23 =	rddreg [dreg:$0x17];
	[sflag:s0] =	ssyncadd.s32 $0xFFFFFF80  }
0x5d: {  	[tilespmem:s24], [sflag:$0x2] =	stream.linear.gather [hbm4b:s23+s1], $0x80, $0x38;
	[tilespmem:$0x1110] =	vst v63  }
0x5e: {  	_ =	swait.ge [sflag:s0], $0x80  }
0x5f: {  	[sflag:s0] =	ssyncset.done $0x0  }
0x60: {  	s3 =	rddreg [dreg:$0x18];
	[sflag:s0] =	ssyncadd.s32 $0xFFFFFF80  }
0x61: {  	[tilespmem:s6], [sflag:$0x2] =	stream.linear.gather [hbm4b:s3+s1], $0x80, $0x38;
	[tilespmem:$0x1110] =	vst v63  }
0x62: {  	_ =	swait.ge [sflag:s0], $0x80  }
0x63: {  	[sflag:s0] =	ssyncset.done $0x0  }
0x64: {  	s13 =	simm.s32 $0x890;
	s12 =	rddreg [dreg:$0x19];
	[sflag:s0] =	ssyncadd.s32 $0xFFFFFF80  }
0x65: {  	[tilespmem:s13], [sflag:$0x2] =	stream.linear.gather [hbm4b:s12+s1], $0x80, $0x38;
	[tilespmem:$0x1110] =	vst v63  }
0x66: {  	_ =	swait.ge [sflag:s0], $0x80  }
0x67: {  	[sflag:s0] =	ssyncset.done $0x0  }
0x68: {  	s23 =	simm.s32 $0x910;
	s14 =	rddreg [dreg:$0x1a];
	[sflag:s0] =	ssyncadd.s32 $0xFFFFFF80  }
0x69: {  	[tilespmem:s23], [sflag:$0x2] =	stream.linear.gather [hbm4b:s14+s1], $0x80, $0x38;
	[tilespmem:$0x1110] =	vst v63  }
0x6a: {  	_ =	swait.ge [sflag:s0], $0x80  }
0x6b: {  	[sflag:s0] =	ssyncset.done $0x0  }
0x6c: {  	s24 =	simm.s32 $0x4A0;
	[sflag:s0] =	ssyncadd.s32 $0xFFFFFF80  }
0x6d: {  	v5 =	vld [tilespmem:s24+$0x0];
	_ =	sdelay $0x4  }
0x6e: {  	v11 =	vmax.f32 v5, $9.999999970e-07  }
0x6f: {  	v5 =	vand.u32 $0x7FFFFF, v11  }
0x70: {  	v5 =	vor.u32 $0x3F800000, v5  }
0x71: {  	v6 =	vmul.f32 $5.000000000e-01, v5  }
0x72: {  	vm1 =	vge.f32 v5, $1.414213540e+00  }
0x73: {  	v6 =	vsel vm1, v6, v5;
	v5 =	vld [tilespmem:s24+$0xFFFFFFF0]  }
0x74: {  	v7 =	vadd.f32 $1.000000000e+00, v6;
	_ =	sdelay $0x1  }
0x75: {  	(erf) = vrcp.f32 v7;
	_ =	sdelay $0x1  }
0x76: {  	v5 =	vmax.f32 v5, $9.999999970e-07  }
0x77: {  	v7 =	vand.u32 $0x7FFFFF, v5  }
0x78: {  	v7 =	vor.u32 $0x3F800000, v7  }
0x79: {  	v8 =	vmul.f32 $5.000000000e-01, v7  }
0x7a: {  	vm0 =	vge.f32 v7, $1.414213540e+00  }
0x7b: {  	v7 =	vsel vm0, v8, v7  }
0x7c: {  	v6 =	vadd.f32 $-1.000000000e+00, v6;
	v8 =	vadd.f32 $1.000000000e+00, v7  }
0x7d: {  	v9 =	vpop (erf)  }
0x7e: {  	v6 =	vmul.f32 v9, v6;
	(erf) = vrcp.f32 v8;
	_ =	sdelay $0x1  }
0x7f: {  	v8 =	vmul.f32 v6, v6;
	_ =	sdelay $0x1  }
0x80: {  	v9 =	vmul.f32 $1.111111120e-01, v8;
	_ =	sdelay $0x1  }
0x81: {  	v9 =	vadd.f32 $1.428571490e-01, v9;
	_ =	sdelay $0x1  }
0x82: {  	s1 =	simm.s32 $0x4C0;
	v7 =	vadd.f32 $-1.000000000e+00, v7;
	v9 =	vmul.f32 v9, v8  }
0x83: {  	v10 =	vld [tilespmem:s1+$0x0];
	v12 =	vpop (erf)  }
0x84: {  	v9 =	vadd.f32 $2.000000030e-01, v9;
	v12 =	vmul.f32 v12, v7;
	_ =	sdelay $0x1  }
0x85: {  	v14 =	vld [tilespmem:s1+$0xFFFFFFF0];
	v9 =	vmul.f32 v9, v8;
	v13 =	vmul.f32 v12, v12;
	_ =	sdelay $0x1  }
0x86: {  	v7 =	vmax.f32 v10, $9.999999970e-07;
	v9 =	vadd.f32 $3.333333430e-01, v9;
	v10 =	vmul.f32 $1.111111120e-01, v13  }
0x87: {  	v16 =	vshra.s32 v11, $0x17;
	v17 =	vsel vm1, $0xFFFFFF82, v0;
	v15 =	vand.u32 $0x7FFFFF, v7  }
0x88: {  	v8 =	vmul.f32 v9, v8;
	v9 =	vadd.f32 $1.428571490e-01, v10;
	v10 =	vor.u32 $0x3F800000, v15  }
0x89: {  	v15 =	vadd.s32 v16, v17;
	v16 =	vadd.f32 v6, v6;
	v6 =	vmax.f32 v14, $9.999999970e-07  }
0x8a: {  	v15 =	vcvt.s32.f32 v15;
	v8 =	vadd.f32 $1.000000000e+00, v8;
	v9 =	vmul.f32 v9, v13  }
0x8b: {  	v14 =	vmul.f32 $5.000000000e-01, v10;
	v17 =	vand.u32 $0x7FFFFF, v6;
	vm1 =	vge.f32 v10, $1.414213540e+00  }
0x8c: {  	v15 =	vmul.f32 $6.931471820e-01, v15;
	v8 =	vmul.f32 v8, v16;
	v9 =	vadd.f32 $2.000000030e-01, v9  }
0x8d: {  	v10 =	vsel vm1, v14, v10;
	v16 =	vor.u32 $0x3F800000, v17  }
0x8e: {  	v14 =	vmul.f32 $5.000000000e-01, v16;
	v8 =	vadd.f32 v8, v15;
	v9 =	vmul.f32 v9, v13  }
0x8f: {  	vm2 =	vge.f32 v16, $1.414213540e+00;
	v15 =	vadd.f32 $1.000000000e+00, v10  }
0x90: {  	v14 =	vsel vm2, v14, v16;
	v8 =	vmul.f32 $5.000000000e-01, v8;
	v9 =	vadd.f32 $3.333333430e-01, v9  }
0x91: {  	(erf) = vrcp.f32 v15;
	v15 =	vadd.f32 $1.000000000e+00, v14  }
0x92: {  	v12 =	vadd.f32 v12, v12;
	v8 =	vmul.f32 $1.442695020e+00, v8;
	v9 =	vmul.f32 v9, v13  }
0x93: {  	v17 =	vshra.s32 v5, $0x17;
	v16 =	vsel vm0, $0xFFFFFF82, v0;
	(erf) = vrcp.f32 v15  }
0x94: {  	v13 =	vadd.s32 v17, v16;
	(erf) = vpow2.f32 v8;
	v9 =	vadd.f32 $1.000000000e+00, v9  }
0x95: {  	v8 =	vcvt.s32.f32 v13  }
0x96: {  	v9 =	vmul.f32 v9, v12  }
0x97: {  	v8 =	vmul.f32 $6.931471820e-01, v8;
	_ =	sdelay $0x1  }
0x98: {  	v10 =	vadd.f32 $-1.000000000e+00, v10;
	v8 =	vadd.f32 v9, v8  }
0x99: {  	v9 =	vpop (erf)  }
0x9a: {  	v8 =	vmul.f32 $5.000000000e-01, v8;
	v10 =	vmul.f32 v9, v10  }
0x9b: {  	v9 =	vadd.f32 $-1.000000000e+00, v14;
	v12 =	vpop (erf)  }
0x9c: {  	s14 =	simm.s32 $0x4E0;
	v8 =	vmul.f32 $1.442695020e+00, v8;
	v13 =	vmul.f32 v10, v10;
	v15 =	vpop (erf)  }
0x9d: {  	s6 =	simm.s32 $0x520;
	v14 =	vld [tilespmem:s14+$0x0];
	v12 =	vmul.f32 v12, v9;
	[tilespmem:s24+$0x0] =	vst v15  }
0x9e: {  	(erf) = vpow2.f32 v8;
	v9 =	vmul.f32 $1.111111120e-01, v13;
	v8 =	vld [tilespmem:s6+$0x0];
	_ =	sdelay $0x1  }
0x9f: {  	v18 =	vadd.f32 $1.428571490e-01, v9  }
0xa0: {  	v19 =	vsel vm2, $0xFFFFFF82, v0;
	v16 =	vld [tilespmem:s14+$0xFFFFFFF0];
	v17 =	vshra.s32 v6, $0x17  }
0xa1: {  	v9 =	vmax.f32 v14, $9.999999970e-07;
	v14 =	vadd.s32 v17, v19;
	v17 =	vmul.f32 v18, v13  }
0xa2: {  	v15 =	vmul.f32 v12, v12;
	v57 =	vmax.f32 v8, $1.000000050e-03  }
0xa3: {  	v18 =	vand.u32 $0x7FFFFF, v9;
	(erf) = vrcp.f32 v57;
	v17 =	vadd.f32 $2.000000030e-01, v17  }
0xa4: {  	v20 =	vmul.f32 $1.111111120e-01, v15;
	v18 =	vor.u32 $0x3F800000, v18  }
0xa5: {  	v8 =	vmax.f32 v16, $9.999999970e-07;
	v16 =	vmul.f32 $5.000000000e-01, v18;
	v17 =	vmul.f32 v17, v13  }
0xa6: {  	v60 =	vshra.s32 v7, $0x17;
	vm0 =	vge.f32 v18, $1.414213540e+00  }
0xa7: {  	v19 =	vadd.f32 $1.428571490e-01, v20;
	v16 =	vsel vm0, v16, v18;
	v17 =	vadd.f32 $3.333333430e-01, v17  }
0xa8: {  	v23 =	vsel vm1, $0xFFFFFF82, v0;
	v10 =	vadd.f32 v10, v10;
	v21 =	vadd.f32 $1.000000000e+00, v16  }
0xa9: {  	v58 =	vand.u32 $0x7FFFFF, v8;
	v19 =	vmul.f32 v19, v15;
	v13 =	vmul.f32 v17, v13  }
0xaa: {  	v18 =	vor.u32 $0x3F800000, v58;
	v59 =	vpop (erf);
	(erf) = vrcp.f32 v21;
	v21 =	vadd.s32 v60, v23  }
0xab: {  	v22 =	vmul.f32 $5.000000000e-01, v18;
	[tilespmem:s24+$0xFFFFFFF0] =	vst v59;
	v17 =	vcvt.s32.f32 v21;
	v13 =	vadd.f32 $1.000000000e+00, v13  }
0xac: {  	v19 =	vadd.f32 $2.000000030e-01, v19;
	vm1 =	vge.f32 v18, $1.414213540e+00;
	v20 =	vld [tilespmem:s6+$0xFFFFFFF0];
	v61 =	vpop (erf)  }
0xad: {  	s23 =	simm.s32 $0x420;
	v18 =	vsel vm1, v22, v18;
	v17 =	vmul.f32 $6.931471820e-01, v17;
	[tilespmem:s6+$0x0] =	vst v61;
	v10 =	vmul.f32 v13, v10  }
0xae: {  	v19 =	vmul.f32 v19, v15;
	v22 =	vadd.f32 $1.000000000e+00, v18;
	v13 =	vld [tilespmem:s23+$0x0]  }
0xaf: {  	v10 =	vadd.f32 v10, v17  }
0xb0: {  	v19 =	vadd.f32 $3.333333430e-01, v19;
	(erf) = vrcp.f32 v22  }
0xb1: {  	v20 =	vmax.f32 v20, $1.000000050e-03;
	v63 =	vmul.f32 $5.000000000e-01, v10  }
0xb2: {  	v15 =	vmul.f32 v19, v15;
	v19 =	vshra.s32 v8, $0x17;
	(erf) = vrcp.f32 v20  }
0xb3: {  	v12 =	vadd.f32 v12, v12;
	v11 =	vmul.f32 v13, v11;
	v13 =	vmul.f32 $1.442695020e+00, v63  }
0xb4: {  	v14 =	vcvt.s32.f32 v14;
	v62 =	vsel vm1, $0xFFFFFF82, v0;
	v15 =	vadd.f32 $1.000000000e+00, v15  }
0xb5: {  	v16 =	vadd.f32 $-1.000000000e+00, v16;
	v17 =	vadd.s32 v19, v62;
	v19 =	vpop (erf);
	(erf) = vpow2.f32 v13  }
0xb6: {  	v14 =	vmul.f32 $6.931471820e-01, v14;
	v15 =	vmul.f32 v15, v12  }
0xb7: {  	v17 =	vcvt.s32.f32 v17;
	v12 =	vmul.f32 v19, v16  }
0xb8: {  	v18 =	vadd.f32 $-1.000000000e+00, v18;
	v15 =	vadd.f32 v15, v14  }
0xb9: {  	s24 =	simm.s32 $0x5A0;
	v10 =	vmul.f32 $6.931471820e-01, v17;
	v14 =	vmul.f32 v12, v12;
	v16 =	vpop (erf)  }
0xba: {  	s13 =	simm.s32 $0x9A0;
	v17 =	vmul.f32 v16, v18;
	v18 =	vmul.f32 $5.000000000e-01, v15;
	[tilespmem:s24+$0x0] =	vst v11  }
0xbb: {  	s2 =	simm.s32 $0xA20;
	v16 =	vmul.f32 $1.111111120e-01, v14;
	[tilespmem:s13+$0x0] =	vst v1  }
0xbc: {  	s29 =	simm.s32 $0x500;
	s3 =	simm.s32 $0x40;
	s12 =	simm.s32 $0xAA0;
	v15 =	vpop (erf);
	v13 =	vmul.f32 v17, v17;
	v11 =	vadd.f32 v17, v17;
	v17 =	vmul.f32 $1.442695020e+00, v18;
	[tilespmem:s2+$0x0] =	vst v1  }
.LBB3_2:
0xbd: {  	v18 =	vld [tilespmem:s29+$0x0];
	v16 =	vadd.f32 $1.428571490e-01, v16;
	[tilespmem:s12+$0x0] =	vst v2  }
0xbe: {  	v19 =	vld [tilespmem:s29+$0xFFFFFFF0];
	v20 =	vmul.f32 $1.111111120e-01, v13;
	(erf) = vpow2.f32 v17;
	v17 =	vpop (erf);
	[tilespmem:s6+$0xFFFFFFF0] =	vst v15  }
0xbf: {  	s6 =	sadd.s32 $0x20, s6;
	v15 =	vmul.f32 v16, v14;
	[tilespmem:s1+$0x0] =	vst v17;
	v16 =	vld [tilespmem:s23+$0xFFFFFFF0]  }
0xc0: {  	v17 =	vadd.f32 $1.428571490e-01, v20;
	v20 =	vld [tilespmem:s6+$0x0]  }
0xc1: {  	s3 =	sadd.s32 $0x20, s3;
	v15 =	vadd.f32 $2.000000030e-01, v15  }
0xc2: {  	p0 =	slt.u32 s3, $0x60;
	v18 =	vmax.f32 v18, $9.999999970e-07;
	v17 =	vmul.f32 v17, v13  }
0xc3: {  	v19 =	vmax.f32 v19, $9.999999970e-07;
	v21 =	vand.u32 $0x7FFFFF, v18;
	v15 =	vmul.f32 v15, v14  }
0xc4: {  	v23 =	vshra.s32 v9, $0x17;
	v22 =	vand.u32 $0x7FFFFF, v19;
	v21 =	vor.u32 $0x3F800000, v21  }
0xc5: {  	v24 =	vmul.f32 $5.000000000e-01, v21;
	v26 =	vadd.f32 $3.333333430e-01, v15;
	v20 =	vmax.f32 v20, $1.000000050e-03  }
0xc6: {  	v25 =	vsel vm0, $0xFFFFFF82, v0;
	vm0 =	vge.f32 v21, $1.414213540e+00;
	(erf) = vrcp.f32 v20  }
0xc7: {  	v20 =	vsel vm0, v24, v21;
	v21 =	vadd.s32 v23, v25;
	v14 =	vmul.f32 v26, v14;
	v15 =	vpop (erf)  }
0xc8: {  	v22 =	vor.u32 $0x3F800000, v22;
	v23 =	vadd.f32 $1.000000000e+00, v20;
	v21 =	vcvt.s32.f32 v21;
	[tilespmem:s1+$0xFFFFFFF0] =	vst v15;
	s1 =	smov.u32 s14;
	s14 =	smov.u32 s29  }
0xc9: {  	v12 =	vadd.f32 v12, v12;
	v15 =	vmul.f32 $5.000000000e-01, v22;
	v14 =	vadd.f32 $1.000000000e+00, v14;
	v24 =	vld [tilespmem:s6+$0xFFFFFFF0]  }
0xca: {  	v17 =	vadd.f32 $2.000000030e-01, v17;
	vm1 =	vge.f32 v22, $1.414213540e+00;
	v21 =	vmul.f32 $6.931471820e-01, v21  }
0xcb: {  	v15 =	vsel vm1, v15, v22;
	(erf) = vrcp.f32 v23;
	v12 =	vmul.f32 v14, v12  }
0xcc: {  	v22 =	vadd.f32 $-1.000000000e+00, v15;
	v14 =	vadd.f32 $1.000000000e+00, v15;
	v15 =	vmul.f32 v17, v13  }
0xcd: {  	v17 =	vshra.s32 v19, $0x17;
	v23 =	vsel vm1, $0xFFFFFF82, v0;
	v12 =	vadd.f32 v12, v21  }
0xce: {  	v17 =	vadd.s32 v17, v23;
	(erf) = vrcp.f32 v14;
	v14 =	vadd.f32 $3.333333430e-01, v15  }
0xcf: {  	v15 =	vcvt.s32.f32 v17;
	v17 =	vmax.f32 v24, $1.000000050e-03;
	v12 =	vmul.f32 $5.000000000e-01, v12;
	v21 =	vpop (erf)  }
0xd0: {  	s23 =	sadd.s32 $0x20, s23;
	v13 =	vmul.f32 v14, v13;
	[tilespmem:s6+$0x0] =	vst v21;
	(erf) = vrcp.f32 v17  }
0xd1: {  	v15 =	vmul.f32 $6.931471820e-01, v15;
	v21 =	vmul.f32 $1.442695020e+00, v12;
	v14 =	vld [tilespmem:s23+$0x0]  }
0xd2: {  	v16 =	vmul.f32 v16, v5;
	v5 =	vmovc v6;
	v6 =	vmovc v8;
	v8 =	vmov v19;
	v13 =	vadd.f32 $1.000000000e+00, v13  }
0xd3: {  	v17 =	vadd.f32 $-1.000000000e+00, v20;
	(erf) = vpow2.f32 v21  }
0xd4: {  	v12 =	vpop (erf);
	v11 =	vmul.f32 v13, v11;
	[tilespmem:s24+$0xFFFFFFF0] =	vst v16  }
0xd5: {  	v12 =	vmul.f32 v12, v17;
	[tilespmem:s13+$0xFFFFFFF0] =	vst v1  }
.Ltmp0:
0xd6: {  	v11 =	vadd.f32 v11, v10;
	v13 =	vmul.f32 v14, v7;
	[tilespmem:s2+$0xFFFFFFF0] =	vst v1;
	v7 =	vmovc v9;
	v9 =	vmov v18;
	(pc) =	sbr.rel @p0 .LBB3_2-.Ltmp0, $4  }
0xd7: {  	s24 =	sadd.s32 $0x20, s24;
	v10 =	vmov v15;
	v14 =	vmul.f32 v12, v12;
	v16 =	vpop (erf);
	[tilespmem:s12+$0xFFFFFFF0] =	vst v2  }
0xd8: {  	s13 =	sadd.s32 $0x20, s13;
	v17 =	vmul.f32 v16, v22;
	v18 =	vmul.f32 $5.000000000e-01, v11;
	[tilespmem:s24+$0x0] =	vst v13  }
0xd9: {  	s2 =	sadd.s32 $0x20, s2;
	v16 =	vmul.f32 $1.111111120e-01, v14;
	[tilespmem:s13+$0x0] =	vst v1;
	v15 =	vpop (erf)  }
0xda: {  	s29 =	sadd.s32 $0x20, s29;
	s12 =	sadd.s32 $0x20, s12;
	v13 =	vmul.f32 v17, v17;
	v11 =	vadd.f32 v17, v17;
	v17 =	vmul.f32 $1.442695020e+00, v18;
	[tilespmem:s2+$0x0] =	vst v1  }
0xdb: {  	v16 =	vadd.f32 $1.428571490e-01, v16;
	_ =	sdelay $0x1  }
0xdc: {  	v18 =	vmul.f32 $1.111111120e-01, v13;
	v16 =	vmul.f32 v16, v14;
	_ =	sdelay $0x1  }
0xdd: {  	(erf) = vpow2.f32 v17;
	v50 =	vadd.f32 $1.428571490e-01, v18;
	v16 =	vadd.f32 $2.000000030e-01, v16;
	_ =	sdelay $0x1  }
0xde: {  	v17 =	vmul.f32 v50, v13;
	v16 =	vmul.f32 v16, v14;
	_ =	sdelay $0x1  }
0xdf: {  	v17 =	vadd.f32 $2.000000030e-01, v17;
	v16 =	vadd.f32 $3.333333430e-01, v16  }
0xe0: {  	v51 =	vshra.s32 v9, $0x17;
	v19 =	vsel vm0, $0xFFFFFF82, v0  }
0xe1: {  	v53 =	vadd.s32 v51, v19;
	v17 =	vmul.f32 v17, v13;
	v52 =	vmul.f32 v16, v14  }
0xe2: {  	v12 =	vadd.f32 v12, v12;
	v54 =	vpop (erf);
	v16 =	vcvt.s32.f32 v53  }
0xe3: {  	s3 =	sadd.s32 $0x20, s6;
	[tilespmem:s1+$0x0] =	vst v54;
	v17 =	vadd.f32 $3.333333430e-01, v17;
	v14 =	vadd.f32 $1.000000000e+00, v52  }
0xe4: {  	v18 =	vld [tilespmem:s3+$0x0];
	v55 =	vpop (erf);
	v16 =	vmul.f32 $6.931471820e-01, v16  }
0xe5: {  	[tilespmem:s1+$0xFFFFFFF0] =	vst v55;
	v56 =	vmul.f32 v17, v13;
	v12 =	vmul.f32 v14, v12  }
0xe6: {  	v57 =	vld [tilespmem:s3+$0xFFFFFFF0]  }
0xe7: {  	v13 =	vadd.f32 $1.000000000e+00, v56;
	v12 =	vadd.f32 v12, v16;
	_ =	sdelay $0x1  }
0xe8: {  	v58 =	vmax.f32 v18, $1.000000050e-03;
	v11 =	vmul.f32 v13, v11;
	v12 =	vmul.f32 $5.000000000e-01, v12  }
0xe9: {  	(erf) = vrcp.f32 v58  }
0xea: {  	v59 =	vmax.f32 v57, $1.000000050e-03;
	v10 =	vadd.f32 v11, v10;
	v12 =	vmul.f32 $1.442695020e+00, v12  }
0xeb: {  	(erf) = vrcp.f32 v59  }
0xec: {  	v10 =	vmul.f32 $5.000000000e-01, v10;
	(erf) = vpow2.f32 v12;
	_ =	sdelay $0x1  }
0xed: {  	v10 =	vmul.f32 $1.442695020e+00, v10;
	_ =	sdelay $0x1  }
0xee: {  	(erf) = vpow2.f32 v10;
	_ =	sdelay $0x2  }
0xef: {  	v60 =	vpop (erf)  }
0xf0: {  	v61 =	vpop (erf)  }
0xf1: {  	v12 =	vpop (erf)  }
0xf2: {  	s1 =	sadd.s32 $0x20, s3;
	[tilespmem:s14+$0x0] =	vst v12  }
0xf3: {  	[tilespmem:s6+$0xFFFFFFF0] =	vst v15;
	v12 =	vld [tilespmem:s1+$0x0]  }
0xf4: {  	v62 =	vld [tilespmem:s23+$0xFFFFFFF0]  }
0xf5: {  	v63 =	vpop (erf)  }
0xf6: {  	[tilespmem:s14+$0xFFFFFFF0] =	vst v63  }
0xf7: {  	s6 =	sadd.s32 $0x20, s23;
	[tilespmem:s3+$0x0] =	vst v60;
	v14 =	vld [tilespmem:s1+$0xFFFFFFF0]  }
0xf8: {  	v10 =	vld [tilespmem:s6+$0x0];
	v12 =	vmax.f32 v12, $1.000000050e-03  }
0xf9: {  	v5 =	vmul.f32 v62, v5;
	(erf) = vrcp.f32 v12;
	_ =	sdelay $0x1  }
0xfa: {  	[tilespmem:s24+$0xFFFFFFF0] =	vst v5  }
0xfb: {  	[tilespmem:s3+$0xFFFFFFF0] =	vst v61;
	v5 =	vmax.f32 v14, $1.000000050e-03  }
0xfc: {  	[tilespmem:s12+$0x0] =	vst v2;
	(erf) = vrcp.f32 v5;
	v5 =	vmul.f32 v10, v7;
	v7 =	vld [tilespmem:s6+$0xFFFFFFF0]  }
0xfd: {  	[tilespmem:s13+$0xFFFFFFF0] =	vst v1  }
0xfe: {  	[tilespmem:s2+$0xFFFFFFF0] =	vst v1  }
0xff: {  	[tilespmem:s12+$0xFFFFFFF0] =	vst v2;
	s14 =	sadd.s32 $0x20, s24  }
0x100: {  	s23 =	sadd.s32 $0x20, s13;
	[tilespmem:s14+$0x0] =	vst v5  }
0x101: {  	[tilespmem:s23+$0x0] =	vst v1;
	v6 =	vmul.f32 v7, v6;
	v5 =	vpop (erf)  }
0x102: {  	s2 =	sadd.s32 $0x20, s2;
	s6 =	sadd.s32 $0x20, s6;
	[tilespmem:s1+$0x0] =	vst v5  }
0x103: {  	s24 =	sadd.s32 $0x20, s12;
	[tilespmem:s2+$0x0] =	vst v1;
	v5 =	vld [tilespmem:s6+$0x0]  }
0x104: {  	[tilespmem:s24+$0x0] =	vst v2  }
0x105: {  	[tilespmem:s14+$0xFFFFFFF0] =	vst v6;
	v6 =	vpop (erf)  }
0x106: {  	[tilespmem:s1+$0xFFFFFFF0] =	vst v6  }
0x107: {  	[tilespmem:s23+$0xFFFFFFF0] =	vst v1;
	v6 =	vld [tilespmem:s6+$0xFFFFFFF0]  }
0x108: {  	[tilespmem:s2+$0xFFFFFFF0] =	vst v1;
	v5 =	vmul.f32 v5, v9  }
0x109: {  	s14 =	sadd.s32 $0x20, s14;
	[tilespmem:s24+$0xFFFFFFF0] =	vst v2  }
0x10a: {  	s23 =	sadd.s32 $0x20, s23;
	[tilespmem:s14+$0x0] =	vst v5  }
0x10b: {  	s2 =	sadd.s32 $0x20, s2;
	[tilespmem:s23+$0x0] =	vst v1  }
0x10c: {  	s24 =	sadd.s32 $0x20, s24;
	v5 =	vmul.f32 v6, v8;
	[tilespmem:s2+$0x0] =	vst v1  }
0x10d: {  	[tilespmem:s24+$0x0] =	vst v2  }
0x10e: {  	[tilespmem:s14+$0xFFFFFFF0] =	vst v5  }
0x10f: {  	s13 =	rddreg [dreg:$0xc];
	[tilespmem:s23+$0xFFFFFFF0] =	vst v1  }
0x110: {  	s12 =	rddreg [dreg:$0xb];
	[tilespmem:s2+$0xFFFFFFF0] =	vst v1  }
0x111: {  	s6 =	rddreg [dreg:$0xa];
	[tilespmem:s24+$0xFFFFFFF0] =	vst v2  }
0x112: {  	s23 =	rddreg [dreg:$0xe]  }
0x113: {  	[tilespmem:$0x1090] =	vst v2;
	s24 =	rddreg [dreg:$0x1b]  }
0x114: {  	s1 =	simm.s32 $0x0;
	[tilespmem:$0xF90] =	vst v3;
	s29 =	rddreg [dreg:$0x1c]  }
.LBB3_4:
0x115: {  	s2 =	sshll.u32 s1, $0x8;
	s3 =	sshll.u32 s1, $0x4  }
0x116: {  	s2 =	sand.u32 $0x800, s2;
	s3 =	sand.u32 $0x70, s3  }
0x117: {  	s2 =	sor.u32 s3, s2  }
0x118: {  	s14 =	simm.s32 $0x0;
	s3 =	simm.s32 $0x390;
	s2 =	sadd.s32 s2, s24  }
0x119: {  	[tilespmem:s3], [sflag:$0x2] =	stream.linear.gather [hbm4b:s2+s14], $0x80, $0x38;
	[tilespmem:$0x1110] =	vst v63  }
0x11a: {  	_ =	swait.ge [sflag:s0], $0x80  }
0x11b: {  	[sflag:s0] =	ssyncset.done $0x0  }
0x11c: {  	p0 =	por $0x1, $0x1;
	s14 =	simm.s32 $0x0;
	[sflag:s0] =	ssyncadd.s32 $0xFFFFFF80  }
.LBB3_5:
0x11d: {  	v5 =	vld [tilespmem:s14+$0x990];
	_ =	sdelay $0x4  }
0x11e: {  	v5 =	vmax.f32 v5, $1.000000010e-01  }
0x11f: {  	v6 =	vand.u32 $0x7FFFFF, v5  }
0x120: {  	v6 =	vor.u32 $0x3F800000, v6  }
0x121: {  	v7 =	vmul.f32 $5.000000000e-01, v6  }
0x122: {  	vm0 =	vge.f32 v6, $1.414213540e+00  }
0x123: {  	v6 =	vsel vm0, v7, v6  }
0x124: {  	v7 =	vadd.f32 $1.000000000e+00, v6;
	_ =	sdelay $0x1  }
0x125: {  	(erf) = vrcp.f32 v7;
	_ =	sdelay $0x7  }
0x126: {  	v6 =	vadd.f32 $-1.000000000e+00, v6  }
0x127: {  	v7 =	vpop (erf)  }
0x128: {  	v6 =	vmul.f32 v7, v6;
	_ =	sdelay $0x1  }
0x129: {  	v7 =	vmul.f32 v6, v6;
	_ =	sdelay $0x1  }
0x12a: {  	v8 =	vmul.f32 $1.111111120e-01, v7;
	_ =	sdelay $0x1  }
0x12b: {  	v8 =	vadd.f32 $1.428571490e-01, v8;
	_ =	sdelay $0x1  }
0x12c: {  	v8 =	vmul.f32 v8, v7;
	_ =	sdelay $0x1  }
0x12d: {  	v8 =	vadd.f32 $2.000000030e-01, v8;
	_ =	sdelay $0x1  }
0x12e: {  	v8 =	vmul.f32 v8, v7;
	_ =	sdelay $0x1  }
0x12f: {  	v8 =	vadd.f32 $3.333333430e-01, v8;
	_ =	sdelay $0x1  }
0x130: {  	v9 =	vshra.s32 v5, $0x17;
	v10 =	vsel vm0, $0xFFFFFF82, v0;
	v7 =	vmul.f32 v8, v7  }
0x131: {  	v39 =	vadd.s32 v9, v10  }
0x132: {  	v6 =	vadd.f32 v6, v6;
	v8 =	vcvt.s32.f32 v39;
	v7 =	vadd.f32 $1.000000000e+00, v7  }
0x133: {  	v40 =	vld [tilespmem:s14+$0x690]  }
0x134: {  	v8 =	vmul.f32 $6.931471820e-01, v8;
	v6 =	vmul.f32 v7, v6;
	v7 =	vld [tilespmem:s14+$0x790];
	_ =	sdelay $0x1  }
0x135: {  	v6 =	vadd.f32 v6, v8;
	_ =	sdelay $0x1  }
0x136: {  	v8 =	vmul.f32 v6, v40  }
0x137: {  	v6 =	vmul.f32 v6, v7  }
0x138: {  	v7 =	vmul.f32 $1.442695020e+00, v8  }
0x139: {  	v6 =	vmul.f32 $1.442695020e+00, v6  }
0x13a: {  	(erf) = vpow2.f32 v7  }
0x13b: {  	(erf) = vpow2.f32 v6;
	_ =	sdelay $0x4  }
0x13c: {  	v6 =	vld [tilespmem:s14+$0x710];
	_ =	sdelay $0x1  }
0x13d: {  	v7 =	vld [tilespmem:s14+$0x610]  }
0x13e: {  	v41 =	vpop (erf)  }
0x13f: {  	v42 =	vpop (erf)  }
0x140: {  	v6 =	vmul.f32 v42, v6;
	_ =	sdelay $0x1  }
0x141: {  	v7 =	vmul.f32 v41, v7;
	v43 =	vadd.f32 v6, v6;
	_ =	sdelay $0x1  }
0x142: {  	v8 =	vadd.f32 v43, v7;
	_ =	sdelay $0x1  }
0x143: {  	(erf) = vrcp.f32 v8;
	_ =	sdelay $0x7  }
0x144: {  	v6 =	vmul.f32 v6, v7  }
0x145: {  	v8 =	vpop (erf)  }
0x146: {  	v6 =	vmul.f32 v8, v6;
	_ =	sdelay $0x1  }
0x147: {  	v8 =	vand.u32 $0x7FFFFF, v6  }
0x148: {  	v8 =	vor.u32 $0x3F800000, v8  }
0x149: {  	v44 =	vmul.f32 $5.000000000e-01, v8  }
0x14a: {  	vm9 =	vge.f32 v8, $1.414213540e+00  }
0x14b: {  	v8 =	vsel vm9, v44, v8  }
0x14c: {  	v9 =	vadd.f32 $1.000000000e+00, v8;
	_ =	sdelay $0x1  }
0x14d: {  	(erf) = vrcp.f32 v9;
	_ =	sdelay $0x7  }
0x14e: {  	v8 =	vadd.f32 $-1.000000000e+00, v8  }
0x14f: {  	v9 =	vpop (erf)  }
0x150: {  	v8 =	vmul.f32 v9, v8;
	_ =	sdelay $0x1  }
0x151: {  	v9 =	vmul.f32 v8, v8;
	_ =	sdelay $0x1  }
0x152: {  	v45 =	vmul.f32 $1.111111120e-01, v9;
	_ =	sdelay $0x1  }
0x153: {  	v10 =	vadd.f32 $1.428571490e-01, v45;
	_ =	sdelay $0x1  }
0x154: {  	v10 =	vmul.f32 v10, v9;
	_ =	sdelay $0x1  }
0x155: {  	v10 =	vadd.f32 $2.000000030e-01, v10;
	_ =	sdelay $0x1  }
0x156: {  	v10 =	vmul.f32 v10, v9;
	_ =	sdelay $0x1  }
0x157: {  	v10 =	vadd.f32 $3.333333430e-01, v10;
	_ =	sdelay $0x1  }
0x158: {  	v6 =	vshra.s32 v6, $0x17;
	v11 =	vsel vm9, $0xFFFFFF82, v0;
	v9 =	vmul.f32 v10, v9  }
0x159: {  	v6 =	vadd.s32 v6, v11  }
0x15a: {  	v6 =	vcvt.s32.f32 v6;
	v8 =	vadd.f32 v8, v8;
	v9 =	vadd.f32 $1.000000000e+00, v9;
	_ =	sdelay $0x1  }
0x15b: {  	v6 =	vmul.f32 $6.931471820e-01, v6;
	v8 =	vmul.f32 v9, v8;
	_ =	sdelay $0x1  }
0x15c: {  	v6 =	vadd.f32 v8, v6;
	_ =	sdelay $0x1  }
0x15d: {  	v6 =	vmul.f32 $6.666666860e-01, v6;
	_ =	sdelay $0x1  }
0x15e: {  	v6 =	vmul.f32 $1.442695020e+00, v6;
	_ =	sdelay $0x1  }
0x15f: {  	(erf) = vpow2.f32 v6;
	_ =	sdelay $0x4  }
0x160: {  	v6 =	vld [tilespmem:s14+$0x510];
	_ =	sdelay $0x1  }
0x161: {  	v46 =	vld [tilespmem:s14+$0x490];
	_ =	sdelay $0x1  }
0x162: {  	v47 =	vpop (erf)  }
0x163: {  	v6 =	vmul.f32 v47, v6;
	_ =	sdelay $0x1  }
0x164: {  	v6 =	vmul.f32 v6, v46;
	_ =	sdelay $0x1  }
0x165: {  	v48 =	vld [tilespmem:s14+$0x590];
	v6 =	vmul.f32 $1.666666630e+00, v6;
	_ =	sdelay $0x1  }
0x166: {  	v6 =	vmax.f32 v6, $9.999999770e-03  }
0x167: {  	v7 =	vmul.f32 v6, v7;
	_ =	sdelay $0x1  }
0x168: {  	v7 =	vmul.f32 v7, v48;
	_ =	sdelay $0x1  }
0x169: {  	v7 =	vadd.f32 $9.999999970e-07, v7  }
0x16a: {  	(erf) = vrcp.f32 v6  }
0x16b: {  	(erf) = vrcp.f32 v7;
	_ =	sdelay $0x7  }
0x16c: {  	v6 =	vpop (erf)  }
0x16d: {  	v7 =	vpop (erf)  }
0x16e: {  	v49 =	vld [tilespmem:s14+$0x410];
	v5 =	vmul.f32 v7, v5;
	_ =	sdelay $0x1  }
0x16f: {  	v5 =	vsub.f32 $1.000000000e+00, v5;
	_ =	sdelay $0x1  }
0x170: {  	v5 =	vmul.f32 $5.000000000e-01, v5  }
0x171: {  	v6 =	vmul.f32 v6, v49  }
0x172: {  	v5 =	vmax.f32 v5, $0.0e+00  }
0x173: {  	v6 =	vmax.f32 v6, $3.600000000e+02;
	v5 =	vmin.f32 v5, $5.000000000e-01  }
0x174: {  	v6 =	vadd.f32 v6, v6;
	v7 =	vsub.f32 $1.000000000e+00, v5;
	_ =	sdelay $0x1  }
0x175: {  	v7 =	vmul.f32 v7, v6;
	_ =	sdelay $0x1  }
0x176: {  	v50 =	vadd.f32 $3.600000000e+03, v7;
	_ =	sdelay $0x1  }
0x177: {  	(erf) = vrcp.f32 v50;
	_ =	sdelay $0x3  }
0x178: {  	v5 =	vmul.f32 v5, v6;
	v6 =	vld [tilespmem:s14+$0x9A0];
	_ =	sdelay $0x3  }
0x179: {  	v51 =	vsub.f32 $3.600000000e+03, v5;
	v5 =	vadd.f32 $3.600000000e+03, v5  }
0x17a: {  	v7 =	vadd.f32 $-3.600000000e+03, v7;
	v53 =	vmax.f32 v6, $1.000000010e-01;
	v52 =	vpop (erf)  }
0x17b: {  	v6 =	vand.u32 $0x7FFFFF, v53;
	v8 =	vmul.f32 v52, v51;
	v5 =	vmul.f32 v52, v5  }
0x17c: {  	v54 =	vor.u32 $0x3F800000, v6  }
0x17d: {  	v7 =	vmul.f32 v52, v7;
	v8 =	vmax.f32 v8, $0.0e+00;
	v5 =	vmax.f32 v5, $0.0e+00  }
0x17e: {  	v12 =	vmul.f32 $5.000000000e-01, v54;
	v55 =	vadd.f32 v5, v8  }
0x17f: {  	vm10 =	vge.f32 v54, $1.414213540e+00;
	v6 =	vmax.f32 v7, $0.0e+00  }
0x180: {  	v9 =	vsel vm10, v12, v54;
	v7 =	vadd.f32 v55, v6  }
0x181: {  	v56 =	vadd.f32 $1.000000000e+00, v9  }
0x182: {  	(erf) = vrcp.f32 v7  }
0x183: {  	(erf) = vrcp.f32 v56;
	_ =	sdelay $0x7  }
0x184: {  	v9 =	vadd.f32 $-1.000000000e+00, v9;
	v7 =	vpop (erf)  }
0x185: {  	v11 =	vpop (erf)  }
0x186: {  	v9 =	vmul.f32 v11, v9;
	_ =	sdelay $0x1  }
0x187: {  	v11 =	vmul.f32 v9, v9;
	_ =	sdelay $0x1  }
0x188: {  	v57 =	vmul.f32 $1.111111120e-01, v11;
	_ =	sdelay $0x1  }
0x189: {  	v12 =	vadd.f32 $1.428571490e-01, v57;
	_ =	sdelay $0x1  }
0x18a: {  	v12 =	vmul.f32 v12, v11;
	_ =	sdelay $0x1  }
0x18b: {  	v12 =	vadd.f32 $2.000000030e-01, v12;
	_ =	sdelay $0x1  }
0x18c: {  	v12 =	vmul.f32 v12, v11;
	_ =	sdelay $0x1  }
0x18d: {  	v12 =	vadd.f32 $3.333333430e-01, v12;
	_ =	sdelay $0x1  }
0x18e: {  	v13 =	vshra.s32 v53, $0x17;
	v14 =	vsel vm10, $0xFFFFFF82, v0;
	v11 =	vmul.f32 v12, v11  }
0x18f: {  	v58 =	vadd.s32 v13, v14  }
0x190: {  	v9 =	vadd.f32 v9, v9;
	v12 =	vcvt.s32.f32 v58;
	v11 =	vadd.f32 $1.000000000e+00, v11  }
0x191: {  	v59 =	vld [tilespmem:s14+$0x6A0]  }
0x192: {  	v60 =	vld [tilespmem:s14+$0x7A0];
	v12 =	vmul.f32 $6.931471820e-01, v12;
	v9 =	vmul.f32 v11, v9;
	_ =	sdelay $0x1  }
0x193: {  	v9 =	vadd.f32 v9, v12;
	_ =	sdelay $0x1  }
0x194: {  	v12 =	vmul.f32 v9, v59  }
0x195: {  	v9 =	vmul.f32 v9, v60  }
0x196: {  	v61 =	vmul.f32 $1.442695020e+00, v12  }
0x197: {  	v9 =	vmul.f32 $1.442695020e+00, v9  }
0x198: {  	(erf) = vpow2.f32 v61  }
0x199: {  	(erf) = vpow2.f32 v9;
	_ =	sdelay $0x4  }
0x19a: {  	v62 =	vld [tilespmem:s14+$0x720];
	_ =	sdelay $0x1  }
0x19b: {  	v63 =	vld [tilespmem:s14+$0x620]  }
0x19c: {  	v16 =	vpop (erf)  }
0x19d: {  	v17 =	vpop (erf)  }
0x19e: {  	v9 =	vmul.f32 v17, v62;
	_ =	sdelay $0x1  }
0x19f: {  	v11 =	vmul.f32 v16, v63;
	v18 =	vadd.f32 v9, v9;
	_ =	sdelay $0x1  }
0x1a0: {  	v12 =	vadd.f32 v18, v11;
	_ =	sdelay $0x1  }
0x1a1: {  	(erf) = vrcp.f32 v12;
	_ =	sdelay $0x7  }
0x1a2: {  	v9 =	vmul.f32 v9, v11  }
0x1a3: {  	v12 =	vpop (erf)  }
0x1a4: {  	v9 =	vmul.f32 v12, v9;
	_ =	sdelay $0x1  }
0x1a5: {  	v12 =	vand.u32 $0x7FFFFF, v9  }
0x1a6: {  	v12 =	vor.u32 $0x3F800000, v12  }
0x1a7: {  	v19 =	vmul.f32 $5.000000000e-01, v12  }
0x1a8: {  	vm11 =	vge.f32 v12, $1.414213540e+00  }
0x1a9: {  	v12 =	vsel vm11, v19, v12  }
0x1aa: {  	v13 =	vadd.f32 $1.000000000e+00, v12;
	_ =	sdelay $0x1  }
0x1ab: {  	(erf) = vrcp.f32 v13;
	_ =	sdelay $0x7  }
0x1ac: {  	v12 =	vadd.f32 $-1.000000000e+00, v12  }
0x1ad: {  	v13 =	vpop (erf)  }
0x1ae: {  	v12 =	vmul.f32 v13, v12;
	_ =	sdelay $0x1  }
0x1af: {  	v13 =	vmul.f32 v12, v12;
	_ =	sdelay $0x1  }
0x1b0: {  	v20 =	vmul.f32 $1.111111120e-01, v13;
	_ =	sdelay $0x1  }
0x1b1: {  	v14 =	vadd.f32 $1.428571490e-01, v20;
	_ =	sdelay $0x1  }
0x1b2: {  	v14 =	vmul.f32 v14, v13;
	_ =	sdelay $0x1  }
0x1b3: {  	v14 =	vadd.f32 $2.000000030e-01, v14;
	_ =	sdelay $0x1  }
0x1b4: {  	v14 =	vmul.f32 v14, v13;
	_ =	sdelay $0x1  }
0x1b5: {  	v14 =	vadd.f32 $3.333333430e-01, v14;
	_ =	sdelay $0x1  }
0x1b6: {  	v9 =	vshra.s32 v9, $0x17;
	v15 =	vsel vm11, $0xFFFFFF82, v0;
	v13 =	vmul.f32 v14, v13  }
0x1b7: {  	v9 =	vadd.s32 v9, v15  }
0x1b8: {  	v9 =	vcvt.s32.f32 v9;
	v12 =	vadd.f32 v12, v12;
	v13 =	vadd.f32 $1.000000000e+00, v13;
	_ =	sdelay $0x1  }
0x1b9: {  	v9 =	vmul.f32 $6.931471820e-01, v9;
	v12 =	vmul.f32 v13, v12;
	_ =	sdelay $0x1  }
0x1ba: {  	v9 =	vadd.f32 v12, v9;
	_ =	sdelay $0x1  }
0x1bb: {  	v9 =	vmul.f32 $6.666666860e-01, v9;
	_ =	sdelay $0x1  }
0x1bc: {  	v9 =	vmul.f32 $1.442695020e+00, v9;
	_ =	sdelay $0x1  }
0x1bd: {  	(erf) = vpow2.f32 v9;
	_ =	sdelay $0x4  }
0x1be: {  	v21 =	vld [tilespmem:s14+$0x520];
	_ =	sdelay $0x1  }
0x1bf: {  	v22 =	vld [tilespmem:s14+$0x4A0];
	_ =	sdelay $0x1  }
0x1c0: {  	v23 =	vpop (erf)  }
0x1c1: {  	v9 =	vmul.f32 v23, v21;
	_ =	sdelay $0x1  }
0x1c2: {  	v9 =	vmul.f32 v9, v22;
	_ =	sdelay $0x1  }
0x1c3: {  	v24 =	vld [tilespmem:s14+$0x5A0];
	v9 =	vmul.f32 $1.666666630e+00, v9;
	_ =	sdelay $0x1  }
0x1c4: {  	v9 =	vmax.f32 v9, $9.999999770e-03  }
0x1c5: {  	v11 =	vmul.f32 v9, v11;
	_ =	sdelay $0x1  }
0x1c6: {  	v11 =	vmul.f32 v11, v24;
	_ =	sdelay $0x1  }
0x1c7: {  	v11 =	vadd.f32 $9.999999970e-07, v11  }
0x1c8: {  	(erf) = vrcp.f32 v9  }
0x1c9: {  	(erf) = vrcp.f32 v11;
	_ =	sdelay $0x7  }
0x1ca: {  	v9 =	vpop (erf)  }
0x1cb: {  	v11 =	vpop (erf)  }
0x1cc: {  	v25 =	vld [tilespmem:s14+$0x420];
	v10 =	vmul.f32 v11, v53;
	_ =	sdelay $0x1  }
0x1cd: {  	v10 =	vsub.f32 $1.000000000e+00, v10;
	_ =	sdelay $0x1  }
0x1ce: {  	v10 =	vmul.f32 $5.000000000e-01, v10  }
0x1cf: {  	v9 =	vmul.f32 v9, v25  }
0x1d0: {  	v10 =	vmax.f32 v10, $0.0e+00  }
0x1d1: {  	v9 =	vmax.f32 v9, $3.600000000e+02;
	v10 =	vmin.f32 v10, $5.000000000e-01  }
0x1d2: {  	v9 =	vadd.f32 v9, v9;
	v26 =	vsub.f32 $1.000000000e+00, v10;
	_ =	sdelay $0x1  }
0x1d3: {  	v11 =	vmul.f32 v26, v9;
	_ =	sdelay $0x1  }
0x1d4: {  	v27 =	vadd.f32 $3.600000000e+03, v11;
	_ =	sdelay $0x1  }
0x1d5: {  	(erf) = vrcp.f32 v27;
	_ =	sdelay $0x2  }
0x1d6: {  	v28 =	vld [tilespmem:s14+$0x9B0];
	_ =	sdelay $0x2  }
0x1d7: {  	v9 =	vmul.f32 v10, v9;
	_ =	sdelay $0x1  }
0x1d8: {  	v31 =	vmax.f32 v28, $1.000000010e-01;
	v29 =	vsub.f32 $3.600000000e+03, v9;
	v9 =	vadd.f32 $3.600000000e+03, v9  }
0x1d9: {  	v10 =	vand.u32 $0x7FFFFF, v31;
	v30 =	vpop (erf)  }
0x1da: {  	v11 =	vadd.f32 $-3.600000000e+03, v11;
	v12 =	vmul.f32 v30, v29;
	v9 =	vmul.f32 v30, v9  }
0x1db: {  	v32 =	vor.u32 $0x3F800000, v10  }
0x1dc: {  	v11 =	vmul.f32 v30, v11;
	v12 =	vmax.f32 v12, $0.0e+00;
	v9 =	vmax.f32 v9, $0.0e+00  }
0x1dd: {  	v16 =	vmul.f32 $5.000000000e-01, v32;
	v33 =	vadd.f32 v9, v12  }
0x1de: {  	vm12 =	vge.f32 v32, $1.414213540e+00;
	v10 =	vmax.f32 v11, $0.0e+00  }
0x1df: {  	v13 =	vsel vm12, v16, v32;
	v11 =	vadd.f32 v33, v10  }
0x1e0: {  	v34 =	vadd.f32 $1.000000000e+00, v13  }
0x1e1: {  	(erf) = vrcp.f32 v11  }
0x1e2: {  	(erf) = vrcp.f32 v34;
	_ =	sdelay $0x7  }
0x1e3: {  	v13 =	vadd.f32 $-1.000000000e+00, v13;
	v11 =	vpop (erf)  }
0x1e4: {  	v15 =	vpop (erf)  }
0x1e5: {  	v13 =	vmul.f32 v15, v13;
	_ =	sdelay $0x1  }
0x1e6: {  	v15 =	vmul.f32 v13, v13;
	_ =	sdelay $0x1  }
0x1e7: {  	v35 =	vmul.f32 $1.111111120e-01, v15;
	_ =	sdelay $0x1  }
0x1e8: {  	v16 =	vadd.f32 $1.428571490e-01, v35;
	_ =	sdelay $0x1  }
0x1e9: {  	v16 =	vmul.f32 v16, v15;
	_ =	sdelay $0x1  }
0x1ea: {  	v16 =	vadd.f32 $2.000000030e-01, v16;
	_ =	sdelay $0x1  }
0x1eb: {  	v16 =	vmul.f32 v16, v15;
	_ =	sdelay $0x1  }
0x1ec: {  	v16 =	vadd.f32 $3.333333430e-01, v16;
	_ =	sdelay $0x1  }
0x1ed: {  	v17 =	vshra.s32 v31, $0x17;
	v18 =	vsel vm12, $0xFFFFFF82, v0;
	v15 =	vmul.f32 v16, v15  }
0x1ee: {  	v36 =	vadd.s32 v17, v18  }
0x1ef: {  	v13 =	vadd.f32 v13, v13;
	v16 =	vcvt.s32.f32 v36;
	v15 =	vadd.f32 $1.000000000e+00, v15  }
0x1f0: {  	v37 =	vld [tilespmem:s14+$0x6B0]  }
0x1f1: {  	v38 =	vld [tilespmem:s14+$0x7B0];
	v16 =	vmul.f32 $6.931471820e-01, v16;
	v13 =	vmul.f32 v15, v13;
	_ =	sdelay $0x1  }
0x1f2: {  	v13 =	vadd.f32 v13, v16;
	_ =	sdelay $0x1  }
0x1f3: {  	v16 =	vmul.f32 v13, v37  }
0x1f4: {  	v13 =	vmul.f32 v13, v38  }
0x1f5: {  	v39 =	vmul.f32 $1.442695020e+00, v16  }
0x1f6: {  	v13 =	vmul.f32 $1.442695020e+00, v13  }
0x1f7: {  	(erf) = vpow2.f32 v39  }
0x1f8: {  	(erf) = vpow2.f32 v13;
	_ =	sdelay $0x4  }
0x1f9: {  	v40 =	vld [tilespmem:s14+$0x730];
	_ =	sdelay $0x1  }
0x1fa: {  	v41 =	vld [tilespmem:s14+$0x630]  }
0x1fb: {  	v42 =	vpop (erf)  }
0x1fc: {  	v43 =	vpop (erf)  }
0x1fd: {  	v13 =	vmul.f32 v43, v40;
	_ =	sdelay $0x1  }
0x1fe: {  	v15 =	vmul.f32 v42, v41;
	v44 =	vadd.f32 v13, v13;
	_ =	sdelay $0x1  }
0x1ff: {  	v16 =	vadd.f32 v44, v15;
	_ =	sdelay $0x1  }
0x200: {  	(erf) = vrcp.f32 v16;
	_ =	sdelay $0x7  }
0x201: {  	v13 =	vmul.f32 v13, v15  }
0x202: {  	v16 =	vpop (erf)  }
0x203: {  	v13 =	vmul.f32 v16, v13;
	_ =	sdelay $0x1  }
0x204: {  	v16 =	vand.u32 $0x7FFFFF, v13  }
0x205: {  	v16 =	vor.u32 $0x3F800000, v16  }
0x206: {  	v45 =	vmul.f32 $5.000000000e-01, v16  }
0x207: {  	vm13 =	vge.f32 v16, $1.414213540e+00  }
0x208: {  	v16 =	vsel vm13, v45, v16  }
0x209: {  	v17 =	vadd.f32 $1.000000000e+00, v16;
	_ =	sdelay $0x1  }
0x20a: {  	(erf) = vrcp.f32 v17;
	_ =	sdelay $0x7  }
0x20b: {  	v16 =	vadd.f32 $-1.000000000e+00, v16  }
0x20c: {  	v17 =	vpop (erf)  }
0x20d: {  	v16 =	vmul.f32 v17, v16;
	_ =	sdelay $0x1  }
0x20e: {  	v17 =	vmul.f32 v16, v16;
	_ =	sdelay $0x1  }
0x20f: {  	v46 =	vmul.f32 $1.111111120e-01, v17;
	_ =	sdelay $0x1  }
0x210: {  	v18 =	vadd.f32 $1.428571490e-01, v46;
	_ =	sdelay $0x1  }
0x211: {  	v18 =	vmul.f32 v18, v17;
	_ =	sdelay $0x1  }
0x212: {  	v18 =	vadd.f32 $2.000000030e-01, v18;
	_ =	sdelay $0x1  }
0x213: {  	v18 =	vmul.f32 v18, v17;
	_ =	sdelay $0x1  }
0x214: {  	v18 =	vadd.f32 $3.333333430e-01, v18;
	_ =	sdelay $0x1  }
0x215: {  	v13 =	vshra.s32 v13, $0x17;
	v19 =	vsel vm13, $0xFFFFFF82, v0;
	v17 =	vmul.f32 v18, v17  }
0x216: {  	v13 =	vadd.s32 v13, v19  }
0x217: {  	v13 =	vcvt.s32.f32 v13;
	v16 =	vadd.f32 v16, v16;
	v17 =	vadd.f32 $1.000000000e+00, v17;
	_ =	sdelay $0x1  }
0x218: {  	v13 =	vmul.f32 $6.931471820e-01, v13;
	v16 =	vmul.f32 v17, v16;
	_ =	sdelay $0x1  }
0x219: {  	v13 =	vadd.f32 v16, v13;
	_ =	sdelay $0x1  }
0x21a: {  	v13 =	vmul.f32 $6.666666860e-01, v13;
	_ =	sdelay $0x1  }
0x21b: {  	v13 =	vmul.f32 $1.442695020e+00, v13;
	_ =	sdelay $0x1  }
0x21c: {  	(erf) = vpow2.f32 v13;
	_ =	sdelay $0x4  }
0x21d: {  	v47 =	vld [tilespmem:s14+$0x530];
	_ =	sdelay $0x1  }
0x21e: {  	v48 =	vld [tilespmem:s14+$0x4B0];
	_ =	sdelay $0x1  }
0x21f: {  	v49 =	vpop (erf)  }
0x220: {  	v13 =	vmul.f32 v49, v47;
	_ =	sdelay $0x1  }
0x221: {  	v13 =	vmul.f32 v13, v48;
	_ =	sdelay $0x1  }
0x222: {  	v50 =	vld [tilespmem:s14+$0x5B0];
	v13 =	vmul.f32 $1.666666630e+00, v13;
	_ =	sdelay $0x1  }
0x223: {  	v13 =	vmax.f32 v13, $9.999999770e-03  }
0x224: {  	v15 =	vmul.f32 v13, v15;
	_ =	sdelay $0x1  }
0x225: {  	v15 =	vmul.f32 v15, v50;
	_ =	sdelay $0x1  }
0x226: {  	v15 =	vadd.f32 $9.999999970e-07, v15  }
0x227: {  	(erf) = vrcp.f32 v13  }
0x228: {  	(erf) = vrcp.f32 v15;
	_ =	sdelay $0x7  }
0x229: {  	v13 =	vpop (erf)  }
0x22a: {  	v15 =	vpop (erf)  }
0x22b: {  	v51 =	vld [tilespmem:s14+$0x430];
	v14 =	vmul.f32 v15, v31;
	_ =	sdelay $0x1  }
0x22c: {  	v14 =	vsub.f32 $1.000000000e+00, v14;
	_ =	sdelay $0x1  }
0x22d: {  	v14 =	vmul.f32 $5.000000000e-01, v14  }
0x22e: {  	v13 =	vmul.f32 v13, v51  }
0x22f: {  	v14 =	vmax.f32 v14, $0.0e+00  }
0x230: {  	v13 =	vmax.f32 v13, $3.600000000e+02;
	v14 =	vmin.f32 v14, $5.000000000e-01  }
0x231: {  	v13 =	vadd.f32 v13, v13;
	v52 =	vsub.f32 $1.000000000e+00, v14;
	_ =	sdelay $0x1  }
0x232: {  	v15 =	vmul.f32 v52, v13;
	_ =	sdelay $0x1  }
0x233: {  	v53 =	vadd.f32 $3.600000000e+03, v15;
	_ =	sdelay $0x1  }
0x234: {  	(erf) = vrcp.f32 v53;
	_ =	sdelay $0x2  }
0x235: {  	v54 =	vld [tilespmem:s14+$0x9C0];
	_ =	sdelay $0x2  }
0x236: {  	v13 =	vmul.f32 v14, v13;
	_ =	sdelay $0x1  }
0x237: {  	v57 =	vmax.f32 v54, $1.000000010e-01;
	v55 =	vsub.f32 $3.600000000e+03, v13;
	v13 =	vadd.f32 $3.600000000e+03, v13  }
0x238: {  	v58 =	vand.u32 $0x7FFFFF, v57;
	v56 =	vpop (erf)  }
0x239: {  	v15 =	vadd.f32 $-3.600000000e+03, v15;
	v16 =	vmul.f32 v56, v55;
	v13 =	vmul.f32 v56, v13  }
0x23a: {  	v61 =	vor.u32 $0x3F800000, v58  }
0x23b: {  	v60 =	vmul.f32 v56, v15;
	v16 =	vmax.f32 v16, $0.0e+00;
	v59 =	vmax.f32 v13, $0.0e+00  }
0x23c: {  	v19 =	vmul.f32 $5.000000000e-01, v61;
	v62 =	vadd.f32 v59, v16  }
0x23d: {  	vm14 =	vge.f32 v61, $1.414213540e+00;
	v13 =	vmax.f32 v60, $0.0e+00  }
0x23e: {  	v19 =	vsel vm14, v19, v61;
	v17 =	vadd.f32 v62, v13  }
0x23f: {  	v15 =	vadd.f32 $1.000000000e+00, v19  }
0x240: {  	(erf) = vrcp.f32 v17  }
0x241: {  	(erf) = vrcp.f32 v15;
	_ =	sdelay $0x7  }
0x242: {  	v28 =	vadd.f32 $-1.000000000e+00, v19;
	v63 =	vpop (erf)  }
0x243: {  	v29 =	vpop (erf)  }
0x244: {  	v17 =	vmul.f32 v29, v28;
	_ =	sdelay $0x1  }
0x245: {  	v19 =	vmul.f32 v17, v17;
	_ =	sdelay $0x1  }
0x246: {  	v20 =	vmul.f32 $1.111111120e-01, v19;
	_ =	sdelay $0x1  }
0x247: {  	v20 =	vadd.f32 $1.428571490e-01, v20;
	_ =	sdelay $0x1  }
0x248: {  	v20 =	vmul.f32 v20, v19;
	_ =	sdelay $0x1  }
0x249: {  	v20 =	vadd.f32 $2.000000030e-01, v20;
	_ =	sdelay $0x1  }
0x24a: {  	v20 =	vmul.f32 v20, v19;
	_ =	sdelay $0x1  }
0x24b: {  	v20 =	vadd.f32 $3.333333430e-01, v20;
	_ =	sdelay $0x1  }
0x24c: {  	v21 =	vshra.s32 v57, $0x17;
	v22 =	vsel vm14, $0xFFFFFF82, v0;
	v19 =	vmul.f32 v20, v19  }
0x24d: {  	v30 =	vadd.s32 v21, v22  }
0x24e: {  	v17 =	vadd.f32 v17, v17;
	v20 =	vcvt.s32.f32 v30;
	v19 =	vadd.f32 $1.000000000e+00, v19  }
0x24f: {  	v31 =	vld [tilespmem:s14+$0x6C0]  }
0x250: {  	v32 =	vld [tilespmem:s14+$0x7C0];
	v20 =	vmul.f32 $6.931471820e-01, v20;
	v17 =	vmul.f32 v19, v17;
	_ =	sdelay $0x1  }
0x251: {  	v17 =	vadd.f32 v17, v20;
	_ =	sdelay $0x1  }
0x252: {  	v20 =	vmul.f32 v17, v31  }
0x253: {  	v17 =	vmul.f32 v17, v32  }
0x254: {  	v33 =	vmul.f32 $1.442695020e+00, v20  }
0x255: {  	v17 =	vmul.f32 $1.442695020e+00, v17  }
0x256: {  	(erf) = vpow2.f32 v33  }
0x257: {  	(erf) = vpow2.f32 v17;
	_ =	sdelay $0x4  }
0x258: {  	v34 =	vld [tilespmem:s14+$0x740];
	_ =	sdelay $0x1  }
0x259: {  	v35 =	vld [tilespmem:s14+$0x640]  }
0x25a: {  	v36 =	vpop (erf)  }
0x25b: {  	v37 =	vpop (erf)  }
0x25c: {  	v17 =	vmul.f32 v37, v34;
	_ =	sdelay $0x1  }
0x25d: {  	v19 =	vmul.f32 v36, v35;
	v38 =	vadd.f32 v17, v17;
	_ =	sdelay $0x1  }
0x25e: {  	v20 =	vadd.f32 v38, v19;
	_ =	sdelay $0x1  }
0x25f: {  	(erf) = vrcp.f32 v20;
	_ =	sdelay $0x7  }
0x260: {  	v17 =	vmul.f32 v17, v19  }
0x261: {  	v20 =	vpop (erf)  }
0x262: {  	v17 =	vmul.f32 v20, v17;
	_ =	sdelay $0x1  }
0x263: {  	v20 =	vand.u32 $0x7FFFFF, v17  }
0x264: {  	v20 =	vor.u32 $0x3F800000, v20  }
0x265: {  	v39 =	vmul.f32 $5.000000000e-01, v20  }
0x266: {  	vm15 =	vge.f32 v20, $1.414213540e+00  }
0x267: {  	v20 =	vsel vm15, v39, v20  }
0x268: {  	v21 =	vadd.f32 $1.000000000e+00, v20;
	_ =	sdelay $0x1  }
0x269: {  	(erf) = vrcp.f32 v21;
	_ =	sdelay $0x7  }
0x26a: {  	v20 =	vadd.f32 $-1.000000000e+00, v20  }
0x26b: {  	v21 =	vpop (erf)  }
0x26c: {  	v20 =	vmul.f32 v21, v20;
	_ =	sdelay $0x1  }
0x26d: {  	v21 =	vmul.f32 v20, v20;
	_ =	sdelay $0x1  }
0x26e: {  	v40 =	vmul.f32 $1.111111120e-01, v21;
	_ =	sdelay $0x1  }
0x26f: {  	v22 =	vadd.f32 $1.428571490e-01, v40;
	_ =	sdelay $0x1  }
0x270: {  	v22 =	vmul.f32 v22, v21;
	_ =	sdelay $0x1  }
0x271: {  	v22 =	vadd.f32 $2.000000030e-01, v22;
	_ =	sdelay $0x1  }
0x272: {  	v22 =	vmul.f32 v22, v21;
	_ =	sdelay $0x1  }
0x273: {  	v22 =	vadd.f32 $3.333333430e-01, v22;
	_ =	sdelay $0x1  }
0x274: {  	v17 =	vshra.s32 v17, $0x17;
	v23 =	vsel vm15, $0xFFFFFF82, v0;
	v21 =	vmul.f32 v22, v21  }
0x275: {  	v17 =	vadd.s32 v17, v23  }
0x276: {  	v17 =	vcvt.s32.f32 v17;
	v20 =	vadd.f32 v20, v20;
	v21 =	vadd.f32 $1.000000000e+00, v21;
	_ =	sdelay $0x1  }
0x277: {  	v17 =	vmul.f32 $6.931471820e-01, v17;
	v20 =	vmul.f32 v21, v20;
	_ =	sdelay $0x1  }
0x278: {  	v17 =	vadd.f32 v20, v17;
	_ =	sdelay $0x1  }
0x279: {  	v17 =	vmul.f32 $6.666666860e-01, v17;
	_ =	sdelay $0x1  }
0x27a: {  	v17 =	vmul.f32 $1.442695020e+00, v17;
	_ =	sdelay $0x1  }
0x27b: {  	(erf) = vpow2.f32 v17;
	_ =	sdelay $0x4  }
0x27c: {  	v41 =	vld [tilespmem:s14+$0x540];
	_ =	sdelay $0x1  }
0x27d: {  	v42 =	vld [tilespmem:s14+$0x4C0];
	_ =	sdelay $0x1  }
0x27e: {  	v43 =	vpop (erf)  }
0x27f: {  	v17 =	vmul.f32 v43, v41;
	_ =	sdelay $0x1  }
0x280: {  	v17 =	vmul.f32 v17, v42;
	_ =	sdelay $0x1  }
0x281: {  	v44 =	vld [tilespmem:s14+$0x5C0];
	v17 =	vmul.f32 $1.666666630e+00, v17;
	_ =	sdelay $0x1  }
0x282: {  	v17 =	vmax.f32 v17, $9.999999770e-03  }
0x283: {  	v19 =	vmul.f32 v17, v19;
	_ =	sdelay $0x1  }
0x284: {  	v19 =	vmul.f32 v19, v44;
	_ =	sdelay $0x1  }
0x285: {  	v19 =	vadd.f32 $9.999999970e-07, v19  }
0x286: {  	(erf) = vrcp.f32 v17  }
0x287: {  	(erf) = vrcp.f32 v19;
	_ =	sdelay $0x7  }
0x288: {  	v17 =	vpop (erf)  }
0x289: {  	v19 =	vpop (erf)  }
0x28a: {  	v45 =	vld [tilespmem:s14+$0x440];
	v18 =	vmul.f32 v19, v57;
	_ =	sdelay $0x1  }
0x28b: {  	v18 =	vsub.f32 $1.000000000e+00, v18;
	_ =	sdelay $0x1  }
0x28c: {  	v18 =	vmul.f32 $5.000000000e-01, v18  }
0x28d: {  	v17 =	vmul.f32 v17, v45  }
0x28e: {  	v18 =	vmax.f32 v18, $0.0e+00  }
0x28f: {  	v17 =	vmax.f32 v17, $3.600000000e+02;
	v18 =	vmin.f32 v18, $5.000000000e-01  }
0x290: {  	v17 =	vadd.f32 v17, v17;
	v46 =	vsub.f32 $1.000000000e+00, v18;
	_ =	sdelay $0x1  }
0x291: {  	v19 =	vmul.f32 v46, v17;
	_ =	sdelay $0x1  }
0x292: {  	v47 =	vadd.f32 $3.600000000e+03, v19;
	_ =	sdelay $0x1  }
0x293: {  	(erf) = vrcp.f32 v47;
	_ =	sdelay $0x5  }
0x294: {  	v17 =	vmul.f32 v18, v17;
	_ =	sdelay $0x1  }
0x295: {  	v18 =	vsub.f32 $3.600000000e+03, v17;
	v17 =	vadd.f32 $3.600000000e+03, v17  }
0x296: {  	v20 =	vpop (erf)  }
0x297: {  	v19 =	vadd.f32 $-3.600000000e+03, v19;
	v18 =	vmul.f32 v20, v18;
	v17 =	vmul.f32 v20, v17;
	_ =	sdelay $0x1  }
0x298: {  	v19 =	vmul.f32 v20, v19;
	v18 =	vmax.f32 v18, $0.0e+00;
	v17 =	vmax.f32 v17, $0.0e+00  }
0x299: {  	v48 =	vadd.f32 v17, v18  }
0x29a: {  	v24 =	vld [tilespmem:s14+$0xAA0];
	v19 =	vmax.f32 v19, $0.0e+00  }
0x29b: {  	v26 =	vld [tilespmem:s14+$0xA20];
	v20 =	vadd.f32 v48, v19  }
0x29c: {  	v49 =	vld [tilespmem:s14+$0x390]  }
0x29d: {  	v50 =	vld [tilespmem:s14+$0xA90];
	(erf) = vrcp.f32 v20  }
0x29e: {  	v8 =	vmul.f32 v7, v8;
	v5 =	vmul.f32 v7, v5;
	v51 =	vld [tilespmem:s14+$0xA10]  }
0x29f: {  	v6 =	vmul.f32 v7, v6;
	v7 =	vld [tilespmem:s14+$0x3B0];
	v9 =	vmul.f32 v11, v9  }
0x2a0: {  	v12 =	vmul.f32 v11, v12;
	v52 =	vld [tilespmem:s14+$0x3A0]  }
0x2a1: {  	v10 =	vmul.f32 v11, v10;
	v9 =	vmul.f32 v9, v24;
	v53 =	vld [tilespmem:s14+$0xAB0]  }
0x2a2: {  	[tilespmem:s14+$0xB10] =	vst v8;
	v54 =	vld [tilespmem:s14+$0x3C0];
	v8 =	vmul.f32 v8, v49;
	v5 =	vmul.f32 v5, v50  }
0x2a3: {  	v10 =	vmul.f32 v10, v26;
	v6 =	vmul.f32 v6, v51;
	v56 =	vld [tilespmem:s14+$0xA30]  }
0x2a4: {  	v5 =	vadd.f32 v5, v8;
	v55 =	vld [tilespmem:s14+$0xAC0];
	v16 =	vmul.f32 v63, v16;
	v14 =	vmul.f32 v63, v59  }
0x2a5: {  	[tilespmem:s14+$0xB20] =	vst v12;
	v12 =	vmul.f32 v12, v52;
	v58 =	vmul.f32 v63, v13  }
0x2a6: {  	v5 =	vadd.f32 v5, v6;
	v7 =	vmul.f32 v16, v7;
	v14 =	vmul.f32 v14, v53;
	v57 =	vld [tilespmem:s14+$0xA40];
	v25 =	vpop (erf)  }
0x2a7: {  	v9 =	vadd.f32 v9, v12;
	v18 =	vmul.f32 v25, v18;
	v17 =	vmul.f32 v25, v17  }
0x2a8: {  	v6 =	vadd.f32 v14, v7;
	v7 =	vmul.f32 v58, v56;
	v60 =	vmul.f32 v25, v19  }
0x2a9: {  	v61 =	vadd.f32 v9, v10;
	v59 =	vmul.f32 v18, v54;
	v11 =	vmul.f32 v17, v55  }
0x2aa: {  	p1 =	por p0, p0;
	[tilespmem:s14+$0xB90] =	vst v5  }
.Ltmp1:
0x2ab: {  	[tilespmem:s14+$0xBA0] =	vst v61;
	v5 =	vadd.f32 v6, v7;
	v63 =	vmul.f32 v60, v57;
	v62 =	vadd.f32 v11, v59;
	(pc) =	sbr.rel @p1 .LBB3_5-.Ltmp1, $4  }
0x2ac: {  	[tilespmem:s14+$0xB30] =	vst v16  }
0x2ad: {  	[tilespmem:s14+$0xBB0] =	vst v5;
	v6 =	vadd.f32 v62, v63  }
0x2ae: {  	[tilespmem:s14+$0xB40] =	vst v18  }
0x2af: {  	p0 =	por $0x0, $0x0;
	[tilespmem:s14+$0xBC0] =	vst v6;
	s14 =	simm.s32 $0x40  }
0x2b0: {  	s2 =	simm.s32 $0xB10  }
0x2b1: {  	[spmem:s29] =	stream.linear.scatter [tilespmem:s2], [sflag:$0x2], $0x80, $0x38;
	[tilespmem:$0x1110] =	vst v63  }
0x2b2: {  	_ =	swait.ge [sflag:s0], $0x80  }
0x2b3: {  	[sflag:s0] =	ssyncset.done $0x0  }
0x2b4: {  	[sflag:s0] =	ssyncadd.s32 $0xFFFFFF80  }
0x2b5: {  	s14 =	simm.s32 $0x810;
	[bflag:$0x0] =	sbarrier.arrive $0xFFFF  }
0x2b6: {  	[tilespmem:s16], [sflag:$0x2] =	stream.indirect.gather [spmem:s6], $0x1, s14, s15, $0xb8;
	[tilespmem:$0x1110] =	vst v63  }
0x2b7: {  	_ =	swait.ge [sflag:s0], $0x80  }
0x2b8: {  	[sflag:s0] =	ssyncset.done $0x0  }
0x2b9: {  	p0 =	por $0x1, $0x1;
	s2 =	simm.s32 $0x0;
	[sflag:s0] =	ssyncadd.s32 $0xFFFFFF80  }
.LBB3_7:
0x2ba: {  	v5 =	vld [tilespmem:s2+$0xD90]  }
0x2bb: {  	v6 =	vld [tilespmem:s2+$0x890]  }
0x2bc: {  	v7 =	vld [tilespmem:s2+$0xDA0]  }
0x2bd: {  	v8 =	vld [tilespmem:s2+$0x8A0]  }
0x2be: {  	v9 =	vld [tilespmem:s2+$0xDB0]  }
0x2bf: {  	v11 =	vld [tilespmem:s2+$0xDC0]  }
0x2c0: {  	v12 =	vld [tilespmem:s2+$0x8C0]  }
0x2c1: {  	v10 =	vld [tilespmem:s2+$0x8B0];
	_ =	sdelay $0x1  }
0x2c2: {  	v5 =	vmul.f32 v6, v5  }
0x2c3: {  	v6 =	vmul.f32 v8, v7  }
0x2c4: {  	v63 =	vld [tilespmem:s2+$0x820];
	v7 =	vmul.f32 v12, v11;
	[tilespmem:s2+$0xC10] =	vst v5  }
0x2c5: {  	v5 =	vmul.f32 v10, v9;
	[tilespmem:s2+$0xC20] =	vst v6;
	v6 =	vld [tilespmem:s2+$0x810]  }
0x2c6: {  	[tilespmem:s2+$0xC40] =	vst v7;
	v7 =	vld [tilespmem:s2+$0x840]  }
0x2c7: {  	p1 =	por p0, p0;
	[tilespmem:s2+$0xC30] =	vst v5;
	v5 =	vld [tilespmem:s2+$0x830]  }
.Ltmp2:
0x2c8: {  	_ = 	snop;
	(pc) =	sbr.rel @p1 .LBB3_7-.Ltmp2, $4  }
0x2c9: {  	[tilespmem:s2+$0xCA0] =	vst v63  }
0x2ca: {  	[tilespmem:s2+$0xC90] =	vst v6  }
0x2cb: {  	[tilespmem:s2+$0xCC0] =	vst v7  }
0x2cc: {  	p0 =	por $0x0, $0x0;
	[tilespmem:s2+$0xCB0] =	vst v5;
	s2 =	simm.s32 $0x40  }
0x2cd: {  	[spmem:s25] =	stream.linear.scatter [tilespmem:s17], [sflag:$0x2], $0x80, $0x38;
	[tilespmem:$0x1110] =	vst v63  }
0x2ce: {  	_ =	swait.ge [sflag:s0], $0x80  }
0x2cf: {  	[sflag:s0] =	ssyncset.done $0x0  }
0x2d0: {  	[sflag:s0] =	ssyncadd.s32 $0xFFFFFF80  }
0x2d1: {  	[spmem:s26] =	stream.linear.scatter [tilespmem:s14], [sflag:$0x2], $0x80, $0x38;
	[tilespmem:$0x1110] =	vst v63  }
0x2d2: {  	_ =	swait.ge [sflag:s0], $0x80  }
0x2d3: {  	[sflag:s0] =	ssyncset.done $0x0  }
0x2d4: {  	[sflag:s0] =	ssyncadd.s32 $0xFFFFFF80  }
0x2d5: {  	[spmem:s28] =	stream.linear.scatter [tilespmem:s18], [sflag:$0x2], $0x80, $0x38;
	[tilespmem:$0x1110] =	vst v63  }
0x2d6: {  	_ =	swait.ge [sflag:s0], $0x80  }
0x2d7: {  	[sflag:s0] =	ssyncset.done $0x0  }
0x2d8: {  	s3 =	simm.s32 $0x390;
	s2 =	rddreg [dreg:$0x1d];
	[sflag:s0] =	ssyncadd.s32 $0xFFFFFF80  }
0x2d9: {  	[spmem:s2] =	stream.linear.scatter [tilespmem:s3], [sflag:$0x2], $0x80, $0x38;
	[tilespmem:$0x1110] =	vst v63  }
0x2da: {  	_ =	swait.ge [sflag:s0], $0x80  }
0x2db: {  	[sflag:s0] =	ssyncset.done $0x0  }
0x2dc: {  	[sflag:s0] =	ssyncadd.s32 $0xFFFFFF80  }
0x2dd: {  	p0 =	por $0x1, $0x1;
	s2 =	simm.s32 $0x0;
	[bflag:$0x0] =	sbarrier.arrive $0xFFFF  }
.LBB3_9:
0x2de: {  	v5 =	vld [tilespmem:s2+$0xC10]  }
0x2df: {  	v6 =	vld [tilespmem:s2+$0xB90]  }
0x2e0: {  	v7 =	vld [tilespmem:s2+$0xC20]  }
0x2e1: {  	v8 =	vld [tilespmem:s2+$0xBA0]  }
0x2e2: {  	v9 =	vld [tilespmem:s2+$0xC30]  }
0x2e3: {  	v10 =	vld [tilespmem:s2+$0xBB0]  }
0x2e4: {  	v11 =	vld [tilespmem:s2+$0xC40]  }
0x2e5: {  	v12 =	vld [tilespmem:s2+$0xBC0];
	_ =	sdelay $0x1  }
0x2e6: {  	p1 =	por p0, p0;
	v5 =	vmul.f32 v6, v5  }
.Ltmp3:
0x2e7: {  	v6 =	vmul.f32 v8, v7;
	(pc) =	sbr.rel @p1 .LBB3_9-.Ltmp3, $4  }
0x2e8: {  	[tilespmem:s2+$0xD10] =	vst v5;
	v5 =	vmul.f32 v10, v9  }
0x2e9: {  	[tilespmem:s2+$0xD20] =	vst v6;
	v6 =	vmul.f32 v12, v11  }
0x2ea: {  	[tilespmem:s2+$0xD30] =	vst v5  }
0x2eb: {  	p0 =	por $0x0, $0x0;
	[tilespmem:s2+$0xD40] =	vst v6;
	s2 =	simm.s32 $0x40  }
0x2ec: {  	[spmem:s4] =	stream.indirect.scatter.add.f32 [tilespmem:s20], [sflag:$0x1], $0x1, s19, s15, $0xb8;
	[tilespmem:$0x1110] =	vst v63  }
0x2ed: {  	_ = 	snop  }
0x2ee: {  	[tilespmem:s16], [sflag:$0x1] =	stream.indirect.gather [spmem:s12], $0x1, s19, s15, $0xb8;
	[tilespmem:$0x1110] =	vst v63  }
0x2ef: {  	_ = 	snop  }
0x2f0: {  	[tilespmem:s21], [sflag:$0x1] =	stream.indirect.gather [spmem:s13], $0x1, s19, s15, $0xb8;
	[tilespmem:$0x1110] =	vst v63  }
0x2f1: {  	_ =	swait.ge [sflag:s22], $0x80  }
0x2f2: {  	[sflag:s22] =	ssyncset.done $0x0  }
0x2f3: {  	[sflag:s22] =	ssyncadd.s32 $0xFFFFFF80  }
0x2f4: {  	_ =	swait.ge [sflag:s22], $0x80  }
0x2f5: {  	[sflag:s22] =	ssyncset.done $0x0  }
0x2f6: {  	[sflag:s22] =	ssyncadd.s32 $0xFFFFFF80  }
0x2f7: {  	_ =	swait.ge [sflag:s22], $0x80  }
0x2f8: {  	[sflag:s22] =	ssyncset.done $0x0  }
0x2f9: {  	s2 =	simm.s32 $0x0;
	p0 =	por $0x1, $0x1;
	[sflag:s22] =	ssyncadd.s32 $0xFFFFFF80  }
.LBB3_11:
0x2fa: {  	v5 =	vld [tilespmem:s2+$0xC10]  }
0x2fb: {  	v6 =	vld [tilespmem:s2+$0xD90]  }
0x2fc: {  	v7 =	vld [tilespmem:s2+$0xC20]  }
0x2fd: {  	v8 =	vld [tilespmem:s2+$0xDA0]  }
0x2fe: {  	v9 =	vld [tilespmem:s2+$0xC30]  }
0x2ff: {  	v11 =	vld [tilespmem:s2+$0xC40]  }
0x300: {  	v12 =	vld [tilespmem:s2+$0xDC0]  }
0x301: {  	v10 =	vld [tilespmem:s2+$0xDB0];
	_ =	sdelay $0x1  }
0x302: {  	v5 =	vmul.f32 v6, v5  }
0x303: {  	v6 =	vmul.f32 v8, v7  }
0x304: {  	v63 =	vld [tilespmem:s2+$0xE20];
	v7 =	vmul.f32 v12, v11;
	[tilespmem:s2+$0xC10] =	vst v5  }
0x305: {  	v5 =	vmul.f32 v10, v9;
	[tilespmem:s2+$0xC20] =	vst v6;
	v6 =	vld [tilespmem:s2+$0xE10]  }
0x306: {  	[tilespmem:s2+$0xC40] =	vst v7;
	v7 =	vld [tilespmem:s2+$0xE40]  }
0x307: {  	p1 =	por p0, p0;
	[tilespmem:s2+$0xC30] =	vst v5;
	v5 =	vld [tilespmem:s2+$0xE30]  }
.Ltmp4:
0x308: {  	_ = 	snop;
	(pc) =	sbr.rel @p1 .LBB3_11-.Ltmp4, $4  }
0x309: {  	[tilespmem:s2+$0xCA0] =	vst v63  }
0x30a: {  	[tilespmem:s2+$0xC90] =	vst v6  }
0x30b: {  	[tilespmem:s2+$0xCC0] =	vst v7  }
0x30c: {  	p0 =	por $0x0, $0x0;
	[tilespmem:s2+$0xCB0] =	vst v5;
	s2 =	simm.s32 $0x40  }
0x30d: {  	[spmem:s30] =	stream.linear.scatter [tilespmem:s17], [sflag:$0x2], $0x80, $0x38;
	[tilespmem:$0x1110] =	vst v63  }
0x30e: {  	_ =	swait.ge [sflag:s0], $0x80  }
0x30f: {  	[sflag:s0] =	ssyncset.done $0x0  }
0x310: {  	[sflag:s0] =	ssyncadd.s32 $0xFFFFFF80  }
0x311: {  	[spmem:s31] =	stream.linear.scatter [tilespmem:s19], [sflag:$0x2], $0x80, $0x38;
	[tilespmem:$0x1110] =	vst v63  }
0x312: {  	_ =	swait.ge [sflag:s0], $0x80  }
0x313: {  	[sflag:s0] =	ssyncset.done $0x0  }
0x314: {  	[sflag:s0] =	ssyncadd.s32 $0xFFFFFF80  }
0x315: {  	[bflag:$0x0] =	sbarrier.arrive $0xFFFF  }
0x316: {  	[tilespmem:s18], [sflag:$0x2] =	stream.linear.gather [spmem:s28], $0x80, $0x38;
	[tilespmem:$0x1110] =	vst v63  }
0x317: {  	_ =	swait.ge [sflag:s0], $0x80  }
0x318: {  	[sflag:s0] =	ssyncset.done $0x0  }
0x319: {  	[sflag:s0] =	ssyncadd.s32 $0xFFFFFF80  }
0x31a: {  	s2 =	simm.s32 $0x0;
	p0 =	por $0x1, $0x1;
	[bflag:$0x0] =	sbarrier.arrive $0xFFFF  }
.LBB3_13:
0x31b: {  	v5 =	vld [tilespmem:s2+$0xC10]  }
0x31c: {  	v6 =	vld [tilespmem:s2+$0xB90]  }
0x31d: {  	v7 =	vld [tilespmem:s2+$0xC20]  }
0x31e: {  	v8 =	vld [tilespmem:s2+$0xBA0]  }
0x31f: {  	v9 =	vld [tilespmem:s2+$0xC30]  }
0x320: {  	v10 =	vld [tilespmem:s2+$0xBB0]  }
0x321: {  	v11 =	vld [tilespmem:s2+$0xC40]  }
0x322: {  	v12 =	vld [tilespmem:s2+$0xBC0];
	_ =	sdelay $0x1  }
0x323: {  	p1 =	por p0, p0;
	v5 =	vmul.f32 v6, v5  }
.Ltmp5:
0x324: {  	v6 =	vmul.f32 v8, v7;
	(pc) =	sbr.rel @p1 .LBB3_13-.Ltmp5, $4  }
0x325: {  	[tilespmem:s2+$0xD10] =	vst v5;
	v5 =	vmul.f32 v10, v9  }
0x326: {  	[tilespmem:s2+$0xD20] =	vst v6;
	v6 =	vmul.f32 v12, v11  }
0x327: {  	[tilespmem:s2+$0xD30] =	vst v5  }
0x328: {  	p0 =	por $0x0, $0x0;
	[tilespmem:s2+$0xD40] =	vst v6;
	s2 =	simm.s32 $0x40  }
0x329: {  	[spmem:s4] =	stream.indirect.scatter.add.f32 [tilespmem:s20], [sflag:$0x1], $0x1, s19, s15, $0xb8;
	[tilespmem:$0x1110] =	vst v63  }
0x32a: {  	_ = 	snop  }
0x32b: {  	[tilespmem:s16], [sflag:$0x1] =	stream.indirect.gather [spmem:s9], $0x1, s19, s15, $0xb8;
	[tilespmem:$0x1110] =	vst v63  }
0x32c: {  	_ = 	snop  }
0x32d: {  	[tilespmem:s21], [sflag:$0x1] =	stream.indirect.gather [spmem:s10], $0x1, s19, s15, $0xb8;
	[tilespmem:$0x1110] =	vst v63  }
0x32e: {  	_ =	swait.ge [sflag:s22], $0x80  }
0x32f: {  	[sflag:s22] =	ssyncset.done $0x0  }
0x330: {  	[sflag:s22] =	ssyncadd.s32 $0xFFFFFF80  }
0x331: {  	_ =	swait.ge [sflag:s22], $0x80  }
0x332: {  	[sflag:s22] =	ssyncset.done $0x0  }
0x333: {  	[sflag:s22] =	ssyncadd.s32 $0xFFFFFF80  }
0x334: {  	_ =	swait.ge [sflag:s22], $0x80  }
0x335: {  	[sflag:s22] =	ssyncset.done $0x0  }
0x336: {  	s2 =	simm.s32 $0x0;
	p0 =	por $0x1, $0x1;
	[sflag:s22] =	ssyncadd.s32 $0xFFFFFF80  }
.LBB3_15:
0x337: {  	v5 =	vld [tilespmem:s2+$0xC10]  }
0x338: {  	v6 =	vld [tilespmem:s2+$0xD90]  }
0x339: {  	v7 =	vld [tilespmem:s2+$0xC20]  }
0x33a: {  	v8 =	vld [tilespmem:s2+$0xDA0]  }
0x33b: {  	v9 =	vld [tilespmem:s2+$0xC30]  }
0x33c: {  	v11 =	vld [tilespmem:s2+$0xC40]  }
0x33d: {  	v12 =	vld [tilespmem:s2+$0xDC0]  }
0x33e: {  	v10 =	vld [tilespmem:s2+$0xDB0];
	_ =	sdelay $0x1  }
0x33f: {  	v5 =	vmul.f32 v6, v5  }
0x340: {  	v6 =	vmul.f32 v8, v7  }
0x341: {  	v63 =	vld [tilespmem:s2+$0xE20];
	v7 =	vmul.f32 v12, v11;
	[tilespmem:s2+$0xC10] =	vst v5  }
0x342: {  	v5 =	vmul.f32 v10, v9;
	[tilespmem:s2+$0xC20] =	vst v6;
	v6 =	vld [tilespmem:s2+$0xE10]  }
0x343: {  	[tilespmem:s2+$0xC40] =	vst v7;
	v7 =	vld [tilespmem:s2+$0xE40]  }
0x344: {  	p1 =	por p0, p0;
	[tilespmem:s2+$0xC30] =	vst v5;
	v5 =	vld [tilespmem:s2+$0xE30]  }
.Ltmp6:
0x345: {  	_ = 	snop;
	(pc) =	sbr.rel @p1 .LBB3_15-.Ltmp6, $4  }
0x346: {  	[tilespmem:s2+$0xCA0] =	vst v63  }
0x347: {  	[tilespmem:s2+$0xC90] =	vst v6  }
0x348: {  	[tilespmem:s2+$0xCC0] =	vst v7  }
0x349: {  	p0 =	por $0x0, $0x0;
	[tilespmem:s2+$0xCB0] =	vst v5;
	s2 =	simm.s32 $0x40  }
0x34a: {  	[spmem:s25] =	stream.linear.scatter [tilespmem:s17], [sflag:$0x2], $0x80, $0x38;
	[tilespmem:$0x1110] =	vst v63  }
0x34b: {  	_ =	swait.ge [sflag:s0], $0x80  }
0x34c: {  	[sflag:s0] =	ssyncset.done $0x0  }
0x34d: {  	[sflag:s0] =	ssyncadd.s32 $0xFFFFFF80  }
0x34e: {  	[spmem:s26] =	stream.linear.scatter [tilespmem:s19], [sflag:$0x2], $0x80, $0x38;
	[tilespmem:$0x1110] =	vst v63  }
0x34f: {  	_ =	swait.ge [sflag:s0], $0x80  }
0x350: {  	[sflag:s0] =	ssyncset.done $0x0  }
0x351: {  	[sflag:s0] =	ssyncadd.s32 $0xFFFFFF80  }
0x352: {  	[bflag:$0x0] =	sbarrier.arrive $0xFFFF  }
0x353: {  	[tilespmem:s18], [sflag:$0x2] =	stream.linear.gather [spmem:s28], $0x80, $0x38;
	[tilespmem:$0x1110] =	vst v63  }
0x354: {  	_ =	swait.ge [sflag:s0], $0x80  }
0x355: {  	[sflag:s0] =	ssyncset.done $0x0  }
0x356: {  	[sflag:s0] =	ssyncadd.s32 $0xFFFFFF80  }
0x357: {  	s2 =	simm.s32 $0x0;
	p0 =	por $0x1, $0x1;
	[bflag:$0x0] =	sbarrier.arrive $0xFFFF  }
.LBB3_17:
0x358: {  	v5 =	vld [tilespmem:s2+$0xC10]  }
0x359: {  	v6 =	vld [tilespmem:s2+$0xB90]  }
0x35a: {  	v7 =	vld [tilespmem:s2+$0xC20]  }
0x35b: {  	v8 =	vld [tilespmem:s2+$0xBA0]  }
0x35c: {  	v9 =	vld [tilespmem:s2+$0xC30]  }
0x35d: {  	v10 =	vld [tilespmem:s2+$0xBB0]  }
0x35e: {  	v11 =	vld [tilespmem:s2+$0xC40]  }
0x35f: {  	v12 =	vld [tilespmem:s2+$0xBC0];
	_ =	sdelay $0x1  }
0x360: {  	p1 =	por p0, p0;
	v5 =	vmul.f32 v6, v5  }
.Ltmp7:
0x361: {  	v6 =	vmul.f32 v8, v7;
	(pc) =	sbr.rel @p1 .LBB3_17-.Ltmp7, $4  }
0x362: {  	[tilespmem:s2+$0xD10] =	vst v5;
	v5 =	vmul.f32 v10, v9  }
0x363: {  	[tilespmem:s2+$0xD20] =	vst v6;
	v6 =	vmul.f32 v12, v11  }
0x364: {  	[tilespmem:s2+$0xD30] =	vst v5  }
0x365: {  	p0 =	por $0x0, $0x0;
	[tilespmem:s2+$0xD40] =	vst v6;
	s2 =	simm.s32 $0x40  }
0x366: {  	[spmem:s4] =	stream.indirect.scatter.add.f32 [tilespmem:s20], [sflag:$0x1], $0x1, s19, s15, $0xb8;
	[tilespmem:$0x1110] =	vst v63  }
0x367: {  	_ = 	snop  }
0x368: {  	[tilespmem:s16], [sflag:$0x1] =	stream.indirect.gather [spmem:s12], $0x1, s19, s15, $0xb8;
	[tilespmem:$0x1110] =	vst v63  }
0x369: {  	_ = 	snop  }
0x36a: {  	[tilespmem:s21], [sflag:$0x1] =	stream.indirect.gather [spmem:s13], $0x1, s19, s15, $0xb8;
	[tilespmem:$0x1110] =	vst v63  }
0x36b: {  	_ =	swait.ge [sflag:s22], $0x80  }
0x36c: {  	[sflag:s22] =	ssyncset.done $0x0  }
0x36d: {  	[sflag:s22] =	ssyncadd.s32 $0xFFFFFF80  }
0x36e: {  	_ =	swait.ge [sflag:s22], $0x80  }
0x36f: {  	[sflag:s22] =	ssyncset.done $0x0  }
0x370: {  	[sflag:s22] =	ssyncadd.s32 $0xFFFFFF80  }
0x371: {  	_ =	swait.ge [sflag:s22], $0x80  }
0x372: {  	[sflag:s22] =	ssyncset.done $0x0  }
0x373: {  	s2 =	simm.s32 $0x0;
	p0 =	por $0x1, $0x1;
	[sflag:s22] =	ssyncadd.s32 $0xFFFFFF80  }
.LBB3_19:
0x374: {  	v5 =	vld [tilespmem:s2+$0xC10]  }
0x375: {  	v6 =	vld [tilespmem:s2+$0xD90]  }
0x376: {  	v7 =	vld [tilespmem:s2+$0xC20]  }
0x377: {  	v8 =	vld [tilespmem:s2+$0xDA0]  }
0x378: {  	v9 =	vld [tilespmem:s2+$0xC30]  }
0x379: {  	v11 =	vld [tilespmem:s2+$0xC40]  }
0x37a: {  	v12 =	vld [tilespmem:s2+$0xDC0]  }
0x37b: {  	v10 =	vld [tilespmem:s2+$0xDB0];
	_ =	sdelay $0x1  }
0x37c: {  	v5 =	vmul.f32 v6, v5  }
0x37d: {  	v6 =	vmul.f32 v8, v7  }
0x37e: {  	v63 =	vld [tilespmem:s2+$0xE20];
	v7 =	vmul.f32 v12, v11;
	[tilespmem:s2+$0xC10] =	vst v5  }
0x37f: {  	v5 =	vmul.f32 v10, v9;
	[tilespmem:s2+$0xC20] =	vst v6;
	v6 =	vld [tilespmem:s2+$0xE10]  }
0x380: {  	[tilespmem:s2+$0xC40] =	vst v7;
	v7 =	vld [tilespmem:s2+$0xE40]  }
0x381: {  	p1 =	por p0, p0;
	[tilespmem:s2+$0xC30] =	vst v5;
	v5 =	vld [tilespmem:s2+$0xE30]  }
.Ltmp8:
0x382: {  	_ = 	snop;
	(pc) =	sbr.rel @p1 .LBB3_19-.Ltmp8, $4  }
0x383: {  	[tilespmem:s2+$0xCA0] =	vst v63  }
0x384: {  	[tilespmem:s2+$0xC90] =	vst v6  }
0x385: {  	[tilespmem:s2+$0xCC0] =	vst v7  }
0x386: {  	p0 =	por $0x0, $0x0;
	[tilespmem:s2+$0xCB0] =	vst v5;
	s2 =	simm.s32 $0x40  }
0x387: {  	[spmem:s30] =	stream.linear.scatter [tilespmem:s17], [sflag:$0x2], $0x80, $0x38;
	[tilespmem:$0x1110] =	vst v63  }
0x388: {  	_ =	swait.ge [sflag:s0], $0x80  }
0x389: {  	[sflag:s0] =	ssyncset.done $0x0  }
0x38a: {  	[sflag:s0] =	ssyncadd.s32 $0xFFFFFF80  }
0x38b: {  	[spmem:s31] =	stream.linear.scatter [tilespmem:s19], [sflag:$0x2], $0x80, $0x38;
	[tilespmem:$0x1110] =	vst v63  }
0x38c: {  	_ =	swait.ge [sflag:s0], $0x80  }
0x38d: {  	[sflag:s0] =	ssyncset.done $0x0  }
0x38e: {  	[sflag:s0] =	ssyncadd.s32 $0xFFFFFF80  }
0x38f: {  	[bflag:$0x0] =	sbarrier.arrive $0xFFFF  }
0x390: {  	[tilespmem:s18], [sflag:$0x2] =	stream.linear.gather [spmem:s28], $0x80, $0x38;
	[tilespmem:$0x1110] =	vst v63  }
0x391: {  	_ =	swait.ge [sflag:s0], $0x80  }
0x392: {  	[sflag:s0] =	ssyncset.done $0x0  }
0x393: {  	[sflag:s0] =	ssyncadd.s32 $0xFFFFFF80  }
0x394: {  	s2 =	simm.s32 $0x0;
	p0 =	por $0x1, $0x1;
	[bflag:$0x0] =	sbarrier.arrive $0xFFFF  }
.LBB3_21:
0x395: {  	v5 =	vld [tilespmem:s2+$0xC10]  }
0x396: {  	v6 =	vld [tilespmem:s2+$0xB90]  }
0x397: {  	v7 =	vld [tilespmem:s2+$0xC20]  }
0x398: {  	v8 =	vld [tilespmem:s2+$0xBA0]  }
0x399: {  	v9 =	vld [tilespmem:s2+$0xC30]  }
0x39a: {  	v10 =	vld [tilespmem:s2+$0xBB0]  }
0x39b: {  	v11 =	vld [tilespmem:s2+$0xC40]  }
0x39c: {  	v12 =	vld [tilespmem:s2+$0xBC0];
	_ =	sdelay $0x1  }
0x39d: {  	p1 =	por p0, p0;
	v5 =	vmul.f32 v6, v5  }
.Ltmp9:
0x39e: {  	v6 =	vmul.f32 v8, v7;
	(pc) =	sbr.rel @p1 .LBB3_21-.Ltmp9, $4  }
0x39f: {  	[tilespmem:s2+$0xD10] =	vst v5;
	v5 =	vmul.f32 v10, v9  }
0x3a0: {  	[tilespmem:s2+$0xD20] =	vst v6;
	v6 =	vmul.f32 v12, v11  }
0x3a1: {  	[tilespmem:s2+$0xD30] =	vst v5  }
0x3a2: {  	p0 =	por $0x0, $0x0;
	[tilespmem:s2+$0xD40] =	vst v6;
	s2 =	simm.s32 $0x40  }
0x3a3: {  	[spmem:s4] =	stream.indirect.scatter.add.f32 [tilespmem:s20], [sflag:$0x1], $0x1, s19, s15, $0xb8;
	[tilespmem:$0x1110] =	vst v63  }
0x3a4: {  	_ = 	snop  }
0x3a5: {  	[tilespmem:s16], [sflag:$0x1] =	stream.indirect.gather [spmem:s9], $0x1, s19, s15, $0xb8;
	[tilespmem:$0x1110] =	vst v63  }
0x3a6: {  	_ = 	snop  }
0x3a7: {  	[tilespmem:s21], [sflag:$0x1] =	stream.indirect.gather [spmem:s10], $0x1, s19, s15, $0xb8;
	[tilespmem:$0x1110] =	vst v63  }
0x3a8: {  	_ =	swait.ge [sflag:s22], $0x80  }
0x3a9: {  	[sflag:s22] =	ssyncset.done $0x0  }
0x3aa: {  	[sflag:s22] =	ssyncadd.s32 $0xFFFFFF80  }
0x3ab: {  	_ =	swait.ge [sflag:s22], $0x80  }
0x3ac: {  	[sflag:s22] =	ssyncset.done $0x0  }
0x3ad: {  	[sflag:s22] =	ssyncadd.s32 $0xFFFFFF80  }
0x3ae: {  	_ =	swait.ge [sflag:s22], $0x80  }
0x3af: {  	[sflag:s22] =	ssyncset.done $0x0  }
0x3b0: {  	s2 =	simm.s32 $0x0;
	p0 =	por $0x1, $0x1;
	[sflag:s22] =	ssyncadd.s32 $0xFFFFFF80  }
.LBB3_23:
0x3b1: {  	v5 =	vld [tilespmem:s2+$0xC10]  }
0x3b2: {  	v6 =	vld [tilespmem:s2+$0xD90]  }
0x3b3: {  	v7 =	vld [tilespmem:s2+$0xC20]  }
0x3b4: {  	v8 =	vld [tilespmem:s2+$0xDA0]  }
0x3b5: {  	v9 =	vld [tilespmem:s2+$0xC30]  }
0x3b6: {  	v11 =	vld [tilespmem:s2+$0xC40]  }
0x3b7: {  	v12 =	vld [tilespmem:s2+$0xDC0]  }
0x3b8: {  	v10 =	vld [tilespmem:s2+$0xDB0];
	_ =	sdelay $0x1  }
0x3b9: {  	v5 =	vmul.f32 v6, v5  }
0x3ba: {  	v6 =	vmul.f32 v8, v7  }
0x3bb: {  	v63 =	vld [tilespmem:s2+$0xE20];
	v7 =	vmul.f32 v12, v11;
	[tilespmem:s2+$0xC10] =	vst v5  }
0x3bc: {  	v5 =	vmul.f32 v10, v9;
	[tilespmem:s2+$0xC20] =	vst v6;
	v6 =	vld [tilespmem:s2+$0xE10]  }
0x3bd: {  	[tilespmem:s2+$0xC40] =	vst v7;
	v7 =	vld [tilespmem:s2+$0xE40]  }
0x3be: {  	p1 =	por p0, p0;
	[tilespmem:s2+$0xC30] =	vst v5;
	v5 =	vld [tilespmem:s2+$0xE30]  }
.Ltmp10:
0x3bf: {  	_ = 	snop;
	(pc) =	sbr.rel @p1 .LBB3_23-.Ltmp10, $4  }
0x3c0: {  	[tilespmem:s2+$0xCA0] =	vst v63  }
0x3c1: {  	[tilespmem:s2+$0xC90] =	vst v6  }
0x3c2: {  	[tilespmem:s2+$0xCC0] =	vst v7  }
0x3c3: {  	p0 =	por $0x0, $0x0;
	[tilespmem:s2+$0xCB0] =	vst v5;
	s2 =	simm.s32 $0x40  }
0x3c4: {  	[spmem:s25] =	stream.linear.scatter [tilespmem:s17], [sflag:$0x2], $0x80, $0x38;
	[tilespmem:$0x1110] =	vst v63  }
0x3c5: {  	_ =	swait.ge [sflag:s0], $0x80  }
0x3c6: {  	[sflag:s0] =	ssyncset.done $0x0  }
0x3c7: {  	[sflag:s0] =	ssyncadd.s32 $0xFFFFFF80  }
0x3c8: {  	[spmem:s26] =	stream.linear.scatter [tilespmem:s19], [sflag:$0x2], $0x80, $0x38;
	[tilespmem:$0x1110] =	vst v63  }
0x3c9: {  	_ =	swait.ge [sflag:s0], $0x80  }
0x3ca: {  	[sflag:s0] =	ssyncset.done $0x0  }
0x3cb: {  	[sflag:s0] =	ssyncadd.s32 $0xFFFFFF80  }
0x3cc: {  	[bflag:$0x0] =	sbarrier.arrive $0xFFFF  }
0x3cd: {  	[tilespmem:s18], [sflag:$0x2] =	stream.linear.gather [spmem:s28], $0x80, $0x38;
	[tilespmem:$0x1110] =	vst v63  }
0x3ce: {  	_ =	swait.ge [sflag:s0], $0x80  }
0x3cf: {  	[sflag:s0] =	ssyncset.done $0x0  }
0x3d0: {  	[sflag:s0] =	ssyncadd.s32 $0xFFFFFF80  }
0x3d1: {  	s2 =	simm.s32 $0x0;
	p0 =	por $0x1, $0x1;
	[bflag:$0x0] =	sbarrier.arrive $0xFFFF  }
.LBB3_25:
0x3d2: {  	v5 =	vld [tilespmem:s2+$0xC10]  }
0x3d3: {  	v6 =	vld [tilespmem:s2+$0xB90]  }
0x3d4: {  	v7 =	vld [tilespmem:s2+$0xC20]  }
0x3d5: {  	v8 =	vld [tilespmem:s2+$0xBA0]  }
0x3d6: {  	v9 =	vld [tilespmem:s2+$0xC30]  }
0x3d7: {  	v10 =	vld [tilespmem:s2+$0xBB0]  }
0x3d8: {  	v11 =	vld [tilespmem:s2+$0xC40]  }
0x3d9: {  	v12 =	vld [tilespmem:s2+$0xBC0];
	_ =	sdelay $0x1  }
0x3da: {  	p1 =	por p0, p0;
	v5 =	vmul.f32 v6, v5  }
.Ltmp11:
0x3db: {  	v6 =	vmul.f32 v8, v7;
	(pc) =	sbr.rel @p1 .LBB3_25-.Ltmp11, $4  }
0x3dc: {  	[tilespmem:s2+$0xD10] =	vst v5;
	v5 =	vmul.f32 v10, v9  }
0x3dd: {  	[tilespmem:s2+$0xD20] =	vst v6;
	v6 =	vmul.f32 v12, v11  }
0x3de: {  	[tilespmem:s2+$0xD30] =	vst v5  }
0x3df: {  	p0 =	por $0x0, $0x0;
	[tilespmem:s2+$0xD40] =	vst v6;
	s2 =	simm.s32 $0x40  }
0x3e0: {  	[spmem:s4] =	stream.indirect.scatter.add.f32 [tilespmem:s20], [sflag:$0x1], $0x1, s19, s15, $0xb8;
	[tilespmem:$0x1110] =	vst v63  }
0x3e1: {  	_ = 	snop  }
0x3e2: {  	[tilespmem:s16], [sflag:$0x1] =	stream.indirect.gather [spmem:s12], $0x1, s19, s15, $0xb8;
	[tilespmem:$0x1110] =	vst v63  }
0x3e3: {  	_ = 	snop  }
0x3e4: {  	[tilespmem:s21], [sflag:$0x1] =	stream.indirect.gather [spmem:s13], $0x1, s19, s15, $0xb8;
	[tilespmem:$0x1110] =	vst v63  }
0x3e5: {  	_ =	swait.ge [sflag:s22], $0x80  }
0x3e6: {  	[sflag:s22] =	ssyncset.done $0x0  }
0x3e7: {  	[sflag:s22] =	ssyncadd.s32 $0xFFFFFF80  }
0x3e8: {  	_ =	swait.ge [sflag:s22], $0x80  }
0x3e9: {  	[sflag:s22] =	ssyncset.done $0x0  }
0x3ea: {  	[sflag:s22] =	ssyncadd.s32 $0xFFFFFF80  }
0x3eb: {  	_ =	swait.ge [sflag:s22], $0x80  }
0x3ec: {  	[sflag:s22] =	ssyncset.done $0x0  }
0x3ed: {  	s2 =	simm.s32 $0x0;
	p0 =	por $0x1, $0x1;
	[sflag:s22] =	ssyncadd.s32 $0xFFFFFF80  }
.LBB3_27:
0x3ee: {  	v5 =	vld [tilespmem:s2+$0xC10]  }
0x3ef: {  	v6 =	vld [tilespmem:s2+$0xD90]  }
0x3f0: {  	v7 =	vld [tilespmem:s2+$0xC20]  }
0x3f1: {  	v8 =	vld [tilespmem:s2+$0xDA0]  }
0x3f2: {  	v9 =	vld [tilespmem:s2+$0xC30]  }
0x3f3: {  	v11 =	vld [tilespmem:s2+$0xC40]  }
0x3f4: {  	v12 =	vld [tilespmem:s2+$0xDC0]  }
0x3f5: {  	v10 =	vld [tilespmem:s2+$0xDB0];
	_ =	sdelay $0x1  }
0x3f6: {  	v5 =	vmul.f32 v6, v5  }
0x3f7: {  	v6 =	vmul.f32 v8, v7  }
0x3f8: {  	v63 =	vld [tilespmem:s2+$0xE20];
	v7 =	vmul.f32 v12, v11;
	[tilespmem:s2+$0xC10] =	vst v5  }
0x3f9: {  	v5 =	vmul.f32 v10, v9;
	[tilespmem:s2+$0xC20] =	vst v6;
	v6 =	vld [tilespmem:s2+$0xE10]  }
0x3fa: {  	[tilespmem:s2+$0xC40] =	vst v7;
	v7 =	vld [tilespmem:s2+$0xE40]  }
0x3fb: {  	p1 =	por p0, p0;
	[tilespmem:s2+$0xC30] =	vst v5;
	v5 =	vld [tilespmem:s2+$0xE30]  }
.Ltmp12:
0x3fc: {  	_ = 	snop;
	(pc) =	sbr.rel @p1 .LBB3_27-.Ltmp12, $4  }
0x3fd: {  	[tilespmem:s2+$0xCA0] =	vst v63  }
0x3fe: {  	[tilespmem:s2+$0xC90] =	vst v6  }
0x3ff: {  	[tilespmem:s2+$0xCC0] =	vst v7  }
0x400: {  	p0 =	por $0x0, $0x0;
	[tilespmem:s2+$0xCB0] =	vst v5;
	s2 =	simm.s32 $0x40  }
0x401: {  	[spmem:s30] =	stream.linear.scatter [tilespmem:s17], [sflag:$0x2], $0x80, $0x38;
	[tilespmem:$0x1110] =	vst v63  }
0x402: {  	_ =	swait.ge [sflag:s0], $0x80  }
0x403: {  	[sflag:s0] =	ssyncset.done $0x0  }
0x404: {  	[sflag:s0] =	ssyncadd.s32 $0xFFFFFF80  }
0x405: {  	[spmem:s31] =	stream.linear.scatter [tilespmem:s19], [sflag:$0x2], $0x80, $0x38;
	[tilespmem:$0x1110] =	vst v63  }
0x406: {  	_ =	swait.ge [sflag:s0], $0x80  }
0x407: {  	[sflag:s0] =	ssyncset.done $0x0  }
0x408: {  	[sflag:s0] =	ssyncadd.s32 $0xFFFFFF80  }
0x409: {  	[bflag:$0x0] =	sbarrier.arrive $0xFFFF  }
0x40a: {  	[tilespmem:s18], [sflag:$0x2] =	stream.linear.gather [spmem:s28], $0x80, $0x38;
	[tilespmem:$0x1110] =	vst v63  }
0x40b: {  	_ =	swait.ge [sflag:s0], $0x80  }
0x40c: {  	[sflag:s0] =	ssyncset.done $0x0  }
0x40d: {  	[sflag:s0] =	ssyncadd.s32 $0xFFFFFF80  }
0x40e: {  	s2 =	simm.s32 $0x0;
	p0 =	por $0x1, $0x1;
	[bflag:$0x0] =	sbarrier.arrive $0xFFFF  }
.LBB3_29:
0x40f: {  	v5 =	vld [tilespmem:s2+$0xC10]  }
0x410: {  	v6 =	vld [tilespmem:s2+$0xB90]  }
0x411: {  	v7 =	vld [tilespmem:s2+$0xC20]  }
0x412: {  	v8 =	vld [tilespmem:s2+$0xBA0]  }
0x413: {  	v9 =	vld [tilespmem:s2+$0xC30]  }
0x414: {  	v10 =	vld [tilespmem:s2+$0xBB0]  }
0x415: {  	v11 =	vld [tilespmem:s2+$0xC40]  }
0x416: {  	v12 =	vld [tilespmem:s2+$0xBC0];
	_ =	sdelay $0x1  }
0x417: {  	p1 =	por p0, p0;
	v5 =	vmul.f32 v6, v5  }
.Ltmp13:
0x418: {  	v6 =	vmul.f32 v8, v7;
	(pc) =	sbr.rel @p1 .LBB3_29-.Ltmp13, $4  }
0x419: {  	[tilespmem:s2+$0xD10] =	vst v5;
	v5 =	vmul.f32 v10, v9  }
0x41a: {  	[tilespmem:s2+$0xD20] =	vst v6;
	v6 =	vmul.f32 v12, v11  }
0x41b: {  	[tilespmem:s2+$0xD30] =	vst v5  }
0x41c: {  	p0 =	por $0x0, $0x0;
	[tilespmem:s2+$0xD40] =	vst v6;
	s2 =	simm.s32 $0x40  }
0x41d: {  	[spmem:s4] =	stream.indirect.scatter.add.f32 [tilespmem:s20], [sflag:$0x1], $0x1, s19, s15, $0xb8;
	[tilespmem:$0x1110] =	vst v63  }
0x41e: {  	_ = 	snop  }
0x41f: {  	[tilespmem:s16], [sflag:$0x1] =	stream.indirect.gather [spmem:s9], $0x1, s19, s15, $0xb8;
	[tilespmem:$0x1110] =	vst v63  }
0x420: {  	_ = 	snop  }
0x421: {  	[tilespmem:s21], [sflag:$0x1] =	stream.indirect.gather [spmem:s10], $0x1, s19, s15, $0xb8;
	[tilespmem:$0x1110] =	vst v63  }
0x422: {  	_ =	swait.ge [sflag:s22], $0x80  }
0x423: {  	[sflag:s22] =	ssyncset.done $0x0  }
0x424: {  	[sflag:s22] =	ssyncadd.s32 $0xFFFFFF80  }
0x425: {  	_ =	swait.ge [sflag:s22], $0x80  }
0x426: {  	[sflag:s22] =	ssyncset.done $0x0  }
0x427: {  	[sflag:s22] =	ssyncadd.s32 $0xFFFFFF80  }
0x428: {  	_ =	swait.ge [sflag:s22], $0x80  }
0x429: {  	[sflag:s22] =	ssyncset.done $0x0  }
0x42a: {  	s2 =	simm.s32 $0x0;
	p0 =	por $0x1, $0x1;
	v5 =	vimm.f32 $0.0e+00;
	[sflag:s22] =	ssyncadd.s32 $0xFFFFFF80  }
.LBB3_31:
0x42b: {  	v6 =	vld [tilespmem:s2+$0xC10]  }
0x42c: {  	v7 =	vld [tilespmem:s2+$0xD90]  }
0x42d: {  	v8 =	vld [tilespmem:s2+$0xC20]  }
0x42e: {  	v9 =	vld [tilespmem:s2+$0xDA0]  }
0x42f: {  	v10 =	vld [tilespmem:s2+$0xC30]  }
0x430: {  	v11 =	vld [tilespmem:s2+$0xDB0]  }
0x431: {  	v60 =	vld [tilespmem:s2+$0xE10]  }
0x432: {  	v62 =	vld [tilespmem:s2+$0xE20]  }
0x433: {  	v12 =	vld [tilespmem:s2+$0xC40]  }
0x434: {  	v63 =	vld [tilespmem:s2+$0xE30]  }
0x435: {  	v13 =	vld [tilespmem:s2+$0xDC0];
	v6 =	vmul.f32 v7, v6  }
0x436: {  	[tilespmem:s2+$0xC90] =	vst v60  }
0x437: {  	v7 =	vmul.f32 v9, v8;
	[tilespmem:s2+$0xCA0] =	vst v62;
	v5 =	vadd.f32 v6, v5  }
0x438: {  	p1 =	por p0, p0;
	[tilespmem:s2+$0xC10] =	vst v6;
	v6 =	vld [tilespmem:s2+$0xE40]  }
.Ltmp14:
0x439: {  	v59 =	vmul.f32 v11, v10;
	[tilespmem:s2+$0xCB0] =	vst v63;
	v5 =	vadd.f32 v7, v5;
	(pc) =	sbr.rel @p1 .LBB3_31-.Ltmp14, $4  }
0x43a: {  	v61 =	vmul.f32 v13, v12;
	[tilespmem:s2+$0xC20] =	vst v7  }
0x43b: {  	[tilespmem:s2+$0xC30] =	vst v59;
	v5 =	vadd.f32 v59, v5  }
0x43c: {  	[tilespmem:s2+$0xC40] =	vst v61  }
0x43d: {  	p0 =	por $0x0, $0x0;
	[tilespmem:s2+$0xCC0] =	vst v6;
	s2 =	simm.s32 $0x40;
	v5 =	vadd.f32 v61, v5  }
0x43e: {  	[spmem:s25] =	stream.linear.scatter [tilespmem:s17], [sflag:$0x2], $0x80, $0x38;
	[tilespmem:$0x1110] =	vst v63  }
0x43f: {  	_ =	swait.ge [sflag:s0], $0x80  }
0x440: {  	[sflag:s0] =	ssyncset.done $0x0  }
0x441: {  	[sflag:s0] =	ssyncadd.s32 $0xFFFFFF80  }
0x442: {  	[spmem:s26] =	stream.linear.scatter [tilespmem:s19], [sflag:$0x2], $0x80, $0x38;
	[tilespmem:$0x1110] =	vst v63  }
0x443: {  	_ =	swait.ge [sflag:s0], $0x80  }
0x444: {  	[sflag:s0] =	ssyncset.done $0x0  }
0x445: {  	[sflag:s0] =	ssyncadd.s32 $0xFFFFFF80  }
0x446: {  	[tilespmem:$0x1010] =	vst v5  }
0x447: {  	[spmem:s7] =	stream.linear.scatter [tilespmem:s8], [sflag:$0x2], $0x10, $0x38;
	[tilespmem:$0x1110] =	vst v63  }
0x448: {  	_ =	swait.ge [sflag:s0], $0x10  }
0x449: {  	[sflag:s0] =	ssyncset.done $0x0  }
0x44a: {  	[sflag:s0] =	ssyncadd.s32 $0xFFFFFFF0  }
0x44b: {  	[bflag:$0x0] =	sbarrier.arrive $0xFFFF  }
0x44c: {  	[tilespmem:s18], [sflag:$0x2] =	stream.linear.gather [spmem:s28], $0x80, $0x38;
	[tilespmem:$0x1110] =	vst v63  }
0x44d: {  	_ =	swait.ge [sflag:s0], $0x80  }
0x44e: {  	[sflag:s0] =	ssyncset.done $0x0  }
0x44f: {  	[sflag:s0] =	ssyncadd.s32 $0xFFFFFF80  }
0x450: {  	[tilespmem:s5], [sflag:$0x2] =	stream.linear.gather [spmem:s11], $0x100, $0x38;
	[tilespmem:$0x1110] =	vst v63  }
0x451: {  	_ =	swait.ge [sflag:s0], $0x100  }
0x452: {  	[sflag:s0] =	ssyncset.done $0x0  }
0x453: {  	s3 =	simm.s32 $0xEB0;
	[sflag:s0] =	ssyncadd.s32 $0xFFFFFF00  }
0x454: {  	v5 =	vld [tilespmem:s3+$0xFFFFFFE0];
	_ =	sdelay $0x2  }
0x455: {  	v7 =	vld [tilespmem:s3+$0xFFFFFFF0]  }
0x456: {  	v6 =	vimm.f32 $0.0e+00  }
0x457: {  	v8 =	vadd.f32 v5, v6;
	v5 =	vld [tilespmem:s3+$0x0];
	_ =	sdelay $0x1  }
0x458: {  	v6 =	vld [tilespmem:s3+$0x10]  }
0x459: {  	s2 =	simm.s32 $0x0;
	s3 =	simm.s32 $0xEF0;
	v7 =	vadd.f32 v7, v8  }
.LBB3_33:
0x45a: {  	v8 =	vld [tilespmem:s3+$0xFFFFFFE0];
	s2 =	sadd.s32 $0x40, s2  }
0x45b: {  	p0 =	slt.u32 s2, $0xC0;
	v5 =	vadd.f32 v5, v7  }
0x45c: {  	v7 =	vld [tilespmem:s3+$0xFFFFFFF0]  }
.Ltmp15:
0x45d: {  	v6 =	vadd.f32 v6, v5;
	(pc) =	sbr.rel @p0 .LBB3_33-.Ltmp15, $4  }
0x45e: {  	v5 =	vld [tilespmem:s3+$0x0]  }
0x45f: {  	v8 =	vadd.f32 v8, v6  }
0x460: {  	v6 =	vld [tilespmem:s3+$0x10]  }
0x461: {  	s3 =	sadd.s32 $0x40, s3;
	v7 =	vadd.f32 v7, v8  }
0x462: {  	_ = 	snop  }
0x463: {  	v5 =	vadd.f32 v5, v7;
	_ =	sdelay $0x1  }
0x464: {  	v5 =	vadd.f32 v6, v5;
	_ =	sdelay $0x1  }
0x465: {  	[tilespmem:$0xF90] =	vst v5  }
0x466: {  	[bflag:$0x0] =	sbarrier.arrive $0xFFFF  }
0x467: {  	v5 =	vld [tilespmem:$0xF90];
	_ =	sdelay $0x4  }
0x468: {  	(xrf2) =	vadd.scan.msk.f32 $0xffff, v5;
	_ =	sdelay $0x9  }
0x469: {  	v5, _, _ =	vpop (xrf2)  }
0x46a: {  	(v2sf) =	vpush v5, $0xF;
	_ =	sdelay $0xe  }
0x46b: {  	s2 =	spop (v2sf)  }
0x46c: {  	p0 =	sgt.f32 s2, $0.0e+00  }
.Ltmp16:
0x46d: {  	_ = 	snop;
	(pc) =	sbr.rel @!p0 .LBB3_42-.Ltmp16, $1  }
0x46e: {  	_ =	sdelay $0x3  }
0x46f: {  	s2 =	simm.s32 $0x0;
	p0 =	por $0x1, $0x1  }
.LBB3_36:
0x470: {  	v5 =	vld [tilespmem:s2+$0xC10]  }
0x471: {  	v6 =	vld [tilespmem:s2+$0xB90]  }
0x472: {  	v7 =	vld [tilespmem:s2+$0xC20]  }
0x473: {  	v8 =	vld [tilespmem:s2+$0xBA0]  }
0x474: {  	v9 =	vld [tilespmem:s2+$0xC30]  }
0x475: {  	v10 =	vld [tilespmem:s2+$0xBB0]  }
0x476: {  	v11 =	vld [tilespmem:s2+$0xC40]  }
0x477: {  	v12 =	vld [tilespmem:s2+$0xBC0];
	_ =	sdelay $0x1  }
0x478: {  	p1 =	por p0, p0;
	v5 =	vmul.f32 v6, v5  }
.Ltmp17:
0x479: {  	v6 =	vmul.f32 v8, v7;
	(pc) =	sbr.rel @p1 .LBB3_36-.Ltmp17, $4  }
0x47a: {  	[tilespmem:s2+$0xD10] =	vst v5;
	v5 =	vmul.f32 v10, v9  }
0x47b: {  	[tilespmem:s2+$0xD20] =	vst v6;
	v6 =	vmul.f32 v12, v11  }
0x47c: {  	[tilespmem:s2+$0xD30] =	vst v5  }
0x47d: {  	p0 =	por $0x0, $0x0;
	[tilespmem:s2+$0xD40] =	vst v6;
	s2 =	simm.s32 $0x40  }
0x47e: {  	[spmem:s4] =	stream.indirect.scatter.add.f32 [tilespmem:s20], [sflag:$0x1], $0x1, s19, s15, $0xb8;
	[tilespmem:$0x1110] =	vst v63  }
0x47f: {  	_ = 	snop  }
0x480: {  	[tilespmem:s16], [sflag:$0x1] =	stream.indirect.gather [spmem:s12], $0x1, s19, s15, $0xb8;
	[tilespmem:$0x1110] =	vst v63  }
0x481: {  	_ = 	snop  }
0x482: {  	[tilespmem:s21], [sflag:$0x1] =	stream.indirect.gather [spmem:s13], $0x1, s19, s15, $0xb8;
	[tilespmem:$0x1110] =	vst v63  }
0x483: {  	_ =	swait.ge [sflag:s22], $0x80  }
0x484: {  	[sflag:s22] =	ssyncset.done $0x0  }
0x485: {  	[sflag:s22] =	ssyncadd.s32 $0xFFFFFF80  }
0x486: {  	_ =	swait.ge [sflag:s22], $0x80  }
0x487: {  	[sflag:s22] =	ssyncset.done $0x0  }
0x488: {  	[sflag:s22] =	ssyncadd.s32 $0xFFFFFF80  }
0x489: {  	_ =	swait.ge [sflag:s22], $0x80  }
0x48a: {  	[sflag:s22] =	ssyncset.done $0x0  }
0x48b: {  	s2 =	simm.s32 $0x0;
	p0 =	por $0x1, $0x1;
	v5 =	vimm.f32 $0.0e+00;
	[sflag:s22] =	ssyncadd.s32 $0xFFFFFF80  }
.LBB3_38:
0x48c: {  	v6 =	vld [tilespmem:s2+$0xC10]  }
0x48d: {  	v7 =	vld [tilespmem:s2+$0xD90]  }
0x48e: {  	v8 =	vld [tilespmem:s2+$0xC20]  }
0x48f: {  	v9 =	vld [tilespmem:s2+$0xDA0]  }
0x490: {  	v10 =	vld [tilespmem:s2+$0xC30]  }
0x491: {  	v11 =	vld [tilespmem:s2+$0xDB0]  }
0x492: {  	v60 =	vld [tilespmem:s2+$0xE10]  }
0x493: {  	v62 =	vld [tilespmem:s2+$0xE20]  }
0x494: {  	v12 =	vld [tilespmem:s2+$0xC40]  }
0x495: {  	v63 =	vld [tilespmem:s2+$0xE30]  }
0x496: {  	v13 =	vld [tilespmem:s2+$0xDC0];
	v6 =	vmul.f32 v7, v6  }
0x497: {  	[tilespmem:s2+$0xC90] =	vst v60  }
0x498: {  	v7 =	vmul.f32 v9, v8;
	[tilespmem:s2+$0xCA0] =	vst v62;
	v5 =	vadd.f32 v6, v5  }
0x499: {  	p1 =	por p0, p0;
	[tilespmem:s2+$0xC10] =	vst v6;
	v6 =	vld [tilespmem:s2+$0xE40]  }
.Ltmp18:
0x49a: {  	v59 =	vmul.f32 v11, v10;
	[tilespmem:s2+$0xCB0] =	vst v63;
	v5 =	vadd.f32 v7, v5;
	(pc) =	sbr.rel @p1 .LBB3_38-.Ltmp18, $4  }
0x49b: {  	v61 =	vmul.f32 v13, v12;
	[tilespmem:s2+$0xC20] =	vst v7  }
0x49c: {  	[tilespmem:s2+$0xC30] =	vst v59;
	v5 =	vadd.f32 v59, v5  }
0x49d: {  	[tilespmem:s2+$0xC40] =	vst v61  }
0x49e: {  	p0 =	por $0x0, $0x0;
	[tilespmem:s2+$0xCC0] =	vst v6;
	s2 =	simm.s32 $0x40;
	v5 =	vadd.f32 v61, v5  }
0x49f: {  	[spmem:s30] =	stream.linear.scatter [tilespmem:s17], [sflag:$0x2], $0x80, $0x38;
	[tilespmem:$0x1110] =	vst v63  }
0x4a0: {  	_ =	swait.ge [sflag:s0], $0x80  }
0x4a1: {  	[sflag:s0] =	ssyncset.done $0x0  }
0x4a2: {  	[sflag:s0] =	ssyncadd.s32 $0xFFFFFF80  }
0x4a3: {  	[spmem:s31] =	stream.linear.scatter [tilespmem:s19], [sflag:$0x2], $0x80, $0x38;
	[tilespmem:$0x1110] =	vst v63  }
0x4a4: {  	_ =	swait.ge [sflag:s0], $0x80  }
0x4a5: {  	[sflag:s0] =	ssyncset.done $0x0  }
0x4a6: {  	[sflag:s0] =	ssyncadd.s32 $0xFFFFFF80  }
0x4a7: {  	[tilespmem:$0x1010] =	vst v5  }
0x4a8: {  	[spmem:s7] =	stream.linear.scatter [tilespmem:s8], [sflag:$0x2], $0x10, $0x38;
	[tilespmem:$0x1110] =	vst v63  }
0x4a9: {  	_ =	swait.ge [sflag:s0], $0x10  }
0x4aa: {  	[sflag:s0] =	ssyncset.done $0x0  }
0x4ab: {  	[sflag:s0] =	ssyncadd.s32 $0xFFFFFFF0  }
0x4ac: {  	[bflag:$0x0] =	sbarrier.arrive $0xFFFF  }
0x4ad: {  	[tilespmem:s18], [sflag:$0x2] =	stream.linear.gather [spmem:s28], $0x80, $0x38;
	[tilespmem:$0x1110] =	vst v63  }
0x4ae: {  	_ =	swait.ge [sflag:s0], $0x80  }
0x4af: {  	[sflag:s0] =	ssyncset.done $0x0  }
0x4b0: {  	[sflag:s0] =	ssyncadd.s32 $0xFFFFFF80  }
0x4b1: {  	[tilespmem:s5], [sflag:$0x2] =	stream.linear.gather [spmem:s11], $0x100, $0x38;
	[tilespmem:$0x1110] =	vst v63  }
0x4b2: {  	_ =	swait.ge [sflag:s0], $0x100  }
0x4b3: {  	[sflag:s0] =	ssyncset.done $0x0  }
0x4b4: {  	s3 =	simm.s32 $0xEB0;
	[sflag:s0] =	ssyncadd.s32 $0xFFFFFF00  }
0x4b5: {  	v5 =	vld [tilespmem:s3+$0xFFFFFFE0];
	_ =	sdelay $0x2  }
0x4b6: {  	v7 =	vld [tilespmem:s3+$0xFFFFFFF0]  }
0x4b7: {  	v6 =	vimm.f32 $0.0e+00  }
0x4b8: {  	v8 =	vadd.f32 v5, v6;
	v5 =	vld [tilespmem:s3+$0x0];
	_ =	sdelay $0x1  }
0x4b9: {  	v6 =	vld [tilespmem:s3+$0x10]  }
0x4ba: {  	s2 =	simm.s32 $0x0;
	s3 =	simm.s32 $0xEF0;
	v7 =	vadd.f32 v7, v8  }
.LBB3_40:
0x4bb: {  	v8 =	vld [tilespmem:s3+$0xFFFFFFE0];
	s2 =	sadd.s32 $0x40, s2  }
0x4bc: {  	p0 =	slt.u32 s2, $0xC0;
	v5 =	vadd.f32 v5, v7  }
0x4bd: {  	v7 =	vld [tilespmem:s3+$0xFFFFFFF0]  }
.Ltmp19:
0x4be: {  	v6 =	vadd.f32 v6, v5;
	(pc) =	sbr.rel @p0 .LBB3_40-.Ltmp19, $4  }
0x4bf: {  	v5 =	vld [tilespmem:s3+$0x0]  }
0x4c0: {  	v8 =	vadd.f32 v8, v6  }
0x4c1: {  	v6 =	vld [tilespmem:s3+$0x10]  }
0x4c2: {  	s3 =	sadd.s32 $0x40, s3;
	v7 =	vadd.f32 v7, v8  }
0x4c3: {  	_ = 	snop  }
0x4c4: {  	v5 =	vadd.f32 v5, v7;
	_ =	sdelay $0x1  }
0x4c5: {  	v5 =	vadd.f32 v6, v5;
	_ =	sdelay $0x1  }
0x4c6: {  	[tilespmem:$0xF90] =	vst v5  }
0x4c7: {  	[bflag:$0x0] =	sbarrier.arrive $0xFFFF  }
.LBB3_42:
0x4c8: {  	v5 =	vld [tilespmem:$0xF90];
	_ =	sdelay $0x4  }
0x4c9: {  	(xrf2) =	vadd.scan.msk.f32 $0xffff, v5;
	_ =	sdelay $0x9  }
0x4ca: {  	v5, _, _ =	vpop (xrf2)  }
0x4cb: {  	(v2sf) =	vpush v5, $0xF;
	_ =	sdelay $0xe  }
0x4cc: {  	s2 =	spop (v2sf)  }
0x4cd: {  	p0 =	sgt.f32 s2, $0.0e+00  }
.Ltmp20:
0x4ce: {  	_ = 	snop;
	(pc) =	sbr.rel @!p0 .LBB3_50-.Ltmp20, $1  }
0x4cf: {  	_ =	sdelay $0x3  }
0x4d0: {  	s2 =	simm.s32 $0x0;
	p0 =	por $0x1, $0x1  }
.LBB3_44:
0x4d1: {  	v5 =	vld [tilespmem:s2+$0xC10]  }
0x4d2: {  	v6 =	vld [tilespmem:s2+$0xB90]  }
0x4d3: {  	v7 =	vld [tilespmem:s2+$0xC20]  }
0x4d4: {  	v8 =	vld [tilespmem:s2+$0xBA0]  }
0x4d5: {  	v9 =	vld [tilespmem:s2+$0xC30]  }
0x4d6: {  	v10 =	vld [tilespmem:s2+$0xBB0]  }
0x4d7: {  	v11 =	vld [tilespmem:s2+$0xC40]  }
0x4d8: {  	v12 =	vld [tilespmem:s2+$0xBC0];
	_ =	sdelay $0x1  }
0x4d9: {  	p1 =	por p0, p0;
	v5 =	vmul.f32 v6, v5  }
.Ltmp21:
0x4da: {  	v6 =	vmul.f32 v8, v7;
	(pc) =	sbr.rel @p1 .LBB3_44-.Ltmp21, $4  }
0x4db: {  	[tilespmem:s2+$0xD10] =	vst v5;
	v5 =	vmul.f32 v10, v9  }
0x4dc: {  	[tilespmem:s2+$0xD20] =	vst v6;
	v6 =	vmul.f32 v12, v11  }
0x4dd: {  	[tilespmem:s2+$0xD30] =	vst v5  }
0x4de: {  	p0 =	por $0x0, $0x0;
	[tilespmem:s2+$0xD40] =	vst v6;
	s2 =	simm.s32 $0x40  }
0x4df: {  	[spmem:s4] =	stream.indirect.scatter.add.f32 [tilespmem:s20], [sflag:$0x1], $0x1, s19, s15, $0xb8;
	[tilespmem:$0x1110] =	vst v63  }
0x4e0: {  	_ = 	snop  }
0x4e1: {  	[tilespmem:s16], [sflag:$0x1] =	stream.indirect.gather [spmem:s9], $0x1, s19, s15, $0xb8;
	[tilespmem:$0x1110] =	vst v63  }
0x4e2: {  	_ = 	snop  }
0x4e3: {  	[tilespmem:s21], [sflag:$0x1] =	stream.indirect.gather [spmem:s10], $0x1, s19, s15, $0xb8;
	[tilespmem:$0x1110] =	vst v63  }
0x4e4: {  	_ =	swait.ge [sflag:s22], $0x80  }
0x4e5: {  	[sflag:s22] =	ssyncset.done $0x0  }
0x4e6: {  	[sflag:s22] =	ssyncadd.s32 $0xFFFFFF80  }
0x4e7: {  	_ =	swait.ge [sflag:s22], $0x80  }
0x4e8: {  	[sflag:s22] =	ssyncset.done $0x0  }
0x4e9: {  	[sflag:s22] =	ssyncadd.s32 $0xFFFFFF80  }
0x4ea: {  	_ =	swait.ge [sflag:s22], $0x80  }
0x4eb: {  	[sflag:s22] =	ssyncset.done $0x0  }
0x4ec: {  	s2 =	simm.s32 $0x0;
	p0 =	por $0x1, $0x1;
	v5 =	vimm.f32 $0.0e+00;
	[sflag:s22] =	ssyncadd.s32 $0xFFFFFF80  }
.LBB3_46:
0x4ed: {  	v6 =	vld [tilespmem:s2+$0xC10]  }
0x4ee: {  	v7 =	vld [tilespmem:s2+$0xD90]  }
0x4ef: {  	v8 =	vld [tilespmem:s2+$0xC20]  }
0x4f0: {  	v9 =	vld [tilespmem:s2+$0xDA0]  }
0x4f1: {  	v10 =	vld [tilespmem:s2+$0xC30]  }
0x4f2: {  	v11 =	vld [tilespmem:s2+$0xDB0]  }
0x4f3: {  	v60 =	vld [tilespmem:s2+$0xE10]  }
0x4f4: {  	v62 =	vld [tilespmem:s2+$0xE20]  }
0x4f5: {  	v12 =	vld [tilespmem:s2+$0xC40]  }
0x4f6: {  	v63 =	vld [tilespmem:s2+$0xE30]  }
0x4f7: {  	v13 =	vld [tilespmem:s2+$0xDC0];
	v6 =	vmul.f32 v7, v6  }
0x4f8: {  	[tilespmem:s2+$0xC90] =	vst v60  }
0x4f9: {  	v7 =	vmul.f32 v9, v8;
	[tilespmem:s2+$0xCA0] =	vst v62;
	v5 =	vadd.f32 v6, v5  }
0x4fa: {  	p1 =	por p0, p0;
	[tilespmem:s2+$0xC10] =	vst v6;
	v6 =	vld [tilespmem:s2+$0xE40]  }
.Ltmp22:
0x4fb: {  	v59 =	vmul.f32 v11, v10;
	[tilespmem:s2+$0xCB0] =	vst v63;
	v5 =	vadd.f32 v7, v5;
	(pc) =	sbr.rel @p1 .LBB3_46-.Ltmp22, $4  }
0x4fc: {  	v61 =	vmul.f32 v13, v12;
	[tilespmem:s2+$0xC20] =	vst v7  }
0x4fd: {  	[tilespmem:s2+$0xC30] =	vst v59;
	v5 =	vadd.f32 v59, v5  }
0x4fe: {  	[tilespmem:s2+$0xC40] =	vst v61  }
0x4ff: {  	p0 =	por $0x0, $0x0;
	[tilespmem:s2+$0xCC0] =	vst v6;
	s2 =	simm.s32 $0x40;
	v5 =	vadd.f32 v61, v5  }
0x500: {  	[spmem:s25] =	stream.linear.scatter [tilespmem:s17], [sflag:$0x2], $0x80, $0x38;
	[tilespmem:$0x1110] =	vst v63  }
0x501: {  	_ =	swait.ge [sflag:s0], $0x80  }
0x502: {  	[sflag:s0] =	ssyncset.done $0x0  }
0x503: {  	[sflag:s0] =	ssyncadd.s32 $0xFFFFFF80  }
0x504: {  	[spmem:s26] =	stream.linear.scatter [tilespmem:s19], [sflag:$0x2], $0x80, $0x38;
	[tilespmem:$0x1110] =	vst v63  }
0x505: {  	_ =	swait.ge [sflag:s0], $0x80  }
0x506: {  	[sflag:s0] =	ssyncset.done $0x0  }
0x507: {  	[sflag:s0] =	ssyncadd.s32 $0xFFFFFF80  }
0x508: {  	[tilespmem:$0x1010] =	vst v5  }
0x509: {  	[spmem:s7] =	stream.linear.scatter [tilespmem:s8], [sflag:$0x2], $0x10, $0x38;
	[tilespmem:$0x1110] =	vst v63  }
0x50a: {  	_ =	swait.ge [sflag:s0], $0x10  }
0x50b: {  	[sflag:s0] =	ssyncset.done $0x0  }
0x50c: {  	[sflag:s0] =	ssyncadd.s32 $0xFFFFFFF0  }
0x50d: {  	[bflag:$0x0] =	sbarrier.arrive $0xFFFF  }
0x50e: {  	[tilespmem:s18], [sflag:$0x2] =	stream.linear.gather [spmem:s28], $0x80, $0x38;
	[tilespmem:$0x1110] =	vst v63  }
0x50f: {  	_ =	swait.ge [sflag:s0], $0x80  }
0x510: {  	[sflag:s0] =	ssyncset.done $0x0  }
0x511: {  	[sflag:s0] =	ssyncadd.s32 $0xFFFFFF80  }
0x512: {  	[tilespmem:s5], [sflag:$0x2] =	stream.linear.gather [spmem:s11], $0x100, $0x38;
	[tilespmem:$0x1110] =	vst v63  }
0x513: {  	_ =	swait.ge [sflag:s0], $0x100  }
0x514: {  	[sflag:s0] =	ssyncset.done $0x0  }
0x515: {  	s3 =	simm.s32 $0xEB0;
	[sflag:s0] =	ssyncadd.s32 $0xFFFFFF00  }
0x516: {  	v5 =	vld [tilespmem:s3+$0xFFFFFFE0];
	_ =	sdelay $0x2  }
0x517: {  	v7 =	vld [tilespmem:s3+$0xFFFFFFF0]  }
0x518: {  	v6 =	vimm.f32 $0.0e+00  }
0x519: {  	v8 =	vadd.f32 v5, v6;
	v5 =	vld [tilespmem:s3+$0x0];
	_ =	sdelay $0x1  }
0x51a: {  	v6 =	vld [tilespmem:s3+$0x10]  }
0x51b: {  	s2 =	simm.s32 $0x0;
	s3 =	simm.s32 $0xEF0;
	v7 =	vadd.f32 v7, v8  }
.LBB3_48:
0x51c: {  	v8 =	vld [tilespmem:s3+$0xFFFFFFE0];
	s2 =	sadd.s32 $0x40, s2  }
0x51d: {  	p0 =	slt.u32 s2, $0xC0;
	v5 =	vadd.f32 v5, v7  }
0x51e: {  	v7 =	vld [tilespmem:s3+$0xFFFFFFF0]  }
.Ltmp23:
0x51f: {  	v6 =	vadd.f32 v6, v5;
	(pc) =	sbr.rel @p0 .LBB3_48-.Ltmp23, $4  }
0x520: {  	v5 =	vld [tilespmem:s3+$0x0]  }
0x521: {  	v8 =	vadd.f32 v8, v6  }
0x522: {  	v6 =	vld [tilespmem:s3+$0x10]  }
0x523: {  	s3 =	sadd.s32 $0x40, s3;
	v7 =	vadd.f32 v7, v8  }
0x524: {  	_ = 	snop  }
0x525: {  	v5 =	vadd.f32 v5, v7;
	_ =	sdelay $0x1  }
0x526: {  	v5 =	vadd.f32 v6, v5;
	_ =	sdelay $0x1  }
0x527: {  	[tilespmem:$0xF90] =	vst v5  }
0x528: {  	[bflag:$0x0] =	sbarrier.arrive $0xFFFF  }
.LBB3_50:
0x529: {  	v5 =	vld [tilespmem:$0xF90];
	_ =	sdelay $0x4  }
0x52a: {  	(xrf2) =	vadd.scan.msk.f32 $0xffff, v5;
	_ =	sdelay $0x9  }
0x52b: {  	v5, _, _ =	vpop (xrf2)  }
0x52c: {  	(v2sf) =	vpush v5, $0xF;
	_ =	sdelay $0xe  }
0x52d: {  	s2 =	spop (v2sf)  }
0x52e: {  	p0 =	sgt.f32 s2, $0.0e+00  }
.Ltmp24:
0x52f: {  	_ = 	snop;
	(pc) =	sbr.rel @!p0 .LBB3_58-.Ltmp24, $1  }
0x530: {  	_ =	sdelay $0x3  }
0x531: {  	s2 =	simm.s32 $0x0;
	p0 =	por $0x1, $0x1  }
.LBB3_52:
0x532: {  	v5 =	vld [tilespmem:s2+$0xC10]  }
0x533: {  	v6 =	vld [tilespmem:s2+$0xB90]  }
0x534: {  	v7 =	vld [tilespmem:s2+$0xC20]  }
0x535: {  	v8 =	vld [tilespmem:s2+$0xBA0]  }
0x536: {  	v9 =	vld [tilespmem:s2+$0xC30]  }
0x537: {  	v10 =	vld [tilespmem:s2+$0xBB0]  }
0x538: {  	v11 =	vld [tilespmem:s2+$0xC40]  }
0x539: {  	v12 =	vld [tilespmem:s2+$0xBC0];
	_ =	sdelay $0x1  }
0x53a: {  	p1 =	por p0, p0;
	v5 =	vmul.f32 v6, v5  }
.Ltmp25:
0x53b: {  	v6 =	vmul.f32 v8, v7;
	(pc) =	sbr.rel @p1 .LBB3_52-.Ltmp25, $4  }
0x53c: {  	[tilespmem:s2+$0xD10] =	vst v5;
	v5 =	vmul.f32 v10, v9  }
0x53d: {  	[tilespmem:s2+$0xD20] =	vst v6;
	v6 =	vmul.f32 v12, v11  }
0x53e: {  	[tilespmem:s2+$0xD30] =	vst v5  }
0x53f: {  	p0 =	por $0x0, $0x0;
	[tilespmem:s2+$0xD40] =	vst v6;
	s2 =	simm.s32 $0x40  }
0x540: {  	[spmem:s4] =	stream.indirect.scatter.add.f32 [tilespmem:s20], [sflag:$0x1], $0x1, s19, s15, $0xb8;
	[tilespmem:$0x1110] =	vst v63  }
0x541: {  	_ = 	snop  }
0x542: {  	[tilespmem:s16], [sflag:$0x1] =	stream.indirect.gather [spmem:s12], $0x1, s19, s15, $0xb8;
	[tilespmem:$0x1110] =	vst v63  }
0x543: {  	_ = 	snop  }
0x544: {  	[tilespmem:s21], [sflag:$0x1] =	stream.indirect.gather [spmem:s13], $0x1, s19, s15, $0xb8;
	[tilespmem:$0x1110] =	vst v63  }
0x545: {  	_ =	swait.ge [sflag:s22], $0x80  }
0x546: {  	[sflag:s22] =	ssyncset.done $0x0  }
0x547: {  	[sflag:s22] =	ssyncadd.s32 $0xFFFFFF80  }
0x548: {  	_ =	swait.ge [sflag:s22], $0x80  }
0x549: {  	[sflag:s22] =	ssyncset.done $0x0  }
0x54a: {  	[sflag:s22] =	ssyncadd.s32 $0xFFFFFF80  }
0x54b: {  	_ =	swait.ge [sflag:s22], $0x80  }
0x54c: {  	[sflag:s22] =	ssyncset.done $0x0  }
0x54d: {  	s2 =	simm.s32 $0x0;
	p0 =	por $0x1, $0x1;
	v5 =	vimm.f32 $0.0e+00;
	[sflag:s22] =	ssyncadd.s32 $0xFFFFFF80  }
.LBB3_54:
0x54e: {  	v6 =	vld [tilespmem:s2+$0xC10]  }
0x54f: {  	v7 =	vld [tilespmem:s2+$0xD90]  }
0x550: {  	v8 =	vld [tilespmem:s2+$0xC20]  }
0x551: {  	v9 =	vld [tilespmem:s2+$0xDA0]  }
0x552: {  	v10 =	vld [tilespmem:s2+$0xC30]  }
0x553: {  	v11 =	vld [tilespmem:s2+$0xDB0]  }
0x554: {  	v60 =	vld [tilespmem:s2+$0xE10]  }
0x555: {  	v62 =	vld [tilespmem:s2+$0xE20]  }
0x556: {  	v12 =	vld [tilespmem:s2+$0xC40]  }
0x557: {  	v63 =	vld [tilespmem:s2+$0xE30]  }
0x558: {  	v13 =	vld [tilespmem:s2+$0xDC0];
	v6 =	vmul.f32 v7, v6  }
0x559: {  	[tilespmem:s2+$0xC90] =	vst v60  }
0x55a: {  	v7 =	vmul.f32 v9, v8;
	[tilespmem:s2+$0xCA0] =	vst v62;
	v5 =	vadd.f32 v6, v5  }
0x55b: {  	p1 =	por p0, p0;
	[tilespmem:s2+$0xC10] =	vst v6;
	v6 =	vld [tilespmem:s2+$0xE40]  }
.Ltmp26:
0x55c: {  	v59 =	vmul.f32 v11, v10;
	[tilespmem:s2+$0xCB0] =	vst v63;
	v5 =	vadd.f32 v7, v5;
	(pc) =	sbr.rel @p1 .LBB3_54-.Ltmp26, $4  }
0x55d: {  	v61 =	vmul.f32 v13, v12;
	[tilespmem:s2+$0xC20] =	vst v7  }
0x55e: {  	[tilespmem:s2+$0xC30] =	vst v59;
	v5 =	vadd.f32 v59, v5  }
0x55f: {  	[tilespmem:s2+$0xC40] =	vst v61  }
0x560: {  	p0 =	por $0x0, $0x0;
	[tilespmem:s2+$0xCC0] =	vst v6;
	s2 =	simm.s32 $0x40;
	v5 =	vadd.f32 v61, v5  }
0x561: {  	[spmem:s30] =	stream.linear.scatter [tilespmem:s17], [sflag:$0x2], $0x80, $0x38;
	[tilespmem:$0x1110] =	vst v63  }
0x562: {  	_ =	swait.ge [sflag:s0], $0x80  }
0x563: {  	[sflag:s0] =	ssyncset.done $0x0  }
0x564: {  	[sflag:s0] =	ssyncadd.s32 $0xFFFFFF80  }
0x565: {  	[spmem:s31] =	stream.linear.scatter [tilespmem:s19], [sflag:$0x2], $0x80, $0x38;
	[tilespmem:$0x1110] =	vst v63  }
0x566: {  	_ =	swait.ge [sflag:s0], $0x80  }
0x567: {  	[sflag:s0] =	ssyncset.done $0x0  }
0x568: {  	[sflag:s0] =	ssyncadd.s32 $0xFFFFFF80  }
0x569: {  	[tilespmem:$0x1010] =	vst v5  }
0x56a: {  	[spmem:s7] =	stream.linear.scatter [tilespmem:s8], [sflag:$0x2], $0x10, $0x38;
	[tilespmem:$0x1110] =	vst v63  }
0x56b: {  	_ =	swait.ge [sflag:s0], $0x10  }
0x56c: {  	[sflag:s0] =	ssyncset.done $0x0  }
0x56d: {  	[sflag:s0] =	ssyncadd.s32 $0xFFFFFFF0  }
0x56e: {  	[bflag:$0x0] =	sbarrier.arrive $0xFFFF  }
0x56f: {  	[tilespmem:s18], [sflag:$0x2] =	stream.linear.gather [spmem:s28], $0x80, $0x38;
	[tilespmem:$0x1110] =	vst v63  }
0x570: {  	_ =	swait.ge [sflag:s0], $0x80  }
0x571: {  	[sflag:s0] =	ssyncset.done $0x0  }
0x572: {  	[sflag:s0] =	ssyncadd.s32 $0xFFFFFF80  }
0x573: {  	[tilespmem:s5], [sflag:$0x2] =	stream.linear.gather [spmem:s11], $0x100, $0x38;
	[tilespmem:$0x1110] =	vst v63  }
0x574: {  	_ =	swait.ge [sflag:s0], $0x100  }
0x575: {  	[sflag:s0] =	ssyncset.done $0x0  }
0x576: {  	s3 =	simm.s32 $0xEB0;
	[sflag:s0] =	ssyncadd.s32 $0xFFFFFF00  }
0x577: {  	v5 =	vld [tilespmem:s3+$0xFFFFFFE0];
	_ =	sdelay $0x2  }
0x578: {  	v7 =	vld [tilespmem:s3+$0xFFFFFFF0]  }
0x579: {  	v6 =	vimm.f32 $0.0e+00  }
0x57a: {  	v8 =	vadd.f32 v5, v6;
	v5 =	vld [tilespmem:s3+$0x0];
	_ =	sdelay $0x1  }
0x57b: {  	v6 =	vld [tilespmem:s3+$0x10]  }
0x57c: {  	s2 =	simm.s32 $0x0;
	s3 =	simm.s32 $0xEF0;
	v7 =	vadd.f32 v7, v8  }
.LBB3_56:
0x57d: {  	v8 =	vld [tilespmem:s3+$0xFFFFFFE0];
	s2 =	sadd.s32 $0x40, s2  }
0x57e: {  	p0 =	slt.u32 s2, $0xC0;
	v5 =	vadd.f32 v5, v7  }
0x57f: {  	v7 =	vld [tilespmem:s3+$0xFFFFFFF0]  }
.Ltmp27:
0x580: {  	v6 =	vadd.f32 v6, v5;
	(pc) =	sbr.rel @p0 .LBB3_56-.Ltmp27, $4  }
0x581: {  	v5 =	vld [tilespmem:s3+$0x0]  }
0x582: {  	v8 =	vadd.f32 v8, v6  }
0x583: {  	v6 =	vld [tilespmem:s3+$0x10]  }
0x584: {  	s3 =	sadd.s32 $0x40, s3;
	v7 =	vadd.f32 v7, v8  }
0x585: {  	_ = 	snop  }
0x586: {  	v5 =	vadd.f32 v5, v7;
	_ =	sdelay $0x1  }
0x587: {  	v5 =	vadd.f32 v6, v5;
	_ =	sdelay $0x1  }
0x588: {  	[tilespmem:$0xF90] =	vst v5  }
0x589: {  	[bflag:$0x0] =	sbarrier.arrive $0xFFFF  }
.LBB3_58:
0x58a: {  	v5 =	vld [tilespmem:$0xF90];
	_ =	sdelay $0x4  }
0x58b: {  	(xrf2) =	vadd.scan.msk.f32 $0xffff, v5;
	_ =	sdelay $0x9  }
0x58c: {  	v5, _, _ =	vpop (xrf2)  }
0x58d: {  	(v2sf) =	vpush v5, $0xF;
	_ =	sdelay $0xe  }
0x58e: {  	s2 =	spop (v2sf)  }
0x58f: {  	p0 =	sgt.f32 s2, $0.0e+00  }
.Ltmp28:
0x590: {  	_ = 	snop;
	(pc) =	sbr.rel @!p0 .LBB3_66-.Ltmp28, $1  }
0x591: {  	_ =	sdelay $0x3  }
0x592: {  	s2 =	simm.s32 $0x0;
	p0 =	por $0x1, $0x1  }
.LBB3_60:
0x593: {  	v5 =	vld [tilespmem:s2+$0xC10]  }
0x594: {  	v6 =	vld [tilespmem:s2+$0xB90]  }
0x595: {  	v7 =	vld [tilespmem:s2+$0xC20]  }
0x596: {  	v8 =	vld [tilespmem:s2+$0xBA0]  }
0x597: {  	v9 =	vld [tilespmem:s2+$0xC30]  }
0x598: {  	v10 =	vld [tilespmem:s2+$0xBB0]  }
0x599: {  	v11 =	vld [tilespmem:s2+$0xC40]  }
0x59a: {  	v12 =	vld [tilespmem:s2+$0xBC0];
	_ =	sdelay $0x1  }
0x59b: {  	p1 =	por p0, p0;
	v5 =	vmul.f32 v6, v5  }
.Ltmp29:
0x59c: {  	v6 =	vmul.f32 v8, v7;
	(pc) =	sbr.rel @p1 .LBB3_60-.Ltmp29, $4  }
0x59d: {  	[tilespmem:s2+$0xD10] =	vst v5;
	v5 =	vmul.f32 v10, v9  }
0x59e: {  	[tilespmem:s2+$0xD20] =	vst v6;
	v6 =	vmul.f32 v12, v11  }
0x59f: {  	[tilespmem:s2+$0xD30] =	vst v5  }
0x5a0: {  	p0 =	por $0x0, $0x0;
	[tilespmem:s2+$0xD40] =	vst v6;
	s2 =	simm.s32 $0x40  }
0x5a1: {  	[spmem:s4] =	stream.indirect.scatter.add.f32 [tilespmem:s20], [sflag:$0x1], $0x1, s19, s15, $0xb8;
	[tilespmem:$0x1110] =	vst v63  }
0x5a2: {  	_ = 	snop  }
0x5a3: {  	[tilespmem:s16], [sflag:$0x1] =	stream.indirect.gather [spmem:s9], $0x1, s19, s15, $0xb8;
	[tilespmem:$0x1110] =	vst v63  }
0x5a4: {  	_ = 	snop  }
0x5a5: {  	[tilespmem:s21], [sflag:$0x1] =	stream.indirect.gather [spmem:s10], $0x1, s19, s15, $0xb8;
	[tilespmem:$0x1110] =	vst v63  }
0x5a6: {  	_ =	swait.ge [sflag:s22], $0x80  }
0x5a7: {  	[sflag:s22] =	ssyncset.done $0x0  }
0x5a8: {  	[sflag:s22] =	ssyncadd.s32 $0xFFFFFF80  }
0x5a9: {  	_ =	swait.ge [sflag:s22], $0x80  }
0x5aa: {  	[sflag:s22] =	ssyncset.done $0x0  }
0x5ab: {  	[sflag:s22] =	ssyncadd.s32 $0xFFFFFF80  }
0x5ac: {  	_ =	swait.ge [sflag:s22], $0x80  }
0x5ad: {  	[sflag:s22] =	ssyncset.done $0x0  }
0x5ae: {  	s2 =	simm.s32 $0x0;
	p0 =	por $0x1, $0x1;
	v5 =	vimm.f32 $0.0e+00;
	[sflag:s22] =	ssyncadd.s32 $0xFFFFFF80  }
.LBB3_62:
0x5af: {  	v6 =	vld [tilespmem:s2+$0xC10]  }
0x5b0: {  	v7 =	vld [tilespmem:s2+$0xD90]  }
0x5b1: {  	v8 =	vld [tilespmem:s2+$0xC20]  }
0x5b2: {  	v9 =	vld [tilespmem:s2+$0xDA0]  }
0x5b3: {  	v10 =	vld [tilespmem:s2+$0xC30]  }
0x5b4: {  	v11 =	vld [tilespmem:s2+$0xDB0]  }
0x5b5: {  	v60 =	vld [tilespmem:s2+$0xE10]  }
0x5b6: {  	v62 =	vld [tilespmem:s2+$0xE20]  }
0x5b7: {  	v12 =	vld [tilespmem:s2+$0xC40]  }
0x5b8: {  	v63 =	vld [tilespmem:s2+$0xE30]  }
0x5b9: {  	v13 =	vld [tilespmem:s2+$0xDC0];
	v6 =	vmul.f32 v7, v6  }
0x5ba: {  	[tilespmem:s2+$0xC90] =	vst v60  }
0x5bb: {  	v7 =	vmul.f32 v9, v8;
	[tilespmem:s2+$0xCA0] =	vst v62;
	v5 =	vadd.f32 v6, v5  }
0x5bc: {  	p1 =	por p0, p0;
	[tilespmem:s2+$0xC10] =	vst v6;
	v6 =	vld [tilespmem:s2+$0xE40]  }
.Ltmp30:
0x5bd: {  	v59 =	vmul.f32 v11, v10;
	[tilespmem:s2+$0xCB0] =	vst v63;
	v5 =	vadd.f32 v7, v5;
	(pc) =	sbr.rel @p1 .LBB3_62-.Ltmp30, $4  }
0x5be: {  	v61 =	vmul.f32 v13, v12;
	[tilespmem:s2+$0xC20] =	vst v7  }
0x5bf: {  	[tilespmem:s2+$0xC30] =	vst v59;
	v5 =	vadd.f32 v59, v5  }
0x5c0: {  	[tilespmem:s2+$0xC40] =	vst v61  }
0x5c1: {  	p0 =	por $0x0, $0x0;
	[tilespmem:s2+$0xCC0] =	vst v6;
	s2 =	simm.s32 $0x40;
	v5 =	vadd.f32 v61, v5  }
0x5c2: {  	[spmem:s25] =	stream.linear.scatter [tilespmem:s17], [sflag:$0x2], $0x80, $0x38;
	[tilespmem:$0x1110] =	vst v63  }
0x5c3: {  	_ =	swait.ge [sflag:s0], $0x80  }
0x5c4: {  	[sflag:s0] =	ssyncset.done $0x0  }
0x5c5: {  	[sflag:s0] =	ssyncadd.s32 $0xFFFFFF80  }
0x5c6: {  	[spmem:s26] =	stream.linear.scatter [tilespmem:s19], [sflag:$0x2], $0x80, $0x38;
	[tilespmem:$0x1110] =	vst v63  }
0x5c7: {  	_ =	swait.ge [sflag:s0], $0x80  }
0x5c8: {  	[sflag:s0] =	ssyncset.done $0x0  }
0x5c9: {  	[sflag:s0] =	ssyncadd.s32 $0xFFFFFF80  }
0x5ca: {  	[tilespmem:$0x1010] =	vst v5  }
0x5cb: {  	[spmem:s7] =	stream.linear.scatter [tilespmem:s8], [sflag:$0x2], $0x10, $0x38;
	[tilespmem:$0x1110] =	vst v63  }
0x5cc: {  	_ =	swait.ge [sflag:s0], $0x10  }
0x5cd: {  	[sflag:s0] =	ssyncset.done $0x0  }
0x5ce: {  	[sflag:s0] =	ssyncadd.s32 $0xFFFFFFF0  }
0x5cf: {  	[bflag:$0x0] =	sbarrier.arrive $0xFFFF  }
0x5d0: {  	[tilespmem:s18], [sflag:$0x2] =	stream.linear.gather [spmem:s28], $0x80, $0x38;
	[tilespmem:$0x1110] =	vst v63  }
0x5d1: {  	_ =	swait.ge [sflag:s0], $0x80  }
0x5d2: {  	[sflag:s0] =	ssyncset.done $0x0  }
0x5d3: {  	[sflag:s0] =	ssyncadd.s32 $0xFFFFFF80  }
0x5d4: {  	[tilespmem:s5], [sflag:$0x2] =	stream.linear.gather [spmem:s11], $0x100, $0x38;
	[tilespmem:$0x1110] =	vst v63  }
0x5d5: {  	_ =	swait.ge [sflag:s0], $0x100  }
0x5d6: {  	[sflag:s0] =	ssyncset.done $0x0  }
0x5d7: {  	s3 =	simm.s32 $0xEB0;
	[sflag:s0] =	ssyncadd.s32 $0xFFFFFF00  }
0x5d8: {  	v5 =	vld [tilespmem:s3+$0xFFFFFFE0];
	_ =	sdelay $0x2  }
0x5d9: {  	v7 =	vld [tilespmem:s3+$0xFFFFFFF0]  }
0x5da: {  	v6 =	vimm.f32 $0.0e+00  }
0x5db: {  	v8 =	vadd.f32 v5, v6;
	v5 =	vld [tilespmem:s3+$0x0];
	_ =	sdelay $0x1  }
0x5dc: {  	v6 =	vld [tilespmem:s3+$0x10]  }
0x5dd: {  	s2 =	simm.s32 $0x0;
	s3 =	simm.s32 $0xEF0;
	v7 =	vadd.f32 v7, v8  }
.LBB3_64:
0x5de: {  	v8 =	vld [tilespmem:s3+$0xFFFFFFE0];
	s2 =	sadd.s32 $0x40, s2  }
0x5df: {  	p0 =	slt.u32 s2, $0xC0;
	v5 =	vadd.f32 v5, v7  }
0x5e0: {  	v7 =	vld [tilespmem:s3+$0xFFFFFFF0]  }
.Ltmp31:
0x5e1: {  	v6 =	vadd.f32 v6, v5;
	(pc) =	sbr.rel @p0 .LBB3_64-.Ltmp31, $4  }
0x5e2: {  	v5 =	vld [tilespmem:s3+$0x0]  }
0x5e3: {  	v8 =	vadd.f32 v8, v6  }
0x5e4: {  	v6 =	vld [tilespmem:s3+$0x10]  }
0x5e5: {  	s3 =	sadd.s32 $0x40, s3;
	v7 =	vadd.f32 v7, v8  }
0x5e6: {  	_ = 	snop  }
0x5e7: {  	v5 =	vadd.f32 v5, v7;
	_ =	sdelay $0x1  }
0x5e8: {  	v5 =	vadd.f32 v6, v5;
	_ =	sdelay $0x1  }
0x5e9: {  	[tilespmem:$0xF90] =	vst v5  }
0x5ea: {  	[bflag:$0x0] =	sbarrier.arrive $0xFFFF  }
.LBB3_66:
0x5eb: {  	v5 =	vld [tilespmem:$0xF90];
	_ =	sdelay $0x4  }
0x5ec: {  	(xrf2) =	vadd.scan.msk.f32 $0xffff, v5;
	_ =	sdelay $0x9  }
0x5ed: {  	v5, _, _ =	vpop (xrf2)  }
0x5ee: {  	(v2sf) =	vpush v5, $0xF;
	_ =	sdelay $0xe  }
0x5ef: {  	s2 =	spop (v2sf)  }
0x5f0: {  	p0 =	sgt.f32 s2, $0.0e+00  }
.Ltmp32:
0x5f1: {  	_ = 	snop;
	(pc) =	sbr.rel @!p0 .LBB3_70-.Ltmp32, $1  }
0x5f2: {  	_ =	sdelay $0x3  }
0x5f3: {  	s2 =	simm.s32 $0x0;
	p0 =	por $0x1, $0x1  }
.LBB3_68:
0x5f4: {  	v5 =	vld [tilespmem:s2+$0xC10]  }
0x5f5: {  	v6 =	vld [tilespmem:s2+$0xB90]  }
0x5f6: {  	v7 =	vld [tilespmem:s2+$0xC20]  }
0x5f7: {  	v8 =	vld [tilespmem:s2+$0xBA0]  }
0x5f8: {  	v9 =	vld [tilespmem:s2+$0xC30]  }
0x5f9: {  	v10 =	vld [tilespmem:s2+$0xBB0]  }
0x5fa: {  	v11 =	vld [tilespmem:s2+$0xC40]  }
0x5fb: {  	v12 =	vld [tilespmem:s2+$0xBC0];
	_ =	sdelay $0x1  }
0x5fc: {  	p1 =	por p0, p0;
	v5 =	vmul.f32 v6, v5  }
.Ltmp33:
0x5fd: {  	v6 =	vmul.f32 v8, v7;
	(pc) =	sbr.rel @p1 .LBB3_68-.Ltmp33, $4  }
0x5fe: {  	[tilespmem:s2+$0xD10] =	vst v5;
	v5 =	vmul.f32 v10, v9  }
0x5ff: {  	[tilespmem:s2+$0xD20] =	vst v6;
	v6 =	vmul.f32 v12, v11  }
0x600: {  	[tilespmem:s2+$0xD30] =	vst v5  }
0x601: {  	p0 =	por $0x0, $0x0;
	[tilespmem:s2+$0xD40] =	vst v6;
	s2 =	simm.s32 $0x40  }
0x602: {  	[spmem:s4] =	stream.indirect.scatter.add.f32 [tilespmem:s20], [sflag:$0x1], $0x1, s19, s15, $0xb8;
	[tilespmem:$0x1110] =	vst v63  }
0x603: {  	_ =	swait.ge [sflag:s22], $0x80  }
0x604: {  	[sflag:s22] =	ssyncset.done $0x0  }
0x605: {  	[sflag:s22] =	ssyncadd.s32 $0xFFFFFF80  }
0x606: {  	[bflag:$0x0] =	sbarrier.arrive $0xFFFF  }
0x607: {  	[tilespmem:s18], [sflag:$0x2] =	stream.linear.gather [spmem:s28], $0x80, $0x38;
	[tilespmem:$0x1110] =	vst v63  }
0x608: {  	_ =	swait.ge [sflag:s0], $0x80  }
0x609: {  	[sflag:s0] =	ssyncset.done $0x0  }
0x60a: {  	[sflag:s0] =	ssyncadd.s32 $0xFFFFFF80  }
0x60b: {  	[bflag:$0x0] =	sbarrier.arrive $0xFFFF  }
.LBB3_70:
0x60c: {  	s2 =	simm.s32 $0x0;
	p0 =	por $0x1, $0x1  }
.LBB3_71:
0x60d: {  	v5 =	vld [tilespmem:s2+$0x890]  }
0x60e: {  	v6 =	vld [tilespmem:s2+$0xB90]  }
0x60f: {  	v7 =	vld [tilespmem:s2+$0x8A0]  }
0x610: {  	v8 =	vld [tilespmem:s2+$0xBA0]  }
0x611: {  	v9 =	vld [tilespmem:s2+$0x8B0]  }
0x612: {  	v10 =	vld [tilespmem:s2+$0xBB0]  }
0x613: {  	v11 =	vld [tilespmem:s2+$0x8C0]  }
0x614: {  	v12 =	vld [tilespmem:s2+$0xBC0];
	_ =	sdelay $0x1  }
0x615: {  	p1 =	por p0, p0;
	v5 =	vmul.f32 v6, v5  }
.Ltmp34:
0x616: {  	v6 =	vmul.f32 v8, v7;
	(pc) =	sbr.rel @p1 .LBB3_71-.Ltmp34, $4  }
0x617: {  	[tilespmem:s2+$0xD10] =	vst v5;
	v5 =	vmul.f32 v10, v9  }
0x618: {  	[tilespmem:s2+$0xD20] =	vst v6;
	v6 =	vmul.f32 v12, v11  }
0x619: {  	[tilespmem:s2+$0xD30] =	vst v5  }
0x61a: {  	p0 =	por $0x0, $0x0;
	[tilespmem:s2+$0xD40] =	vst v6;
	s2 =	simm.s32 $0x40  }
0x61b: {  	[spmem:s23] =	stream.indirect.scatter.add.f32 [tilespmem:s20], [sflag:$0x1], $0x1, s14, s15, $0xb8;
	[tilespmem:$0x1110] =	vst v63  }
0x61c: {  	s2 =	simm.s32 $0x0;
	p0 =	por $0x1, $0x1;
	v5 =	vimm.f32 $0.0e+00  }
.LBB3_73:
0x61d: {  	v6 =	vld [tilespmem:s2+$0xB90]  }
0x61e: {  	v7 =	vld [tilespmem:s2+$0x910]  }
0x61f: {  	v8 =	vld [tilespmem:s2+$0x990]  }
0x620: {  	v9 =	vld [tilespmem:s2+$0xBA0]  }
0x621: {  	v10 =	vld [tilespmem:s2+$0x920]  }
0x622: {  	v11 =	vld [tilespmem:s2+$0x9A0]  }
0x623: {  	v12 =	vld [tilespmem:s2+$0xBB0]  }
0x624: {  	v13 =	vld [tilespmem:s2+$0x930]  }
0x625: {  	v14 =	vld [tilespmem:s2+$0x9B0]  }
0x626: {  	v15 =	vld [tilespmem:s2+$0xBC0]  }
0x627: {  	v63 =	vld [tilespmem:s2+$0x940];
	v7 =	vmul.f32 v7, v6  }
0x628: {  	[tilespmem:s2+$0x990] =	vst v6;
	v6 =	vld [tilespmem:s2+$0x9C0]  }
0x629: {  	[tilespmem:s2+$0xA10] =	vst v8;
	v5 =	vadd.f32 v7, v5;
	v7 =	vmul.f32 v10, v9  }
0x62a: {  	p1 =	por p0, p0;
	[tilespmem:s2+$0xA20] =	vst v11  }
.Ltmp35:
0x62b: {  	[tilespmem:s2+$0x9A0] =	vst v9;
	v5 =	vadd.f32 v7, v5;
	v7 =	vmul.f32 v13, v12;
	(pc) =	sbr.rel @p1 .LBB3_73-.Ltmp35, $4  }
0x62c: {  	[tilespmem:s2+$0xA30] =	vst v14  }
0x62d: {  	[tilespmem:s2+$0xA40] =	vst v6;
	v6 =	vmul.f32 v63, v15;
	v5 =	vadd.f32 v7, v5  }
0x62e: {  	[tilespmem:s2+$0x9B0] =	vst v12  }
0x62f: {  	p0 =	por $0x0, $0x0;
	[tilespmem:s2+$0x9C0] =	vst v15;
	s2 =	simm.s32 $0x40;
	v5 =	vadd.f32 v6, v5  }
0x630: {  	_ = 	snop  }
0x631: {  	[tilespmem:$0x1010] =	vst v5  }
0x632: {  	[spmem:s7] =	stream.linear.scatter [tilespmem:s8], [sflag:$0x2], $0x10, $0x38;
	[tilespmem:$0x1110] =	vst v63  }
0x633: {  	_ =	swait.ge [sflag:s0], $0x10  }
0x634: {  	[sflag:s0] =	ssyncset.done $0x0  }
0x635: {  	[sflag:s0] =	ssyncadd.s32 $0xFFFFFFF0  }
0x636: {  	_ =	swait.ge [sflag:s22], $0x80  }
0x637: {  	[sflag:s22] =	ssyncset.done $0x0  }
0x638: {  	[sflag:s22] =	ssyncadd.s32 $0xFFFFFF80  }
0x639: {  	[bflag:$0x0] =	sbarrier.arrive $0xFFFF  }
0x63a: {  	s3 =	simm.s32 $0xA90;
	s2 =	rddreg [dreg:$0x1d]  }
0x63b: {  	[tilespmem:s3], [sflag:$0x2] =	stream.linear.gather [spmem:s2], $0x80, $0x38;
	[tilespmem:$0x1110] =	vst v63  }
0x63c: {  	_ =	swait.ge [sflag:s0], $0x80  }
0x63d: {  	[sflag:s0] =	ssyncset.done $0x0  }
0x63e: {  	[sflag:s0] =	ssyncadd.s32 $0xFFFFFF80  }
0x63f: {  	[tilespmem:s5], [sflag:$0x2] =	stream.linear.gather [spmem:s11], $0x100, $0x38;
	[tilespmem:$0x1110] =	vst v63  }
0x640: {  	_ =	swait.ge [sflag:s0], $0x100  }
0x641: {  	[sflag:s0] =	ssyncset.done $0x0  }
0x642: {  	s14 =	simm.s32 $0xEB0;
	[sflag:s0] =	ssyncadd.s32 $0xFFFFFF00  }
0x643: {  	v5 =	vld [tilespmem:s14+$0xFFFFFFE0];
	_ =	sdelay $0x2  }
0x644: {  	v7 =	vld [tilespmem:s14+$0xFFFFFFF0]  }
0x645: {  	v6 =	vimm.f32 $0.0e+00  }
0x646: {  	v8 =	vadd.f32 v5, v6;
	v5 =	vld [tilespmem:s14+$0x0];
	_ =	sdelay $0x1  }
0x647: {  	v6 =	vld [tilespmem:s14+$0x10]  }
0x648: {  	s2 =	simm.s32 $0x0;
	s3 =	simm.s32 $0xEF0;
	v7 =	vadd.f32 v7, v8  }
.LBB3_75:
0x649: {  	v8 =	vld [tilespmem:s3+$0xFFFFFFE0];
	s2 =	sadd.s32 $0x40, s2  }
0x64a: {  	p0 =	slt.u32 s2, $0xC0;
	v5 =	vadd.f32 v5, v7  }
0x64b: {  	v7 =	vld [tilespmem:s3+$0xFFFFFFF0]  }
.Ltmp36:
0x64c: {  	v6 =	vadd.f32 v6, v5;
	(pc) =	sbr.rel @p0 .LBB3_75-.Ltmp36, $4  }
0x64d: {  	v5 =	vld [tilespmem:s3+$0x0]  }
0x64e: {  	v8 =	vadd.f32 v8, v6  }
0x64f: {  	v6 =	vld [tilespmem:s3+$0x10]  }
0x650: {  	s3 =	sadd.s32 $0x40, s3;
	v7 =	vadd.f32 v7, v8  }
0x651: {  	_ = 	snop  }
0x652: {  	v5 =	vadd.f32 v5, v7;
	_ =	sdelay $0x1  }
0x653: {  	v5 =	vadd.f32 v6, v5;
	_ =	sdelay $0x1  }
0x654: {  	(xrf2) =	vadd.scan.msk.f32 $0xffff, v5;
	_ =	sdelay $0x8  }
0x655: {  	v5 =	vld [tilespmem:$0x1090]  }
0x656: {  	v7 =	vmov s1;
	s1 =	sadd.s32 $0x1, s1;
	v6, _, _ =	vpop (xrf2)  }
0x657: {  	p0 =	sne.s32 s1, $0x10;
	v6 =	vbroadcast v6, $0xF  }
.Ltmp37:
0x658: {  	vm0 =	veq.s32 v7, v4;
	(pc) =	sbr.rel @p0 .LBB3_4-.Ltmp37, $3  }
0x659: {  	v6 =	vnsel vm0, $0x0, v6  }
0x65a: {  	v5 =	vadd.f32 v5, v6;
	_ =	sdelay $0x1  }
0x65b: {  	[tilespmem:$0x1090] =	vst v5  }
0x65c: {  	s1 =	rddreg [dreg:$0x10]  }
0x65d: {  	p0 =	sne.s32 s1, $0x0  }
0x65e: {  	s3 =	rddreg [dreg:$0x9];
	s1 =	simm.s32 @!p0 $0x0;
	s2 =	simm.s32 @!p0 $0x1090  }
0x65f: {  	[hbm4b:s3+s1] =	stream.linear.scatter @!p0 [tilespmem:s2], [sflag:$0x2], $0x80, $0x38;
	[tilespmem:$0x1110] =	vst v63  }
0x660: {  	s1 =	simm.s32 @!p0 $0x2  }
0x661: {  	_ =	swait.ge @!p0 [sflag:s1], $0x80  }
0x662: {  	s24 =	rddreg [dreg:$0x1f]  }
0x663: {  	s29 =	rddreg [dreg:$0x1e];
	s3 =	sadd.s32 $0x1, s24  }
0x664: {  	p1 =	sne.s32 s3, s29  }
.Ltmp38:
0x665: {  	_ = 	snop;
	(pc) =	sbr.rel @p1 .LBB3_1-.Ltmp38, $3  }
0x666: {  	_ =	sdelay $0x1  }
0x667: {  	[sflag:s1] =	ssyncset.done @!p0 $0x0  }
0x668: {  	s6 =	simm.s32 $0x810;
	[sflag:s1] =	ssyncadd.s32 @!p0 $0xFFFFFF80  }
0x669: {  	_ =	sfence.sel $0x180000  }
0x66a: {  	[bflag:$0x0] =	sbarrier.arrive $0xFFFF  }
0x66b: {  	_ =	strace $0x90000047  }
0x66c: {  	s0 =	stileid.u32;
	[bflag:$0x2] =	sbarrier.arrive $0xFFFF  }
0x66d: {  	p0 =	sne.s32 s0, $0x0;
	s0 =	rddreg [dreg:$0xf]  }
0x66e: {  	s0 =	sadd.s32 @!p0 $0x100000, s0  }
0x66f: {  	[sflag:s0] =	ssyncadd.tile.s32 @!p0 $0x1;
	_ =	shalt  }
.Lfunc_end3:
_tile_overlayer_lowered:
.L_overlay_start_3:
0x670: {  	(tag) =	ssettag $0x3  }
0x671: {  	s0 =	rddreg [dreg:$0x0];
	s2 =	stileid.u32  }
0x672: {  	s1 =	rddreg [dreg:$0x1];
	p0 =	sne.s32 s2, $0x0  }
0x673: {  	s3 =	rddreg [dreg:$0x2];
	[bflag:$0x3] =	sbarrier.arrive $0xFFFF;
	s2 =	simm.s32 @!p0 $0x1C02  }
0x674: {  	[timem:s3], [sflag:s2] =	dma.local @!p0 [hbm:s0], s1  }
0x675: {  	s0 =	simm.s32 @!p0 $0x2  }
0x676: {  	_ =	swait.ge @!p0 [sflag:s0], s1  }
0x677: {  	s1 =	ssub.s32 @!p0 $0x0, s1;
	[sflag:s0] =	ssyncset.done @!p0 $0x0  }
0x678: {  	[sflag:s0] =	ssyncadd.s32 @!p0 s1  }
0x679: {  	[bflag:$0x3] =	sbarrier.arrive $0xFFFF  }
0x67a: {  	_ =	shalt  }

</sc_bundles>
